<compile_context>
chip_gen: v7x
topology: tpu7x:2x2x1
jax: 0.10.2.dev20260603
libtpu: 0.0.44.dev20260713+nightly
codegen_flags: <defaults>
</compile_context>

<pallas_src>
import numpy as _np

import jax
import jax.numpy as jnp
from jax import lax
from jax.experimental import pallas as pl
from jax.experimental.pallas import tpu as pltpu
from jax.experimental.pallas import tpu_sc as plsc

N = 10000
D = 128
E = 320000
B = 64

NC = 2
NS = 16
NW = NC * NS
CH = 128
NCH = 80
EPT = NCH * CH
PADE = NW * EPT
NP = 10240
RPT = NP // NS
ZR = 128

_mesh = plsc.VectorSubcoreMesh(core_axis_name="c", subcore_axis_name="s",
                               num_cores=NC, num_subcores=NS)

_PAD_SRC = _np.arange(PADE - E, dtype=_np.int32) % N
_PAD_DST = (N + _np.arange(PADE - E, dtype=_np.int32) % (NP - N)).astype(_np.int32)


def _zero_fill(ref, rows, width):
    per_row = width // 16

    def body(k, _):
        i = k // per_row
        j = k % per_row
        ref[i, pl.ds(j * 16, 16)] = jnp.zeros((16,), jnp.float32)
        return 0

    lax.fori_loop(0, rows * per_row, body, 0)


def _deg_body(dst2, degp, dst_all, ones_v, zbuf, acc, sem_d, sem_c):
    cid = lax.axis_index("c")
    sid = lax.axis_index("s")
    wid = cid * NS + sid

    pltpu.async_copy(dst2.at[pl.ds(wid * NCH, NCH), :], dst_all, sem_d)
    _zero_fill(zbuf, ZR, D)

    def ones_body(k, _):
        ones_v[k // 8, pl.ds((k % 8) * 16, 16)] = jnp.ones((16,), jnp.float32)
        return 0

    lax.fori_loop(0, CH * 8, ones_body, 0)
    for z in range(RPT // ZR):
        pltpu.sync_copy(zbuf, acc.at[pl.ds(sid * RPT + z * ZR, ZR)])
    plsc.subcore_barrier()
    pltpu.make_async_copy(dst2.at[pl.ds(wid * NCH, NCH), :], dst_all,
                          sem_d).wait()

    def grp(g, _):
        for k in range(8):
            pltpu.async_copy(ones_v, acc.at[dst_all.at[g * 8 + k]], sem_c,
                             add=True)
        for k in range(8):
            pltpu.make_async_copy(ones_v, acc.at[dst_all.at[g * 8 + k]],
                                  sem_c).wait()
        return 0

    lax.fori_loop(0, NCH // 8, grp, 0)

    plsc.subcore_barrier()
    for z in range(RPT // ZR):
        r0 = sid * RPT + z * ZR
        pltpu.sync_copy(acc.at[pl.ds(r0, ZR)], degp.at[cid, pl.ds(r0, ZR)])


_deg_call = pl.kernel(
    _deg_body,
    out_type=jax.ShapeDtypeStruct((NC, NP, D), jnp.float32),
    mesh=_mesh,
    scratch_types=[
        pltpu.VMEM((NCH, CH), jnp.int32),
        pltpu.VMEM((CH, D), jnp.float32),
        pltpu.VMEM((ZR, D), jnp.float32),
        pltpu.VMEM_SHARED((NP, D), jnp.float32),
        pltpu.SemaphoreType.DMA,
        pltpu.SemaphoreType.DMA,
    ],
)


def _agg_body(gp, src1, dst2, p, src_v0, src_v1, dst_all, rows0, rows1, acc,
              sem_d, sem_i0, sem_i1, sem_g0, sem_g1, sem_c0, sem_c1):
    cid = lax.axis_index("c")
    sid = lax.axis_index("s")
    wid = cid * NS + sid
    cb = wid * NCH
    eb = wid * EPT

    src_v = (src_v0, src_v1)
    sem_i = (sem_i0, sem_i1)
    rows = (rows0, rows1)
    sem_g = (sem_g0, sem_g1)
    sem_c = (sem_c0, sem_c1)

    def i_start(k, p_):
        pltpu.async_copy(src1.at[pl.ds(eb + k * CH, CH)], src_v[p_],
                         sem_i[p_])

    def i_wait(k, p_):
        pltpu.make_async_copy(src1.at[pl.ds(eb + k * CH, CH)], src_v[p_],
                              sem_i[p_]).wait()

    def g_start(k, p_):
        pltpu.async_copy(gp.at[src_v[p_]], rows[p_], sem_g[p_])

    def g_wait(k, p_):
        pltpu.make_async_copy(gp.at[src_v[p_]], rows[p_], sem_g[p_]).wait()

    def c_start(k, p_):
        pltpu.async_copy(rows[p_], acc.at[dst_all.at[k]], sem_c[p_], add=True)

    def c_wait(k, p_):
        pltpu.make_async_copy(rows[p_], acc.at[dst_all.at[k]],
                              sem_c[p_]).wait()

    pltpu.async_copy(dst2.at[pl.ds(cb, NCH), :], dst_all, sem_d)
    i_start(0, 0)
    _zero_fill(rows0, CH, D)
    for z in range(RPT // ZR):
        pltpu.sync_copy(rows0, acc.at[pl.ds(sid * RPT + z * ZR, ZR)])
    plsc.subcore_barrier()
    pltpu.make_async_copy(dst2.at[pl.ds(cb, NCH), :], dst_all, sem_d).wait()

    def c_sync(k, p_):
        pltpu.sync_copy(rows[p_], acc.at[dst_all.at[k]], add=True)

    i_wait(0, 0)
    g_start(0, 0)
    i_start(1, 1)
    g_wait(0, 0)
    i_wait(1, 1)
    g_start(1, 1)
    i_start(2, 0)
    c_sync(0, 0)

    def step(k, p_):
        g_wait(k, p_)
        i_wait(k + 1, 1 - p_)
        g_start(k + 1, 1 - p_)
        i_start(k + 2, p_)
        c_sync(k, p_)

    def body(g_, _):
        step(2 * g_ + 1, 1)
        step(2 * g_ + 2, 0)
        return 0

    lax.fori_loop(0, (NCH - 4) // 2, body, 0)
    step(NCH - 3, 1)
    k = NCH - 2
    g_wait(k, 0)
    i_wait(k + 1, 1)
    g_start(k + 1, 1)
    c_sync(k, 0)
    k = NCH - 1
    g_wait(k, 1)
    c_sync(k, 1)

    plsc.subcore_barrier()
    for z in range(RPT // ZR):
        r0 = sid * RPT + z * ZR
        pltpu.sync_copy(acc.at[pl.ds(r0, ZR)], p.at[cid, pl.ds(r0, ZR)])


_agg_call = pl.kernel(
    _agg_body,
    out_type=jax.ShapeDtypeStruct((NC, NP, D), jnp.float32),
    mesh=_mesh,
    scratch_types=[
        pltpu.VMEM((CH,), jnp.int32),
        pltpu.VMEM((CH,), jnp.int32),
        pltpu.VMEM((NCH, CH), jnp.int32),
        pltpu.VMEM((CH, D), jnp.float32),
        pltpu.VMEM((CH, D), jnp.float32),
        pltpu.VMEM_SHARED((NP, D), jnp.float32),
        pltpu.SemaphoreType.DMA,
        pltpu.SemaphoreType.DMA,
        pltpu.SemaphoreType.DMA,
        pltpu.SemaphoreType.DMA,
        pltpu.SemaphoreType.DMA,
        pltpu.SemaphoreType.DMA,
        pltpu.SemaphoreType.DMA,
    ],
)

MB = 1000


def _k0_body(x_ref, w_ref, degp_ref, gp_ref, dinv_ref):
    d = degp_ref[...]
    deg = 1.0 + d[0, :, 0:1] + d[1, :, 0:1]
    dinv = lax.rsqrt(deg)
    g = jnp.dot(x_ref[...], w_ref[...], preferred_element_type=jnp.float32)
    gp_ref[...] = g * dinv
    dinv_ref[...] = dinv


def _k0_call(x, w, degp):
    return pl.pallas_call(
        _k0_body,
        grid=(N // MB,),
        in_specs=[
            pl.BlockSpec((MB, D), lambda i: (i, 0)),
            pl.BlockSpec((D, D), lambda i: (0, 0)),
            pl.BlockSpec((NC, MB, D), lambda i: (0, i, 0)),
        ],
        out_specs=[
            pl.BlockSpec((MB, D), lambda i: (i, 0)),
            pl.BlockSpec((MB, 1), lambda i: (i, 0)),
        ],
        out_shape=[
            jax.ShapeDtypeStruct((N, D), jnp.float32),
            jax.ShapeDtypeStruct((N, 1), jnp.float32),
        ],
    )(x, w, degp)


def _mid_body(p_ref, gp_ref, dinv_ref, b_ref, w_ref, out_ref):
    pr = p_ref[...]
    dinv = dinv_ref[...]
    h = dinv * (pr[0] + pr[1] + gp_ref[...]) + b_ref[...]
    h = jnp.maximum(h, 0.0)
    out_ref[...] = dinv * jnp.dot(h, w_ref[...],
                                  preferred_element_type=jnp.float32)


def _mid_call(p, gp, dinv, b2d, w):
    return pl.pallas_call(
        _mid_body,
        grid=(N // MB,),
        in_specs=[
            pl.BlockSpec((NC, MB, D), lambda i: (0, i, 0)),
            pl.BlockSpec((MB, D), lambda i: (i, 0)),
            pl.BlockSpec((MB, 1), lambda i: (i, 0)),
            pl.BlockSpec((1, D), lambda i: (0, 0)),
            pl.BlockSpec((D, D), lambda i: (0, 0)),
        ],
        out_specs=pl.BlockSpec((MB, D), lambda i: (i, 0)),
        out_shape=jax.ShapeDtypeStruct((N, D), jnp.float32),
    )(p, gp, dinv, b2d, w)


PB = 400
PG = N // PB


def _pool_body(p_ref, gp_ref, dinv_ref, b_ref, batch_ref, wout_ref, bout_ref,
               out_ref, gmax_s, gsum_s, cnt_s):
    i = pl.program_id(0)

    @pl.when(i == 0)
    def _init():
        gmax_s[...] = jnp.full((B, D), -jnp.inf, jnp.float32)
        gsum_s[...] = jnp.zeros((B, D), jnp.float32)
        cnt_s[...] = jnp.zeros((B, 1), jnp.float32)

    pr = p_ref[...]
    dinv = dinv_ref[...]
    h = dinv * (pr[0] + pr[1] + gp_ref[...]) + b_ref[...]
    h = jnp.maximum(h, 0.0)

    bbc = batch_ref[0]
    gids = lax.broadcasted_iota(jnp.int32, (PB, B), 1)
    onehot = (gids == bbc).astype(jnp.float32)
    gsum_s[...] += lax.dot_general(
        onehot, h, (((0,), (0,)), ((), ())),
        preferred_element_type=jnp.float32)
    cnt_s[...] += jnp.sum(onehot, axis=0)[:, None]

    lo = bbc[0, 0]
    hi = bbc[PB - 1, 0]

    def seg(g, _):
        mask = bbc == g
        m = jnp.max(jnp.where(mask, h, -jnp.inf), axis=0, keepdims=True)
        cur = gmax_s[pl.ds(g, 1), :]
        gmax_s[pl.ds(g, 1), :] = jnp.maximum(cur, m)
        return 0

    lax.fori_loop(lo, hi + 1, seg, 0)

    @pl.when(i == PG - 1)
    def _final():
        gmean = gsum_s[...] / jnp.maximum(cnt_s[...], 1.0)
        pooled = jnp.concatenate([gmax_s[...], gmean], axis=1)
        out_ref[...] = jnp.dot(pooled, wout_ref[...],
                               preferred_element_type=jnp.float32) + bout_ref[...]


def _pool_call(p, gp, dinv, b2d, batch3d, wout, bout2d, out_dim):
    return pl.pallas_call(
        _pool_body,
        grid=(PG,),
        in_specs=[
            pl.BlockSpec((NC, PB, D), lambda i: (0, i, 0)),
            pl.BlockSpec((PB, D), lambda i: (i, 0)),
            pl.BlockSpec((PB, 1), lambda i: (i, 0)),
            pl.BlockSpec((1, D), lambda i: (0, 0)),
            pl.BlockSpec((1, PB, 1), lambda i: (i, 0, 0)),
            pl.BlockSpec((2 * D, out_dim), lambda i: (0, 0)),
            pl.BlockSpec((1, out_dim), lambda i: (0, 0)),
        ],
        out_specs=pl.BlockSpec((B, out_dim), lambda i: (0, 0)),
        out_shape=jax.ShapeDtypeStruct((B, out_dim), jnp.float32),
        scratch_shapes=[
            pltpu.VMEM((B, D), jnp.float32),
            pltpu.VMEM((B, D), jnp.float32),
            pltpu.VMEM((B, 1), jnp.float32),
        ],
    )(p, gp, dinv, b2d, batch3d, wout, bout2d)


def kernel(x, edge_index, batch_index, W0, b0, W1, b1, W2, b2, W3, b3,
           Wout, bout):
    out_dim = Wout.shape[1]
    batch3d = batch_index.reshape(PG, PB, 1)

    pad = PADE - E
    pad_dst = N + (jnp.arange(pad, dtype=jnp.int32) % (NP - N))
    dst2 = jnp.concatenate(
        [edge_index[1], pad_dst]).reshape(PADE // CH, CH)
    pad_src = jnp.arange(pad, dtype=jnp.int32) % N
    src1 = jnp.concatenate([edge_index[0], pad_src])
    degp = _deg_call(dst2)
    gp0, dinv = _k0_call(x, W0, degp)
    p0 = _agg_call(gp0, src1, dst2)
    gp1 = _mid_call(p0, gp0, dinv, b0.reshape(1, D), W1)
    p1 = _agg_call(gp1, src1, dst2)
    gp2 = _mid_call(p1, gp1, dinv, b1.reshape(1, D), W2)
    p2 = _agg_call(gp2, src1, dst2)
    gp3 = _mid_call(p2, gp2, dinv, b2.reshape(1, D), W3)
    p3 = _agg_call(gp3, src1, dst2)
    return _pool_call(p3, gp3, dinv, b3.reshape(1, D), batch3d, Wout,
                      bout.reshape(1, out_dim), out_dim)

# --- scband reference (transcript-rebuilt; emitter-appended) ---
"""Pipeline reference for scband-gcn-87479893885198 (READ-ONLY COPY).

The authoritative reference and input builder live on the scoring server;
editing this copy changes nothing except your own understanding.
"""

import jax, jax.numpy as jnp
import numpy as np

N = 10000
E = 320000
D = 128
OUT = 64
B = 64


def setup_inputs(seed: int = 0) -> dict:
    key = jax.random.key(seed)
    ks = jax.random.split(key, 16)
    x = jax.random.normal(ks[0], (N, D), dtype=jnp.float32)
    edge_index = jax.random.randint(ks[1], (2, E), 0, N, dtype=jnp.int32)
    batch_index = jnp.sort(jax.random.randint(ks[2], (N,), 0, B, dtype=jnp.int32))
    s = 1.0 / np.sqrt(D)
    W0 = jax.random.uniform(ks[3], (D, D), jnp.float32, -s, s)
    b0 = jnp.zeros((D,), jnp.float32)
    W1 = jax.random.uniform(ks[4], (D, D), jnp.float32, -s, s)
    b1 = jnp.zeros((D,), jnp.float32)
    W2 = jax.random.uniform(ks[5], (D, D), jnp.float32, -s, s)
    b2 = jnp.zeros((D,), jnp.float32)
    W3 = jax.random.uniform(ks[6], (D, D), jnp.float32, -s, s)
    b3 = jnp.zeros((D,), jnp.float32)
    so = 1.0 / np.sqrt(2 * D)
    Wout = jax.random.uniform(ks[7], (2 * D, OUT), jnp.float32, -so, so)
    bout = jax.random.uniform(ks[8], (OUT,), jnp.float32, -so, so)
    return {"x": x, "edge_index": edge_index, "batch_index": batch_index,
            "W0": W0, "b0": b0, "W1": W1, "b1": b1, "W2": W2, "b2": b2,
            "W3": W3, "b3": b3, "Wout": Wout, "bout": bout}


def _gcn_conv(x, src, dst, W, b):
    # GCNConv with self-loops and symmetric normalization: D^-1/2 (A+I) D^-1/2 X W + b
    loop = jnp.arange(N, dtype=src.dtype)
    src2 = jnp.concatenate([src, loop])
    dst2 = jnp.concatenate([dst, loop])
    deg = jax.ops.segment_sum(jnp.ones_like(src2, jnp.float32), dst2, num_segments=N)
    dinv = 1.0 / jnp.sqrt(jnp.clip(deg, 1.0))
    norm = dinv[src2] * dinv[dst2]
    h = x @ W
    msg = h[src2] * norm[:, None]
    out = jax.ops.segment_sum(msg, dst2, num_segments=N)
    return out + b


def reference(x, edge_index, batch_index, W0, b0, W1, b1, W2, b2, W3, b3, Wout, bout):
    src = edge_index[0]
    dst = edge_index[1]
    h = jax.nn.relu(_gcn_conv(x, src, dst, W0, b0))
    h = jax.nn.relu(_gcn_conv(h, src, dst, W1, b1))
    h = jax.nn.relu(_gcn_conv(h, src, dst, W2, b2))
    h = jax.nn.relu(_gcn_conv(h, src, dst, W3, b3))
    gmax = jax.ops.segment_max(h, batch_index, num_segments=B)
    cnt = jax.ops.segment_sum(jnp.ones((N,), jnp.float32), batch_index, num_segments=B)
    gsum = jax.ops.segment_sum(h, batch_index, num_segments=B)
    gmean = gsum / jnp.clip(cnt, 1.0)[:, None]
    pooled = jnp.concatenate([gmax, gmean], axis=1)
    return pooled @ Wout + bout

if __name__ == "__main__":
    import jax
    _d = setup_inputs()
    print(jax.jit(kernel)(*tuple(_d.values())))

</pallas_src>

<mosaic_0001>
#map = affine_map<(d0, d1) -> (0, 0)>
#map1 = affine_map<(d0, d1) -> (0, 0, 0)>
module attributes {stable_mosaic.version = 14 : i64} {
  func.func @_deg_body(%arg0: i32, %arg1: i32, %arg2: memref<2560x128xi32, #tpu.memory_space<hbm>>, %arg3: memref<2x10240x128xf32, #tpu.memory_space<hbm>>, %arg4: memref<80x128xi32, #tpu.memory_space<vmem>>, %arg5: memref<128x128xf32, #tpu.memory_space<vmem>>, %arg6: memref<128x128xf32, #tpu.memory_space<vmem>>, %arg7: memref<10240x128xf32, #tpu.memory_space<vmem_shared>>, %arg8: memref<!tpu.dma_semaphore, #tpu.memory_space<semaphore_mem>>, %arg9: memref<!tpu.dma_semaphore, #tpu.memory_space<semaphore_mem>>) attributes {dimension_semantics = [#tpu.dimension_semantics<core_parallel>, #tpu.dimension_semantics<subcore_parallel>], iteration_bounds = array<i64: 2, 16>, scalar_prefetch = 0 : i64, scratch_operands = 6 : i64, tpu.core_type = #tpu.core_type<sc_vector_subcore>, window_params = [{transform_indices = #map}, {transform_indices = #map1}]} {
    %mul3A = arith.constant 16 : i32
    %mul3A_0 = arith.muli %arg0, %mul3A : i32
    %add3A = arith.addi %mul3A_0, %arg1 : i32
    %mul3A_1 = arith.constant 80 : i32
    %mul3A_2 = arith.muli %add3A, %mul3A_1 : i32
    %dma_start3A = arith.constant 0 : i32
    %dma_start3A_3 = tpu.memref_slice %arg2[%mul3A_2, %dma_start3A] : memref<2560x128xi32, #tpu.memory_space<hbm>> -> memref<80x128xi32, #tpu.memory_space<hbm>>
    %dma_start3A_4 = arith.constant 0 : i32
    %dma_start3A_5 = tpu.memref_slice %arg2[%mul3A_2, %dma_start3A_4] : memref<2560x128xi32, #tpu.memory_space<hbm>> -> memref<80x128xi32, #tpu.memory_space<hbm>>
    tpu.enqueue_dma source(%dma_start3A_5 : memref<80x128xi32, #tpu.memory_space<hbm>>) target(%arg4 : memref<80x128xi32, #tpu.memory_space<vmem>>) target_semaphore(%arg8 : memref<!tpu.dma_semaphore, #tpu.memory_space<semaphore_mem>>)
    %scan3A = arith.constant 0 : i32
    %scan3A_6 = arith.constant 0 : i32
    %scan3A_7 = arith.constant 1024 : i32
    %scan3A_8 = arith.addi %scan3A_6, %scan3A_7 : i32
    %scan3A_9 = arith.constant 1 : i32
    %scan3A_10 = scf.for %scan3A_72 = %scan3A_6 to %scan3A_8 step %scan3A_9 iter_args(%scan3A_73 = %scan3A) -> (i32)  : i32 {
      %jit3A = arith.constant 8 : i32
      %div3A = arith.divsi %scan3A_72, %jit3A : i32
      %sign3A = arith.constant 0 : i32
      %sign3A_74 = arith.cmpi sgt, %scan3A_72, %sign3A : i32
      %sign3A_75 = arith.extui %sign3A_74 : i1 to i32
      %sign3A_76 = arith.constant 0 : i32
      %sign3A_77 = arith.cmpi slt, %scan3A_72, %sign3A_76 : i32
      %sign3A_78 = arith.extui %sign3A_77 : i1 to i32
      %sign3A_79 = arith.subi %sign3A_75, %sign3A_78 : i32
      %sign3A_80 = arith.constant 0 : i32
      %sign3A_81 = arith.cmpi sgt, %jit3A, %sign3A_80 : i32
      %sign3A_82 = arith.extui %sign3A_81 : i1 to i32
      %sign3A_83 = arith.constant 0 : i32
      %sign3A_84 = arith.cmpi slt, %jit3A, %sign3A_83 : i32
      %sign3A_85 = arith.extui %sign3A_84 : i1 to i32
      %sign3A_86 = arith.subi %sign3A_82, %sign3A_85 : i32
      %ne3A = arith.cmpi ne, %sign3A_79, %sign3A_86 : i32
      %rem3A = arith.remsi %scan3A_72, %jit3A : i32
      %ne3A_87 = arith.constant 0 : i32
      %ne3A_88 = arith.cmpi ne, %rem3A, %ne3A_87 : i32
      %and3A = arith.andi %ne3A, %ne3A_88 : i1
      %sub3A = arith.constant 1 : i32
      %sub3A_89 = arith.subi %div3A, %sub3A : i32
      %select_n3A = arith.select %and3A, %sub3A_89, %div3A : i32
      %jit3A_90 = arith.constant 8 : i32
      %eq3A = arith.constant 0 : i32
      %eq3A_91 = arith.cmpi eq, %jit3A_90, %eq3A : i32
      %jit3A_92 = arith.constant 1 : i32
      %select_n3A_93 = arith.select %eq3A_91, %jit3A_92, %jit3A_90 : i32
      %rem3A_94 = arith.remsi %scan3A_72, %select_n3A_93 : i32
      %ne3A_95 = arith.constant 0 : i32
      %ne3A_96 = arith.cmpi ne, %rem3A_94, %ne3A_95 : i32
      %lt3A = arith.constant 0 : i32
      %lt3A_97 = arith.cmpi slt, %rem3A_94, %lt3A : i32
      %lt3A_98 = arith.constant 0 : i32
      %lt3A_99 = arith.cmpi slt, %select_n3A_93, %lt3A_98 : i32
      %ne3A_100 = arith.xori %lt3A_97, %lt3A_99 : i1
      %and3A_101 = arith.andi %ne3A_100, %ne3A_96 : i1
      %add3A_102 = arith.addi %rem3A_94, %select_n3A_93 : i32
      %select_n3A_103 = arith.select %and3A_101, %add3A_102, %rem3A_94 : i32
      %broadcast_in_dim3A = arith.constant 0.000000e+00 : f32
      %broadcast_in_dim3A_104 = vector.broadcast %broadcast_in_dim3A : f32 to vector<16xf32>
      %mul3A_105 = arith.constant 16 : i32
      %mul3A_106 = arith.muli %select_n3A_103, %mul3A_105 : i32
      %swap3A = arith.index_cast %select_n3A : i32 to index
      %swap3A_107 = arith.index_cast %mul3A_106 : i32 to index
      %swap3A_108 = tpu.vector_load %arg6[%swap3A, %swap3A_107] {strides = array<i32>} : memref<128x128xf32, #tpu.memory_space<vmem>>, vector<1x16xf32>,
      %swap3A_109 = vector.shape_cast %swap3A_108 : vector<1x16xf32> to vector<16xf32>
      %swap3A_110 = vector.shape_cast %broadcast_in_dim3A_104 : vector<16xf32> to vector<1x16xf32>
      tpu.vector_store %arg6[%swap3A, %swap3A_107], %swap3A_110 {strides = array<i32>} : memref<128x128xf32, #tpu.memory_space<vmem>>, vector<1x16xf32>,
      %scan3A_111 = arith.constant 0 : i32
      scf.yield %scan3A_111 : i32
    }
    %scan3A_11 = arith.constant 1024 : i32
    %scan3A_12 = arith.constant 0 : i32
    %scan3A_13 = arith.constant 0 : i32
    %scan3A_14 = arith.constant 1024 : i32
    %scan3A_15 = arith.addi %scan3A_13, %scan3A_14 : i32
    %scan3A_16 = arith.constant 1 : i32
    %scan3A_17 = scf.for %scan3A_72 = %scan3A_13 to %scan3A_15 step %scan3A_16 iter_args(%scan3A_73 = %scan3A_12) -> (i32)  : i32 {
      %broadcast_in_dim3A = arith.constant 1.000000e+00 : f32
      %broadcast_in_dim3A_74 = vector.broadcast %broadcast_in_dim3A : f32 to vector<16xf32>
      %jit3A = arith.constant 8 : i32
      %div3A = arith.divsi %scan3A_72, %jit3A : i32
      %sign3A = arith.constant 0 : i32
      %sign3A_75 = arith.cmpi sgt, %scan3A_72, %sign3A : i32
      %sign3A_76 = arith.extui %sign3A_75 : i1 to i32
      %sign3A_77 = arith.constant 0 : i32
      %sign3A_78 = arith.cmpi slt, %scan3A_72, %sign3A_77 : i32
      %sign3A_79 = arith.extui %sign3A_78 : i1 to i32
      %sign3A_80 = arith.subi %sign3A_76, %sign3A_79 : i32
      %sign3A_81 = arith.constant 0 : i32
      %sign3A_82 = arith.cmpi sgt, %jit3A, %sign3A_81 : i32
      %sign3A_83 = arith.extui %sign3A_82 : i1 to i32
      %sign3A_84 = arith.constant 0 : i32
      %sign3A_85 = arith.cmpi slt, %jit3A, %sign3A_84 : i32
      %sign3A_86 = arith.extui %sign3A_85 : i1 to i32
      %sign3A_87 = arith.subi %sign3A_83, %sign3A_86 : i32
      %ne3A = arith.cmpi ne, %sign3A_80, %sign3A_87 : i32
      %rem3A = arith.remsi %scan3A_72, %jit3A : i32
      %ne3A_88 = arith.constant 0 : i32
      %ne3A_89 = arith.cmpi ne, %rem3A, %ne3A_88 : i32
      %and3A = arith.andi %ne3A, %ne3A_89 : i1
      %sub3A = arith.constant 1 : i32
      %sub3A_90 = arith.subi %div3A, %sub3A : i32
      %select_n3A = arith.select %and3A, %sub3A_90, %div3A : i32
      %jit3A_91 = arith.constant 8 : i32
      %eq3A = arith.constant 0 : i32
      %eq3A_92 = arith.cmpi eq, %jit3A_91, %eq3A : i32
      %jit3A_93 = arith.constant 1 : i32
      %select_n3A_94 = arith.select %eq3A_92, %jit3A_93, %jit3A_91 : i32
      %rem3A_95 = arith.remsi %scan3A_72, %select_n3A_94 : i32
      %ne3A_96 = arith.constant 0 : i32
      %ne3A_97 = arith.cmpi ne, %rem3A_95, %ne3A_96 : i32
      %lt3A = arith.constant 0 : i32
      %lt3A_98 = arith.cmpi slt, %rem3A_95, %lt3A : i32
      %lt3A_99 = arith.constant 0 : i32
      %lt3A_100 = arith.cmpi slt, %select_n3A_94, %lt3A_99 : i32
      %ne3A_101 = arith.xori %lt3A_98, %lt3A_100 : i1
      %and3A_102 = arith.andi %ne3A_101, %ne3A_97 : i1
      %add3A_103 = arith.addi %rem3A_95, %select_n3A_94 : i32
      %select_n3A_104 = arith.select %and3A_102, %add3A_103, %rem3A_95 : i32
      %mul3A_105 = arith.constant 16 : i32
      %mul3A_106 = arith.muli %select_n3A_104, %mul3A_105 : i32
      %swap3A = arith.index_cast %select_n3A : i32 to index
      %swap3A_107 = arith.index_cast %mul3A_106 : i32 to index
      %swap3A_108 = tpu.vector_load %arg5[%swap3A, %swap3A_107] {strides = array<i32>} : memref<128x128xf32, #tpu.memory_space<vmem>>, vector<1x16xf32>,
      %swap3A_109 = vector.shape_cast %swap3A_108 : vector<1x16xf32> to vector<16xf32>
      %swap3A_110 = vector.shape_cast %broadcast_in_dim3A_74 : vector<16xf32> to vector<1x16xf32>
      tpu.vector_store %arg5[%swap3A, %swap3A_107], %swap3A_110 {strides = array<i32>} : memref<128x128xf32, #tpu.memory_space<vmem>>, vector<1x16xf32>,
      %scan3A_111 = arith.constant 0 : i32
      scf.yield %scan3A_111 : i32
    }
    %scan3A_18 = arith.constant 1024 : i32
    %mul3A_19 = arith.constant 640 : i32
    %mul3A_20 = arith.muli %arg1, %mul3A_19 : i32
    %add3A_21 = arith.constant 0 : i32
    %add3A_22 = arith.addi %mul3A_20, %add3A_21 : i32
    "tpu.region"() ({
      %run_scoped3A = tpu.sem_alloc : memref<!tpu.dma_semaphore, #tpu.memory_space<semaphore_mem>>
      %dma_start3A_72 = arith.constant 0 : i32
      %dma_start3A_73 = tpu.memref_slice %arg7[%add3A_22, %dma_start3A_72] : memref<10240x128xf32, #tpu.memory_space<vmem_shared>> -> memref<128x128xf32, #tpu.memory_space<vmem_shared>>
      %dma_start3A_74 = arith.constant 0 : i32
      %dma_start3A_75 = tpu.memref_slice %arg7[%add3A_22, %dma_start3A_74] : memref<10240x128xf32, #tpu.memory_space<vmem_shared>> -> memref<128x128xf32, #tpu.memory_space<vmem_shared>>
      tpu.enqueue_dma source(%arg6 : memref<128x128xf32, #tpu.memory_space<vmem>>) target(%dma_start3A_75 : memref<128x128xf32, #tpu.memory_space<vmem_shared>>) target_semaphore(%run_scoped3A : memref<!tpu.dma_semaphore, #tpu.memory_space<semaphore_mem>>)
      %dma_wait3A_76 = arith.constant 0 : i32
      %dma_wait3A_77 = tpu.memref_slice %arg7[%add3A_22, %dma_wait3A_76] : memref<10240x128xf32, #tpu.memory_space<vmem_shared>> -> memref<128x128xf32, #tpu.memory_space<vmem_shared>>
      %dma_wait3A_78 = arith.constant 0 : i32
      %dma_wait3A_79 = tpu.memref_slice %arg7[%add3A_22, %dma_wait3A_78] : memref<10240x128xf32, #tpu.memory_space<vmem_shared>> -> memref<128x128xf32, #tpu.memory_space<vmem_shared>>
      tpu.wait_dma2 semaphore(%run_scoped3A : memref<!tpu.dma_semaphore, #tpu.memory_space<semaphore_mem>>) src(%arg6 : memref<128x128xf32, #tpu.memory_space<vmem>>) dst(%dma_wait3A_79 : memref<128x128xf32, #tpu.memory_space<vmem_shared>>)
      tpu.yield
    }) : () -> ()
    %mul3A_23 = arith.constant 640 : i32
    %mul3A_24 = arith.muli %arg1, %mul3A_23 : i32
    %add3A_25 = arith.constant 128 : i32
    %add3A_26 = arith.addi %mul3A_24, %add3A_25 : i32
    "tpu.region"() ({
      %run_scoped3A = tpu.sem_alloc : memref<!tpu.dma_semaphore, #tpu.memory_space<semaphore_mem>>
      %dma_start3A_72 = arith.constant 0 : i32
      %dma_start3A_73 = tpu.memref_slice %arg7[%add3A_26, %dma_start3A_72] : memref<10240x128xf32, #tpu.memory_space<vmem_shared>> -> memref<128x128xf32, #tpu.memory_space<vmem_shared>>
      %dma_start3A_74 = arith.constant 0 : i32
      %dma_start3A_75 = tpu.memref_slice %arg7[%add3A_26, %dma_start3A_74] : memref<10240x128xf32, #tpu.memory_space<vmem_shared>> -> memref<128x128xf32, #tpu.memory_space<vmem_shared>>
      tpu.enqueue_dma source(%arg6 : memref<128x128xf32, #tpu.memory_space<vmem>>) target(%dma_start3A_75 : memref<128x128xf32, #tpu.memory_space<vmem_shared>>) target_semaphore(%run_scoped3A : memref<!tpu.dma_semaphore, #tpu.memory_space<semaphore_mem>>)
      %dma_wait3A_76 = arith.constant 0 : i32
      %dma_wait3A_77 = tpu.memref_slice %arg7[%add3A_26, %dma_wait3A_76] : memref<10240x128xf32, #tpu.memory_space<vmem_shared>> -> memref<128x128xf32, #tpu.memory_space<vmem_shared>>
      %dma_wait3A_78 = arith.constant 0 : i32
      %dma_wait3A_79 = tpu.memref_slice %arg7[%add3A_26, %dma_wait3A_78] : memref<10240x128xf32, #tpu.memory_space<vmem_shared>> -> memref<128x128xf32, #tpu.memory_space<vmem_shared>>
      tpu.wait_dma2 semaphore(%run_scoped3A : memref<!tpu.dma_semaphore, #tpu.memory_space<semaphore_mem>>) src(%arg6 : memref<128x128xf32, #tpu.memory_space<vmem>>) dst(%dma_wait3A_79 : memref<128x128xf32, #tpu.memory_space<vmem_shared>>)
      tpu.yield
    }) : () -> ()
    %mul3A_27 = arith.constant 640 : i32
    %mul3A_28 = arith.muli %arg1, %mul3A_27 : i32
    %add3A_29 = arith.constant 256 : i32
    %add3A_30 = arith.addi %mul3A_28, %add3A_29 : i32
    "tpu.region"() ({
      %run_scoped3A = tpu.sem_alloc : memref<!tpu.dma_semaphore, #tpu.memory_space<semaphore_mem>>
      %dma_start3A_72 = arith.constant 0 : i32
      %dma_start3A_73 = tpu.memref_slice %arg7[%add3A_30, %dma_start3A_72] : memref<10240x128xf32, #tpu.memory_space<vmem_shared>> -> memref<128x128xf32, #tpu.memory_space<vmem_shared>>
      %dma_start3A_74 = arith.constant 0 : i32
      %dma_start3A_75 = tpu.memref_slice %arg7[%add3A_30, %dma_start3A_74] : memref<10240x128xf32, #tpu.memory_space<vmem_shared>> -> memref<128x128xf32, #tpu.memory_space<vmem_shared>>
      tpu.enqueue_dma source(%arg6 : memref<128x128xf32, #tpu.memory_space<vmem>>) target(%dma_start3A_75 : memref<128x128xf32, #tpu.memory_space<vmem_shared>>) target_semaphore(%run_scoped3A : memref<!tpu.dma_semaphore, #tpu.memory_space<semaphore_mem>>)
      %dma_wait3A_76 = arith.constant 0 : i32
      %dma_wait3A_77 = tpu.memref_slice %arg7[%add3A_30, %dma_wait3A_76] : memref<10240x128xf32, #tpu.memory_space<vmem_shared>> -> memref<128x128xf32, #tpu.memory_space<vmem_shared>>
      %dma_wait3A_78 = arith.constant 0 : i32
      %dma_wait3A_79 = tpu.memref_slice %arg7[%add3A_30, %dma_wait3A_78] : memref<10240x128xf32, #tpu.memory_space<vmem_shared>> -> memref<128x128xf32, #tpu.memory_space<vmem_shared>>
      tpu.wait_dma2 semaphore(%run_scoped3A : memref<!tpu.dma_semaphore, #tpu.memory_space<semaphore_mem>>) src(%arg6 : memref<128x128xf32, #tpu.memory_space<vmem>>) dst(%dma_wait3A_79 : memref<128x128xf32, #tpu.memory_space<vmem_shared>>)
      tpu.yield
    }) : () -> ()
    %mul3A_31 = arith.constant 640 : i32
    %mul3A_32 = arith.muli %arg1, %mul3A_31 : i32
    %add3A_33 = arith.constant 384 : i32
    %add3A_34 = arith.addi %mul3A_32, %add3A_33 : i32
    "tpu.region"() ({
      %run_scoped3A = tpu.sem_alloc : memref<!tpu.dma_semaphore, #tpu.memory_space<semaphore_mem>>
      %dma_start3A_72 = arith.constant 0 : i32
      %dma_start3A_73 = tpu.memref_slice %arg7[%add3A_34, %dma_start3A_72] : memref<10240x128xf32, #tpu.memory_space<vmem_shared>> -> memref<128x128xf32, #tpu.memory_space<vmem_shared>>
      %dma_start3A_74 = arith.constant 0 : i32
      %dma_start3A_75 = tpu.memref_slice %arg7[%add3A_34, %dma_start3A_74] : memref<10240x128xf32, #tpu.memory_space<vmem_shared>> -> memref<128x128xf32, #tpu.memory_space<vmem_shared>>
      tpu.enqueue_dma source(%arg6 : memref<128x128xf32, #tpu.memory_space<vmem>>) target(%dma_start3A_75 : memref<128x128xf32, #tpu.memory_space<vmem_shared>>) target_semaphore(%run_scoped3A : memref<!tpu.dma_semaphore, #tpu.memory_space<semaphore_mem>>)
      %dma_wait3A_76 = arith.constant 0 : i32
      %dma_wait3A_77 = tpu.memref_slice %arg7[%add3A_34, %dma_wait3A_76] : memref<10240x128xf32, #tpu.memory_space<vmem_shared>> -> memref<128x128xf32, #tpu.memory_space<vmem_shared>>
      %dma_wait3A_78 = arith.constant 0 : i32
      %dma_wait3A_79 = tpu.memref_slice %arg7[%add3A_34, %dma_wait3A_78] : memref<10240x128xf32, #tpu.memory_space<vmem_shared>> -> memref<128x128xf32, #tpu.memory_space<vmem_shared>>
      tpu.wait_dma2 semaphore(%run_scoped3A : memref<!tpu.dma_semaphore, #tpu.memory_space<semaphore_mem>>) src(%arg6 : memref<128x128xf32, #tpu.memory_space<vmem>>) dst(%dma_wait3A_79 : memref<128x128xf32, #tpu.memory_space<vmem_shared>>)
      tpu.yield
    }) : () -> ()
    %mul3A_35 = arith.constant 640 : i32
    %mul3A_36 = arith.muli %arg1, %mul3A_35 : i32
    %add3A_37 = arith.constant 512 : i32
    %add3A_38 = arith.addi %mul3A_36, %add3A_37 : i32
    "tpu.region"() ({
      %run_scoped3A = tpu.sem_alloc : memref<!tpu.dma_semaphore, #tpu.memory_space<semaphore_mem>>
      %dma_start3A_72 = arith.constant 0 : i32
      %dma_start3A_73 = tpu.memref_slice %arg7[%add3A_38, %dma_start3A_72] : memref<10240x128xf32, #tpu.memory_space<vmem_shared>> -> memref<128x128xf32, #tpu.memory_space<vmem_shared>>
      %dma_start3A_74 = arith.constant 0 : i32
      %dma_start3A_75 = tpu.memref_slice %arg7[%add3A_38, %dma_start3A_74] : memref<10240x128xf32, #tpu.memory_space<vmem_shared>> -> memref<128x128xf32, #tpu.memory_space<vmem_shared>>
      tpu.enqueue_dma source(%arg6 : memref<128x128xf32, #tpu.memory_space<vmem>>) target(%dma_start3A_75 : memref<128x128xf32, #tpu.memory_space<vmem_shared>>) target_semaphore(%run_scoped3A : memref<!tpu.dma_semaphore, #tpu.memory_space<semaphore_mem>>)
      %dma_wait3A_76 = arith.constant 0 : i32
      %dma_wait3A_77 = tpu.memref_slice %arg7[%add3A_38, %dma_wait3A_76] : memref<10240x128xf32, #tpu.memory_space<vmem_shared>> -> memref<128x128xf32, #tpu.memory_space<vmem_shared>>
      %dma_wait3A_78 = arith.constant 0 : i32
      %dma_wait3A_79 = tpu.memref_slice %arg7[%add3A_38, %dma_wait3A_78] : memref<10240x128xf32, #tpu.memory_space<vmem_shared>> -> memref<128x128xf32, #tpu.memory_space<vmem_shared>>
      tpu.wait_dma2 semaphore(%run_scoped3A : memref<!tpu.dma_semaphore, #tpu.memory_space<semaphore_mem>>) src(%arg6 : memref<128x128xf32, #tpu.memory_space<vmem>>) dst(%dma_wait3A_79 : memref<128x128xf32, #tpu.memory_space<vmem_shared>>)
      tpu.yield
    }) : () -> ()
    %barrier3A = arith.constant 0 : index
    tpu.barrier barrier_id(%barrier3A)
    %mul3A_39 = arith.constant 80 : i32
    %mul3A_40 = arith.muli %add3A, %mul3A_39 : i32
    %dma_wait3A = arith.constant 0 : i32
    %dma_wait3A_41 = tpu.memref_slice %arg2[%mul3A_40, %dma_wait3A] : memref<2560x128xi32, #tpu.memory_space<hbm>> -> memref<80x128xi32, #tpu.memory_space<hbm>>
    %dma_wait3A_42 = arith.constant 0 : i32
    %dma_wait3A_43 = tpu.memref_slice %arg2[%mul3A_40, %dma_wait3A_42] : memref<2560x128xi32, #tpu.memory_space<hbm>> -> memref<80x128xi32, #tpu.memory_space<hbm>>
    tpu.wait_dma2 semaphore(%arg8 : memref<!tpu.dma_semaphore, #tpu.memory_space<semaphore_mem>>) src(%dma_wait3A_43 : memref<80x128xi32, #tpu.memory_space<hbm>>) dst(%arg4 : memref<80x128xi32, #tpu.memory_space<vmem>>)
    %scan3A_44 = arith.constant 0 : i32
    %scan3A_45 = arith.constant 0 : i32
    %scan3A_46 = arith.constant 10 : i32
    %scan3A_47 = arith.addi %scan3A_45, %scan3A_46 : i32
    %scan3A_48 = arith.constant 1 : i32
    %scan3A_49 = scf.for %scan3A_72 = %scan3A_45 to %scan3A_47 step %scan3A_48 iter_args(%scan3A_73 = %scan3A_44) -> (i32)  : i32 {
      %mul3A_74 = arith.constant 8 : i32
      %mul3A_75 = arith.muli %scan3A_72, %mul3A_74 : i32
      %add3A_76 = arith.constant 0 : i32
      %add3A_77 = arith.addi %mul3A_75, %add3A_76 : i32
      %dma_start3A_78 = arith.constant 0 : i32
      %dma_start3A_79 = tpu.memref_slice %arg4[%add3A_77, %dma_start3A_78] : memref<80x128xi32, #tpu.memory_space<vmem>> -> memref<1x128xi32, #tpu.memory_space<vmem>>
      %dma_start3A_80 = tpu.memref_squeeze %dma_start3A_79 : memref<1x128xi32, #tpu.memory_space<vmem>> -> memref<128xi32, #tpu.memory_space<vmem>>
      %dma_start3A_81 = arith.constant 0 : i32
      %dma_start3A_82 = arith.constant 0 : i32
      %dma_start3A_83 = tpu.memref_slice %arg7[%dma_start3A_81, %dma_start3A_82] : memref<10240x128xf32, #tpu.memory_space<vmem_shared>> -> memref<10240x128xf32, #tpu.memory_space<vmem_shared>>
      tpu.enqueue_indirect_dma source(%arg5 : memref<128x128xf32, #tpu.memory_space<vmem>>) target(%dma_start3A_83 : memref<10240x128xf32, #tpu.memory_space<vmem_shared>>) offsets(%dma_start3A_80 : memref<128xi32, #tpu.memory_space<vmem>>) semaphore(%arg9 : memref<!tpu.dma_semaphore, #tpu.memory_space<semaphore_mem>>) {add = true}
      %mul3A_84 = arith.constant 8 : i32
      %mul3A_85 = arith.muli %scan3A_72, %mul3A_84 : i32
      %add3A_86 = arith.constant 1 : i32
      %add3A_87 = arith.addi %mul3A_85, %add3A_86 : i32
      %dma_start3A_88 = arith.constant 0 : i32
      %dma_start3A_89 = tpu.memref_slice %arg4[%add3A_87, %dma_start3A_88] : memref<80x128xi32, #tpu.memory_space<vmem>> -> memref<1x128xi32, #tpu.memory_space<vmem>>
      %dma_start3A_90 = tpu.memref_squeeze %dma_start3A_89 : memref<1x128xi32, #tpu.memory_space<vmem>> -> memref<128xi32, #tpu.memory_space<vmem>>
      %dma_start3A_91 = arith.constant 0 : i32
      %dma_start3A_92 = arith.constant 0 : i32
      %dma_start3A_93 = tpu.memref_slice %arg7[%dma_start3A_91, %dma_start3A_92] : memref<10240x128xf32, #tpu.memory_space<vmem_shared>> -> memref<10240x128xf32, #tpu.memory_space<vmem_shared>>
      tpu.enqueue_indirect_dma source(%arg5 : memref<128x128xf32, #tpu.memory_space<vmem>>) target(%dma_start3A_93 : memref<10240x128xf32, #tpu.memory_space<vmem_shared>>) offsets(%dma_start3A_90 : memref<128xi32, #tpu.memory_space<vmem>>) semaphore(%arg9 : memref<!tpu.dma_semaphore, #tpu.memory_space<semaphore_mem>>) {add = true}
      %mul3A_94 = arith.constant 8 : i32
      %mul3A_95 = arith.muli %scan3A_72, %mul3A_94 : i32
      %add3A_96 = arith.constant 2 : i32
      %add3A_97 = arith.addi %mul3A_95, %add3A_96 : i32
      %dma_start3A_98 = arith.constant 0 : i32
      %dma_start3A_99 = tpu.memref_slice %arg4[%add3A_97, %dma_start3A_98] : memref<80x128xi32, #tpu.memory_space<vmem>> -> memref<1x128xi32, #tpu.memory_space<vmem>>
      %dma_start3A_100 = tpu.memref_squeeze %dma_start3A_99 : memref<1x128xi32, #tpu.memory_space<vmem>> -> memref<128xi32, #tpu.memory_space<vmem>>
      %dma_start3A_101 = arith.constant 0 : i32
      %dma_start3A_102 = arith.constant 0 : i32
      %dma_start3A_103 = tpu.memref_slice %arg7[%dma_start3A_101, %dma_start3A_102] : memref<10240x128xf32, #tpu.memory_space<vmem_shared>> -> memref<10240x128xf32, #tpu.memory_space<vmem_shared>>
      tpu.enqueue_indirect_dma source(%arg5 : memref<128x128xf32, #tpu.memory_space<vmem>>) target(%dma_start3A_103 : memref<10240x128xf32, #tpu.memory_space<vmem_shared>>) offsets(%dma_start3A_100 : memref<128xi32, #tpu.memory_space<vmem>>) semaphore(%arg9 : memref<!tpu.dma_semaphore, #tpu.memory_space<semaphore_mem>>) {add = true}
      %mul3A_104 = arith.constant 8 : i32
      %mul3A_105 = arith.muli %scan3A_72, %mul3A_104 : i32
      %add3A_106 = arith.constant 3 : i32
      %add3A_107 = arith.addi %mul3A_105, %add3A_106 : i32
      %dma_start3A_108 = arith.constant 0 : i32
      %dma_start3A_109 = tpu.memref_slice %arg4[%add3A_107, %dma_start3A_108] : memref<80x128xi32, #tpu.memory_space<vmem>> -> memref<1x128xi32, #tpu.memory_space<vmem>>
      %dma_start3A_110 = tpu.memref_squeeze %dma_start3A_109 : memref<1x128xi32, #tpu.memory_space<vmem>> -> memref<128xi32, #tpu.memory_space<vmem>>
      %dma_start3A_111 = arith.constant 0 : i32
      %dma_start3A_112 = arith.constant 0 : i32
      %dma_start3A_113 = tpu.memref_slice %arg7[%dma_start3A_111, %dma_start3A_112] : memref<10240x128xf32, #tpu.memory_space<vmem_shared>> -> memref<10240x128xf32, #tpu.memory_space<vmem_shared>>
      tpu.enqueue_indirect_dma source(%arg5 : memref<128x128xf32, #tpu.memory_space<vmem>>) target(%dma_start3A_113 : memref<10240x128xf32, #tpu.memory_space<vmem_shared>>) offsets(%dma_start3A_110 : memref<128xi32, #tpu.memory_space<vmem>>) semaphore(%arg9 : memref<!tpu.dma_semaphore, #tpu.memory_space<semaphore_mem>>) {add = true}
      %mul3A_114 = arith.constant 8 : i32
      %mul3A_115 = arith.muli %scan3A_72, %mul3A_114 : i32
      %add3A_116 = arith.constant 4 : i32
      %add3A_117 = arith.addi %mul3A_115, %add3A_116 : i32
      %dma_start3A_118 = arith.constant 0 : i32
      %dma_start3A_119 = tpu.memref_slice %arg4[%add3A_117, %dma_start3A_118] : memref<80x128xi32, #tpu.memory_space<vmem>> -> memref<1x128xi32, #tpu.memory_space<vmem>>
      %dma_start3A_120 = tpu.memref_squeeze %dma_start3A_119 : memref<1x128xi32, #tpu.memory_space<vmem>> -> memref<128xi32, #tpu.memory_space<vmem>>
      %dma_start3A_121 = arith.constant 0 : i32
      %dma_start3A_122 = arith.constant 0 : i32
      %dma_start3A_123 = tpu.memref_slice %arg7[%dma_start3A_121, %dma_start3A_122] : memref<10240x128xf32, #tpu.memory_space<vmem_shared>> -> memref<10240x128xf32, #tpu.memory_space<vmem_shared>>
      tpu.enqueue_indirect_dma source(%arg5 : memref<128x128xf32, #tpu.memory_space<vmem>>) target(%dma_start3A_123 : memref<10240x128xf32, #tpu.memory_space<vmem_shared>>) offsets(%dma_start3A_120 : memref<128xi32, #tpu.memory_space<vmem>>) semaphore(%arg9 : memref<!tpu.dma_semaphore, #tpu.memory_space<semaphore_mem>>) {add = true}
      %mul3A_124 = arith.constant 8 : i32
      %mul3A_125 = arith.muli %scan3A_72, %mul3A_124 : i32
      %add3A_126 = arith.constant 5 : i32
      %add3A_127 = arith.addi %mul3A_125, %add3A_126 : i32
      %dma_start3A_128 = arith.constant 0 : i32
      %dma_start3A_129 = tpu.memref_slice %arg4[%add3A_127, %dma_start3A_128] : memref<80x128xi32, #tpu.memory_space<vmem>> -> memref<1x128xi32, #tpu.memory_space<vmem>>
      %dma_start3A_130 = tpu.memref_squeeze %dma_start3A_129 : memref<1x128xi32, #tpu.memory_space<vmem>> -> memref<128xi32, #tpu.memory_space<vmem>>
      %dma_start3A_131 = arith.constant 0 : i32
      %dma_start3A_132 = arith.constant 0 : i32
      %dma_start3A_133 = tpu.memref_slice %arg7[%dma_start3A_131, %dma_start3A_132] : memref<10240x128xf32, #tpu.memory_space<vmem_shared>> -> memref<10240x128xf32, #tpu.memory_space<vmem_shared>>
      tpu.enqueue_indirect_dma source(%arg5 : memref<128x128xf32, #tpu.memory_space<vmem>>) target(%dma_start3A_133 : memref<10240x128xf32, #tpu.memory_space<vmem_shared>>) offsets(%dma_start3A_130 : memref<128xi32, #tpu.memory_space<vmem>>) semaphore(%arg9 : memref<!tpu.dma_semaphore, #tpu.memory_space<semaphore_mem>>) {add = true}
      %mul3A_134 = arith.constant 8 : i32
      %mul3A_135 = arith.muli %scan3A_72, %mul3A_134 : i32
      %add3A_136 = arith.constant 6 : i32
      %add3A_137 = arith.addi %mul3A_135, %add3A_136 : i32
      %dma_start3A_138 = arith.constant 0 : i32
      %dma_start3A_139 = tpu.memref_slice %arg4[%add3A_137, %dma_start3A_138] : memref<80x128xi32, #tpu.memory_space<vmem>> -> memref<1x128xi32, #tpu.memory_space<vmem>>
      %dma_start3A_140 = tpu.memref_squeeze %dma_start3A_139 : memref<1x128xi32, #tpu.memory_space<vmem>> -> memref<128xi32, #tpu.memory_space<vmem>>
      %dma_start3A_141 = arith.constant 0 : i32
      %dma_start3A_142 = arith.constant 0 : i32
      %dma_start3A_143 = tpu.memref_slice %arg7[%dma_start3A_141, %dma_start3A_142] : memref<10240x128xf32, #tpu.memory_space<vmem_shared>> -> memref<10240x128xf32, #tpu.memory_space<vmem_shared>>
      tpu.enqueue_indirect_dma source(%arg5 : memref<128x128xf32, #tpu.memory_space<vmem>>) target(%dma_start3A_143 : memref<10240x128xf32, #tpu.memory_space<vmem_shared>>) offsets(%dma_start3A_140 : memref<128xi32, #tpu.memory_space<vmem>>) semaphore(%arg9 : memref<!tpu.dma_semaphore, #tpu.memory_space<semaphore_mem>>) {add = true}
      %mul3A_144 = arith.constant 8 : i32
      %mul3A_145 = arith.muli %scan3A_72, %mul3A_144 : i32
      %add3A_146 = arith.constant 7 : i32
      %add3A_147 = arith.addi %mul3A_145, %add3A_146 : i32
      %dma_start3A_148 = arith.constant 0 : i32
      %dma_start3A_149 = tpu.memref_slice %arg4[%add3A_147, %dma_start3A_148] : memref<80x128xi32, #tpu.memory_space<vmem>> -> memref<1x128xi32, #tpu.memory_space<vmem>>
      %dma_start3A_150 = tpu.memref_squeeze %dma_start3A_149 : memref<1x128xi32, #tpu.memory_space<vmem>> -> memref<128xi32, #tpu.memory_space<vmem>>
      %dma_start3A_151 = arith.constant 0 : i32
      %dma_start3A_152 = arith.constant 0 : i32
      %dma_start3A_153 = tpu.memref_slice %arg7[%dma_start3A_151, %dma_start3A_152] : memref<10240x128xf32, #tpu.memory_space<vmem_shared>> -> memref<10240x128xf32, #tpu.memory_space<vmem_shared>>
      tpu.enqueue_indirect_dma source(%arg5 : memref<128x128xf32, #tpu.memory_space<vmem>>) target(%dma_start3A_153 : memref<10240x128xf32, #tpu.memory_space<vmem_shared>>) offsets(%dma_start3A_150 : memref<128xi32, #tpu.memory_space<vmem>>) semaphore(%arg9 : memref<!tpu.dma_semaphore, #tpu.memory_space<semaphore_mem>>) {add = true}
      %mul3A_154 = arith.constant 8 : i32
      %mul3A_155 = arith.muli %scan3A_72, %mul3A_154 : i32
      %add3A_156 = arith.constant 0 : i32
      %add3A_157 = arith.addi %mul3A_155, %add3A_156 : i32
      %dma_wait3A_158 = arith.constant 0 : i32
      %dma_wait3A_159 = tpu.memref_slice %arg4[%add3A_157, %dma_wait3A_158] : memref<80x128xi32, #tpu.memory_space<vmem>> -> memref<1x128xi32, #tpu.memory_space<vmem>>
      %dma_wait3A_160 = tpu.memref_squeeze %dma_wait3A_159 : memref<1x128xi32, #tpu.memory_space<vmem>> -> memref<128xi32, #tpu.memory_space<vmem>>
      %dma_wait3A_161 = arith.constant 0 : i32
      %dma_wait3A_162 = arith.constant 0 : i32
      %dma_wait3A_163 = tpu.memref_slice %arg7[%dma_wait3A_161, %dma_wait3A_162] : memref<10240x128xf32, #tpu.memory_space<vmem_shared>> -> memref<10240x128xf32, #tpu.memory_space<vmem_shared>>
      tpu.wait_indirect_dma semaphore(%arg9 : memref<!tpu.dma_semaphore, #tpu.memory_space<semaphore_mem>>) src(%arg5 : memref<128x128xf32, #tpu.memory_space<vmem>>) dst(%dma_wait3A_163 : memref<10240x128xf32, #tpu.memory_space<vmem_shared>>)
      %mul3A_164 = arith.constant 8 : i32
      %mul3A_165 = arith.muli %scan3A_72, %mul3A_164 : i32
      %add3A_166 = arith.constant 1 : i32
      %add3A_167 = arith.addi %mul3A_165, %add3A_166 : i32
      %dma_wait3A_168 = arith.constant 0 : i32
      %dma_wait3A_169 = tpu.memref_slice %arg4[%add3A_167, %dma_wait3A_168] : memref<80x128xi32, #tpu.memory_space<vmem>> -> memref<1x128xi32, #tpu.memory_space<vmem>>
      %dma_wait3A_170 = tpu.memref_squeeze %dma_wait3A_169 : memref<1x128xi32, #tpu.memory_space<vmem>> -> memref<128xi32, #tpu.memory_space<vmem>>
      %dma_wait3A_171 = arith.constant 0 : i32
      %dma_wait3A_172 = arith.constant 0 : i32
      %dma_wait3A_173 = tpu.memref_slice %arg7[%dma_wait3A_171, %dma_wait3A_172] : memref<10240x128xf32, #tpu.memory_space<vmem_shared>> -> memref<10240x128xf32, #tpu.memory_space<vmem_shared>>
      tpu.wait_indirect_dma semaphore(%arg9 : memref<!tpu.dma_semaphore, #tpu.memory_space<semaphore_mem>>) src(%arg5 : memref<128x128xf32, #tpu.memory_space<vmem>>) dst(%dma_wait3A_173 : memref<10240x128xf32, #tpu.memory_space<vmem_shared>>)
      %mul3A_174 = arith.constant 8 : i32
      %mul3A_175 = arith.muli %scan3A_72, %mul3A_174 : i32
      %add3A_176 = arith.constant 2 : i32
      %add3A_177 = arith.addi %mul3A_175, %add3A_176 : i32
      %dma_wait3A_178 = arith.constant 0 : i32
      %dma_wait3A_179 = tpu.memref_slice %arg4[%add3A_177, %dma_wait3A_178] : memref<80x128xi32, #tpu.memory_space<vmem>> -> memref<1x128xi32, #tpu.memory_space<vmem>>
      %dma_wait3A_180 = tpu.memref_squeeze %dma_wait3A_179 : memref<1x128xi32, #tpu.memory_space<vmem>> -> memref<128xi32, #tpu.memory_space<vmem>>
      %dma_wait3A_181 = arith.constant 0 : i32
      %dma_wait3A_182 = arith.constant 0 : i32
      %dma_wait3A_183 = tpu.memref_slice %arg7[%dma_wait3A_181, %dma_wait3A_182] : memref<10240x128xf32, #tpu.memory_space<vmem_shared>> -> memref<10240x128xf32, #tpu.memory_space<vmem_shared>>
      tpu.wait_indirect_dma semaphore(%arg9 : memref<!tpu.dma_semaphore, #tpu.memory_space<semaphore_mem>>) src(%arg5 : memref<128x128xf32, #tpu.memory_space<vmem>>) dst(%dma_wait3A_183 : memref<10240x128xf32, #tpu.memory_space<vmem_shared>>)
      %mul3A_184 = arith.constant 8 : i32
      %mul3A_185 = arith.muli %scan3A_72, %mul3A_184 : i32
      %add3A_186 = arith.constant 3 : i32
      %add3A_187 = arith.addi %mul3A_185, %add3A_186 : i32
      %dma_wait3A_188 = arith.constant 0 : i32
      %dma_wait3A_189 = tpu.memref_slice %arg4[%add3A_187, %dma_wait3A_188] : memref<80x128xi32, #tpu.memory_space<vmem>> -> memref<1x128xi32, #tpu.memory_space<vmem>>
      %dma_wait3A_190 = tpu.memref_squeeze %dma_wait3A_189 : memref<1x128xi32, #tpu.memory_space<vmem>> -> memref<128xi32, #tpu.memory_space<vmem>>
      %dma_wait3A_191 = arith.constant 0 : i32
      %dma_wait3A_192 = arith.constant 0 : i32
      %dma_wait3A_193 = tpu.memref_slice %arg7[%dma_wait3A_191, %dma_wait3A_192] : memref<10240x128xf32, #tpu.memory_space<vmem_shared>> -> memref<10240x128xf32, #tpu.memory_space<vmem_shared>>
      tpu.wait_indirect_dma semaphore(%arg9 : memref<!tpu.dma_semaphore, #tpu.memory_space<semaphore_mem>>) src(%arg5 : memref<128x128xf32, #tpu.memory_space<vmem>>) dst(%dma_wait3A_193 : memref<10240x128xf32, #tpu.memory_space<vmem_shared>>)
      %mul3A_194 = arith.constant 8 : i32
      %mul3A_195 = arith.muli %scan3A_72, %mul3A_194 : i32
      %add3A_196 = arith.constant 4 : i32
      %add3A_197 = arith.addi %mul3A_195, %add3A_196 : i32
      %dma_wait3A_198 = arith.constant 0 : i32
      %dma_wait3A_199 = tpu.memref_slice %arg4[%add3A_197, %dma_wait3A_198] : memref<80x128xi32, #tpu.memory_space<vmem>> -> memref<1x128xi32, #tpu.memory_space<vmem>>
      %dma_wait3A_200 = tpu.memref_squeeze %dma_wait3A_199 : memref<1x128xi32, #tpu.memory_space<vmem>> -> memref<128xi32, #tpu.memory_space<vmem>>
      %dma_wait3A_201 = arith.constant 0 : i32
      %dma_wait3A_202 = arith.constant 0 : i32
      %dma_wait3A_203 = tpu.memref_slice %arg7[%dma_wait3A_201, %dma_wait3A_202] : memref<10240x128xf32, #tpu.memory_space<vmem_shared>> -> memref<10240x128xf32, #tpu.memory_space<vmem_shared>>
      tpu.wait_indirect_dma semaphore(%arg9 : memref<!tpu.dma_semaphore, #tpu.memory_space<semaphore_mem>>) src(%arg5 : memref<128x128xf32, #tpu.memory_space<vmem>>) dst(%dma_wait3A_203 : memref<10240x128xf32, #tpu.memory_space<vmem_shared>>)
      %mul3A_204 = arith.constant 8 : i32
      %mul3A_205 = arith.muli %scan3A_72, %mul3A_204 : i32
      %add3A_206 = arith.constant 5 : i32
      %add3A_207 = arith.addi %mul3A_205, %add3A_206 : i32
      %dma_wait3A_208 = arith.constant 0 : i32
      %dma_wait3A_209 = tpu.memref_slice %arg4[%add3A_207, %dma_wait3A_208] : memref<80x128xi32, #tpu.memory_space<vmem>> -> memref<1x128xi32, #tpu.memory_space<vmem>>
      %dma_wait3A_210 = tpu.memref_squeeze %dma_wait3A_209 : memref<1x128xi32, #tpu.memory_space<vmem>> -> memref<128xi32, #tpu.memory_space<vmem>>
      %dma_wait3A_211 = arith.constant 0 : i32
      %dma_wait3A_212 = arith.constant 0 : i32
      %dma_wait3A_213 = tpu.memref_slice %arg7[%dma_wait3A_211, %dma_wait3A_212] : memref<10240x128xf32, #tpu.memory_space<vmem_shared>> -> memref<10240x128xf32, #tpu.memory_space<vmem_shared>>
      tpu.wait_indirect_dma semaphore(%arg9 : memref<!tpu.dma_semaphore, #tpu.memory_space<semaphore_mem>>) src(%arg5 : memref<128x128xf32, #tpu.memory_space<vmem>>) dst(%dma_wait3A_213 : memref<10240x128xf32, #tpu.memory_space<vmem_shared>>)
      %mul3A_214 = arith.constant 8 : i32
      %mul3A_215 = arith.muli %scan3A_72, %mul3A_214 : i32
      %add3A_216 = arith.constant 6 : i32
      %add3A_217 = arith.addi %mul3A_215, %add3A_216 : i32
      %dma_wait3A_218 = arith.constant 0 : i32
      %dma_wait3A_219 = tpu.memref_slice %arg4[%add3A_217, %dma_wait3A_218] : memref<80x128xi32, #tpu.memory_space<vmem>> -> memref<1x128xi32, #tpu.memory_space<vmem>>
      %dma_wait3A_220 = tpu.memref_squeeze %dma_wait3A_219 : memref<1x128xi32, #tpu.memory_space<vmem>> -> memref<128xi32, #tpu.memory_space<vmem>>
      %dma_wait3A_221 = arith.constant 0 : i32
      %dma_wait3A_222 = arith.constant 0 : i32
      %dma_wait3A_223 = tpu.memref_slice %arg7[%dma_wait3A_221, %dma_wait3A_222] : memref<10240x128xf32, #tpu.memory_space<vmem_shared>> -> memref<10240x128xf32, #tpu.memory_space<vmem_shared>>
      tpu.wait_indirect_dma semaphore(%arg9 : memref<!tpu.dma_semaphore, #tpu.memory_space<semaphore_mem>>) src(%arg5 : memref<128x128xf32, #tpu.memory_space<vmem>>) dst(%dma_wait3A_223 : memref<10240x128xf32, #tpu.memory_space<vmem_shared>>)
      %mul3A_224 = arith.constant 8 : i32
      %mul3A_225 = arith.muli %scan3A_72, %mul3A_224 : i32
      %add3A_226 = arith.constant 7 : i32
      %add3A_227 = arith.addi %mul3A_225, %add3A_226 : i32
      %dma_wait3A_228 = arith.constant 0 : i32
      %dma_wait3A_229 = tpu.memref_slice %arg4[%add3A_227, %dma_wait3A_228] : memref<80x128xi32, #tpu.memory_space<vmem>> -> memref<1x128xi32, #tpu.memory_space<vmem>>
      %dma_wait3A_230 = tpu.memref_squeeze %dma_wait3A_229 : memref<1x128xi32, #tpu.memory_space<vmem>> -> memref<128xi32, #tpu.memory_space<vmem>>
      %dma_wait3A_231 = arith.constant 0 : i32
      %dma_wait3A_232 = arith.constant 0 : i32
      %dma_wait3A_233 = tpu.memref_slice %arg7[%dma_wait3A_231, %dma_wait3A_232] : memref<10240x128xf32, #tpu.memory_space<vmem_shared>> -> memref<10240x128xf32, #tpu.memory_space<vmem_shared>>
      tpu.wait_indirect_dma semaphore(%arg9 : memref<!tpu.dma_semaphore, #tpu.memory_space<semaphore_mem>>) src(%arg5 : memref<128x128xf32, #tpu.memory_space<vmem>>) dst(%dma_wait3A_233 : memref<10240x128xf32, #tpu.memory_space<vmem_shared>>)
      %scan3A_234 = arith.constant 0 : i32
      scf.yield %scan3A_234 : i32
    }
    %scan3A_50 = arith.constant 10 : i32
    %barrier3A_51 = arith.constant 0 : index
    tpu.barrier barrier_id(%barrier3A_51)
    %mul3A_52 = arith.constant 640 : i32
    %mul3A_53 = arith.muli %arg1, %mul3A_52 : i32
    %add3A_54 = arith.constant 0 : i32
    %add3A_55 = arith.addi %mul3A_53, %add3A_54 : i32
    "tpu.region"() ({
      %run_scoped3A = tpu.sem_alloc : memref<!tpu.dma_semaphore, #tpu.memory_space<semaphore_mem>>
      %dma_start3A_72 = arith.constant 0 : i32
      %dma_start3A_73 = tpu.memref_slice %arg3[%arg0, %add3A_55, %dma_start3A_72] : memref<2x10240x128xf32, #tpu.memory_space<hbm>> -> memref<1x128x128xf32, #tpu.memory_space<hbm>>
      %dma_start3A_74 = tpu.memref_squeeze %dma_start3A_73 : memref<1x128x128xf32, #tpu.memory_space<hbm>> -> memref<128x128xf32, #tpu.memory_space<hbm>>
      %dma_start3A_75 = arith.constant 0 : i32
      %dma_start3A_76 = tpu.memref_slice %arg7[%add3A_55, %dma_start3A_75] : memref<10240x128xf32, #tpu.memory_space<vmem_shared>> -> memref<128x128xf32, #tpu.memory_space<vmem_shared>>
      tpu.enqueue_dma source(%dma_start3A_76 : memref<128x128xf32, #tpu.memory_space<vmem_shared>>) target(%dma_start3A_74 : memref<128x128xf32, #tpu.memory_space<hbm>>) target_semaphore(%run_scoped3A : memref<!tpu.dma_semaphore, #tpu.memory_space<semaphore_mem>>)
      %dma_wait3A_77 = arith.constant 0 : i32
      %dma_wait3A_78 = tpu.memref_slice %arg3[%arg0, %add3A_55, %dma_wait3A_77] : memref<2x10240x128xf32, #tpu.memory_space<hbm>> -> memref<1x128x128xf32, #tpu.memory_space<hbm>>
      %dma_wait3A_79 = tpu.memref_squeeze %dma_wait3A_78 : memref<1x128x128xf32, #tpu.memory_space<hbm>> -> memref<128x128xf32, #tpu.memory_space<hbm>>
      %dma_wait3A_80 = arith.constant 0 : i32
      %dma_wait3A_81 = tpu.memref_slice %arg7[%add3A_55, %dma_wait3A_80] : memref<10240x128xf32, #tpu.memory_space<vmem_shared>> -> memref<128x128xf32, #tpu.memory_space<vmem_shared>>
      tpu.wait_dma2 semaphore(%run_scoped3A : memref<!tpu.dma_semaphore, #tpu.memory_space<semaphore_mem>>) src(%dma_wait3A_81 : memref<128x128xf32, #tpu.memory_space<vmem_shared>>) dst(%dma_wait3A_79 : memref<128x128xf32, #tpu.memory_space<hbm>>)
      tpu.yield
    }) : () -> ()
    %mul3A_56 = arith.constant 640 : i32
    %mul3A_57 = arith.muli %arg1, %mul3A_56 : i32
    %add3A_58 = arith.constant 128 : i32
    %add3A_59 = arith.addi %mul3A_57, %add3A_58 : i32
    "tpu.region"() ({
      %run_scoped3A = tpu.sem_alloc : memref<!tpu.dma_semaphore, #tpu.memory_space<semaphore_mem>>
      %dma_start3A_72 = arith.constant 0 : i32
      %dma_start3A_73 = tpu.memref_slice %arg3[%arg0, %add3A_59, %dma_start3A_72] : memref<2x10240x128xf32, #tpu.memory_space<hbm>> -> memref<1x128x128xf32, #tpu.memory_space<hbm>>
      %dma_start3A_74 = tpu.memref_squeeze %dma_start3A_73 : memref<1x128x128xf32, #tpu.memory_space<hbm>> -> memref<128x128xf32, #tpu.memory_space<hbm>>
      %dma_start3A_75 = arith.constant 0 : i32
      %dma_start3A_76 = tpu.memref_slice %arg7[%add3A_59, %dma_start3A_75] : memref<10240x128xf32, #tpu.memory_space<vmem_shared>> -> memref<128x128xf32, #tpu.memory_space<vmem_shared>>
      tpu.enqueue_dma source(%dma_start3A_76 : memref<128x128xf32, #tpu.memory_space<vmem_shared>>) target(%dma_start3A_74 : memref<128x128xf32, #tpu.memory_space<hbm>>) target_semaphore(%run_scoped3A : memref<!tpu.dma_semaphore, #tpu.memory_space<semaphore_mem>>)
      %dma_wait3A_77 = arith.constant 0 : i32
      %dma_wait3A_78 = tpu.memref_slice %arg3[%arg0, %add3A_59, %dma_wait3A_77] : memref<2x10240x128xf32, #tpu.memory_space<hbm>> -> memref<1x128x128xf32, #tpu.memory_space<hbm>>
      %dma_wait3A_79 = tpu.memref_squeeze %dma_wait3A_78 : memref<1x128x128xf32, #tpu.memory_space<hbm>> -> memref<128x128xf32, #tpu.memory_space<hbm>>
      %dma_wait3A_80 = arith.constant 0 : i32
      %dma_wait3A_81 = tpu.memref_slice %arg7[%add3A_59, %dma_wait3A_80] : memref<10240x128xf32, #tpu.memory_space<vmem_shared>> -> memref<128x128xf32, #tpu.memory_space<vmem_shared>>
      tpu.wait_dma2 semaphore(%run_scoped3A : memref<!tpu.dma_semaphore, #tpu.memory_space<semaphore_mem>>) src(%dma_wait3A_81 : memref<128x128xf32, #tpu.memory_space<vmem_shared>>) dst(%dma_wait3A_79 : memref<128x128xf32, #tpu.memory_space<hbm>>)
      tpu.yield
    }) : () -> ()
    %mul3A_60 = arith.constant 640 : i32
    %mul3A_61 = arith.muli %arg1, %mul3A_60 : i32
    %add3A_62 = arith.constant 256 : i32
    %add3A_63 = arith.addi %mul3A_61, %add3A_62 : i32
    "tpu.region"() ({
      %run_scoped3A = tpu.sem_alloc : memref<!tpu.dma_semaphore, #tpu.memory_space<semaphore_mem>>
      %dma_start3A_72 = arith.constant 0 : i32
      %dma_start3A_73 = tpu.memref_slice %arg3[%arg0, %add3A_63, %dma_start3A_72] : memref<2x10240x128xf32, #tpu.memory_space<hbm>> -> memref<1x128x128xf32, #tpu.memory_space<hbm>>
      %dma_start3A_74 = tpu.memref_squeeze %dma_start3A_73 : memref<1x128x128xf32, #tpu.memory_space<hbm>> -> memref<128x128xf32, #tpu.memory_space<hbm>>
      %dma_start3A_75 = arith.constant 0 : i32
      %dma_start3A_76 = tpu.memref_slice %arg7[%add3A_63, %dma_start3A_75] : memref<10240x128xf32, #tpu.memory_space<vmem_shared>> -> memref<128x128xf32, #tpu.memory_space<vmem_shared>>
      tpu.enqueue_dma source(%dma_start3A_76 : memref<128x128xf32, #tpu.memory_space<vmem_shared>>) target(%dma_start3A_74 : memref<128x128xf32, #tpu.memory_space<hbm>>) target_semaphore(%run_scoped3A : memref<!tpu.dma_semaphore, #tpu.memory_space<semaphore_mem>>)
      %dma_wait3A_77 = arith.constant 0 : i32
      %dma_wait3A_78 = tpu.memref_slice %arg3[%arg0, %add3A_63, %dma_wait3A_77] : memref<2x10240x128xf32, #tpu.memory_space<hbm>> -> memref<1x128x128xf32, #tpu.memory_space<hbm>>
      %dma_wait3A_79 = tpu.memref_squeeze %dma_wait3A_78 : memref<1x128x128xf32, #tpu.memory_space<hbm>> -> memref<128x128xf32, #tpu.memory_space<hbm>>
      %dma_wait3A_80 = arith.constant 0 : i32
      %dma_wait3A_81 = tpu.memref_slice %arg7[%add3A_63, %dma_wait3A_80] : memref<10240x128xf32, #tpu.memory_space<vmem_shared>> -> memref<128x128xf32, #tpu.memory_space<vmem_shared>>
      tpu.wait_dma2 semaphore(%run_scoped3A : memref<!tpu.dma_semaphore, #tpu.memory_space<semaphore_mem>>) src(%dma_wait3A_81 : memref<128x128xf32, #tpu.memory_space<vmem_shared>>) dst(%dma_wait3A_79 : memref<128x128xf32, #tpu.memory_space<hbm>>)
      tpu.yield
    }) : () -> ()
    %mul3A_64 = arith.constant 640 : i32
    %mul3A_65 = arith.muli %arg1, %mul3A_64 : i32
    %add3A_66 = arith.constant 384 : i32
    %add3A_67 = arith.addi %mul3A_65, %add3A_66 : i32
    "tpu.region"() ({
      %run_scoped3A = tpu.sem_alloc : memref<!tpu.dma_semaphore, #tpu.memory_space<semaphore_mem>>
      %dma_start3A_72 = arith.constant 0 : i32
      %dma_start3A_73 = tpu.memref_slice %arg3[%arg0, %add3A_67, %dma_start3A_72] : memref<2x10240x128xf32, #tpu.memory_space<hbm>> -> memref<1x128x128xf32, #tpu.memory_space<hbm>>
      %dma_start3A_74 = tpu.memref_squeeze %dma_start3A_73 : memref<1x128x128xf32, #tpu.memory_space<hbm>> -> memref<128x128xf32, #tpu.memory_space<hbm>>
      %dma_start3A_75 = arith.constant 0 : i32
      %dma_start3A_76 = tpu.memref_slice %arg7[%add3A_67, %dma_start3A_75] : memref<10240x128xf32, #tpu.memory_space<vmem_shared>> -> memref<128x128xf32, #tpu.memory_space<vmem_shared>>
      tpu.enqueue_dma source(%dma_start3A_76 : memref<128x128xf32, #tpu.memory_space<vmem_shared>>) target(%dma_start3A_74 : memref<128x128xf32, #tpu.memory_space<hbm>>) target_semaphore(%run_scoped3A : memref<!tpu.dma_semaphore, #tpu.memory_space<semaphore_mem>>)
      %dma_wait3A_77 = arith.constant 0 : i32
      %dma_wait3A_78 = tpu.memref_slice %arg3[%arg0, %add3A_67, %dma_wait3A_77] : memref<2x10240x128xf32, #tpu.memory_space<hbm>> -> memref<1x128x128xf32, #tpu.memory_space<hbm>>
      %dma_wait3A_79 = tpu.memref_squeeze %dma_wait3A_78 : memref<1x128x128xf32, #tpu.memory_space<hbm>> -> memref<128x128xf32, #tpu.memory_space<hbm>>
      %dma_wait3A_80 = arith.constant 0 : i32
      %dma_wait3A_81 = tpu.memref_slice %arg7[%add3A_67, %dma_wait3A_80] : memref<10240x128xf32, #tpu.memory_space<vmem_shared>> -> memref<128x128xf32, #tpu.memory_space<vmem_shared>>
      tpu.wait_dma2 semaphore(%run_scoped3A : memref<!tpu.dma_semaphore, #tpu.memory_space<semaphore_mem>>) src(%dma_wait3A_81 : memref<128x128xf32, #tpu.memory_space<vmem_shared>>) dst(%dma_wait3A_79 : memref<128x128xf32, #tpu.memory_space<hbm>>)
      tpu.yield
    }) : () -> ()
    %mul3A_68 = arith.constant 640 : i32
    %mul3A_69 = arith.muli %arg1, %mul3A_68 : i32
    %add3A_70 = arith.constant 512 : i32
    %add3A_71 = arith.addi %mul3A_69, %add3A_70 : i32
    "tpu.region"() ({
      %run_scoped3A = tpu.sem_alloc : memref<!tpu.dma_semaphore, #tpu.memory_space<semaphore_mem>>
      %dma_start3A_72 = arith.constant 0 : i32
      %dma_start3A_73 = tpu.memref_slice %arg3[%arg0, %add3A_71, %dma_start3A_72] : memref<2x10240x128xf32, #tpu.memory_space<hbm>> -> memref<1x128x128xf32, #tpu.memory_space<hbm>>
      %dma_start3A_74 = tpu.memref_squeeze %dma_start3A_73 : memref<1x128x128xf32, #tpu.memory_space<hbm>> -> memref<128x128xf32, #tpu.memory_space<hbm>>
      %dma_start3A_75 = arith.constant 0 : i32
      %dma_start3A_76 = tpu.memref_slice %arg7[%add3A_71, %dma_start3A_75] : memref<10240x128xf32, #tpu.memory_space<vmem_shared>> -> memref<128x128xf32, #tpu.memory_space<vmem_shared>>
      tpu.enqueue_dma source(%dma_start3A_76 : memref<128x128xf32, #tpu.memory_space<vmem_shared>>) target(%dma_start3A_74 : memref<128x128xf32, #tpu.memory_space<hbm>>) target_semaphore(%run_scoped3A : memref<!tpu.dma_semaphore, #tpu.memory_space<semaphore_mem>>)
      %dma_wait3A_77 = arith.constant 0 : i32
      %dma_wait3A_78 = tpu.memref_slice %arg3[%arg0, %add3A_71, %dma_wait3A_77] : memref<2x10240x128xf32, #tpu.memory_space<hbm>> -> memref<1x128x128xf32, #tpu.memory_space<hbm>>
      %dma_wait3A_79 = tpu.memref_squeeze %dma_wait3A_78 : memref<1x128x128xf32, #tpu.memory_space<hbm>> -> memref<128x128xf32, #tpu.memory_space<hbm>>
      %dma_wait3A_80 = arith.constant 0 : i32
      %dma_wait3A_81 = tpu.memref_slice %arg7[%add3A_71, %dma_wait3A_80] : memref<10240x128xf32, #tpu.memory_space<vmem_shared>> -> memref<128x128xf32, #tpu.memory_space<vmem_shared>>
      tpu.wait_dma2 semaphore(%run_scoped3A : memref<!tpu.dma_semaphore, #tpu.memory_space<semaphore_mem>>) src(%dma_wait3A_81 : memref<128x128xf32, #tpu.memory_space<vmem_shared>>) dst(%dma_wait3A_79 : memref<128x128xf32, #tpu.memory_space<hbm>>)
      tpu.yield
    }) : () -> ()
    return
  }
}

#map = affine_map<(d0, d1) -> (0, 0)>
#map1 = affine_map<(d0, d1) -> (0)>
#map2 = affine_map<(d0, d1) -> (0, 0, 0)>
module attributes {stable_mosaic.version = 14 : i64} {
  func.func @_agg_body(%arg0: i32, %arg1: i32, %arg2: memref<10000x128xf32, #tpu.memory_space<hbm>>, %arg3: memref<327680xi32, #tpu.memory_space<hbm>>, %arg4: memref<2560x128xi32, #tpu.memory_space<hbm>>, %arg5: memref<2x10240x128xf32, #tpu.memory_space<hbm>>, %arg6: memref<128xi32, #tpu.memory_space<vmem>>, %arg7: memref<128xi32, #tpu.memory_space<vmem>>, %arg8: memref<80x128xi32, #tpu.memory_space<vmem>>, %arg9: memref<128x128xf32, #tpu.memory_space<vmem>>, %arg10: memref<128x128xf32, #tpu.memory_space<vmem>>, %arg11: memref<10240x128xf32, #tpu.memory_space<vmem_shared>>, %arg12: memref<!tpu.dma_semaphore, #tpu.memory_space<semaphore_mem>>, %arg13: memref<!tpu.dma_semaphore, #tpu.memory_space<semaphore_mem>>, %arg14: memref<!tpu.dma_semaphore, #tpu.memory_space<semaphore_mem>>, %arg15: memref<!tpu.dma_semaphore, #tpu.memory_space<semaphore_mem>>, %arg16: memref<!tpu.dma_semaphore, #tpu.memory_space<semaphore_mem>>, %arg17: memref<!tpu.dma_semaphore, #tpu.memory_space<semaphore_mem>>, %arg18: memref<!tpu.dma_semaphore, #tpu.memory_space<semaphore_mem>>) attributes {dimension_semantics = [#tpu.dimension_semantics<core_parallel>, #tpu.dimension_semantics<subcore_parallel>], iteration_bounds = array<i64: 2, 16>, scalar_prefetch = 0 : i64, scratch_operands = 13 : i64, tpu.core_type = #tpu.core_type<sc_vector_subcore>, window_params = [{transform_indices = #map}, {transform_indices = #map1}, {transform_indices = #map}, {transform_indices = #map2}]} {
    %mul3A = arith.constant 16 : i32
    %mul3A_0 = arith.muli %arg0, %mul3A : i32
    %add3A = arith.addi %mul3A_0, %arg1 : i32
    %mul3A_1 = arith.constant 80 : i32
    %mul3A_2 = arith.muli %add3A, %mul3A_1 : i32
    %mul3A_3 = arith.constant 10240 : i32
    %mul3A_4 = arith.muli %add3A, %mul3A_3 : i32
    %dma_start3A = arith.constant 0 : i32
    %dma_start3A_5 = tpu.memref_slice %arg4[%mul3A_2, %dma_start3A] : memref<2560x128xi32, #tpu.memory_space<hbm>> -> memref<80x128xi32, #tpu.memory_space<hbm>>
    %dma_start3A_6 = arith.constant 0 : i32
    %dma_start3A_7 = tpu.memref_slice %arg4[%mul3A_2, %dma_start3A_6] : memref<2560x128xi32, #tpu.memory_space<hbm>> -> memref<80x128xi32, #tpu.memory_space<hbm>>
    tpu.enqueue_dma source(%dma_start3A_7 : memref<80x128xi32, #tpu.memory_space<hbm>>) target(%arg8 : memref<80x128xi32, #tpu.memory_space<vmem>>) target_semaphore(%arg12 : memref<!tpu.dma_semaphore, #tpu.memory_space<semaphore_mem>>)
    %add3A_8 = arith.constant 0 : i32
    %add3A_9 = arith.addi %mul3A_4, %add3A_8 : i32
    %dma_start3A_10 = tpu.memref_slice %arg3[%add3A_9] : memref<327680xi32, #tpu.memory_space<hbm>> -> memref<128xi32, #tpu.memory_space<hbm>>
    %dma_start3A_11 = tpu.memref_slice %arg3[%add3A_9] : memref<327680xi32, #tpu.memory_space<hbm>> -> memref<128xi32, #tpu.memory_space<hbm>>
    tpu.enqueue_dma source(%dma_start3A_11 : memref<128xi32, #tpu.memory_space<hbm>>) target(%arg6 : memref<128xi32, #tpu.memory_space<vmem>>) target_semaphore(%arg13 : memref<!tpu.dma_semaphore, #tpu.memory_space<semaphore_mem>>)
    %scan3A = arith.constant 0 : i32
    %scan3A_12 = arith.constant 0 : i32
    %scan3A_13 = arith.constant 1024 : i32
    %scan3A_14 = arith.addi %scan3A_12, %scan3A_13 : i32
    %scan3A_15 = arith.constant 1 : i32
    %scan3A_16 = scf.for %scan3A_124 = %scan3A_12 to %scan3A_14 step %scan3A_15 iter_args(%scan3A_125 = %scan3A) -> (i32)  : i32 {
      %jit3A = arith.constant 8 : i32
      %div3A = arith.divsi %scan3A_124, %jit3A : i32
      %sign3A = arith.constant 0 : i32
      %sign3A_126 = arith.cmpi sgt, %scan3A_124, %sign3A : i32
      %sign3A_127 = arith.extui %sign3A_126 : i1 to i32
      %sign3A_128 = arith.constant 0 : i32
      %sign3A_129 = arith.cmpi slt, %scan3A_124, %sign3A_128 : i32
      %sign3A_130 = arith.extui %sign3A_129 : i1 to i32
      %sign3A_131 = arith.subi %sign3A_127, %sign3A_130 : i32
      %sign3A_132 = arith.constant 0 : i32
      %sign3A_133 = arith.cmpi sgt, %jit3A, %sign3A_132 : i32
      %sign3A_134 = arith.extui %sign3A_133 : i1 to i32
      %sign3A_135 = arith.constant 0 : i32
      %sign3A_136 = arith.cmpi slt, %jit3A, %sign3A_135 : i32
      %sign3A_137 = arith.extui %sign3A_136 : i1 to i32
      %sign3A_138 = arith.subi %sign3A_134, %sign3A_137 : i32
      %ne3A = arith.cmpi ne, %sign3A_131, %sign3A_138 : i32
      %rem3A = arith.remsi %scan3A_124, %jit3A : i32
      %ne3A_139 = arith.constant 0 : i32
      %ne3A_140 = arith.cmpi ne, %rem3A, %ne3A_139 : i32
      %and3A = arith.andi %ne3A, %ne3A_140 : i1
      %sub3A = arith.constant 1 : i32
      %sub3A_141 = arith.subi %div3A, %sub3A : i32
      %select_n3A = arith.select %and3A, %sub3A_141, %div3A : i32
      %jit3A_142 = arith.constant 8 : i32
      %eq3A = arith.constant 0 : i32
      %eq3A_143 = arith.cmpi eq, %jit3A_142, %eq3A : i32
      %jit3A_144 = arith.constant 1 : i32
      %select_n3A_145 = arith.select %eq3A_143, %jit3A_144, %jit3A_142 : i32
      %rem3A_146 = arith.remsi %scan3A_124, %select_n3A_145 : i32
      %ne3A_147 = arith.constant 0 : i32
      %ne3A_148 = arith.cmpi ne, %rem3A_146, %ne3A_147 : i32
      %lt3A = arith.constant 0 : i32
      %lt3A_149 = arith.cmpi slt, %rem3A_146, %lt3A : i32
      %lt3A_150 = arith.constant 0 : i32
      %lt3A_151 = arith.cmpi slt, %select_n3A_145, %lt3A_150 : i32
      %ne3A_152 = arith.xori %lt3A_149, %lt3A_151 : i1
      %and3A_153 = arith.andi %ne3A_152, %ne3A_148 : i1
      %add3A_154 = arith.addi %rem3A_146, %select_n3A_145 : i32
      %select_n3A_155 = arith.select %and3A_153, %add3A_154, %rem3A_146 : i32
      %broadcast_in_dim3A = arith.constant 0.000000e+00 : f32
      %broadcast_in_dim3A_156 = vector.broadcast %broadcast_in_dim3A : f32 to vector<16xf32>
      %mul3A_157 = arith.constant 16 : i32
      %mul3A_158 = arith.muli %select_n3A_155, %mul3A_157 : i32
      %swap3A = arith.index_cast %select_n3A : i32 to index
      %swap3A_159 = arith.index_cast %mul3A_158 : i32 to index
      %swap3A_160 = tpu.vector_load %arg9[%swap3A, %swap3A_159] {strides = array<i32>} : memref<128x128xf32, #tpu.memory_space<vmem>>, vector<1x16xf32>,
      %swap3A_161 = vector.shape_cast %swap3A_160 : vector<1x16xf32> to vector<16xf32>
      %swap3A_162 = vector.shape_cast %broadcast_in_dim3A_156 : vector<16xf32> to vector<1x16xf32>
      tpu.vector_store %arg9[%swap3A, %swap3A_159], %swap3A_162 {strides = array<i32>} : memref<128x128xf32, #tpu.memory_space<vmem>>, vector<1x16xf32>,
      %scan3A_163 = arith.constant 0 : i32
      scf.yield %scan3A_163 : i32
    }
    %scan3A_17 = arith.constant 1024 : i32
    %mul3A_18 = arith.constant 640 : i32
    %mul3A_19 = arith.muli %arg1, %mul3A_18 : i32
    %add3A_20 = arith.constant 0 : i32
    %add3A_21 = arith.addi %mul3A_19, %add3A_20 : i32
    "tpu.region"() ({
      %run_scoped3A_124 = tpu.sem_alloc : memref<!tpu.dma_semaphore, #tpu.memory_space<semaphore_mem>>
      %dma_start3A_125 = arith.constant 0 : i32
      %dma_start3A_126 = tpu.memref_slice %arg11[%add3A_21, %dma_start3A_125] : memref<10240x128xf32, #tpu.memory_space<vmem_shared>> -> memref<128x128xf32, #tpu.memory_space<vmem_shared>>
      %dma_start3A_127 = arith.constant 0 : i32
      %dma_start3A_128 = tpu.memref_slice %arg11[%add3A_21, %dma_start3A_127] : memref<10240x128xf32, #tpu.memory_space<vmem_shared>> -> memref<128x128xf32, #tpu.memory_space<vmem_shared>>
      tpu.enqueue_dma source(%arg9 : memref<128x128xf32, #tpu.memory_space<vmem>>) target(%dma_start3A_128 : memref<128x128xf32, #tpu.memory_space<vmem_shared>>) target_semaphore(%run_scoped3A_124 : memref<!tpu.dma_semaphore, #tpu.memory_space<semaphore_mem>>)
      %dma_wait3A_129 = arith.constant 0 : i32
      %dma_wait3A_130 = tpu.memref_slice %arg11[%add3A_21, %dma_wait3A_129] : memref<10240x128xf32, #tpu.memory_space<vmem_shared>> -> memref<128x128xf32, #tpu.memory_space<vmem_shared>>
      %dma_wait3A_131 = arith.constant 0 : i32
      %dma_wait3A_132 = tpu.memref_slice %arg11[%add3A_21, %dma_wait3A_131] : memref<10240x128xf32, #tpu.memory_space<vmem_shared>> -> memref<128x128xf32, #tpu.memory_space<vmem_shared>>
      tpu.wait_dma2 semaphore(%run_scoped3A_124 : memref<!tpu.dma_semaphore, #tpu.memory_space<semaphore_mem>>) src(%arg9 : memref<128x128xf32, #tpu.memory_space<vmem>>) dst(%dma_wait3A_132 : memref<128x128xf32, #tpu.memory_space<vmem_shared>>)
      tpu.yield
    }) : () -> ()
    %mul3A_22 = arith.constant 640 : i32
    %mul3A_23 = arith.muli %arg1, %mul3A_22 : i32
    %add3A_24 = arith.constant 128 : i32
    %add3A_25 = arith.addi %mul3A_23, %add3A_24 : i32
    "tpu.region"() ({
      %run_scoped3A_124 = tpu.sem_alloc : memref<!tpu.dma_semaphore, #tpu.memory_space<semaphore_mem>>
      %dma_start3A_125 = arith.constant 0 : i32
      %dma_start3A_126 = tpu.memref_slice %arg11[%add3A_25, %dma_start3A_125] : memref<10240x128xf32, #tpu.memory_space<vmem_shared>> -> memref<128x128xf32, #tpu.memory_space<vmem_shared>>
      %dma_start3A_127 = arith.constant 0 : i32
      %dma_start3A_128 = tpu.memref_slice %arg11[%add3A_25, %dma_start3A_127] : memref<10240x128xf32, #tpu.memory_space<vmem_shared>> -> memref<128x128xf32, #tpu.memory_space<vmem_shared>>
      tpu.enqueue_dma source(%arg9 : memref<128x128xf32, #tpu.memory_space<vmem>>) target(%dma_start3A_128 : memref<128x128xf32, #tpu.memory_space<vmem_shared>>) target_semaphore(%run_scoped3A_124 : memref<!tpu.dma_semaphore, #tpu.memory_space<semaphore_mem>>)
      %dma_wait3A_129 = arith.constant 0 : i32
      %dma_wait3A_130 = tpu.memref_slice %arg11[%add3A_25, %dma_wait3A_129] : memref<10240x128xf32, #tpu.memory_space<vmem_shared>> -> memref<128x128xf32, #tpu.memory_space<vmem_shared>>
      %dma_wait3A_131 = arith.constant 0 : i32
      %dma_wait3A_132 = tpu.memref_slice %arg11[%add3A_25, %dma_wait3A_131] : memref<10240x128xf32, #tpu.memory_space<vmem_shared>> -> memref<128x128xf32, #tpu.memory_space<vmem_shared>>
      tpu.wait_dma2 semaphore(%run_scoped3A_124 : memref<!tpu.dma_semaphore, #tpu.memory_space<semaphore_mem>>) src(%arg9 : memref<128x128xf32, #tpu.memory_space<vmem>>) dst(%dma_wait3A_132 : memref<128x128xf32, #tpu.memory_space<vmem_shared>>)
      tpu.yield
    }) : () -> ()
    %mul3A_26 = arith.constant 640 : i32
    %mul3A_27 = arith.muli %arg1, %mul3A_26 : i32
    %add3A_28 = arith.constant 256 : i32
    %add3A_29 = arith.addi %mul3A_27, %add3A_28 : i32
    "tpu.region"() ({
      %run_scoped3A_124 = tpu.sem_alloc : memref<!tpu.dma_semaphore, #tpu.memory_space<semaphore_mem>>
      %dma_start3A_125 = arith.constant 0 : i32
      %dma_start3A_126 = tpu.memref_slice %arg11[%add3A_29, %dma_start3A_125] : memref<10240x128xf32, #tpu.memory_space<vmem_shared>> -> memref<128x128xf32, #tpu.memory_space<vmem_shared>>
      %dma_start3A_127 = arith.constant 0 : i32
      %dma_start3A_128 = tpu.memref_slice %arg11[%add3A_29, %dma_start3A_127] : memref<10240x128xf32, #tpu.memory_space<vmem_shared>> -> memref<128x128xf32, #tpu.memory_space<vmem_shared>>
      tpu.enqueue_dma source(%arg9 : memref<128x128xf32, #tpu.memory_space<vmem>>) target(%dma_start3A_128 : memref<128x128xf32, #tpu.memory_space<vmem_shared>>) target_semaphore(%run_scoped3A_124 : memref<!tpu.dma_semaphore, #tpu.memory_space<semaphore_mem>>)
      %dma_wait3A_129 = arith.constant 0 : i32
      %dma_wait3A_130 = tpu.memref_slice %arg11[%add3A_29, %dma_wait3A_129] : memref<10240x128xf32, #tpu.memory_space<vmem_shared>> -> memref<128x128xf32, #tpu.memory_space<vmem_shared>>
      %dma_wait3A_131 = arith.constant 0 : i32
      %dma_wait3A_132 = tpu.memref_slice %arg11[%add3A_29, %dma_wait3A_131] : memref<10240x128xf32, #tpu.memory_space<vmem_shared>> -> memref<128x128xf32, #tpu.memory_space<vmem_shared>>
      tpu.wait_dma2 semaphore(%run_scoped3A_124 : memref<!tpu.dma_semaphore, #tpu.memory_space<semaphore_mem>>) src(%arg9 : memref<128x128xf32, #tpu.memory_space<vmem>>) dst(%dma_wait3A_132 : memref<128x128xf32, #tpu.memory_space<vmem_shared>>)
      tpu.yield
    }) : () -> ()
    %mul3A_30 = arith.constant 640 : i32
    %mul3A_31 = arith.muli %arg1, %mul3A_30 : i32
    %add3A_32 = arith.constant 384 : i32
    %add3A_33 = arith.addi %mul3A_31, %add3A_32 : i32
    "tpu.region"() ({
      %run_scoped3A_124 = tpu.sem_alloc : memref<!tpu.dma_semaphore, #tpu.memory_space<semaphore_mem>>
      %dma_start3A_125 = arith.constant 0 : i32
      %dma_start3A_126 = tpu.memref_slice %arg11[%add3A_33, %dma_start3A_125] : memref<10240x128xf32, #tpu.memory_space<vmem_shared>> -> memref<128x128xf32, #tpu.memory_space<vmem_shared>>
      %dma_start3A_127 = arith.constant 0 : i32
      %dma_start3A_128 = tpu.memref_slice %arg11[%add3A_33, %dma_start3A_127] : memref<10240x128xf32, #tpu.memory_space<vmem_shared>> -> memref<128x128xf32, #tpu.memory_space<vmem_shared>>
      tpu.enqueue_dma source(%arg9 : memref<128x128xf32, #tpu.memory_space<vmem>>) target(%dma_start3A_128 : memref<128x128xf32, #tpu.memory_space<vmem_shared>>) target_semaphore(%run_scoped3A_124 : memref<!tpu.dma_semaphore, #tpu.memory_space<semaphore_mem>>)
      %dma_wait3A_129 = arith.constant 0 : i32
      %dma_wait3A_130 = tpu.memref_slice %arg11[%add3A_33, %dma_wait3A_129] : memref<10240x128xf32, #tpu.memory_space<vmem_shared>> -> memref<128x128xf32, #tpu.memory_space<vmem_shared>>
      %dma_wait3A_131 = arith.constant 0 : i32
      %dma_wait3A_132 = tpu.memref_slice %arg11[%add3A_33, %dma_wait3A_131] : memref<10240x128xf32, #tpu.memory_space<vmem_shared>> -> memref<128x128xf32, #tpu.memory_space<vmem_shared>>
      tpu.wait_dma2 semaphore(%run_scoped3A_124 : memref<!tpu.dma_semaphore, #tpu.memory_space<semaphore_mem>>) src(%arg9 : memref<128x128xf32, #tpu.memory_space<vmem>>) dst(%dma_wait3A_132 : memref<128x128xf32, #tpu.memory_space<vmem_shared>>)
      tpu.yield
    }) : () -> ()
    %mul3A_34 = arith.constant 640 : i32
    %mul3A_35 = arith.muli %arg1, %mul3A_34 : i32
    %add3A_36 = arith.constant 512 : i32
    %add3A_37 = arith.addi %mul3A_35, %add3A_36 : i32
    "tpu.region"() ({
      %run_scoped3A_124 = tpu.sem_alloc : memref<!tpu.dma_semaphore, #tpu.memory_space<semaphore_mem>>
      %dma_start3A_125 = arith.constant 0 : i32
      %dma_start3A_126 = tpu.memref_slice %arg11[%add3A_37, %dma_start3A_125] : memref<10240x128xf32, #tpu.memory_space<vmem_shared>> -> memref<128x128xf32, #tpu.memory_space<vmem_shared>>
      %dma_start3A_127 = arith.constant 0 : i32
      %dma_start3A_128 = tpu.memref_slice %arg11[%add3A_37, %dma_start3A_127] : memref<10240x128xf32, #tpu.memory_space<vmem_shared>> -> memref<128x128xf32, #tpu.memory_space<vmem_shared>>
      tpu.enqueue_dma source(%arg9 : memref<128x128xf32, #tpu.memory_space<vmem>>) target(%dma_start3A_128 : memref<128x128xf32, #tpu.memory_space<vmem_shared>>) target_semaphore(%run_scoped3A_124 : memref<!tpu.dma_semaphore, #tpu.memory_space<semaphore_mem>>)
      %dma_wait3A_129 = arith.constant 0 : i32
      %dma_wait3A_130 = tpu.memref_slice %arg11[%add3A_37, %dma_wait3A_129] : memref<10240x128xf32, #tpu.memory_space<vmem_shared>> -> memref<128x128xf32, #tpu.memory_space<vmem_shared>>
      %dma_wait3A_131 = arith.constant 0 : i32
      %dma_wait3A_132 = tpu.memref_slice %arg11[%add3A_37, %dma_wait3A_131] : memref<10240x128xf32, #tpu.memory_space<vmem_shared>> -> memref<128x128xf32, #tpu.memory_space<vmem_shared>>
      tpu.wait_dma2 semaphore(%run_scoped3A_124 : memref<!tpu.dma_semaphore, #tpu.memory_space<semaphore_mem>>) src(%arg9 : memref<128x128xf32, #tpu.memory_space<vmem>>) dst(%dma_wait3A_132 : memref<128x128xf32, #tpu.memory_space<vmem_shared>>)
      tpu.yield
    }) : () -> ()
    %barrier3A = arith.constant 0 : index
    tpu.barrier barrier_id(%barrier3A)
    %dma_wait3A = arith.constant 0 : i32
    %dma_wait3A_38 = tpu.memref_slice %arg4[%mul3A_2, %dma_wait3A] : memref<2560x128xi32, #tpu.memory_space<hbm>> -> memref<80x128xi32, #tpu.memory_space<hbm>>
    %dma_wait3A_39 = arith.constant 0 : i32
    %dma_wait3A_40 = tpu.memref_slice %arg4[%mul3A_2, %dma_wait3A_39] : memref<2560x128xi32, #tpu.memory_space<hbm>> -> memref<80x128xi32, #tpu.memory_space<hbm>>
    tpu.wait_dma2 semaphore(%arg12 : memref<!tpu.dma_semaphore, #tpu.memory_space<semaphore_mem>>) src(%dma_wait3A_40 : memref<80x128xi32, #tpu.memory_space<hbm>>) dst(%arg8 : memref<80x128xi32, #tpu.memory_space<vmem>>)
    %add3A_41 = arith.constant 0 : i32
    %add3A_42 = arith.addi %mul3A_4, %add3A_41 : i32
    %dma_wait3A_43 = tpu.memref_slice %arg3[%add3A_42] : memref<327680xi32, #tpu.memory_space<hbm>> -> memref<128xi32, #tpu.memory_space<hbm>>
    %dma_wait3A_44 = tpu.memref_slice %arg3[%add3A_42] : memref<327680xi32, #tpu.memory_space<hbm>> -> memref<128xi32, #tpu.memory_space<hbm>>
    tpu.wait_dma2 semaphore(%arg13 : memref<!tpu.dma_semaphore, #tpu.memory_space<semaphore_mem>>) src(%dma_wait3A_44 : memref<128xi32, #tpu.memory_space<hbm>>) dst(%arg6 : memref<128xi32, #tpu.memory_space<vmem>>)
    %dma_start3A_45 = arith.constant 0 : i32
    %dma_start3A_46 = arith.constant 0 : i32
    %dma_start3A_47 = tpu.memref_slice %arg2[%dma_start3A_45, %dma_start3A_46] : memref<10000x128xf32, #tpu.memory_space<hbm>> -> memref<10000x128xf32, #tpu.memory_space<hbm>>
    tpu.enqueue_indirect_dma source(%dma_start3A_47 : memref<10000x128xf32, #tpu.memory_space<hbm>>) target(%arg9 : memref<128x128xf32, #tpu.memory_space<vmem>>) offsets(%arg6 : memref<128xi32, #tpu.memory_space<vmem>>) semaphore(%arg15 : memref<!tpu.dma_semaphore, #tpu.memory_space<semaphore_mem>>)
    %add3A_48 = arith.constant 128 : i32
    %add3A_49 = arith.addi %mul3A_4, %add3A_48 : i32
    %dma_start3A_50 = tpu.memref_slice %arg3[%add3A_49] : memref<327680xi32, #tpu.memory_space<hbm>> -> memref<128xi32, #tpu.memory_space<hbm>>
    %dma_start3A_51 = tpu.memref_slice %arg3[%add3A_49] : memref<327680xi32, #tpu.memory_space<hbm>> -> memref<128xi32, #tpu.memory_space<hbm>>
    tpu.enqueue_dma source(%dma_start3A_51 : memref<128xi32, #tpu.memory_space<hbm>>) target(%arg7 : memref<128xi32, #tpu.memory_space<vmem>>) target_semaphore(%arg14 : memref<!tpu.dma_semaphore, #tpu.memory_space<semaphore_mem>>)
    %dma_wait3A_52 = arith.constant 0 : i32
    %dma_wait3A_53 = arith.constant 0 : i32
    %dma_wait3A_54 = tpu.memref_slice %arg2[%dma_wait3A_52, %dma_wait3A_53] : memref<10000x128xf32, #tpu.memory_space<hbm>> -> memref<10000x128xf32, #tpu.memory_space<hbm>>
    tpu.wait_indirect_dma semaphore(%arg15 : memref<!tpu.dma_semaphore, #tpu.memory_space<semaphore_mem>>) src(%dma_wait3A_54 : memref<10000x128xf32, #tpu.memory_space<hbm>>) dst(%arg9 : memref<128x128xf32, #tpu.memory_space<vmem>>)
    %add3A_55 = arith.constant 128 : i32
    %add3A_56 = arith.addi %mul3A_4, %add3A_55 : i32
    %dma_wait3A_57 = tpu.memref_slice %arg3[%add3A_56] : memref<327680xi32, #tpu.memory_space<hbm>> -> memref<128xi32, #tpu.memory_space<hbm>>
    %dma_wait3A_58 = tpu.memref_slice %arg3[%add3A_56] : memref<327680xi32, #tpu.memory_space<hbm>> -> memref<128xi32, #tpu.memory_space<hbm>>
    tpu.wait_dma2 semaphore(%arg14 : memref<!tpu.dma_semaphore, #tpu.memory_space<semaphore_mem>>) src(%dma_wait3A_58 : memref<128xi32, #tpu.memory_space<hbm>>) dst(%arg7 : memref<128xi32, #tpu.memory_space<vmem>>)
    %dma_start3A_59 = arith.constant 0 : i32
    %dma_start3A_60 = arith.constant 0 : i32
    %dma_start3A_61 = tpu.memref_slice %arg2[%dma_start3A_59, %dma_start3A_60] : memref<10000x128xf32, #tpu.memory_space<hbm>> -> memref<10000x128xf32, #tpu.memory_space<hbm>>
    tpu.enqueue_indirect_dma source(%dma_start3A_61 : memref<10000x128xf32, #tpu.memory_space<hbm>>) target(%arg10 : memref<128x128xf32, #tpu.memory_space<vmem>>) offsets(%arg7 : memref<128xi32, #tpu.memory_space<vmem>>) semaphore(%arg16 : memref<!tpu.dma_semaphore, #tpu.memory_space<semaphore_mem>>)
    %add3A_62 = arith.constant 256 : i32
    %add3A_63 = arith.addi %mul3A_4, %add3A_62 : i32
    %dma_start3A_64 = tpu.memref_slice %arg3[%add3A_63] : memref<327680xi32, #tpu.memory_space<hbm>> -> memref<128xi32, #tpu.memory_space<hbm>>
    %dma_start3A_65 = tpu.memref_slice %arg3[%add3A_63] : memref<327680xi32, #tpu.memory_space<hbm>> -> memref<128xi32, #tpu.memory_space<hbm>>
    tpu.enqueue_dma source(%dma_start3A_65 : memref<128xi32, #tpu.memory_space<hbm>>) target(%arg6 : memref<128xi32, #tpu.memory_space<vmem>>) target_semaphore(%arg13 : memref<!tpu.dma_semaphore, #tpu.memory_space<semaphore_mem>>)
    %run_scoped3A = arith.constant 0 : i32
    "tpu.region"() ({
      %run_scoped3A_124 = tpu.sem_alloc : memref<!tpu.dma_semaphore, #tpu.memory_space<semaphore_mem>>
      %dma_start3A_125 = arith.constant 0 : i32
      %dma_start3A_126 = tpu.memref_slice %arg8[%run_scoped3A, %dma_start3A_125] : memref<80x128xi32, #tpu.memory_space<vmem>> -> memref<1x128xi32, #tpu.memory_space<vmem>>
      %dma_start3A_127 = tpu.memref_squeeze %dma_start3A_126 : memref<1x128xi32, #tpu.memory_space<vmem>> -> memref<128xi32, #tpu.memory_space<vmem>>
      %dma_start3A_128 = arith.constant 0 : i32
      %dma_start3A_129 = arith.constant 0 : i32
      %dma_start3A_130 = tpu.memref_slice %arg11[%dma_start3A_128, %dma_start3A_129] : memref<10240x128xf32, #tpu.memory_space<vmem_shared>> -> memref<10240x128xf32, #tpu.memory_space<vmem_shared>>
      tpu.enqueue_indirect_dma source(%arg9 : memref<128x128xf32, #tpu.memory_space<vmem>>) target(%dma_start3A_130 : memref<10240x128xf32, #tpu.memory_space<vmem_shared>>) offsets(%dma_start3A_127 : memref<128xi32, #tpu.memory_space<vmem>>) semaphore(%run_scoped3A_124 : memref<!tpu.dma_semaphore, #tpu.memory_space<semaphore_mem>>) {add = true}
      %dma_wait3A_131 = arith.constant 0 : i32
      %dma_wait3A_132 = tpu.memref_slice %arg8[%run_scoped3A, %dma_wait3A_131] : memref<80x128xi32, #tpu.memory_space<vmem>> -> memref<1x128xi32, #tpu.memory_space<vmem>>
      %dma_wait3A_133 = tpu.memref_squeeze %dma_wait3A_132 : memref<1x128xi32, #tpu.memory_space<vmem>> -> memref<128xi32, #tpu.memory_space<vmem>>
      %dma_wait3A_134 = arith.constant 0 : i32
      %dma_wait3A_135 = arith.constant 0 : i32
      %dma_wait3A_136 = tpu.memref_slice %arg11[%dma_wait3A_134, %dma_wait3A_135] : memref<10240x128xf32, #tpu.memory_space<vmem_shared>> -> memref<10240x128xf32, #tpu.memory_space<vmem_shared>>
      tpu.wait_indirect_dma semaphore(%run_scoped3A_124 : memref<!tpu.dma_semaphore, #tpu.memory_space<semaphore_mem>>) src(%arg9 : memref<128x128xf32, #tpu.memory_space<vmem>>) dst(%dma_wait3A_136 : memref<10240x128xf32, #tpu.memory_space<vmem_shared>>)
      tpu.yield
    }) : () -> ()
    %scan3A_66 = arith.constant 0 : i32
    %scan3A_67 = arith.constant 0 : i32
    %scan3A_68 = arith.constant 38 : i32
    %scan3A_69 = arith.addi %scan3A_67, %scan3A_68 : i32
    %scan3A_70 = arith.constant 1 : i32
    %scan3A_71 = scf.for %scan3A_124 = %scan3A_67 to %scan3A_69 step %scan3A_70 iter_args(%scan3A_125 = %scan3A_66) -> (i32)  : i32 {
      %mul3A_126 = arith.constant 2 : i32
      %mul3A_127 = arith.muli %mul3A_126, %scan3A_124 : i32
      %add3A_128 = arith.constant 1 : i32
      %add3A_129 = arith.addi %mul3A_127, %add3A_128 : i32
      %dma_wait3A_130 = arith.constant 0 : i32
      %dma_wait3A_131 = arith.constant 0 : i32
      %dma_wait3A_132 = tpu.memref_slice %arg2[%dma_wait3A_130, %dma_wait3A_131] : memref<10000x128xf32, #tpu.memory_space<hbm>> -> memref<10000x128xf32, #tpu.memory_space<hbm>>
      tpu.wait_indirect_dma semaphore(%arg16 : memref<!tpu.dma_semaphore, #tpu.memory_space<semaphore_mem>>) src(%dma_wait3A_132 : memref<10000x128xf32, #tpu.memory_space<hbm>>) dst(%arg10 : memref<128x128xf32, #tpu.memory_space<vmem>>)
      %add3A_133 = arith.constant 1 : i32
      %add3A_134 = arith.addi %add3A_129, %add3A_133 : i32
      %mul3A_135 = arith.constant 128 : i32
      %mul3A_136 = arith.muli %add3A_134, %mul3A_135 : i32
      %add3A_137 = arith.addi %mul3A_4, %mul3A_136 : i32
      %dma_wait3A_138 = tpu.memref_slice %arg3[%add3A_137] : memref<327680xi32, #tpu.memory_space<hbm>> -> memref<128xi32, #tpu.memory_space<hbm>>
      %dma_wait3A_139 = tpu.memref_slice %arg3[%add3A_137] : memref<327680xi32, #tpu.memory_space<hbm>> -> memref<128xi32, #tpu.memory_space<hbm>>
      tpu.wait_dma2 semaphore(%arg13 : memref<!tpu.dma_semaphore, #tpu.memory_space<semaphore_mem>>) src(%dma_wait3A_139 : memref<128xi32, #tpu.memory_space<hbm>>) dst(%arg6 : memref<128xi32, #tpu.memory_space<vmem>>)
      %add3A_140 = arith.constant 1 : i32
      %add3A_141 = arith.addi %add3A_129, %add3A_140 : i32
      %dma_start3A_142 = arith.constant 0 : i32
      %dma_start3A_143 = arith.constant 0 : i32
      %dma_start3A_144 = tpu.memref_slice %arg2[%dma_start3A_142, %dma_start3A_143] : memref<10000x128xf32, #tpu.memory_space<hbm>> -> memref<10000x128xf32, #tpu.memory_space<hbm>>
      tpu.enqueue_indirect_dma source(%dma_start3A_144 : memref<10000x128xf32, #tpu.memory_space<hbm>>) target(%arg9 : memref<128x128xf32, #tpu.memory_space<vmem>>) offsets(%arg6 : memref<128xi32, #tpu.memory_space<vmem>>) semaphore(%arg15 : memref<!tpu.dma_semaphore, #tpu.memory_space<semaphore_mem>>)
      %add3A_145 = arith.constant 2 : i32
      %add3A_146 = arith.addi %add3A_129, %add3A_145 : i32
      %mul3A_147 = arith.constant 128 : i32
      %mul3A_148 = arith.muli %add3A_146, %mul3A_147 : i32
      %add3A_149 = arith.addi %mul3A_4, %mul3A_148 : i32
      %dma_start3A_150 = tpu.memref_slice %arg3[%add3A_149] : memref<327680xi32, #tpu.memory_space<hbm>> -> memref<128xi32, #tpu.memory_space<hbm>>
      %dma_start3A_151 = tpu.memref_slice %arg3[%add3A_149] : memref<327680xi32, #tpu.memory_space<hbm>> -> memref<128xi32, #tpu.memory_space<hbm>>
      tpu.enqueue_dma source(%dma_start3A_151 : memref<128xi32, #tpu.memory_space<hbm>>) target(%arg7 : memref<128xi32, #tpu.memory_space<vmem>>) target_semaphore(%arg14 : memref<!tpu.dma_semaphore, #tpu.memory_space<semaphore_mem>>)
      "tpu.region"() ({
        %run_scoped3A_179 = tpu.sem_alloc : memref<!tpu.dma_semaphore, #tpu.memory_space<semaphore_mem>>
        %dma_start3A_180 = arith.constant 0 : i32
        %dma_start3A_181 = tpu.memref_slice %arg8[%add3A_129, %dma_start3A_180] : memref<80x128xi32, #tpu.memory_space<vmem>> -> memref<1x128xi32, #tpu.memory_space<vmem>>
        %dma_start3A_182 = tpu.memref_squeeze %dma_start3A_181 : memref<1x128xi32, #tpu.memory_space<vmem>> -> memref<128xi32, #tpu.memory_space<vmem>>
        %dma_start3A_183 = arith.constant 0 : i32
        %dma_start3A_184 = arith.constant 0 : i32
        %dma_start3A_185 = tpu.memref_slice %arg11[%dma_start3A_183, %dma_start3A_184] : memref<10240x128xf32, #tpu.memory_space<vmem_shared>> -> memref<10240x128xf32, #tpu.memory_space<vmem_shared>>
        tpu.enqueue_indirect_dma source(%arg10 : memref<128x128xf32, #tpu.memory_space<vmem>>) target(%dma_start3A_185 : memref<10240x128xf32, #tpu.memory_space<vmem_shared>>) offsets(%dma_start3A_182 : memref<128xi32, #tpu.memory_space<vmem>>) semaphore(%run_scoped3A_179 : memref<!tpu.dma_semaphore, #tpu.memory_space<semaphore_mem>>) {add = true}
        %dma_wait3A_186 = arith.constant 0 : i32
        %dma_wait3A_187 = tpu.memref_slice %arg8[%add3A_129, %dma_wait3A_186] : memref<80x128xi32, #tpu.memory_space<vmem>> -> memref<1x128xi32, #tpu.memory_space<vmem>>
        %dma_wait3A_188 = tpu.memref_squeeze %dma_wait3A_187 : memref<1x128xi32, #tpu.memory_space<vmem>> -> memref<128xi32, #tpu.memory_space<vmem>>
        %dma_wait3A_189 = arith.constant 0 : i32
        %dma_wait3A_190 = arith.constant 0 : i32
        %dma_wait3A_191 = tpu.memref_slice %arg11[%dma_wait3A_189, %dma_wait3A_190] : memref<10240x128xf32, #tpu.memory_space<vmem_shared>> -> memref<10240x128xf32, #tpu.memory_space<vmem_shared>>
        tpu.wait_indirect_dma semaphore(%run_scoped3A_179 : memref<!tpu.dma_semaphore, #tpu.memory_space<semaphore_mem>>) src(%arg10 : memref<128x128xf32, #tpu.memory_space<vmem>>) dst(%dma_wait3A_191 : memref<10240x128xf32, #tpu.memory_space<vmem_shared>>)
        tpu.yield
      }) : () -> ()
      %mul3A_152 = arith.constant 2 : i32
      %mul3A_153 = arith.muli %mul3A_152, %scan3A_124 : i32
      %add3A_154 = arith.constant 2 : i32
      %add3A_155 = arith.addi %mul3A_153, %add3A_154 : i32
      %dma_wait3A_156 = arith.constant 0 : i32
      %dma_wait3A_157 = arith.constant 0 : i32
      %dma_wait3A_158 = tpu.memref_slice %arg2[%dma_wait3A_156, %dma_wait3A_157] : memref<10000x128xf32, #tpu.memory_space<hbm>> -> memref<10000x128xf32, #tpu.memory_space<hbm>>
      tpu.wait_indirect_dma semaphore(%arg15 : memref<!tpu.dma_semaphore, #tpu.memory_space<semaphore_mem>>) src(%dma_wait3A_158 : memref<10000x128xf32, #tpu.memory_space<hbm>>) dst(%arg9 : memref<128x128xf32, #tpu.memory_space<vmem>>)
      %add3A_159 = arith.constant 1 : i32
      %add3A_160 = arith.addi %add3A_155, %add3A_159 : i32
      %mul3A_161 = arith.constant 128 : i32
      %mul3A_162 = arith.muli %add3A_160, %mul3A_161 : i32
      %add3A_163 = arith.addi %mul3A_4, %mul3A_162 : i32
      %dma_wait3A_164 = tpu.memref_slice %arg3[%add3A_163] : memref<327680xi32, #tpu.memory_space<hbm>> -> memref<128xi32, #tpu.memory_space<hbm>>
      %dma_wait3A_165 = tpu.memref_slice %arg3[%add3A_163] : memref<327680xi32, #tpu.memory_space<hbm>> -> memref<128xi32, #tpu.memory_space<hbm>>
      tpu.wait_dma2 semaphore(%arg14 : memref<!tpu.dma_semaphore, #tpu.memory_space<semaphore_mem>>) src(%dma_wait3A_165 : memref<128xi32, #tpu.memory_space<hbm>>) dst(%arg7 : memref<128xi32, #tpu.memory_space<vmem>>)
      %add3A_166 = arith.constant 1 : i32
      %add3A_167 = arith.addi %add3A_155, %add3A_166 : i32
      %dma_start3A_168 = arith.constant 0 : i32
      %dma_start3A_169 = arith.constant 0 : i32
      %dma_start3A_170 = tpu.memref_slice %arg2[%dma_start3A_168, %dma_start3A_169] : memref<10000x128xf32, #tpu.memory_space<hbm>> -> memref<10000x128xf32, #tpu.memory_space<hbm>>
      tpu.enqueue_indirect_dma source(%dma_start3A_170 : memref<10000x128xf32, #tpu.memory_space<hbm>>) target(%arg10 : memref<128x128xf32, #tpu.memory_space<vmem>>) offsets(%arg7 : memref<128xi32, #tpu.memory_space<vmem>>) semaphore(%arg16 : memref<!tpu.dma_semaphore, #tpu.memory_space<semaphore_mem>>)
      %add3A_171 = arith.constant 2 : i32
      %add3A_172 = arith.addi %add3A_155, %add3A_171 : i32
      %mul3A_173 = arith.constant 128 : i32
      %mul3A_174 = arith.muli %add3A_172, %mul3A_173 : i32
      %add3A_175 = arith.addi %mul3A_4, %mul3A_174 : i32
      %dma_start3A_176 = tpu.memref_slice %arg3[%add3A_175] : memref<327680xi32, #tpu.memory_space<hbm>> -> memref<128xi32, #tpu.memory_space<hbm>>
      %dma_start3A_177 = tpu.memref_slice %arg3[%add3A_175] : memref<327680xi32, #tpu.memory_space<hbm>> -> memref<128xi32, #tpu.memory_space<hbm>>
      tpu.enqueue_dma source(%dma_start3A_177 : memref<128xi32, #tpu.memory_space<hbm>>) target(%arg6 : memref<128xi32, #tpu.memory_space<vmem>>) target_semaphore(%arg13 : memref<!tpu.dma_semaphore, #tpu.memory_space<semaphore_mem>>)
      "tpu.region"() ({
        %run_scoped3A_179 = tpu.sem_alloc : memref<!tpu.dma_semaphore, #tpu.memory_space<semaphore_mem>>
        %dma_start3A_180 = arith.constant 0 : i32
        %dma_start3A_181 = tpu.memref_slice %arg8[%add3A_155, %dma_start3A_180] : memref<80x128xi32, #tpu.memory_space<vmem>> -> memref<1x128xi32, #tpu.memory_space<vmem>>
        %dma_start3A_182 = tpu.memref_squeeze %dma_start3A_181 : memref<1x128xi32, #tpu.memory_space<vmem>> -> memref<128xi32, #tpu.memory_space<vmem>>
        %dma_start3A_183 = arith.constant 0 : i32
        %dma_start3A_184 = arith.constant 0 : i32
        %dma_start3A_185 = tpu.memref_slice %arg11[%dma_start3A_183, %dma_start3A_184] : memref<10240x128xf32, #tpu.memory_space<vmem_shared>> -> memref<10240x128xf32, #tpu.memory_space<vmem_shared>>
        tpu.enqueue_indirect_dma source(%arg9 : memref<128x128xf32, #tpu.memory_space<vmem>>) target(%dma_start3A_185 : memref<10240x128xf32, #tpu.memory_space<vmem_shared>>) offsets(%dma_start3A_182 : memref<128xi32, #tpu.memory_space<vmem>>) semaphore(%run_scoped3A_179 : memref<!tpu.dma_semaphore, #tpu.memory_space<semaphore_mem>>) {add = true}
        %dma_wait3A_186 = arith.constant 0 : i32
        %dma_wait3A_187 = tpu.memref_slice %arg8[%add3A_155, %dma_wait3A_186] : memref<80x128xi32, #tpu.memory_space<vmem>> -> memref<1x128xi32, #tpu.memory_space<vmem>>
        %dma_wait3A_188 = tpu.memref_squeeze %dma_wait3A_187 : memref<1x128xi32, #tpu.memory_space<vmem>> -> memref<128xi32, #tpu.memory_space<vmem>>
        %dma_wait3A_189 = arith.constant 0 : i32
        %dma_wait3A_190 = arith.constant 0 : i32
        %dma_wait3A_191 = tpu.memref_slice %arg11[%dma_wait3A_189, %dma_wait3A_190] : memref<10240x128xf32, #tpu.memory_space<vmem_shared>> -> memref<10240x128xf32, #tpu.memory_space<vmem_shared>>
        tpu.wait_indirect_dma semaphore(%run_scoped3A_179 : memref<!tpu.dma_semaphore, #tpu.memory_space<semaphore_mem>>) src(%arg9 : memref<128x128xf32, #tpu.memory_space<vmem>>) dst(%dma_wait3A_191 : memref<10240x128xf32, #tpu.memory_space<vmem_shared>>)
        tpu.yield
      }) : () -> ()
      %scan3A_178 = arith.constant 0 : i32
      scf.yield %scan3A_178 : i32
    }
    %scan3A_72 = arith.constant 38 : i32
    %dma_wait3A_73 = arith.constant 0 : i32
    %dma_wait3A_74 = arith.constant 0 : i32
    %dma_wait3A_75 = tpu.memref_slice %arg2[%dma_wait3A_73, %dma_wait3A_74] : memref<10000x128xf32, #tpu.memory_space<hbm>> -> memref<10000x128xf32, #tpu.memory_space<hbm>>
    tpu.wait_indirect_dma semaphore(%arg16 : memref<!tpu.dma_semaphore, #tpu.memory_space<semaphore_mem>>) src(%dma_wait3A_75 : memref<10000x128xf32, #tpu.memory_space<hbm>>) dst(%arg10 : memref<128x128xf32, #tpu.memory_space<vmem>>)
    %add3A_76 = arith.constant 9984 : i32
    %add3A_77 = arith.addi %mul3A_4, %add3A_76 : i32
    %dma_wait3A_78 = tpu.memref_slice %arg3[%add3A_77] : memref<327680xi32, #tpu.memory_space<hbm>> -> memref<128xi32, #tpu.memory_space<hbm>>
    %dma_wait3A_79 = tpu.memref_slice %arg3[%add3A_77] : memref<327680xi32, #tpu.memory_space<hbm>> -> memref<128xi32, #tpu.memory_space<hbm>>
    tpu.wait_dma2 semaphore(%arg13 : memref<!tpu.dma_semaphore, #tpu.memory_space<semaphore_mem>>) src(%dma_wait3A_79 : memref<128xi32, #tpu.memory_space<hbm>>) dst(%arg6 : memref<128xi32, #tpu.memory_space<vmem>>)
    %dma_start3A_80 = arith.constant 0 : i32
    %dma_start3A_81 = arith.constant 0 : i32
    %dma_start3A_82 = tpu.memref_slice %arg2[%dma_start3A_80, %dma_start3A_81] : memref<10000x128xf32, #tpu.memory_space<hbm>> -> memref<10000x128xf32, #tpu.memory_space<hbm>>
    tpu.enqueue_indirect_dma source(%dma_start3A_82 : memref<10000x128xf32, #tpu.memory_space<hbm>>) target(%arg9 : memref<128x128xf32, #tpu.memory_space<vmem>>) offsets(%arg6 : memref<128xi32, #tpu.memory_space<vmem>>) semaphore(%arg15 : memref<!tpu.dma_semaphore, #tpu.memory_space<semaphore_mem>>)
    %add3A_83 = arith.constant 10112 : i32
    %add3A_84 = arith.addi %mul3A_4, %add3A_83 : i32
    %dma_start3A_85 = tpu.memref_slice %arg3[%add3A_84] : memref<327680xi32, #tpu.memory_space<hbm>> -> memref<128xi32, #tpu.memory_space<hbm>>
    %dma_start3A_86 = tpu.memref_slice %arg3[%add3A_84] : memref<327680xi32, #tpu.memory_space<hbm>> -> memref<128xi32, #tpu.memory_space<hbm>>
    tpu.enqueue_dma source(%dma_start3A_86 : memref<128xi32, #tpu.memory_space<hbm>>) target(%arg7 : memref<128xi32, #tpu.memory_space<vmem>>) target_semaphore(%arg14 : memref<!tpu.dma_semaphore, #tpu.memory_space<semaphore_mem>>)
    %run_scoped3A_87 = arith.constant 77 : i32
    "tpu.region"() ({
      %run_scoped3A_124 = tpu.sem_alloc : memref<!tpu.dma_semaphore, #tpu.memory_space<semaphore_mem>>
      %dma_start3A_125 = arith.constant 0 : i32
      %dma_start3A_126 = tpu.memref_slice %arg8[%run_scoped3A_87, %dma_start3A_125] : memref<80x128xi32, #tpu.memory_space<vmem>> -> memref<1x128xi32, #tpu.memory_space<vmem>>
      %dma_start3A_127 = tpu.memref_squeeze %dma_start3A_126 : memref<1x128xi32, #tpu.memory_space<vmem>> -> memref<128xi32, #tpu.memory_space<vmem>>
      %dma_start3A_128 = arith.constant 0 : i32
      %dma_start3A_129 = arith.constant 0 : i32
      %dma_start3A_130 = tpu.memref_slice %arg11[%dma_start3A_128, %dma_start3A_129] : memref<10240x128xf32, #tpu.memory_space<vmem_shared>> -> memref<10240x128xf32, #tpu.memory_space<vmem_shared>>
      tpu.enqueue_indirect_dma source(%arg10 : memref<128x128xf32, #tpu.memory_space<vmem>>) target(%dma_start3A_130 : memref<10240x128xf32, #tpu.memory_space<vmem_shared>>) offsets(%dma_start3A_127 : memref<128xi32, #tpu.memory_space<vmem>>) semaphore(%run_scoped3A_124 : memref<!tpu.dma_semaphore, #tpu.memory_space<semaphore_mem>>) {add = true}
      %dma_wait3A_131 = arith.constant 0 : i32
      %dma_wait3A_132 = tpu.memref_slice %arg8[%run_scoped3A_87, %dma_wait3A_131] : memref<80x128xi32, #tpu.memory_space<vmem>> -> memref<1x128xi32, #tpu.memory_space<vmem>>
      %dma_wait3A_133 = tpu.memref_squeeze %dma_wait3A_132 : memref<1x128xi32, #tpu.memory_space<vmem>> -> memref<128xi32, #tpu.memory_space<vmem>>
      %dma_wait3A_134 = arith.constant 0 : i32
      %dma_wait3A_135 = arith.constant 0 : i32
      %dma_wait3A_136 = tpu.memref_slice %arg11[%dma_wait3A_134, %dma_wait3A_135] : memref<10240x128xf32, #tpu.memory_space<vmem_shared>> -> memref<10240x128xf32, #tpu.memory_space<vmem_shared>>
      tpu.wait_indirect_dma semaphore(%run_scoped3A_124 : memref<!tpu.dma_semaphore, #tpu.memory_space<semaphore_mem>>) src(%arg10 : memref<128x128xf32, #tpu.memory_space<vmem>>) dst(%dma_wait3A_136 : memref<10240x128xf32, #tpu.memory_space<vmem_shared>>)
      tpu.yield
    }) : () -> ()
    %dma_wait3A_88 = arith.constant 0 : i32
    %dma_wait3A_89 = arith.constant 0 : i32
    %dma_wait3A_90 = tpu.memref_slice %arg2[%dma_wait3A_88, %dma_wait3A_89] : memref<10000x128xf32, #tpu.memory_space<hbm>> -> memref<10000x128xf32, #tpu.memory_space<hbm>>
    tpu.wait_indirect_dma semaphore(%arg15 : memref<!tpu.dma_semaphore, #tpu.memory_space<semaphore_mem>>) src(%dma_wait3A_90 : memref<10000x128xf32, #tpu.memory_space<hbm>>) dst(%arg9 : memref<128x128xf32, #tpu.memory_space<vmem>>)
    %add3A_91 = arith.constant 10112 : i32
    %add3A_92 = arith.addi %mul3A_4, %add3A_91 : i32
    %dma_wait3A_93 = tpu.memref_slice %arg3[%add3A_92] : memref<327680xi32, #tpu.memory_space<hbm>> -> memref<128xi32, #tpu.memory_space<hbm>>
    %dma_wait3A_94 = tpu.memref_slice %arg3[%add3A_92] : memref<327680xi32, #tpu.memory_space<hbm>> -> memref<128xi32, #tpu.memory_space<hbm>>
    tpu.wait_dma2 semaphore(%arg14 : memref<!tpu.dma_semaphore, #tpu.memory_space<semaphore_mem>>) src(%dma_wait3A_94 : memref<128xi32, #tpu.memory_space<hbm>>) dst(%arg7 : memref<128xi32, #tpu.memory_space<vmem>>)
    %dma_start3A_95 = arith.constant 0 : i32
    %dma_start3A_96 = arith.constant 0 : i32
    %dma_start3A_97 = tpu.memref_slice %arg2[%dma_start3A_95, %dma_start3A_96] : memref<10000x128xf32, #tpu.memory_space<hbm>> -> memref<10000x128xf32, #tpu.memory_space<hbm>>
    tpu.enqueue_indirect_dma source(%dma_start3A_97 : memref<10000x128xf32, #tpu.memory_space<hbm>>) target(%arg10 : memref<128x128xf32, #tpu.memory_space<vmem>>) offsets(%arg7 : memref<128xi32, #tpu.memory_space<vmem>>) semaphore(%arg16 : memref<!tpu.dma_semaphore, #tpu.memory_space<semaphore_mem>>)
    %run_scoped3A_98 = arith.constant 78 : i32
    "tpu.region"() ({
      %run_scoped3A_124 = tpu.sem_alloc : memref<!tpu.dma_semaphore, #tpu.memory_space<semaphore_mem>>
      %dma_start3A_125 = arith.constant 0 : i32
      %dma_start3A_126 = tpu.memref_slice %arg8[%run_scoped3A_98, %dma_start3A_125] : memref<80x128xi32, #tpu.memory_space<vmem>> -> memref<1x128xi32, #tpu.memory_space<vmem>>
      %dma_start3A_127 = tpu.memref_squeeze %dma_start3A_126 : memref<1x128xi32, #tpu.memory_space<vmem>> -> memref<128xi32, #tpu.memory_space<vmem>>
      %dma_start3A_128 = arith.constant 0 : i32
      %dma_start3A_129 = arith.constant 0 : i32
      %dma_start3A_130 = tpu.memref_slice %arg11[%dma_start3A_128, %dma_start3A_129] : memref<10240x128xf32, #tpu.memory_space<vmem_shared>> -> memref<10240x128xf32, #tpu.memory_space<vmem_shared>>
      tpu.enqueue_indirect_dma source(%arg9 : memref<128x128xf32, #tpu.memory_space<vmem>>) target(%dma_start3A_130 : memref<10240x128xf32, #tpu.memory_space<vmem_shared>>) offsets(%dma_start3A_127 : memref<128xi32, #tpu.memory_space<vmem>>) semaphore(%run_scoped3A_124 : memref<!tpu.dma_semaphore, #tpu.memory_space<semaphore_mem>>) {add = true}
      %dma_wait3A_131 = arith.constant 0 : i32
      %dma_wait3A_132 = tpu.memref_slice %arg8[%run_scoped3A_98, %dma_wait3A_131] : memref<80x128xi32, #tpu.memory_space<vmem>> -> memref<1x128xi32, #tpu.memory_space<vmem>>
      %dma_wait3A_133 = tpu.memref_squeeze %dma_wait3A_132 : memref<1x128xi32, #tpu.memory_space<vmem>> -> memref<128xi32, #tpu.memory_space<vmem>>
      %dma_wait3A_134 = arith.constant 0 : i32
      %dma_wait3A_135 = arith.constant 0 : i32
      %dma_wait3A_136 = tpu.memref_slice %arg11[%dma_wait3A_134, %dma_wait3A_135] : memref<10240x128xf32, #tpu.memory_space<vmem_shared>> -> memref<10240x128xf32, #tpu.memory_space<vmem_shared>>
      tpu.wait_indirect_dma semaphore(%run_scoped3A_124 : memref<!tpu.dma_semaphore, #tpu.memory_space<semaphore_mem>>) src(%arg9 : memref<128x128xf32, #tpu.memory_space<vmem>>) dst(%dma_wait3A_136 : memref<10240x128xf32, #tpu.memory_space<vmem_shared>>)
      tpu.yield
    }) : () -> ()
    %dma_wait3A_99 = arith.constant 0 : i32
    %dma_wait3A_100 = arith.constant 0 : i32
    %dma_wait3A_101 = tpu.memref_slice %arg2[%dma_wait3A_99, %dma_wait3A_100] : memref<10000x128xf32, #tpu.memory_space<hbm>> -> memref<10000x128xf32, #tpu.memory_space<hbm>>
    tpu.wait_indirect_dma semaphore(%arg16 : memref<!tpu.dma_semaphore, #tpu.memory_space<semaphore_mem>>) src(%dma_wait3A_101 : memref<10000x128xf32, #tpu.memory_space<hbm>>) dst(%arg10 : memref<128x128xf32, #tpu.memory_space<vmem>>)
    %run_scoped3A_102 = arith.constant 79 : i32
    "tpu.region"() ({
      %run_scoped3A_124 = tpu.sem_alloc : memref<!tpu.dma_semaphore, #tpu.memory_space<semaphore_mem>>
      %dma_start3A_125 = arith.constant 0 : i32
      %dma_start3A_126 = tpu.memref_slice %arg8[%run_scoped3A_102, %dma_start3A_125] : memref<80x128xi32, #tpu.memory_space<vmem>> -> memref<1x128xi32, #tpu.memory_space<vmem>>
      %dma_start3A_127 = tpu.memref_squeeze %dma_start3A_126 : memref<1x128xi32, #tpu.memory_space<vmem>> -> memref<128xi32, #tpu.memory_space<vmem>>
      %dma_start3A_128 = arith.constant 0 : i32
      %dma_start3A_129 = arith.constant 0 : i32
      %dma_start3A_130 = tpu.memref_slice %arg11[%dma_start3A_128, %dma_start3A_129] : memref<10240x128xf32, #tpu.memory_space<vmem_shared>> -> memref<10240x128xf32, #tpu.memory_space<vmem_shared>>
      tpu.enqueue_indirect_dma source(%arg10 : memref<128x128xf32, #tpu.memory_space<vmem>>) target(%dma_start3A_130 : memref<10240x128xf32, #tpu.memory_space<vmem_shared>>) offsets(%dma_start3A_127 : memref<128xi32, #tpu.memory_space<vmem>>) semaphore(%run_scoped3A_124 : memref<!tpu.dma_semaphore, #tpu.memory_space<semaphore_mem>>) {add = true}
      %dma_wait3A_131 = arith.constant 0 : i32
      %dma_wait3A_132 = tpu.memref_slice %arg8[%run_scoped3A_102, %dma_wait3A_131] : memref<80x128xi32, #tpu.memory_space<vmem>> -> memref<1x128xi32, #tpu.memory_space<vmem>>
      %dma_wait3A_133 = tpu.memref_squeeze %dma_wait3A_132 : memref<1x128xi32, #tpu.memory_space<vmem>> -> memref<128xi32, #tpu.memory_space<vmem>>
      %dma_wait3A_134 = arith.constant 0 : i32
      %dma_wait3A_135 = arith.constant 0 : i32
      %dma_wait3A_136 = tpu.memref_slice %arg11[%dma_wait3A_134, %dma_wait3A_135] : memref<10240x128xf32, #tpu.memory_space<vmem_shared>> -> memref<10240x128xf32, #tpu.memory_space<vmem_shared>>
      tpu.wait_indirect_dma semaphore(%run_scoped3A_124 : memref<!tpu.dma_semaphore, #tpu.memory_space<semaphore_mem>>) src(%arg10 : memref<128x128xf32, #tpu.memory_space<vmem>>) dst(%dma_wait3A_136 : memref<10240x128xf32, #tpu.memory_space<vmem_shared>>)
      tpu.yield
    }) : () -> ()
    %barrier3A_103 = arith.constant 0 : index
    tpu.barrier barrier_id(%barrier3A_103)
    %mul3A_104 = arith.constant 640 : i32
    %mul3A_105 = arith.muli %arg1, %mul3A_104 : i32
    %add3A_106 = arith.constant 0 : i32
    %add3A_107 = arith.addi %mul3A_105, %add3A_106 : i32
    "tpu.region"() ({
      %run_scoped3A_124 = tpu.sem_alloc : memref<!tpu.dma_semaphore, #tpu.memory_space<semaphore_mem>>
      %dma_start3A_125 = arith.constant 0 : i32
      %dma_start3A_126 = tpu.memref_slice %arg5[%arg0, %add3A_107, %dma_start3A_125] : memref<2x10240x128xf32, #tpu.memory_space<hbm>> -> memref<1x128x128xf32, #tpu.memory_space<hbm>>
      %dma_start3A_127 = tpu.memref_squeeze %dma_start3A_126 : memref<1x128x128xf32, #tpu.memory_space<hbm>> -> memref<128x128xf32, #tpu.memory_space<hbm>>
      %dma_start3A_128 = arith.constant 0 : i32
      %dma_start3A_129 = tpu.memref_slice %arg11[%add3A_107, %dma_start3A_128] : memref<10240x128xf32, #tpu.memory_space<vmem_shared>> -> memref<128x128xf32, #tpu.memory_space<vmem_shared>>
      tpu.enqueue_dma source(%dma_start3A_129 : memref<128x128xf32, #tpu.memory_space<vmem_shared>>) target(%dma_start3A_127 : memref<128x128xf32, #tpu.memory_space<hbm>>) target_semaphore(%run_scoped3A_124 : memref<!tpu.dma_semaphore, #tpu.memory_space<semaphore_mem>>)
      %dma_wait3A_130 = arith.constant 0 : i32
      %dma_wait3A_131 = tpu.memref_slice %arg5[%arg0, %add3A_107, %dma_wait3A_130] : memref<2x10240x128xf32, #tpu.memory_space<hbm>> -> memref<1x128x128xf32, #tpu.memory_space<hbm>>
      %dma_wait3A_132 = tpu.memref_squeeze %dma_wait3A_131 : memref<1x128x128xf32, #tpu.memory_space<hbm>> -> memref<128x128xf32, #tpu.memory_space<hbm>>
      %dma_wait3A_133 = arith.constant 0 : i32
      %dma_wait3A_134 = tpu.memref_slice %arg11[%add3A_107, %dma_wait3A_133] : memref<10240x128xf32, #tpu.memory_space<vmem_shared>> -> memref<128x128xf32, #tpu.memory_space<vmem_shared>>
      tpu.wait_dma2 semaphore(%run_scoped3A_124 : memref<!tpu.dma_semaphore, #tpu.memory_space<semaphore_mem>>) src(%dma_wait3A_134 : memref<128x128xf32, #tpu.memory_space<vmem_shared>>) dst(%dma_wait3A_132 : memref<128x128xf32, #tpu.memory_space<hbm>>)
      tpu.yield
    }) : () -> ()
    %mul3A_108 = arith.constant 640 : i32
    %mul3A_109 = arith.muli %arg1, %mul3A_108 : i32
    %add3A_110 = arith.constant 128 : i32
    %add3A_111 = arith.addi %mul3A_109, %add3A_110 : i32
    "tpu.region"() ({
      %run_scoped3A_124 = tpu.sem_alloc : memref<!tpu.dma_semaphore, #tpu.memory_space<semaphore_mem>>
      %dma_start3A_125 = arith.constant 0 : i32
      %dma_start3A_126 = tpu.memref_slice %arg5[%arg0, %add3A_111, %dma_start3A_125] : memref<2x10240x128xf32, #tpu.memory_space<hbm>> -> memref<1x128x128xf32, #tpu.memory_space<hbm>>
      %dma_start3A_127 = tpu.memref_squeeze %dma_start3A_126 : memref<1x128x128xf32, #tpu.memory_space<hbm>> -> memref<128x128xf32, #tpu.memory_space<hbm>>
      %dma_start3A_128 = arith.constant 0 : i32
      %dma_start3A_129 = tpu.memref_slice %arg11[%add3A_111, %dma_start3A_128] : memref<10240x128xf32, #tpu.memory_space<vmem_shared>> -> memref<128x128xf32, #tpu.memory_space<vmem_shared>>
      tpu.enqueue_dma source(%dma_start3A_129 : memref<128x128xf32, #tpu.memory_space<vmem_shared>>) target(%dma_start3A_127 : memref<128x128xf32, #tpu.memory_space<hbm>>) target_semaphore(%run_scoped3A_124 : memref<!tpu.dma_semaphore, #tpu.memory_space<semaphore_mem>>)
      %dma_wait3A_130 = arith.constant 0 : i32
      %dma_wait3A_131 = tpu.memref_slice %arg5[%arg0, %add3A_111, %dma_wait3A_130] : memref<2x10240x128xf32, #tpu.memory_space<hbm>> -> memref<1x128x128xf32, #tpu.memory_space<hbm>>
      %dma_wait3A_132 = tpu.memref_squeeze %dma_wait3A_131 : memref<1x128x128xf32, #tpu.memory_space<hbm>> -> memref<128x128xf32, #tpu.memory_space<hbm>>
      %dma_wait3A_133 = arith.constant 0 : i32
      %dma_wait3A_134 = tpu.memref_slice %arg11[%add3A_111, %dma_wait3A_133] : memref<10240x128xf32, #tpu.memory_space<vmem_shared>> -> memref<128x128xf32, #tpu.memory_space<vmem_shared>>
      tpu.wait_dma2 semaphore(%run_scoped3A_124 : memref<!tpu.dma_semaphore, #tpu.memory_space<semaphore_mem>>) src(%dma_wait3A_134 : memref<128x128xf32, #tpu.memory_space<vmem_shared>>) dst(%dma_wait3A_132 : memref<128x128xf32, #tpu.memory_space<hbm>>)
      tpu.yield
    }) : () -> ()
    %mul3A_112 = arith.constant 640 : i32
    %mul3A_113 = arith.muli %arg1, %mul3A_112 : i32
    %add3A_114 = arith.constant 256 : i32
    %add3A_115 = arith.addi %mul3A_113, %add3A_114 : i32
    "tpu.region"() ({
      %run_scoped3A_124 = tpu.sem_alloc : memref<!tpu.dma_semaphore, #tpu.memory_space<semaphore_mem>>
      %dma_start3A_125 = arith.constant 0 : i32
      %dma_start3A_126 = tpu.memref_slice %arg5[%arg0, %add3A_115, %dma_start3A_125] : memref<2x10240x128xf32, #tpu.memory_space<hbm>> -> memref<1x128x128xf32, #tpu.memory_space<hbm>>
      %dma_start3A_127 = tpu.memref_squeeze %dma_start3A_126 : memref<1x128x128xf32, #tpu.memory_space<hbm>> -> memref<128x128xf32, #tpu.memory_space<hbm>>
      %dma_start3A_128 = arith.constant 0 : i32
      %dma_start3A_129 = tpu.memref_slice %arg11[%add3A_115, %dma_start3A_128] : memref<10240x128xf32, #tpu.memory_space<vmem_shared>> -> memref<128x128xf32, #tpu.memory_space<vmem_shared>>
      tpu.enqueue_dma source(%dma_start3A_129 : memref<128x128xf32, #tpu.memory_space<vmem_shared>>) target(%dma_start3A_127 : memref<128x128xf32, #tpu.memory_space<hbm>>) target_semaphore(%run_scoped3A_124 : memref<!tpu.dma_semaphore, #tpu.memory_space<semaphore_mem>>)
      %dma_wait3A_130 = arith.constant 0 : i32
      %dma_wait3A_131 = tpu.memref_slice %arg5[%arg0, %add3A_115, %dma_wait3A_130] : memref<2x10240x128xf32, #tpu.memory_space<hbm>> -> memref<1x128x128xf32, #tpu.memory_space<hbm>>
      %dma_wait3A_132 = tpu.memref_squeeze %dma_wait3A_131 : memref<1x128x128xf32, #tpu.memory_space<hbm>> -> memref<128x128xf32, #tpu.memory_space<hbm>>
      %dma_wait3A_133 = arith.constant 0 : i32
      %dma_wait3A_134 = tpu.memref_slice %arg11[%add3A_115, %dma_wait3A_133] : memref<10240x128xf32, #tpu.memory_space<vmem_shared>> -> memref<128x128xf32, #tpu.memory_space<vmem_shared>>
      tpu.wait_dma2 semaphore(%run_scoped3A_124 : memref<!tpu.dma_semaphore, #tpu.memory_space<semaphore_mem>>) src(%dma_wait3A_134 : memref<128x128xf32, #tpu.memory_space<vmem_shared>>) dst(%dma_wait3A_132 : memref<128x128xf32, #tpu.memory_space<hbm>>)
      tpu.yield
    }) : () -> ()
    %mul3A_116 = arith.constant 640 : i32
    %mul3A_117 = arith.muli %arg1, %mul3A_116 : i32
    %add3A_118 = arith.constant 384 : i32
    %add3A_119 = arith.addi %mul3A_117, %add3A_118 : i32
    "tpu.region"() ({
      %run_scoped3A_124 = tpu.sem_alloc : memref<!tpu.dma_semaphore, #tpu.memory_space<semaphore_mem>>
      %dma_start3A_125 = arith.constant 0 : i32
      %dma_start3A_126 = tpu.memref_slice %arg5[%arg0, %add3A_119, %dma_start3A_125] : memref<2x10240x128xf32, #tpu.memory_space<hbm>> -> memref<1x128x128xf32, #tpu.memory_space<hbm>>
      %dma_start3A_127 = tpu.memref_squeeze %dma_start3A_126 : memref<1x128x128xf32, #tpu.memory_space<hbm>> -> memref<128x128xf32, #tpu.memory_space<hbm>>
      %dma_start3A_128 = arith.constant 0 : i32
      %dma_start3A_129 = tpu.memref_slice %arg11[%add3A_119, %dma_start3A_128] : memref<10240x128xf32, #tpu.memory_space<vmem_shared>> -> memref<128x128xf32, #tpu.memory_space<vmem_shared>>
      tpu.enqueue_dma source(%dma_start3A_129 : memref<128x128xf32, #tpu.memory_space<vmem_shared>>) target(%dma_start3A_127 : memref<128x128xf32, #tpu.memory_space<hbm>>) target_semaphore(%run_scoped3A_124 : memref<!tpu.dma_semaphore, #tpu.memory_space<semaphore_mem>>)
      %dma_wait3A_130 = arith.constant 0 : i32
      %dma_wait3A_131 = tpu.memref_slice %arg5[%arg0, %add3A_119, %dma_wait3A_130] : memref<2x10240x128xf32, #tpu.memory_space<hbm>> -> memref<1x128x128xf32, #tpu.memory_space<hbm>>
      %dma_wait3A_132 = tpu.memref_squeeze %dma_wait3A_131 : memref<1x128x128xf32, #tpu.memory_space<hbm>> -> memref<128x128xf32, #tpu.memory_space<hbm>>
      %dma_wait3A_133 = arith.constant 0 : i32
      %dma_wait3A_134 = tpu.memref_slice %arg11[%add3A_119, %dma_wait3A_133] : memref<10240x128xf32, #tpu.memory_space<vmem_shared>> -> memref<128x128xf32, #tpu.memory_space<vmem_shared>>
      tpu.wait_dma2 semaphore(%run_scoped3A_124 : memref<!tpu.dma_semaphore, #tpu.memory_space<semaphore_mem>>) src(%dma_wait3A_134 : memref<128x128xf32, #tpu.memory_space<vmem_shared>>) dst(%dma_wait3A_132 : memref<128x128xf32, #tpu.memory_space<hbm>>)
      tpu.yield
    }) : () -> ()
    %mul3A_120 = arith.constant 640 : i32
    %mul3A_121 = arith.muli %arg1, %mul3A_120 : i32
    %add3A_122 = arith.constant 512 : i32
    %add3A_123 = arith.addi %mul3A_121, %add3A_122 : i32
    "tpu.region"() ({
      %run_scoped3A_124 = tpu.sem_alloc : memref<!tpu.dma_semaphore, #tpu.memory_space<semaphore_mem>>
      %dma_start3A_125 = arith.constant 0 : i32
      %dma_start3A_126 = tpu.memref_slice %arg5[%arg0, %add3A_123, %dma_start3A_125] : memref<2x10240x128xf32, #tpu.memory_space<hbm>> -> memref<1x128x128xf32, #tpu.memory_space<hbm>>
      %dma_start3A_127 = tpu.memref_squeeze %dma_start3A_126 : memref<1x128x128xf32, #tpu.memory_space<hbm>> -> memref<128x128xf32, #tpu.memory_space<hbm>>
      %dma_start3A_128 = arith.constant 0 : i32
      %dma_start3A_129 = tpu.memref_slice %arg11[%add3A_123, %dma_start3A_128] : memref<10240x128xf32, #tpu.memory_space<vmem_shared>> -> memref<128x128xf32, #tpu.memory_space<vmem_shared>>
      tpu.enqueue_dma source(%dma_start3A_129 : memref<128x128xf32, #tpu.memory_space<vmem_shared>>) target(%dma_start3A_127 : memref<128x128xf32, #tpu.memory_space<hbm>>) target_semaphore(%run_scoped3A_124 : memref<!tpu.dma_semaphore, #tpu.memory_space<semaphore_mem>>)
      %dma_wait3A_130 = arith.constant 0 : i32
      %dma_wait3A_131 = tpu.memref_slice %arg5[%arg0, %add3A_123, %dma_wait3A_130] : memref<2x10240x128xf32, #tpu.memory_space<hbm>> -> memref<1x128x128xf32, #tpu.memory_space<hbm>>
      %dma_wait3A_132 = tpu.memref_squeeze %dma_wait3A_131 : memref<1x128x128xf32, #tpu.memory_space<hbm>> -> memref<128x128xf32, #tpu.memory_space<hbm>>
      %dma_wait3A_133 = arith.constant 0 : i32
      %dma_wait3A_134 = tpu.memref_slice %arg11[%add3A_123, %dma_wait3A_133] : memref<10240x128xf32, #tpu.memory_space<vmem_shared>> -> memref<128x128xf32, #tpu.memory_space<vmem_shared>>
      tpu.wait_dma2 semaphore(%run_scoped3A_124 : memref<!tpu.dma_semaphore, #tpu.memory_space<semaphore_mem>>) src(%dma_wait3A_134 : memref<128x128xf32, #tpu.memory_space<vmem_shared>>) dst(%dma_wait3A_132 : memref<128x128xf32, #tpu.memory_space<hbm>>)
      tpu.yield
    }) : () -> ()
    return
  }
}

#map = affine_map<(d0, d1) -> (0, 0)>
#map1 = affine_map<(d0, d1) -> (0)>
#map2 = affine_map<(d0, d1) -> (0, 0, 0)>
module attributes {stable_mosaic.version = 14 : i64} {
  func.func @_agg_body(%arg0: i32, %arg1: i32, %arg2: memref<10000x128xf32, #tpu.memory_space<hbm>>, %arg3: memref<327680xi32, #tpu.memory_space<hbm>>, %arg4: memref<2560x128xi32, #tpu.memory_space<hbm>>, %arg5: memref<2x10240x128xf32, #tpu.memory_space<hbm>>, %arg6: memref<128xi32, #tpu.memory_space<vmem>>, %arg7: memref<128xi32, #tpu.memory_space<vmem>>, %arg8: memref<80x128xi32, #tpu.memory_space<vmem>>, %arg9: memref<128x128xf32, #tpu.memory_space<vmem>>, %arg10: memref<128x128xf32, #tpu.memory_space<vmem>>, %arg11: memref<10240x128xf32, #tpu.memory_space<vmem_shared>>, %arg12: memref<!tpu.dma_semaphore, #tpu.memory_space<semaphore_mem>>, %arg13: memref<!tpu.dma_semaphore, #tpu.memory_space<semaphore_mem>>, %arg14: memref<!tpu.dma_semaphore, #tpu.memory_space<semaphore_mem>>, %arg15: memref<!tpu.dma_semaphore, #tpu.memory_space<semaphore_mem>>, %arg16: memref<!tpu.dma_semaphore, #tpu.memory_space<semaphore_mem>>, %arg17: memref<!tpu.dma_semaphore, #tpu.memory_space<semaphore_mem>>, %arg18: memref<!tpu.dma_semaphore, #tpu.memory_space<semaphore_mem>>) attributes {dimension_semantics = [#tpu.dimension_semantics<core_parallel>, #tpu.dimension_semantics<subcore_parallel>], iteration_bounds = array<i64: 2, 16>, scalar_prefetch = 0 : i64, scratch_operands = 13 : i64, tpu.core_type = #tpu.core_type<sc_vector_subcore>, window_params = [{transform_indices = #map}, {transform_indices = #map1}, {transform_indices = #map}, {transform_indices = #map2}]} {
    %mul3A = arith.constant 16 : i32
    %mul3A_0 = arith.muli %arg0, %mul3A : i32
    %add3A = arith.addi %mul3A_0, %arg1 : i32
    %mul3A_1 = arith.constant 80 : i32
    %mul3A_2 = arith.muli %add3A, %mul3A_1 : i32
    %mul3A_3 = arith.constant 10240 : i32
    %mul3A_4 = arith.muli %add3A, %mul3A_3 : i32
    %dma_start3A = arith.constant 0 : i32
    %dma_start3A_5 = tpu.memref_slice %arg4[%mul3A_2, %dma_start3A] : memref<2560x128xi32, #tpu.memory_space<hbm>> -> memref<80x128xi32, #tpu.memory_space<hbm>>
    %dma_start3A_6 = arith.constant 0 : i32
    %dma_start3A_7 = tpu.memref_slice %arg4[%mul3A_2, %dma_start3A_6] : memref<2560x128xi32, #tpu.memory_space<hbm>> -> memref<80x128xi32, #tpu.memory_space<hbm>>
    tpu.enqueue_dma source(%dma_start3A_7 : memref<80x128xi32, #tpu.memory_space<hbm>>) target(%arg8 : memref<80x128xi32, #tpu.memory_space<vmem>>) target_semaphore(%arg12 : memref<!tpu.dma_semaphore, #tpu.memory_space<semaphore_mem>>)
    %add3A_8 = arith.constant 0 : i32
    %add3A_9 = arith.addi %mul3A_4, %add3A_8 : i32
    %dma_start3A_10 = tpu.memref_slice %arg3[%add3A_9] : memref<327680xi32, #tpu.memory_space<hbm>> -> memref<128xi32, #tpu.memory_space<hbm>>
    %dma_start3A_11 = tpu.memref_slice %arg3[%add3A_9] : memref<327680xi32, #tpu.memory_space<hbm>> -> memref<128xi32, #tpu.memory_space<hbm>>
    tpu.enqueue_dma source(%dma_start3A_11 : memref<128xi32, #tpu.memory_space<hbm>>) target(%arg6 : memref<128xi32, #tpu.memory_space<vmem>>) target_semaphore(%arg13 : memref<!tpu.dma_semaphore, #tpu.memory_space<semaphore_mem>>)
    %scan3A = arith.constant 0 : i32
    %scan3A_12 = arith.constant 0 : i32
    %scan3A_13 = arith.constant 1024 : i32
    %scan3A_14 = arith.addi %scan3A_12, %scan3A_13 : i32
    %scan3A_15 = arith.constant 1 : i32
    %scan3A_16 = scf.for %scan3A_124 = %scan3A_12 to %scan3A_14 step %scan3A_15 iter_args(%scan3A_125 = %scan3A) -> (i32)  : i32 {
      %jit3A = arith.constant 8 : i32
      %div3A = arith.divsi %scan3A_124, %jit3A : i32
      %sign3A = arith.constant 0 : i32
      %sign3A_126 = arith.cmpi sgt, %scan3A_124, %sign3A : i32
      %sign3A_127 = arith.extui %sign3A_126 : i1 to i32
      %sign3A_128 = arith.constant 0 : i32
      %sign3A_129 = arith.cmpi slt, %scan3A_124, %sign3A_128 : i32
      %sign3A_130 = arith.extui %sign3A_129 : i1 to i32
      %sign3A_131 = arith.subi %sign3A_127, %sign3A_130 : i32
      %sign3A_132 = arith.constant 0 : i32
      %sign3A_133 = arith.cmpi sgt, %jit3A, %sign3A_132 : i32
      %sign3A_134 = arith.extui %sign3A_133 : i1 to i32
      %sign3A_135 = arith.constant 0 : i32
      %sign3A_136 = arith.cmpi slt, %jit3A, %sign3A_135 : i32
      %sign3A_137 = arith.extui %sign3A_136 : i1 to i32
      %sign3A_138 = arith.subi %sign3A_134, %sign3A_137 : i32
      %ne3A = arith.cmpi ne, %sign3A_131, %sign3A_138 : i32
      %rem3A = arith.remsi %scan3A_124, %jit3A : i32
      %ne3A_139 = arith.constant 0 : i32
      %ne3A_140 = arith.cmpi ne, %rem3A, %ne3A_139 : i32
      %and3A = arith.andi %ne3A, %ne3A_140 : i1
      %sub3A = arith.constant 1 : i32
      %sub3A_141 = arith.subi %div3A, %sub3A : i32
      %select_n3A = arith.select %and3A, %sub3A_141, %div3A : i32
      %jit3A_142 = arith.constant 8 : i32
      %eq3A = arith.constant 0 : i32
      %eq3A_143 = arith.cmpi eq, %jit3A_142, %eq3A : i32
      %jit3A_144 = arith.constant 1 : i32
      %select_n3A_145 = arith.select %eq3A_143, %jit3A_144, %jit3A_142 : i32
      %rem3A_146 = arith.remsi %scan3A_124, %select_n3A_145 : i32
      %ne3A_147 = arith.constant 0 : i32
      %ne3A_148 = arith.cmpi ne, %rem3A_146, %ne3A_147 : i32
      %lt3A = arith.constant 0 : i32
      %lt3A_149 = arith.cmpi slt, %rem3A_146, %lt3A : i32
      %lt3A_150 = arith.constant 0 : i32
      %lt3A_151 = arith.cmpi slt, %select_n3A_145, %lt3A_150 : i32
      %ne3A_152 = arith.xori %lt3A_149, %lt3A_151 : i1
      %and3A_153 = arith.andi %ne3A_152, %ne3A_148 : i1
      %add3A_154 = arith.addi %rem3A_146, %select_n3A_145 : i32
      %select_n3A_155 = arith.select %and3A_153, %add3A_154, %rem3A_146 : i32
      %broadcast_in_dim3A = arith.constant 0.000000e+00 : f32
      %broadcast_in_dim3A_156 = vector.broadcast %broadcast_in_dim3A : f32 to vector<16xf32>
      %mul3A_157 = arith.constant 16 : i32
      %mul3A_158 = arith.muli %select_n3A_155, %mul3A_157 : i32
      %swap3A = arith.index_cast %select_n3A : i32 to index
      %swap3A_159 = arith.index_cast %mul3A_158 : i32 to index
      %swap3A_160 = tpu.vector_load %arg9[%swap3A, %swap3A_159] {strides = array<i32>} : memref<128x128xf32, #tpu.memory_space<vmem>>, vector<1x16xf32>,
      %swap3A_161 = vector.shape_cast %swap3A_160 : vector<1x16xf32> to vector<16xf32>
      %swap3A_162 = vector.shape_cast %broadcast_in_dim3A_156 : vector<16xf32> to vector<1x16xf32>
      tpu.vector_store %arg9[%swap3A, %swap3A_159], %swap3A_162 {strides = array<i32>} : memref<128x128xf32, #tpu.memory_space<vmem>>, vector<1x16xf32>,
      %scan3A_163 = arith.constant 0 : i32
      scf.yield %scan3A_163 : i32
    }
    %scan3A_17 = arith.constant 1024 : i32
    %mul3A_18 = arith.constant 640 : i32
    %mul3A_19 = arith.muli %arg1, %mul3A_18 : i32
    %add3A_20 = arith.constant 0 : i32
    %add3A_21 = arith.addi %mul3A_19, %add3A_20 : i32
    "tpu.region"() ({
      %run_scoped3A_124 = tpu.sem_alloc : memref<!tpu.dma_semaphore, #tpu.memory_space<semaphore_mem>>
      %dma_start3A_125 = arith.constant 0 : i32
      %dma_start3A_126 = tpu.memref_slice %arg11[%add3A_21, %dma_start3A_125] : memref<10240x128xf32, #tpu.memory_space<vmem_shared>> -> memref<128x128xf32, #tpu.memory_space<vmem_shared>>
      %dma_start3A_127 = arith.constant 0 : i32
      %dma_start3A_128 = tpu.memref_slice %arg11[%add3A_21, %dma_start3A_127] : memref<10240x128xf32, #tpu.memory_space<vmem_shared>> -> memref<128x128xf32, #tpu.memory_space<vmem_shared>>
      tpu.enqueue_dma source(%arg9 : memref<128x128xf32, #tpu.memory_space<vmem>>) target(%dma_start3A_128 : memref<128x128xf32, #tpu.memory_space<vmem_shared>>) target_semaphore(%run_scoped3A_124 : memref<!tpu.dma_semaphore, #tpu.memory_space<semaphore_mem>>)
      %dma_wait3A_129 = arith.constant 0 : i32
      %dma_wait3A_130 = tpu.memref_slice %arg11[%add3A_21, %dma_wait3A_129] : memref<10240x128xf32, #tpu.memory_space<vmem_shared>> -> memref<128x128xf32, #tpu.memory_space<vmem_shared>>
      %dma_wait3A_131 = arith.constant 0 : i32
      %dma_wait3A_132 = tpu.memref_slice %arg11[%add3A_21, %dma_wait3A_131] : memref<10240x128xf32, #tpu.memory_space<vmem_shared>> -> memref<128x128xf32, #tpu.memory_space<vmem_shared>>
      tpu.wait_dma2 semaphore(%run_scoped3A_124 : memref<!tpu.dma_semaphore, #tpu.memory_space<semaphore_mem>>) src(%arg9 : memref<128x128xf32, #tpu.memory_space<vmem>>) dst(%dma_wait3A_132 : memref<128x128xf32, #tpu.memory_space<vmem_shared>>)
      tpu.yield
    }) : () -> ()
    %mul3A_22 = arith.constant 640 : i32
    %mul3A_23 = arith.muli %arg1, %mul3A_22 : i32
    %add3A_24 = arith.constant 128 : i32
    %add3A_25 = arith.addi %mul3A_23, %add3A_24 : i32
    "tpu.region"() ({
      %run_scoped3A_124 = tpu.sem_alloc : memref<!tpu.dma_semaphore, #tpu.memory_space<semaphore_mem>>
      %dma_start3A_125 = arith.constant 0 : i32
      %dma_start3A_126 = tpu.memref_slice %arg11[%add3A_25, %dma_start3A_125] : memref<10240x128xf32, #tpu.memory_space<vmem_shared>> -> memref<128x128xf32, #tpu.memory_space<vmem_shared>>
      %dma_start3A_127 = arith.constant 0 : i32
      %dma_start3A_128 = tpu.memref_slice %arg11[%add3A_25, %dma_start3A_127] : memref<10240x128xf32, #tpu.memory_space<vmem_shared>> -> memref<128x128xf32, #tpu.memory_space<vmem_shared>>
      tpu.enqueue_dma source(%arg9 : memref<128x128xf32, #tpu.memory_space<vmem>>) target(%dma_start3A_128 : memref<128x128xf32, #tpu.memory_space<vmem_shared>>) target_semaphore(%run_scoped3A_124 : memref<!tpu.dma_semaphore, #tpu.memory_space<semaphore_mem>>)
      %dma_wait3A_129 = arith.constant 0 : i32
      %dma_wait3A_130 = tpu.memref_slice %arg11[%add3A_25, %dma_wait3A_129] : memref<10240x128xf32, #tpu.memory_space<vmem_shared>> -> memref<128x128xf32, #tpu.memory_space<vmem_shared>>
      %dma_wait3A_131 = arith.constant 0 : i32
      %dma_wait3A_132 = tpu.memref_slice %arg11[%add3A_25, %dma_wait3A_131] : memref<10240x128xf32, #tpu.memory_space<vmem_shared>> -> memref<128x128xf32, #tpu.memory_space<vmem_shared>>
      tpu.wait_dma2 semaphore(%run_scoped3A_124 : memref<!tpu.dma_semaphore, #tpu.memory_space<semaphore_mem>>) src(%arg9 : memref<128x128xf32, #tpu.memory_space<vmem>>) dst(%dma_wait3A_132 : memref<128x128xf32, #tpu.memory_space<vmem_shared>>)
      tpu.yield
    }) : () -> ()
    %mul3A_26 = arith.constant 640 : i32
    %mul3A_27 = arith.muli %arg1, %mul3A_26 : i32
    %add3A_28 = arith.constant 256 : i32
    %add3A_29 = arith.addi %mul3A_27, %add3A_28 : i32
    "tpu.region"() ({
      %run_scoped3A_124 = tpu.sem_alloc : memref<!tpu.dma_semaphore, #tpu.memory_space<semaphore_mem>>
      %dma_start3A_125 = arith.constant 0 : i32
      %dma_start3A_126 = tpu.memref_slice %arg11[%add3A_29, %dma_start3A_125] : memref<10240x128xf32, #tpu.memory_space<vmem_shared>> -> memref<128x128xf32, #tpu.memory_space<vmem_shared>>
      %dma_start3A_127 = arith.constant 0 : i32
      %dma_start3A_128 = tpu.memref_slice %arg11[%add3A_29, %dma_start3A_127] : memref<10240x128xf32, #tpu.memory_space<vmem_shared>> -> memref<128x128xf32, #tpu.memory_space<vmem_shared>>
      tpu.enqueue_dma source(%arg9 : memref<128x128xf32, #tpu.memory_space<vmem>>) target(%dma_start3A_128 : memref<128x128xf32, #tpu.memory_space<vmem_shared>>) target_semaphore(%run_scoped3A_124 : memref<!tpu.dma_semaphore, #tpu.memory_space<semaphore_mem>>)
      %dma_wait3A_129 = arith.constant 0 : i32
      %dma_wait3A_130 = tpu.memref_slice %arg11[%add3A_29, %dma_wait3A_129] : memref<10240x128xf32, #tpu.memory_space<vmem_shared>> -> memref<128x128xf32, #tpu.memory_space<vmem_shared>>
      %dma_wait3A_131 = arith.constant 0 : i32
      %dma_wait3A_132 = tpu.memref_slice %arg11[%add3A_29, %dma_wait3A_131] : memref<10240x128xf32, #tpu.memory_space<vmem_shared>> -> memref<128x128xf32, #tpu.memory_space<vmem_shared>>
      tpu.wait_dma2 semaphore(%run_scoped3A_124 : memref<!tpu.dma_semaphore, #tpu.memory_space<semaphore_mem>>) src(%arg9 : memref<128x128xf32, #tpu.memory_space<vmem>>) dst(%dma_wait3A_132 : memref<128x128xf32, #tpu.memory_space<vmem_shared>>)
      tpu.yield
    }) : () -> ()
    %mul3A_30 = arith.constant 640 : i32
    %mul3A_31 = arith.muli %arg1, %mul3A_30 : i32
    %add3A_32 = arith.constant 384 : i32
    %add3A_33 = arith.addi %mul3A_31, %add3A_32 : i32
    "tpu.region"() ({
      %run_scoped3A_124 = tpu.sem_alloc : memref<!tpu.dma_semaphore, #tpu.memory_space<semaphore_mem>>
      %dma_start3A_125 = arith.constant 0 : i32
      %dma_start3A_126 = tpu.memref_slice %arg11[%add3A_33, %dma_start3A_125] : memref<10240x128xf32, #tpu.memory_space<vmem_shared>> -> memref<128x128xf32, #tpu.memory_space<vmem_shared>>
      %dma_start3A_127 = arith.constant 0 : i32
      %dma_start3A_128 = tpu.memref_slice %arg11[%add3A_33, %dma_start3A_127] : memref<10240x128xf32, #tpu.memory_space<vmem_shared>> -> memref<128x128xf32, #tpu.memory_space<vmem_shared>>
      tpu.enqueue_dma source(%arg9 : memref<128x128xf32, #tpu.memory_space<vmem>>) target(%dma_start3A_128 : memref<128x128xf32, #tpu.memory_space<vmem_shared>>) target_semaphore(%run_scoped3A_124 : memref<!tpu.dma_semaphore, #tpu.memory_space<semaphore_mem>>)
      %dma_wait3A_129 = arith.constant 0 : i32
      %dma_wait3A_130 = tpu.memref_slice %arg11[%add3A_33, %dma_wait3A_129] : memref<10240x128xf32, #tpu.memory_space<vmem_shared>> -> memref<128x128xf32, #tpu.memory_space<vmem_shared>>
      %dma_wait3A_131 = arith.constant 0 : i32
      %dma_wait3A_132 = tpu.memref_slice %arg11[%add3A_33, %dma_wait3A_131] : memref<10240x128xf32, #tpu.memory_space<vmem_shared>> -> memref<128x128xf32, #tpu.memory_space<vmem_shared>>
      tpu.wait_dma2 semaphore(%run_scoped3A_124 : memref<!tpu.dma_semaphore, #tpu.memory_space<semaphore_mem>>) src(%arg9 : memref<128x128xf32, #tpu.memory_space<vmem>>) dst(%dma_wait3A_132 : memref<128x128xf32, #tpu.memory_space<vmem_shared>>)
      tpu.yield
    }) : () -> ()
    %mul3A_34 = arith.constant 640 : i32
    %mul3A_35 = arith.muli %arg1, %mul3A_34 : i32
    %add3A_36 = arith.constant 512 : i32
    %add3A_37 = arith.addi %mul3A_35, %add3A_36 : i32
    "tpu.region"() ({
      %run_scoped3A_124 = tpu.sem_alloc : memref<!tpu.dma_semaphore, #tpu.memory_space<semaphore_mem>>
      %dma_start3A_125 = arith.constant 0 : i32
      %dma_start3A_126 = tpu.memref_slice %arg11[%add3A_37, %dma_start3A_125] : memref<10240x128xf32, #tpu.memory_space<vmem_shared>> -> memref<128x128xf32, #tpu.memory_space<vmem_shared>>
      %dma_start3A_127 = arith.constant 0 : i32
      %dma_start3A_128 = tpu.memref_slice %arg11[%add3A_37, %dma_start3A_127] : memref<10240x128xf32, #tpu.memory_space<vmem_shared>> -> memref<128x128xf32, #tpu.memory_space<vmem_shared>>
      tpu.enqueue_dma source(%arg9 : memref<128x128xf32, #tpu.memory_space<vmem>>) target(%dma_start3A_128 : memref<128x128xf32, #tpu.memory_space<vmem_shared>>) target_semaphore(%run_scoped3A_124 : memref<!tpu.dma_semaphore, #tpu.memory_space<semaphore_mem>>)
      %dma_wait3A_129 = arith.constant 0 : i32
      %dma_wait3A_130 = tpu.memref_slice %arg11[%add3A_37, %dma_wait3A_129] : memref<10240x128xf32, #tpu.memory_space<vmem_shared>> -> memref<128x128xf32, #tpu.memory_space<vmem_shared>>
      %dma_wait3A_131 = arith.constant 0 : i32
      %dma_wait3A_132 = tpu.memref_slice %arg11[%add3A_37, %dma_wait3A_131] : memref<10240x128xf32, #tpu.memory_space<vmem_shared>> -> memref<128x128xf32, #tpu.memory_space<vmem_shared>>
      tpu.wait_dma2 semaphore(%run_scoped3A_124 : memref<!tpu.dma_semaphore, #tpu.memory_space<semaphore_mem>>) src(%arg9 : memref<128x128xf32, #tpu.memory_space<vmem>>) dst(%dma_wait3A_132 : memref<128x128xf32, #tpu.memory_space<vmem_shared>>)
      tpu.yield
    }) : () -> ()
    %barrier3A = arith.constant 0 : index
    tpu.barrier barrier_id(%barrier3A)
    %dma_wait3A = arith.constant 0 : i32
    %dma_wait3A_38 = tpu.memref_slice %arg4[%mul3A_2, %dma_wait3A] : memref<2560x128xi32, #tpu.memory_space<hbm>> -> memref<80x128xi32, #tpu.memory_space<hbm>>
    %dma_wait3A_39 = arith.constant 0 : i32
    %dma_wait3A_40 = tpu.memref_slice %arg4[%mul3A_2, %dma_wait3A_39] : memref<2560x128xi32, #tpu.memory_space<hbm>> -> memref<80x128xi32, #tpu.memory_space<hbm>>
    tpu.wait_dma2 semaphore(%arg12 : memref<!tpu.dma_semaphore, #tpu.memory_space<semaphore_mem>>) src(%dma_wait3A_40 : memref<80x128xi32, #tpu.memory_space<hbm>>) dst(%arg8 : memref<80x128xi32, #tpu.memory_space<vmem>>)
    %add3A_41 = arith.constant 0 : i32
    %add3A_42 = arith.addi %mul3A_4, %add3A_41 : i32
    %dma_wait3A_43 = tpu.memref_slice %arg3[%add3A_42] : memref<327680xi32, #tpu.memory_space<hbm>> -> memref<128xi32, #tpu.memory_space<hbm>>
    %dma_wait3A_44 = tpu.memref_slice %arg3[%add3A_42] : memref<327680xi32, #tpu.memory_space<hbm>> -> memref<128xi32, #tpu.memory_space<hbm>>
    tpu.wait_dma2 semaphore(%arg13 : memref<!tpu.dma_semaphore, #tpu.memory_space<semaphore_mem>>) src(%dma_wait3A_44 : memref<128xi32, #tpu.memory_space<hbm>>) dst(%arg6 : memref<128xi32, #tpu.memory_space<vmem>>)
    %dma_start3A_45 = arith.constant 0 : i32
    %dma_start3A_46 = arith.constant 0 : i32
    %dma_start3A_47 = tpu.memref_slice %arg2[%dma_start3A_45, %dma_start3A_46] : memref<10000x128xf32, #tpu.memory_space<hbm>> -> memref<10000x128xf32, #tpu.memory_space<hbm>>
    tpu.enqueue_indirect_dma source(%dma_start3A_47 : memref<10000x128xf32, #tpu.memory_space<hbm>>) target(%arg9 : memref<128x128xf32, #tpu.memory_space<vmem>>) offsets(%arg6 : memref<128xi32, #tpu.memory_space<vmem>>) semaphore(%arg15 : memref<!tpu.dma_semaphore, #tpu.memory_space<semaphore_mem>>)
    %add3A_48 = arith.constant 128 : i32
    %add3A_49 = arith.addi %mul3A_4, %add3A_48 : i32
    %dma_start3A_50 = tpu.memref_slice %arg3[%add3A_49] : memref<327680xi32, #tpu.memory_space<hbm>> -> memref<128xi32, #tpu.memory_space<hbm>>
    %dma_start3A_51 = tpu.memref_slice %arg3[%add3A_49] : memref<327680xi32, #tpu.memory_space<hbm>> -> memref<128xi32, #tpu.memory_space<hbm>>
    tpu.enqueue_dma source(%dma_start3A_51 : memref<128xi32, #tpu.memory_space<hbm>>) target(%arg7 : memref<128xi32, #tpu.memory_space<vmem>>) target_semaphore(%arg14 : memref<!tpu.dma_semaphore, #tpu.memory_space<semaphore_mem>>)
    %dma_wait3A_52 = arith.constant 0 : i32
    %dma_wait3A_53 = arith.constant 0 : i32
    %dma_wait3A_54 = tpu.memref_slice %arg2[%dma_wait3A_52, %dma_wait3A_53] : memref<10000x128xf32, #tpu.memory_space<hbm>> -> memref<10000x128xf32, #tpu.memory_space<hbm>>
    tpu.wait_indirect_dma semaphore(%arg15 : memref<!tpu.dma_semaphore, #tpu.memory_space<semaphore_mem>>) src(%dma_wait3A_54 : memref<10000x128xf32, #tpu.memory_space<hbm>>) dst(%arg9 : memref<128x128xf32, #tpu.memory_space<vmem>>)
    %add3A_55 = arith.constant 128 : i32
    %add3A_56 = arith.addi %mul3A_4, %add3A_55 : i32
    %dma_wait3A_57 = tpu.memref_slice %arg3[%add3A_56] : memref<327680xi32, #tpu.memory_space<hbm>> -> memref<128xi32, #tpu.memory_space<hbm>>
    %dma_wait3A_58 = tpu.memref_slice %arg3[%add3A_56] : memref<327680xi32, #tpu.memory_space<hbm>> -> memref<128xi32, #tpu.memory_space<hbm>>
    tpu.wait_dma2 semaphore(%arg14 : memref<!tpu.dma_semaphore, #tpu.memory_space<semaphore_mem>>) src(%dma_wait3A_58 : memref<128xi32, #tpu.memory_space<hbm>>) dst(%arg7 : memref<128xi32, #tpu.memory_space<vmem>>)
    %dma_start3A_59 = arith.constant 0 : i32
    %dma_start3A_60 = arith.constant 0 : i32
    %dma_start3A_61 = tpu.memref_slice %arg2[%dma_start3A_59, %dma_start3A_60] : memref<10000x128xf32, #tpu.memory_space<hbm>> -> memref<10000x128xf32, #tpu.memory_space<hbm>>
    tpu.enqueue_indirect_dma source(%dma_start3A_61 : memref<10000x128xf32, #tpu.memory_space<hbm>>) target(%arg10 : memref<128x128xf32, #tpu.memory_space<vmem>>) offsets(%arg7 : memref<128xi32, #tpu.memory_space<vmem>>) semaphore(%arg16 : memref<!tpu.dma_semaphore, #tpu.memory_space<semaphore_mem>>)
    %add3A_62 = arith.constant 256 : i32
    %add3A_63 = arith.addi %mul3A_4, %add3A_62 : i32
    %dma_start3A_64 = tpu.memref_slice %arg3[%add3A_63] : memref<327680xi32, #tpu.memory_space<hbm>> -> memref<128xi32, #tpu.memory_space<hbm>>
    %dma_start3A_65 = tpu.memref_slice %arg3[%add3A_63] : memref<327680xi32, #tpu.memory_space<hbm>> -> memref<128xi32, #tpu.memory_space<hbm>>
    tpu.enqueue_dma source(%dma_start3A_65 : memref<128xi32, #tpu.memory_space<hbm>>) target(%arg6 : memref<128xi32, #tpu.memory_space<vmem>>) target_semaphore(%arg13 : memref<!tpu.dma_semaphore, #tpu.memory_space<semaphore_mem>>)
    %run_scoped3A = arith.constant 0 : i32
    "tpu.region"() ({
      %run_scoped3A_124 = tpu.sem_alloc : memref<!tpu.dma_semaphore, #tpu.memory_space<semaphore_mem>>
      %dma_start3A_125 = arith.constant 0 : i32
      %dma_start3A_126 = tpu.memref_slice %arg8[%run_scoped3A, %dma_start3A_125] : memref<80x128xi32, #tpu.memory_space<vmem>> -> memref<1x128xi32, #tpu.memory_space<vmem>>
      %dma_start3A_127 = tpu.memref_squeeze %dma_start3A_126 : memref<1x128xi32, #tpu.memory_space<vmem>> -> memref<128xi32, #tpu.memory_space<vmem>>
      %dma_start3A_128 = arith.constant 0 : i32
      %dma_start3A_129 = arith.constant 0 : i32
      %dma_start3A_130 = tpu.memref_slice %arg11[%dma_start3A_128, %dma_start3A_129] : memref<10240x128xf32, #tpu.memory_space<vmem_shared>> -> memref<10240x128xf32, #tpu.memory_space<vmem_shared>>
      tpu.enqueue_indirect_dma source(%arg9 : memref<128x128xf32, #tpu.memory_space<vmem>>) target(%dma_start3A_130 : memref<10240x128xf32, #tpu.memory_space<vmem_shared>>) offsets(%dma_start3A_127 : memref<128xi32, #tpu.memory_space<vmem>>) semaphore(%run_scoped3A_124 : memref<!tpu.dma_semaphore, #tpu.memory_space<semaphore_mem>>) {add = true}
      %dma_wait3A_131 = arith.constant 0 : i32
      %dma_wait3A_132 = tpu.memref_slice %arg8[%run_scoped3A, %dma_wait3A_131] : memref<80x128xi32, #tpu.memory_space<vmem>> -> memref<1x128xi32, #tpu.memory_space<vmem>>
      %dma_wait3A_133 = tpu.memref_squeeze %dma_wait3A_132 : memref<1x128xi32, #tpu.memory_space<vmem>> -> memref<128xi32, #tpu.memory_space<vmem>>
      %dma_wait3A_134 = arith.constant 0 : i32
      %dma_wait3A_135 = arith.constant 0 : i32
      %dma_wait3A_136 = tpu.memref_slice %arg11[%dma_wait3A_134, %dma_wait3A_135] : memref<10240x128xf32, #tpu.memory_space<vmem_shared>> -> memref<10240x128xf32, #tpu.memory_space<vmem_shared>>
      tpu.wait_indirect_dma semaphore(%run_scoped3A_124 : memref<!tpu.dma_semaphore, #tpu.memory_space<semaphore_mem>>) src(%arg9 : memref<128x128xf32, #tpu.memory_space<vmem>>) dst(%dma_wait3A_136 : memref<10240x128xf32, #tpu.memory_space<vmem_shared>>)
      tpu.yield
    }) : () -> ()
    %scan3A_66 = arith.constant 0 : i32
    %scan3A_67 = arith.constant 0 : i32
    %scan3A_68 = arith.constant 38 : i32
    %scan3A_69 = arith.addi %scan3A_67, %scan3A_68 : i32
    %scan3A_70 = arith.constant 1 : i32
    %scan3A_71 = scf.for %scan3A_124 = %scan3A_67 to %scan3A_69 step %scan3A_70 iter_args(%scan3A_125 = %scan3A_66) -> (i32)  : i32 {
      %mul3A_126 = arith.constant 2 : i32
      %mul3A_127 = arith.muli %mul3A_126, %scan3A_124 : i32
      %add3A_128 = arith.constant 1 : i32
      %add3A_129 = arith.addi %mul3A_127, %add3A_128 : i32
      %dma_wait3A_130 = arith.constant 0 : i32
      %dma_wait3A_131 = arith.constant 0 : i32
      %dma_wait3A_132 = tpu.memref_slice %arg2[%dma_wait3A_130, %dma_wait3A_131] : memref<10000x128xf32, #tpu.memory_space<hbm>> -> memref<10000x128xf32, #tpu.memory_space<hbm>>
      tpu.wait_indirect_dma semaphore(%arg16 : memref<!tpu.dma_semaphore, #tpu.memory_space<semaphore_mem>>) src(%dma_wait3A_132 : memref<10000x128xf32, #tpu.memory_space<hbm>>) dst(%arg10 : memref<128x128xf32, #tpu.memory_space<vmem>>)
      %add3A_133 = arith.constant 1 : i32
      %add3A_134 = arith.addi %add3A_129, %add3A_133 : i32
      %mul3A_135 = arith.constant 128 : i32
      %mul3A_136 = arith.muli %add3A_134, %mul3A_135 : i32
      %add3A_137 = arith.addi %mul3A_4, %mul3A_136 : i32
      %dma_wait3A_138 = tpu.memref_slice %arg3[%add3A_137] : memref<327680xi32, #tpu.memory_space<hbm>> -> memref<128xi32, #tpu.memory_space<hbm>>
      %dma_wait3A_139 = tpu.memref_slice %arg3[%add3A_137] : memref<327680xi32, #tpu.memory_space<hbm>> -> memref<128xi32, #tpu.memory_space<hbm>>
      tpu.wait_dma2 semaphore(%arg13 : memref<!tpu.dma_semaphore, #tpu.memory_space<semaphore_mem>>) src(%dma_wait3A_139 : memref<128xi32, #tpu.memory_space<hbm>>) dst(%arg6 : memref<128xi32, #tpu.memory_space<vmem>>)
      %add3A_140 = arith.constant 1 : i32
      %add3A_141 = arith.addi %add3A_129, %add3A_140 : i32
      %dma_start3A_142 = arith.constant 0 : i32
      %dma_start3A_143 = arith.constant 0 : i32
      %dma_start3A_144 = tpu.memref_slice %arg2[%dma_start3A_142, %dma_start3A_143] : memref<10000x128xf32, #tpu.memory_space<hbm>> -> memref<10000x128xf32, #tpu.memory_space<hbm>>
      tpu.enqueue_indirect_dma source(%dma_start3A_144 : memref<10000x128xf32, #tpu.memory_space<hbm>>) target(%arg9 : memref<128x128xf32, #tpu.memory_space<vmem>>) offsets(%arg6 : memref<128xi32, #tpu.memory_space<vmem>>) semaphore(%arg15 : memref<!tpu.dma_semaphore, #tpu.memory_space<semaphore_mem>>)
      %add3A_145 = arith.constant 2 : i32
      %add3A_146 = arith.addi %add3A_129, %add3A_145 : i32
      %mul3A_147 = arith.constant 128 : i32
      %mul3A_148 = arith.muli %add3A_146, %mul3A_147 : i32
      %add3A_149 = arith.addi %mul3A_4, %mul3A_148 : i32
      %dma_start3A_150 = tpu.memref_slice %arg3[%add3A_149] : memref<327680xi32, #tpu.memory_space<hbm>> -> memref<128xi32, #tpu.memory_space<hbm>>
      %dma_start3A_151 = tpu.memref_slice %arg3[%add3A_149] : memref<327680xi32, #tpu.memory_space<hbm>> -> memref<128xi32, #tpu.memory_space<hbm>>
      tpu.enqueue_dma source(%dma_start3A_151 : memref<128xi32, #tpu.memory_space<hbm>>) target(%arg7 : memref<128xi32, #tpu.memory_space<vmem>>) target_semaphore(%arg14 : memref<!tpu.dma_semaphore, #tpu.memory_space<semaphore_mem>>)
      "tpu.region"() ({
        %run_scoped3A_179 = tpu.sem_alloc : memref<!tpu.dma_semaphore, #tpu.memory_space<semaphore_mem>>
        %dma_start3A_180 = arith.constant 0 : i32
        %dma_start3A_181 = tpu.memref_slice %arg8[%add3A_129, %dma_start3A_180] : memref<80x128xi32, #tpu.memory_space<vmem>> -> memref<1x128xi32, #tpu.memory_space<vmem>>
        %dma_start3A_182 = tpu.memref_squeeze %dma_start3A_181 : memref<1x128xi32, #tpu.memory_space<vmem>> -> memref<128xi32, #tpu.memory_space<vmem>>
        %dma_start3A_183 = arith.constant 0 : i32
        %dma_start3A_184 = arith.constant 0 : i32
        %dma_start3A_185 = tpu.memref_slice %arg11[%dma_start3A_183, %dma_start3A_184] : memref<10240x128xf32, #tpu.memory_space<vmem_shared>> -> memref<10240x128xf32, #tpu.memory_space<vmem_shared>>
        tpu.enqueue_indirect_dma source(%arg10 : memref<128x128xf32, #tpu.memory_space<vmem>>) target(%dma_start3A_185 : memref<10240x128xf32, #tpu.memory_space<vmem_shared>>) offsets(%dma_start3A_182 : memref<128xi32, #tpu.memory_space<vmem>>) semaphore(%run_scoped3A_179 : memref<!tpu.dma_semaphore, #tpu.memory_space<semaphore_mem>>) {add = true}
        %dma_wait3A_186 = arith.constant 0 : i32
        %dma_wait3A_187 = tpu.memref_slice %arg8[%add3A_129, %dma_wait3A_186] : memref<80x128xi32, #tpu.memory_space<vmem>> -> memref<1x128xi32, #tpu.memory_space<vmem>>
        %dma_wait3A_188 = tpu.memref_squeeze %dma_wait3A_187 : memref<1x128xi32, #tpu.memory_space<vmem>> -> memref<128xi32, #tpu.memory_space<vmem>>
        %dma_wait3A_189 = arith.constant 0 : i32
        %dma_wait3A_190 = arith.constant 0 : i32
        %dma_wait3A_191 = tpu.memref_slice %arg11[%dma_wait3A_189, %dma_wait3A_190] : memref<10240x128xf32, #tpu.memory_space<vmem_shared>> -> memref<10240x128xf32, #tpu.memory_space<vmem_shared>>
        tpu.wait_indirect_dma semaphore(%run_scoped3A_179 : memref<!tpu.dma_semaphore, #tpu.memory_space<semaphore_mem>>) src(%arg10 : memref<128x128xf32, #tpu.memory_space<vmem>>) dst(%dma_wait3A_191 : memref<10240x128xf32, #tpu.memory_space<vmem_shared>>)
        tpu.yield
      }) : () -> ()
      %mul3A_152 = arith.constant 2 : i32
      %mul3A_153 = arith.muli %mul3A_152, %scan3A_124 : i32
      %add3A_154 = arith.constant 2 : i32
      %add3A_155 = arith.addi %mul3A_153, %add3A_154 : i32
      %dma_wait3A_156 = arith.constant 0 : i32
      %dma_wait3A_157 = arith.constant 0 : i32
      %dma_wait3A_158 = tpu.memref_slice %arg2[%dma_wait3A_156, %dma_wait3A_157] : memref<10000x128xf32, #tpu.memory_space<hbm>> -> memref<10000x128xf32, #tpu.memory_space<hbm>>
      tpu.wait_indirect_dma semaphore(%arg15 : memref<!tpu.dma_semaphore, #tpu.memory_space<semaphore_mem>>) src(%dma_wait3A_158 : memref<10000x128xf32, #tpu.memory_space<hbm>>) dst(%arg9 : memref<128x128xf32, #tpu.memory_space<vmem>>)
      %add3A_159 = arith.constant 1 : i32
      %add3A_160 = arith.addi %add3A_155, %add3A_159 : i32
      %mul3A_161 = arith.constant 128 : i32
      %mul3A_162 = arith.muli %add3A_160, %mul3A_161 : i32
      %add3A_163 = arith.addi %mul3A_4, %mul3A_162 : i32
      %dma_wait3A_164 = tpu.memref_slice %arg3[%add3A_163] : memref<327680xi32, #tpu.memory_space<hbm>> -> memref<128xi32, #tpu.memory_space<hbm>>
      %dma_wait3A_165 = tpu.memref_slice %arg3[%add3A_163] : memref<327680xi32, #tpu.memory_space<hbm>> -> memref<128xi32, #tpu.memory_space<hbm>>
      tpu.wait_dma2 semaphore(%arg14 : memref<!tpu.dma_semaphore, #tpu.memory_space<semaphore_mem>>) src(%dma_wait3A_165 : memref<128xi32, #tpu.memory_space<hbm>>) dst(%arg7 : memref<128xi32, #tpu.memory_space<vmem>>)
      %add3A_166 = arith.constant 1 : i32
      %add3A_167 = arith.addi %add3A_155, %add3A_166 : i32
      %dma_start3A_168 = arith.constant 0 : i32
      %dma_start3A_169 = arith.constant 0 : i32
      %dma_start3A_170 = tpu.memref_slice %arg2[%dma_start3A_168, %dma_start3A_169] : memref<10000x128xf32, #tpu.memory_space<hbm>> -> memref<10000x128xf32, #tpu.memory_space<hbm>>
      tpu.enqueue_indirect_dma source(%dma_start3A_170 : memref<10000x128xf32, #tpu.memory_space<hbm>>) target(%arg10 : memref<128x128xf32, #tpu.memory_space<vmem>>) offsets(%arg7 : memref<128xi32, #tpu.memory_space<vmem>>) semaphore(%arg16 : memref<!tpu.dma_semaphore, #tpu.memory_space<semaphore_mem>>)
      %add3A_171 = arith.constant 2 : i32
      %add3A_172 = arith.addi %add3A_155, %add3A_171 : i32
      %mul3A_173 = arith.constant 128 : i32
      %mul3A_174 = arith.muli %add3A_172, %mul3A_173 : i32
      %add3A_175 = arith.addi %mul3A_4, %mul3A_174 : i32
      %dma_start3A_176 = tpu.memref_slice %arg3[%add3A_175] : memref<327680xi32, #tpu.memory_space<hbm>> -> memref<128xi32, #tpu.memory_space<hbm>>
      %dma_start3A_177 = tpu.memref_slice %arg3[%add3A_175] : memref<327680xi32, #tpu.memory_space<hbm>> -> memref<128xi32, #tpu.memory_space<hbm>>
      tpu.enqueue_dma source(%dma_start3A_177 : memref<128xi32, #tpu.memory_space<hbm>>) target(%arg6 : memref<128xi32, #tpu.memory_space<vmem>>) target_semaphore(%arg13 : memref<!tpu.dma_semaphore, #tpu.memory_space<semaphore_mem>>)
      "tpu.region"() ({
        %run_scoped3A_179 = tpu.sem_alloc : memref<!tpu.dma_semaphore, #tpu.memory_space<semaphore_mem>>
        %dma_start3A_180 = arith.constant 0 : i32
        %dma_start3A_181 = tpu.memref_slice %arg8[%add3A_155, %dma_start3A_180] : memref<80x128xi32, #tpu.memory_space<vmem>> -> memref<1x128xi32, #tpu.memory_space<vmem>>
        %dma_start3A_182 = tpu.memref_squeeze %dma_start3A_181 : memref<1x128xi32, #tpu.memory_space<vmem>> -> memref<128xi32, #tpu.memory_space<vmem>>
        %dma_start3A_183 = arith.constant 0 : i32
        %dma_start3A_184 = arith.constant 0 : i32
        %dma_start3A_185 = tpu.memref_slice %arg11[%dma_start3A_183, %dma_start3A_184] : memref<10240x128xf32, #tpu.memory_space<vmem_shared>> -> memref<10240x128xf32, #tpu.memory_space<vmem_shared>>
        tpu.enqueue_indirect_dma source(%arg9 : memref<128x128xf32, #tpu.memory_space<vmem>>) target(%dma_start3A_185 : memref<10240x128xf32, #tpu.memory_space<vmem_shared>>) offsets(%dma_start3A_182 : memref<128xi32, #tpu.memory_space<vmem>>) semaphore(%run_scoped3A_179 : memref<!tpu.dma_semaphore, #tpu.memory_space<semaphore_mem>>) {add = true}
        %dma_wait3A_186 = arith.constant 0 : i32
        %dma_wait3A_187 = tpu.memref_slice %arg8[%add3A_155, %dma_wait3A_186] : memref<80x128xi32, #tpu.memory_space<vmem>> -> memref<1x128xi32, #tpu.memory_space<vmem>>
        %dma_wait3A_188 = tpu.memref_squeeze %dma_wait3A_187 : memref<1x128xi32, #tpu.memory_space<vmem>> -> memref<128xi32, #tpu.memory_space<vmem>>
        %dma_wait3A_189 = arith.constant 0 : i32
        %dma_wait3A_190 = arith.constant 0 : i32
        %dma_wait3A_191 = tpu.memref_slice %arg11[%dma_wait3A_189, %dma_wait3A_190] : memref<10240x128xf32, #tpu.memory_space<vmem_shared>> -> memref<10240x128xf32, #tpu.memory_space<vmem_shared>>
        tpu.wait_indirect_dma semaphore(%run_scoped3A_179 : memref<!tpu.dma_semaphore, #tpu.memory_space<semaphore_mem>>) src(%arg9 : memref<128x128xf32, #tpu.memory_space<vmem>>) dst(%dma_wait3A_191 : memref<10240x128xf32, #tpu.memory_space<vmem_shared>>)
        tpu.yield
      }) : () -> ()
      %scan3A_178 = arith.constant 0 : i32
      scf.yield %scan3A_178 : i32
    }
    %scan3A_72 = arith.constant 38 : i32
    %dma_wait3A_73 = arith.constant 0 : i32
    %dma_wait3A_74 = arith.constant 0 : i32
    %dma_wait3A_75 = tpu.memref_slice %arg2[%dma_wait3A_73, %dma_wait3A_74] : memref<10000x128xf32, #tpu.memory_space<hbm>> -> memref<10000x128xf32, #tpu.memory_space<hbm>>
    tpu.wait_indirect_dma semaphore(%arg16 : memref<!tpu.dma_semaphore, #tpu.memory_space<semaphore_mem>>) src(%dma_wait3A_75 : memref<10000x128xf32, #tpu.memory_space<hbm>>) dst(%arg10 : memref<128x128xf32, #tpu.memory_space<vmem>>)
    %add3A_76 = arith.constant 9984 : i32
    %add3A_77 = arith.addi %mul3A_4, %add3A_76 : i32
    %dma_wait3A_78 = tpu.memref_slice %arg3[%add3A_77] : memref<327680xi32, #tpu.memory_space<hbm>> -> memref<128xi32, #tpu.memory_space<hbm>>
    %dma_wait3A_79 = tpu.memref_slice %arg3[%add3A_77] : memref<327680xi32, #tpu.memory_space<hbm>> -> memref<128xi32, #tpu.memory_space<hbm>>
    tpu.wait_dma2 semaphore(%arg13 : memref<!tpu.dma_semaphore, #tpu.memory_space<semaphore_mem>>) src(%dma_wait3A_79 : memref<128xi32, #tpu.memory_space<hbm>>) dst(%arg6 : memref<128xi32, #tpu.memory_space<vmem>>)
    %dma_start3A_80 = arith.constant 0 : i32
    %dma_start3A_81 = arith.constant 0 : i32
    %dma_start3A_82 = tpu.memref_slice %arg2[%dma_start3A_80, %dma_start3A_81] : memref<10000x128xf32, #tpu.memory_space<hbm>> -> memref<10000x128xf32, #tpu.memory_space<hbm>>
    tpu.enqueue_indirect_dma source(%dma_start3A_82 : memref<10000x128xf32, #tpu.memory_space<hbm>>) target(%arg9 : memref<128x128xf32, #tpu.memory_space<vmem>>) offsets(%arg6 : memref<128xi32, #tpu.memory_space<vmem>>) semaphore(%arg15 : memref<!tpu.dma_semaphore, #tpu.memory_space<semaphore_mem>>)
    %add3A_83 = arith.constant 10112 : i32
    %add3A_84 = arith.addi %mul3A_4, %add3A_83 : i32
    %dma_start3A_85 = tpu.memref_slice %arg3[%add3A_84] : memref<327680xi32, #tpu.memory_space<hbm>> -> memref<128xi32, #tpu.memory_space<hbm>>
    %dma_start3A_86 = tpu.memref_slice %arg3[%add3A_84] : memref<327680xi32, #tpu.memory_space<hbm>> -> memref<128xi32, #tpu.memory_space<hbm>>
    tpu.enqueue_dma source(%dma_start3A_86 : memref<128xi32, #tpu.memory_space<hbm>>) target(%arg7 : memref<128xi32, #tpu.memory_space<vmem>>) target_semaphore(%arg14 : memref<!tpu.dma_semaphore, #tpu.memory_space<semaphore_mem>>)
    %run_scoped3A_87 = arith.constant 77 : i32
    "tpu.region"() ({
      %run_scoped3A_124 = tpu.sem_alloc : memref<!tpu.dma_semaphore, #tpu.memory_space<semaphore_mem>>
      %dma_start3A_125 = arith.constant 0 : i32
      %dma_start3A_126 = tpu.memref_slice %arg8[%run_scoped3A_87, %dma_start3A_125] : memref<80x128xi32, #tpu.memory_space<vmem>> -> memref<1x128xi32, #tpu.memory_space<vmem>>
      %dma_start3A_127 = tpu.memref_squeeze %dma_start3A_126 : memref<1x128xi32, #tpu.memory_space<vmem>> -> memref<128xi32, #tpu.memory_space<vmem>>
      %dma_start3A_128 = arith.constant 0 : i32
      %dma_start3A_129 = arith.constant 0 : i32
      %dma_start3A_130 = tpu.memref_slice %arg11[%dma_start3A_128, %dma_start3A_129] : memref<10240x128xf32, #tpu.memory_space<vmem_shared>> -> memref<10240x128xf32, #tpu.memory_space<vmem_shared>>
      tpu.enqueue_indirect_dma source(%arg10 : memref<128x128xf32, #tpu.memory_space<vmem>>) target(%dma_start3A_130 : memref<10240x128xf32, #tpu.memory_space<vmem_shared>>) offsets(%dma_start3A_127 : memref<128xi32, #tpu.memory_space<vmem>>) semaphore(%run_scoped3A_124 : memref<!tpu.dma_semaphore, #tpu.memory_space<semaphore_mem>>) {add = true}
      %dma_wait3A_131 = arith.constant 0 : i32
      %dma_wait3A_132 = tpu.memref_slice %arg8[%run_scoped3A_87, %dma_wait3A_131] : memref<80x128xi32, #tpu.memory_space<vmem>> -> memref<1x128xi32, #tpu.memory_space<vmem>>
      %dma_wait3A_133 = tpu.memref_squeeze %dma_wait3A_132 : memref<1x128xi32, #tpu.memory_space<vmem>> -> memref<128xi32, #tpu.memory_space<vmem>>
      %dma_wait3A_134 = arith.constant 0 : i32
      %dma_wait3A_135 = arith.constant 0 : i32
      %dma_wait3A_136 = tpu.memref_slice %arg11[%dma_wait3A_134, %dma_wait3A_135] : memref<10240x128xf32, #tpu.memory_space<vmem_shared>> -> memref<10240x128xf32, #tpu.memory_space<vmem_shared>>
      tpu.wait_indirect_dma semaphore(%run_scoped3A_124 : memref<!tpu.dma_semaphore, #tpu.memory_space<semaphore_mem>>) src(%arg10 : memref<128x128xf32, #tpu.memory_space<vmem>>) dst(%dma_wait3A_136 : memref<10240x128xf32, #tpu.memory_space<vmem_shared>>)
      tpu.yield
    }) : () -> ()
    %dma_wait3A_88 = arith.constant 0 : i32
    %dma_wait3A_89 = arith.constant 0 : i32
    %dma_wait3A_90 = tpu.memref_slice %arg2[%dma_wait3A_88, %dma_wait3A_89] : memref<10000x128xf32, #tpu.memory_space<hbm>> -> memref<10000x128xf32, #tpu.memory_space<hbm>>
    tpu.wait_indirect_dma semaphore(%arg15 : memref<!tpu.dma_semaphore, #tpu.memory_space<semaphore_mem>>) src(%dma_wait3A_90 : memref<10000x128xf32, #tpu.memory_space<hbm>>) dst(%arg9 : memref<128x128xf32, #tpu.memory_space<vmem>>)
    %add3A_91 = arith.constant 10112 : i32
    %add3A_92 = arith.addi %mul3A_4, %add3A_91 : i32
    %dma_wait3A_93 = tpu.memref_slice %arg3[%add3A_92] : memref<327680xi32, #tpu.memory_space<hbm>> -> memref<128xi32, #tpu.memory_space<hbm>>
    %dma_wait3A_94 = tpu.memref_slice %arg3[%add3A_92] : memref<327680xi32, #tpu.memory_space<hbm>> -> memref<128xi32, #tpu.memory_space<hbm>>
    tpu.wait_dma2 semaphore(%arg14 : memref<!tpu.dma_semaphore, #tpu.memory_space<semaphore_mem>>) src(%dma_wait3A_94 : memref<128xi32, #tpu.memory_space<hbm>>) dst(%arg7 : memref<128xi32, #tpu.memory_space<vmem>>)
    %dma_start3A_95 = arith.constant 0 : i32
    %dma_start3A_96 = arith.constant 0 : i32
    %dma_start3A_97 = tpu.memref_slice %arg2[%dma_start3A_95, %dma_start3A_96] : memref<10000x128xf32, #tpu.memory_space<hbm>> -> memref<10000x128xf32, #tpu.memory_space<hbm>>
    tpu.enqueue_indirect_dma source(%dma_start3A_97 : memref<10000x128xf32, #tpu.memory_space<hbm>>) target(%arg10 : memref<128x128xf32, #tpu.memory_space<vmem>>) offsets(%arg7 : memref<128xi32, #tpu.memory_space<vmem>>) semaphore(%arg16 : memref<!tpu.dma_semaphore, #tpu.memory_space<semaphore_mem>>)
    %run_scoped3A_98 = arith.constant 78 : i32
    "tpu.region"() ({
      %run_scoped3A_124 = tpu.sem_alloc : memref<!tpu.dma_semaphore, #tpu.memory_space<semaphore_mem>>
      %dma_start3A_125 = arith.constant 0 : i32
      %dma_start3A_126 = tpu.memref_slice %arg8[%run_scoped3A_98, %dma_start3A_125] : memref<80x128xi32, #tpu.memory_space<vmem>> -> memref<1x128xi32, #tpu.memory_space<vmem>>
      %dma_start3A_127 = tpu.memref_squeeze %dma_start3A_126 : memref<1x128xi32, #tpu.memory_space<vmem>> -> memref<128xi32, #tpu.memory_space<vmem>>
      %dma_start3A_128 = arith.constant 0 : i32
      %dma_start3A_129 = arith.constant 0 : i32
      %dma_start3A_130 = tpu.memref_slice %arg11[%dma_start3A_128, %dma_start3A_129] : memref<10240x128xf32, #tpu.memory_space<vmem_shared>> -> memref<10240x128xf32, #tpu.memory_space<vmem_shared>>
      tpu.enqueue_indirect_dma source(%arg9 : memref<128x128xf32, #tpu.memory_space<vmem>>) target(%dma_start3A_130 : memref<10240x128xf32, #tpu.memory_space<vmem_shared>>) offsets(%dma_start3A_127 : memref<128xi32, #tpu.memory_space<vmem>>) semaphore(%run_scoped3A_124 : memref<!tpu.dma_semaphore, #tpu.memory_space<semaphore_mem>>) {add = true}
      %dma_wait3A_131 = arith.constant 0 : i32
      %dma_wait3A_132 = tpu.memref_slice %arg8[%run_scoped3A_98, %dma_wait3A_131] : memref<80x128xi32, #tpu.memory_space<vmem>> -> memref<1x128xi32, #tpu.memory_space<vmem>>
      %dma_wait3A_133 = tpu.memref_squeeze %dma_wait3A_132 : memref<1x128xi32, #tpu.memory_space<vmem>> -> memref<128xi32, #tpu.memory_space<vmem>>
      %dma_wait3A_134 = arith.constant 0 : i32
      %dma_wait3A_135 = arith.constant 0 : i32
      %dma_wait3A_136 = tpu.memref_slice %arg11[%dma_wait3A_134, %dma_wait3A_135] : memref<10240x128xf32, #tpu.memory_space<vmem_shared>> -> memref<10240x128xf32, #tpu.memory_space<vmem_shared>>
      tpu.wait_indirect_dma semaphore(%run_scoped3A_124 : memref<!tpu.dma_semaphore, #tpu.memory_space<semaphore_mem>>) src(%arg9 : memref<128x128xf32, #tpu.memory_space<vmem>>) dst(%dma_wait3A_136 : memref<10240x128xf32, #tpu.memory_space<vmem_shared>>)
      tpu.yield
    }) : () -> ()
    %dma_wait3A_99 = arith.constant 0 : i32
    %dma_wait3A_100 = arith.constant 0 : i32
    %dma_wait3A_101 = tpu.memref_slice %arg2[%dma_wait3A_99, %dma_wait3A_100] : memref<10000x128xf32, #tpu.memory_space<hbm>> -> memref<10000x128xf32, #tpu.memory_space<hbm>>
    tpu.wait_indirect_dma semaphore(%arg16 : memref<!tpu.dma_semaphore, #tpu.memory_space<semaphore_mem>>) src(%dma_wait3A_101 : memref<10000x128xf32, #tpu.memory_space<hbm>>) dst(%arg10 : memref<128x128xf32, #tpu.memory_space<vmem>>)
    %run_scoped3A_102 = arith.constant 79 : i32
    "tpu.region"() ({
      %run_scoped3A_124 = tpu.sem_alloc : memref<!tpu.dma_semaphore, #tpu.memory_space<semaphore_mem>>
      %dma_start3A_125 = arith.constant 0 : i32
      %dma_start3A_126 = tpu.memref_slice %arg8[%run_scoped3A_102, %dma_start3A_125] : memref<80x128xi32, #tpu.memory_space<vmem>> -> memref<1x128xi32, #tpu.memory_space<vmem>>
      %dma_start3A_127 = tpu.memref_squeeze %dma_start3A_126 : memref<1x128xi32, #tpu.memory_space<vmem>> -> memref<128xi32, #tpu.memory_space<vmem>>
      %dma_start3A_128 = arith.constant 0 : i32
      %dma_start3A_129 = arith.constant 0 : i32
      %dma_start3A_130 = tpu.memref_slice %arg11[%dma_start3A_128, %dma_start3A_129] : memref<10240x128xf32, #tpu.memory_space<vmem_shared>> -> memref<10240x128xf32, #tpu.memory_space<vmem_shared>>
      tpu.enqueue_indirect_dma source(%arg10 : memref<128x128xf32, #tpu.memory_space<vmem>>) target(%dma_start3A_130 : memref<10240x128xf32, #tpu.memory_space<vmem_shared>>) offsets(%dma_start3A_127 : memref<128xi32, #tpu.memory_space<vmem>>) semaphore(%run_scoped3A_124 : memref<!tpu.dma_semaphore, #tpu.memory_space<semaphore_mem>>) {add = true}
      %dma_wait3A_131 = arith.constant 0 : i32
      %dma_wait3A_132 = tpu.memref_slice %arg8[%run_scoped3A_102, %dma_wait3A_131] : memref<80x128xi32, #tpu.memory_space<vmem>> -> memref<1x128xi32, #tpu.memory_space<vmem>>
      %dma_wait3A_133 = tpu.memref_squeeze %dma_wait3A_132 : memref<1x128xi32, #tpu.memory_space<vmem>> -> memref<128xi32, #tpu.memory_space<vmem>>
      %dma_wait3A_134 = arith.constant 0 : i32
      %dma_wait3A_135 = arith.constant 0 : i32
      %dma_wait3A_136 = tpu.memref_slice %arg11[%dma_wait3A_134, %dma_wait3A_135] : memref<10240x128xf32, #tpu.memory_space<vmem_shared>> -> memref<10240x128xf32, #tpu.memory_space<vmem_shared>>
      tpu.wait_indirect_dma semaphore(%run_scoped3A_124 : memref<!tpu.dma_semaphore, #tpu.memory_space<semaphore_mem>>) src(%arg10 : memref<128x128xf32, #tpu.memory_space<vmem>>) dst(%dma_wait3A_136 : memref<10240x128xf32, #tpu.memory_space<vmem_shared>>)
      tpu.yield
    }) : () -> ()
    %barrier3A_103 = arith.constant 0 : index
    tpu.barrier barrier_id(%barrier3A_103)
    %mul3A_104 = arith.constant 640 : i32
    %mul3A_105 = arith.muli %arg1, %mul3A_104 : i32
    %add3A_106 = arith.constant 0 : i32
    %add3A_107 = arith.addi %mul3A_105, %add3A_106 : i32
    "tpu.region"() ({
      %run_scoped3A_124 = tpu.sem_alloc : memref<!tpu.dma_semaphore, #tpu.memory_space<semaphore_mem>>
      %dma_start3A_125 = arith.constant 0 : i32
      %dma_start3A_126 = tpu.memref_slice %arg5[%arg0, %add3A_107, %dma_start3A_125] : memref<2x10240x128xf32, #tpu.memory_space<hbm>> -> memref<1x128x128xf32, #tpu.memory_space<hbm>>
      %dma_start3A_127 = tpu.memref_squeeze %dma_start3A_126 : memref<1x128x128xf32, #tpu.memory_space<hbm>> -> memref<128x128xf32, #tpu.memory_space<hbm>>
      %dma_start3A_128 = arith.constant 0 : i32
      %dma_start3A_129 = tpu.memref_slice %arg11[%add3A_107, %dma_start3A_128] : memref<10240x128xf32, #tpu.memory_space<vmem_shared>> -> memref<128x128xf32, #tpu.memory_space<vmem_shared>>
      tpu.enqueue_dma source(%dma_start3A_129 : memref<128x128xf32, #tpu.memory_space<vmem_shared>>) target(%dma_start3A_127 : memref<128x128xf32, #tpu.memory_space<hbm>>) target_semaphore(%run_scoped3A_124 : memref<!tpu.dma_semaphore, #tpu.memory_space<semaphore_mem>>)
      %dma_wait3A_130 = arith.constant 0 : i32
      %dma_wait3A_131 = tpu.memref_slice %arg5[%arg0, %add3A_107, %dma_wait3A_130] : memref<2x10240x128xf32, #tpu.memory_space<hbm>> -> memref<1x128x128xf32, #tpu.memory_space<hbm>>
      %dma_wait3A_132 = tpu.memref_squeeze %dma_wait3A_131 : memref<1x128x128xf32, #tpu.memory_space<hbm>> -> memref<128x128xf32, #tpu.memory_space<hbm>>
      %dma_wait3A_133 = arith.constant 0 : i32
      %dma_wait3A_134 = tpu.memref_slice %arg11[%add3A_107, %dma_wait3A_133] : memref<10240x128xf32, #tpu.memory_space<vmem_shared>> -> memref<128x128xf32, #tpu.memory_space<vmem_shared>>
      tpu.wait_dma2 semaphore(%run_scoped3A_124 : memref<!tpu.dma_semaphore, #tpu.memory_space<semaphore_mem>>) src(%dma_wait3A_134 : memref<128x128xf32, #tpu.memory_space<vmem_shared>>) dst(%dma_wait3A_132 : memref<128x128xf32, #tpu.memory_space<hbm>>)
      tpu.yield
    }) : () -> ()
    %mul3A_108 = arith.constant 640 : i32
    %mul3A_109 = arith.muli %arg1, %mul3A_108 : i32
    %add3A_110 = arith.constant 128 : i32
    %add3A_111 = arith.addi %mul3A_109, %add3A_110 : i32
    "tpu.region"() ({
      %run_scoped3A_124 = tpu.sem_alloc : memref<!tpu.dma_semaphore, #tpu.memory_space<semaphore_mem>>
      %dma_start3A_125 = arith.constant 0 : i32
      %dma_start3A_126 = tpu.memref_slice %arg5[%arg0, %add3A_111, %dma_start3A_125] : memref<2x10240x128xf32, #tpu.memory_space<hbm>> -> memref<1x128x128xf32, #tpu.memory_space<hbm>>
      %dma_start3A_127 = tpu.memref_squeeze %dma_start3A_126 : memref<1x128x128xf32, #tpu.memory_space<hbm>> -> memref<128x128xf32, #tpu.memory_space<hbm>>
      %dma_start3A_128 = arith.constant 0 : i32
      %dma_start3A_129 = tpu.memref_slice %arg11[%add3A_111, %dma_start3A_128] : memref<10240x128xf32, #tpu.memory_space<vmem_shared>> -> memref<128x128xf32, #tpu.memory_space<vmem_shared>>
      tpu.enqueue_dma source(%dma_start3A_129 : memref<128x128xf32, #tpu.memory_space<vmem_shared>>) target(%dma_start3A_127 : memref<128x128xf32, #tpu.memory_space<hbm>>) target_semaphore(%run_scoped3A_124 : memref<!tpu.dma_semaphore, #tpu.memory_space<semaphore_mem>>)
      %dma_wait3A_130 = arith.constant 0 : i32
      %dma_wait3A_131 = tpu.memref_slice %arg5[%arg0, %add3A_111, %dma_wait3A_130] : memref<2x10240x128xf32, #tpu.memory_space<hbm>> -> memref<1x128x128xf32, #tpu.memory_space<hbm>>
      %dma_wait3A_132 = tpu.memref_squeeze %dma_wait3A_131 : memref<1x128x128xf32, #tpu.memory_space<hbm>> -> memref<128x128xf32, #tpu.memory_space<hbm>>
      %dma_wait3A_133 = arith.constant 0 : i32
      %dma_wait3A_134 = tpu.memref_slice %arg11[%add3A_111, %dma_wait3A_133] : memref<10240x128xf32, #tpu.memory_space<vmem_shared>> -> memref<128x128xf32, #tpu.memory_space<vmem_shared>>
      tpu.wait_dma2 semaphore(%run_scoped3A_124 : memref<!tpu.dma_semaphore, #tpu.memory_space<semaphore_mem>>) src(%dma_wait3A_134 : memref<128x128xf32, #tpu.memory_space<vmem_shared>>) dst(%dma_wait3A_132 : memref<128x128xf32, #tpu.memory_space<hbm>>)
      tpu.yield
    }) : () -> ()
    %mul3A_112 = arith.constant 640 : i32
    %mul3A_113 = arith.muli %arg1, %mul3A_112 : i32
    %add3A_114 = arith.constant 256 : i32
    %add3A_115 = arith.addi %mul3A_113, %add3A_114 : i32
    "tpu.region"() ({
      %run_scoped3A_124 = tpu.sem_alloc : memref<!tpu.dma_semaphore, #tpu.memory_space<semaphore_mem>>
      %dma_start3A_125 = arith.constant 0 : i32
      %dma_start3A_126 = tpu.memref_slice %arg5[%arg0, %add3A_115, %dma_start3A_125] : memref<2x10240x128xf32, #tpu.memory_space<hbm>> -> memref<1x128x128xf32, #tpu.memory_space<hbm>>
      %dma_start3A_127 = tpu.memref_squeeze %dma_start3A_126 : memref<1x128x128xf32, #tpu.memory_space<hbm>> -> memref<128x128xf32, #tpu.memory_space<hbm>>
      %dma_start3A_128 = arith.constant 0 : i32
      %dma_start3A_129 = tpu.memref_slice %arg11[%add3A_115, %dma_start3A_128] : memref<10240x128xf32, #tpu.memory_space<vmem_shared>> -> memref<128x128xf32, #tpu.memory_space<vmem_shared>>
      tpu.enqueue_dma source(%dma_start3A_129 : memref<128x128xf32, #tpu.memory_space<vmem_shared>>) target(%dma_start3A_127 : memref<128x128xf32, #tpu.memory_space<hbm>>) target_semaphore(%run_scoped3A_124 : memref<!tpu.dma_semaphore, #tpu.memory_space<semaphore_mem>>)
      %dma_wait3A_130 = arith.constant 0 : i32
      %dma_wait3A_131 = tpu.memref_slice %arg5[%arg0, %add3A_115, %dma_wait3A_130] : memref<2x10240x128xf32, #tpu.memory_space<hbm>> -> memref<1x128x128xf32, #tpu.memory_space<hbm>>
      %dma_wait3A_132 = tpu.memref_squeeze %dma_wait3A_131 : memref<1x128x128xf32, #tpu.memory_space<hbm>> -> memref<128x128xf32, #tpu.memory_space<hbm>>
      %dma_wait3A_133 = arith.constant 0 : i32
      %dma_wait3A_134 = tpu.memref_slice %arg11[%add3A_115, %dma_wait3A_133] : memref<10240x128xf32, #tpu.memory_space<vmem_shared>> -> memref<128x128xf32, #tpu.memory_space<vmem_shared>>
      tpu.wait_dma2 semaphore(%run_scoped3A_124 : memref<!tpu.dma_semaphore, #tpu.memory_space<semaphore_mem>>) src(%dma_wait3A_134 : memref<128x128xf32, #tpu.memory_space<vmem_shared>>) dst(%dma_wait3A_132 : memref<128x128xf32, #tpu.memory_space<hbm>>)
      tpu.yield
    }) : () -> ()
    %mul3A_116 = arith.constant 640 : i32
    %mul3A_117 = arith.muli %arg1, %mul3A_116 : i32
    %add3A_118 = arith.constant 384 : i32
    %add3A_119 = arith.addi %mul3A_117, %add3A_118 : i32
    "tpu.region"() ({
      %run_scoped3A_124 = tpu.sem_alloc : memref<!tpu.dma_semaphore, #tpu.memory_space<semaphore_mem>>
      %dma_start3A_125 = arith.constant 0 : i32
      %dma_start3A_126 = tpu.memref_slice %arg5[%arg0, %add3A_119, %dma_start3A_125] : memref<2x10240x128xf32, #tpu.memory_space<hbm>> -> memref<1x128x128xf32, #tpu.memory_space<hbm>>
      %dma_start3A_127 = tpu.memref_squeeze %dma_start3A_126 : memref<1x128x128xf32, #tpu.memory_space<hbm>> -> memref<128x128xf32, #tpu.memory_space<hbm>>
      %dma_start3A_128 = arith.constant 0 : i32
      %dma_start3A_129 = tpu.memref_slice %arg11[%add3A_119, %dma_start3A_128] : memref<10240x128xf32, #tpu.memory_space<vmem_shared>> -> memref<128x128xf32, #tpu.memory_space<vmem_shared>>
      tpu.enqueue_dma source(%dma_start3A_129 : memref<128x128xf32, #tpu.memory_space<vmem_shared>>) target(%dma_start3A_127 : memref<128x128xf32, #tpu.memory_space<hbm>>) target_semaphore(%run_scoped3A_124 : memref<!tpu.dma_semaphore, #tpu.memory_space<semaphore_mem>>)
      %dma_wait3A_130 = arith.constant 0 : i32
      %dma_wait3A_131 = tpu.memref_slice %arg5[%arg0, %add3A_119, %dma_wait3A_130] : memref<2x10240x128xf32, #tpu.memory_space<hbm>> -> memref<1x128x128xf32, #tpu.memory_space<hbm>>
      %dma_wait3A_132 = tpu.memref_squeeze %dma_wait3A_131 : memref<1x128x128xf32, #tpu.memory_space<hbm>> -> memref<128x128xf32, #tpu.memory_space<hbm>>
      %dma_wait3A_133 = arith.constant 0 : i32
      %dma_wait3A_134 = tpu.memref_slice %arg11[%add3A_119, %dma_wait3A_133] : memref<10240x128xf32, #tpu.memory_space<vmem_shared>> -> memref<128x128xf32, #tpu.memory_space<vmem_shared>>
      tpu.wait_dma2 semaphore(%run_scoped3A_124 : memref<!tpu.dma_semaphore, #tpu.memory_space<semaphore_mem>>) src(%dma_wait3A_134 : memref<128x128xf32, #tpu.memory_space<vmem_shared>>) dst(%dma_wait3A_132 : memref<128x128xf32, #tpu.memory_space<hbm>>)
      tpu.yield
    }) : () -> ()
    %mul3A_120 = arith.constant 640 : i32
    %mul3A_121 = arith.muli %arg1, %mul3A_120 : i32
    %add3A_122 = arith.constant 512 : i32
    %add3A_123 = arith.addi %mul3A_121, %add3A_122 : i32
    "tpu.region"() ({
      %run_scoped3A_124 = tpu.sem_alloc : memref<!tpu.dma_semaphore, #tpu.memory_space<semaphore_mem>>
      %dma_start3A_125 = arith.constant 0 : i32
      %dma_start3A_126 = tpu.memref_slice %arg5[%arg0, %add3A_123, %dma_start3A_125] : memref<2x10240x128xf32, #tpu.memory_space<hbm>> -> memref<1x128x128xf32, #tpu.memory_space<hbm>>
      %dma_start3A_127 = tpu.memref_squeeze %dma_start3A_126 : memref<1x128x128xf32, #tpu.memory_space<hbm>> -> memref<128x128xf32, #tpu.memory_space<hbm>>
      %dma_start3A_128 = arith.constant 0 : i32
      %dma_start3A_129 = tpu.memref_slice %arg11[%add3A_123, %dma_start3A_128] : memref<10240x128xf32, #tpu.memory_space<vmem_shared>> -> memref<128x128xf32, #tpu.memory_space<vmem_shared>>
      tpu.enqueue_dma source(%dma_start3A_129 : memref<128x128xf32, #tpu.memory_space<vmem_shared>>) target(%dma_start3A_127 : memref<128x128xf32, #tpu.memory_space<hbm>>) target_semaphore(%run_scoped3A_124 : memref<!tpu.dma_semaphore, #tpu.memory_space<semaphore_mem>>)
      %dma_wait3A_130 = arith.constant 0 : i32
      %dma_wait3A_131 = tpu.memref_slice %arg5[%arg0, %add3A_123, %dma_wait3A_130] : memref<2x10240x128xf32, #tpu.memory_space<hbm>> -> memref<1x128x128xf32, #tpu.memory_space<hbm>>
      %dma_wait3A_132 = tpu.memref_squeeze %dma_wait3A_131 : memref<1x128x128xf32, #tpu.memory_space<hbm>> -> memref<128x128xf32, #tpu.memory_space<hbm>>
      %dma_wait3A_133 = arith.constant 0 : i32
      %dma_wait3A_134 = tpu.memref_slice %arg11[%add3A_123, %dma_wait3A_133] : memref<10240x128xf32, #tpu.memory_space<vmem_shared>> -> memref<128x128xf32, #tpu.memory_space<vmem_shared>>
      tpu.wait_dma2 semaphore(%run_scoped3A_124 : memref<!tpu.dma_semaphore, #tpu.memory_space<semaphore_mem>>) src(%dma_wait3A_134 : memref<128x128xf32, #tpu.memory_space<vmem_shared>>) dst(%dma_wait3A_132 : memref<128x128xf32, #tpu.memory_space<hbm>>)
      tpu.yield
    }) : () -> ()
    return
  }
}

#map = affine_map<(d0, d1) -> (0, 0)>
#map1 = affine_map<(d0, d1) -> (0)>
#map2 = affine_map<(d0, d1) -> (0, 0, 0)>
module attributes {stable_mosaic.version = 14 : i64} {
  func.func @_agg_body(%arg0: i32, %arg1: i32, %arg2: memref<10000x128xf32, #tpu.memory_space<hbm>>, %arg3: memref<327680xi32, #tpu.memory_space<hbm>>, %arg4: memref<2560x128xi32, #tpu.memory_space<hbm>>, %arg5: memref<2x10240x128xf32, #tpu.memory_space<hbm>>, %arg6: memref<128xi32, #tpu.memory_space<vmem>>, %arg7: memref<128xi32, #tpu.memory_space<vmem>>, %arg8: memref<80x128xi32, #tpu.memory_space<vmem>>, %arg9: memref<128x128xf32, #tpu.memory_space<vmem>>, %arg10: memref<128x128xf32, #tpu.memory_space<vmem>>, %arg11: memref<10240x128xf32, #tpu.memory_space<vmem_shared>>, %arg12: memref<!tpu.dma_semaphore, #tpu.memory_space<semaphore_mem>>, %arg13: memref<!tpu.dma_semaphore, #tpu.memory_space<semaphore_mem>>, %arg14: memref<!tpu.dma_semaphore, #tpu.memory_space<semaphore_mem>>, %arg15: memref<!tpu.dma_semaphore, #tpu.memory_space<semaphore_mem>>, %arg16: memref<!tpu.dma_semaphore, #tpu.memory_space<semaphore_mem>>, %arg17: memref<!tpu.dma_semaphore, #tpu.memory_space<semaphore_mem>>, %arg18: memref<!tpu.dma_semaphore, #tpu.memory_space<semaphore_mem>>) attributes {dimension_semantics = [#tpu.dimension_semantics<core_parallel>, #tpu.dimension_semantics<subcore_parallel>], iteration_bounds = array<i64: 2, 16>, scalar_prefetch = 0 : i64, scratch_operands = 13 : i64, tpu.core_type = #tpu.core_type<sc_vector_subcore>, window_params = [{transform_indices = #map}, {transform_indices = #map1}, {transform_indices = #map}, {transform_indices = #map2}]} {
    %mul3A = arith.constant 16 : i32
    %mul3A_0 = arith.muli %arg0, %mul3A : i32
    %add3A = arith.addi %mul3A_0, %arg1 : i32
    %mul3A_1 = arith.constant 80 : i32
    %mul3A_2 = arith.muli %add3A, %mul3A_1 : i32
    %mul3A_3 = arith.constant 10240 : i32
    %mul3A_4 = arith.muli %add3A, %mul3A_3 : i32
    %dma_start3A = arith.constant 0 : i32
    %dma_start3A_5 = tpu.memref_slice %arg4[%mul3A_2, %dma_start3A] : memref<2560x128xi32, #tpu.memory_space<hbm>> -> memref<80x128xi32, #tpu.memory_space<hbm>>
    %dma_start3A_6 = arith.constant 0 : i32
    %dma_start3A_7 = tpu.memref_slice %arg4[%mul3A_2, %dma_start3A_6] : memref<2560x128xi32, #tpu.memory_space<hbm>> -> memref<80x128xi32, #tpu.memory_space<hbm>>
    tpu.enqueue_dma source(%dma_start3A_7 : memref<80x128xi32, #tpu.memory_space<hbm>>) target(%arg8 : memref<80x128xi32, #tpu.memory_space<vmem>>) target_semaphore(%arg12 : memref<!tpu.dma_semaphore, #tpu.memory_space<semaphore_mem>>)
    %add3A_8 = arith.constant 0 : i32
    %add3A_9 = arith.addi %mul3A_4, %add3A_8 : i32
    %dma_start3A_10 = tpu.memref_slice %arg3[%add3A_9] : memref<327680xi32, #tpu.memory_space<hbm>> -> memref<128xi32, #tpu.memory_space<hbm>>
    %dma_start3A_11 = tpu.memref_slice %arg3[%add3A_9] : memref<327680xi32, #tpu.memory_space<hbm>> -> memref<128xi32, #tpu.memory_space<hbm>>
    tpu.enqueue_dma source(%dma_start3A_11 : memref<128xi32, #tpu.memory_space<hbm>>) target(%arg6 : memref<128xi32, #tpu.memory_space<vmem>>) target_semaphore(%arg13 : memref<!tpu.dma_semaphore, #tpu.memory_space<semaphore_mem>>)
    %scan3A = arith.constant 0 : i32
    %scan3A_12 = arith.constant 0 : i32
    %scan3A_13 = arith.constant 1024 : i32
    %scan3A_14 = arith.addi %scan3A_12, %scan3A_13 : i32
    %scan3A_15 = arith.constant 1 : i32
    %scan3A_16 = scf.for %scan3A_124 = %scan3A_12 to %scan3A_14 step %scan3A_15 iter_args(%scan3A_125 = %scan3A) -> (i32)  : i32 {
      %jit3A = arith.constant 8 : i32
      %div3A = arith.divsi %scan3A_124, %jit3A : i32
      %sign3A = arith.constant 0 : i32
      %sign3A_126 = arith.cmpi sgt, %scan3A_124, %sign3A : i32
      %sign3A_127 = arith.extui %sign3A_126 : i1 to i32
      %sign3A_128 = arith.constant 0 : i32
      %sign3A_129 = arith.cmpi slt, %scan3A_124, %sign3A_128 : i32
      %sign3A_130 = arith.extui %sign3A_129 : i1 to i32
      %sign3A_131 = arith.subi %sign3A_127, %sign3A_130 : i32
      %sign3A_132 = arith.constant 0 : i32
      %sign3A_133 = arith.cmpi sgt, %jit3A, %sign3A_132 : i32
      %sign3A_134 = arith.extui %sign3A_133 : i1 to i32
      %sign3A_135 = arith.constant 0 : i32
      %sign3A_136 = arith.cmpi slt, %jit3A, %sign3A_135 : i32
      %sign3A_137 = arith.extui %sign3A_136 : i1 to i32
      %sign3A_138 = arith.subi %sign3A_134, %sign3A_137 : i32
      %ne3A = arith.cmpi ne, %sign3A_131, %sign3A_138 : i32
      %rem3A = arith.remsi %scan3A_124, %jit3A : i32
      %ne3A_139 = arith.constant 0 : i32
      %ne3A_140 = arith.cmpi ne, %rem3A, %ne3A_139 : i32
      %and3A = arith.andi %ne3A, %ne3A_140 : i1
      %sub3A = arith.constant 1 : i32
      %sub3A_141 = arith.subi %div3A, %sub3A : i32
      %select_n3A = arith.select %and3A, %sub3A_141, %div3A : i32
      %jit3A_142 = arith.constant 8 : i32
      %eq3A = arith.constant 0 : i32
      %eq3A_143 = arith.cmpi eq, %jit3A_142, %eq3A : i32
      %jit3A_144 = arith.constant 1 : i32
      %select_n3A_145 = arith.select %eq3A_143, %jit3A_144, %jit3A_142 : i32
      %rem3A_146 = arith.remsi %scan3A_124, %select_n3A_145 : i32
      %ne3A_147 = arith.constant 0 : i32
      %ne3A_148 = arith.cmpi ne, %rem3A_146, %ne3A_147 : i32
      %lt3A = arith.constant 0 : i32
      %lt3A_149 = arith.cmpi slt, %rem3A_146, %lt3A : i32
      %lt3A_150 = arith.constant 0 : i32
      %lt3A_151 = arith.cmpi slt, %select_n3A_145, %lt3A_150 : i32
      %ne3A_152 = arith.xori %lt3A_149, %lt3A_151 : i1
      %and3A_153 = arith.andi %ne3A_152, %ne3A_148 : i1
      %add3A_154 = arith.addi %rem3A_146, %select_n3A_145 : i32
      %select_n3A_155 = arith.select %and3A_153, %add3A_154, %rem3A_146 : i32
      %broadcast_in_dim3A = arith.constant 0.000000e+00 : f32
      %broadcast_in_dim3A_156 = vector.broadcast %broadcast_in_dim3A : f32 to vector<16xf32>
      %mul3A_157 = arith.constant 16 : i32
      %mul3A_158 = arith.muli %select_n3A_155, %mul3A_157 : i32
      %swap3A = arith.index_cast %select_n3A : i32 to index
      %swap3A_159 = arith.index_cast %mul3A_158 : i32 to index
      %swap3A_160 = tpu.vector_load %arg9[%swap3A, %swap3A_159] {strides = array<i32>} : memref<128x128xf32, #tpu.memory_space<vmem>>, vector<1x16xf32>,
      %swap3A_161 = vector.shape_cast %swap3A_160 : vector<1x16xf32> to vector<16xf32>
      %swap3A_162 = vector.shape_cast %broadcast_in_dim3A_156 : vector<16xf32> to vector<1x16xf32>
      tpu.vector_store %arg9[%swap3A, %swap3A_159], %swap3A_162 {strides = array<i32>} : memref<128x128xf32, #tpu.memory_space<vmem>>, vector<1x16xf32>,
      %scan3A_163 = arith.constant 0 : i32
      scf.yield %scan3A_163 : i32
    }
    %scan3A_17 = arith.constant 1024 : i32
    %mul3A_18 = arith.constant 640 : i32
    %mul3A_19 = arith.muli %arg1, %mul3A_18 : i32
    %add3A_20 = arith.constant 0 : i32
    %add3A_21 = arith.addi %mul3A_19, %add3A_20 : i32
    "tpu.region"() ({
      %run_scoped3A_124 = tpu.sem_alloc : memref<!tpu.dma_semaphore, #tpu.memory_space<semaphore_mem>>
      %dma_start3A_125 = arith.constant 0 : i32
      %dma_start3A_126 = tpu.memref_slice %arg11[%add3A_21, %dma_start3A_125] : memref<10240x128xf32, #tpu.memory_space<vmem_shared>> -> memref<128x128xf32, #tpu.memory_space<vmem_shared>>
      %dma_start3A_127 = arith.constant 0 : i32
      %dma_start3A_128 = tpu.memref_slice %arg11[%add3A_21, %dma_start3A_127] : memref<10240x128xf32, #tpu.memory_space<vmem_shared>> -> memref<128x128xf32, #tpu.memory_space<vmem_shared>>
      tpu.enqueue_dma source(%arg9 : memref<128x128xf32, #tpu.memory_space<vmem>>) target(%dma_start3A_128 : memref<128x128xf32, #tpu.memory_space<vmem_shared>>) target_semaphore(%run_scoped3A_124 : memref<!tpu.dma_semaphore, #tpu.memory_space<semaphore_mem>>)
      %dma_wait3A_129 = arith.constant 0 : i32
      %dma_wait3A_130 = tpu.memref_slice %arg11[%add3A_21, %dma_wait3A_129] : memref<10240x128xf32, #tpu.memory_space<vmem_shared>> -> memref<128x128xf32, #tpu.memory_space<vmem_shared>>
      %dma_wait3A_131 = arith.constant 0 : i32
      %dma_wait3A_132 = tpu.memref_slice %arg11[%add3A_21, %dma_wait3A_131] : memref<10240x128xf32, #tpu.memory_space<vmem_shared>> -> memref<128x128xf32, #tpu.memory_space<vmem_shared>>
      tpu.wait_dma2 semaphore(%run_scoped3A_124 : memref<!tpu.dma_semaphore, #tpu.memory_space<semaphore_mem>>) src(%arg9 : memref<128x128xf32, #tpu.memory_space<vmem>>) dst(%dma_wait3A_132 : memref<128x128xf32, #tpu.memory_space<vmem_shared>>)
      tpu.yield
    }) : () -> ()
    %mul3A_22 = arith.constant 640 : i32
    %mul3A_23 = arith.muli %arg1, %mul3A_22 : i32
    %add3A_24 = arith.constant 128 : i32
    %add3A_25 = arith.addi %mul3A_23, %add3A_24 : i32
    "tpu.region"() ({
      %run_scoped3A_124 = tpu.sem_alloc : memref<!tpu.dma_semaphore, #tpu.memory_space<semaphore_mem>>
      %dma_start3A_125 = arith.constant 0 : i32
      %dma_start3A_126 = tpu.memref_slice %arg11[%add3A_25, %dma_start3A_125] : memref<10240x128xf32, #tpu.memory_space<vmem_shared>> -> memref<128x128xf32, #tpu.memory_space<vmem_shared>>
      %dma_start3A_127 = arith.constant 0 : i32
      %dma_start3A_128 = tpu.memref_slice %arg11[%add3A_25, %dma_start3A_127] : memref<10240x128xf32, #tpu.memory_space<vmem_shared>> -> memref<128x128xf32, #tpu.memory_space<vmem_shared>>
      tpu.enqueue_dma source(%arg9 : memref<128x128xf32, #tpu.memory_space<vmem>>) target(%dma_start3A_128 : memref<128x128xf32, #tpu.memory_space<vmem_shared>>) target_semaphore(%run_scoped3A_124 : memref<!tpu.dma_semaphore, #tpu.memory_space<semaphore_mem>>)
      %dma_wait3A_129 = arith.constant 0 : i32
      %dma_wait3A_130 = tpu.memref_slice %arg11[%add3A_25, %dma_wait3A_129] : memref<10240x128xf32, #tpu.memory_space<vmem_shared>> -> memref<128x128xf32, #tpu.memory_space<vmem_shared>>
      %dma_wait3A_131 = arith.constant 0 : i32
      %dma_wait3A_132 = tpu.memref_slice %arg11[%add3A_25, %dma_wait3A_131] : memref<10240x128xf32, #tpu.memory_space<vmem_shared>> -> memref<128x128xf32, #tpu.memory_space<vmem_shared>>
      tpu.wait_dma2 semaphore(%run_scoped3A_124 : memref<!tpu.dma_semaphore, #tpu.memory_space<semaphore_mem>>) src(%arg9 : memref<128x128xf32, #tpu.memory_space<vmem>>) dst(%dma_wait3A_132 : memref<128x128xf32, #tpu.memory_space<vmem_shared>>)
      tpu.yield
    }) : () -> ()
    %mul3A_26 = arith.constant 640 : i32
    %mul3A_27 = arith.muli %arg1, %mul3A_26 : i32
    %add3A_28 = arith.constant 256 : i32
    %add3A_29 = arith.addi %mul3A_27, %add3A_28 : i32
    "tpu.region"() ({
      %run_scoped3A_124 = tpu.sem_alloc : memref<!tpu.dma_semaphore, #tpu.memory_space<semaphore_mem>>
      %dma_start3A_125 = arith.constant 0 : i32
      %dma_start3A_126 = tpu.memref_slice %arg11[%add3A_29, %dma_start3A_125] : memref<10240x128xf32, #tpu.memory_space<vmem_shared>> -> memref<128x128xf32, #tpu.memory_space<vmem_shared>>
      %dma_start3A_127 = arith.constant 0 : i32
      %dma_start3A_128 = tpu.memref_slice %arg11[%add3A_29, %dma_start3A_127] : memref<10240x128xf32, #tpu.memory_space<vmem_shared>> -> memref<128x128xf32, #tpu.memory_space<vmem_shared>>
      tpu.enqueue_dma source(%arg9 : memref<128x128xf32, #tpu.memory_space<vmem>>) target(%dma_start3A_128 : memref<128x128xf32, #tpu.memory_space<vmem_shared>>) target_semaphore(%run_scoped3A_124 : memref<!tpu.dma_semaphore, #tpu.memory_space<semaphore_mem>>)
      %dma_wait3A_129 = arith.constant 0 : i32
      %dma_wait3A_130 = tpu.memref_slice %arg11[%add3A_29, %dma_wait3A_129] : memref<10240x128xf32, #tpu.memory_space<vmem_shared>> -> memref<128x128xf32, #tpu.memory_space<vmem_shared>>
      %dma_wait3A_131 = arith.constant 0 : i32
      %dma_wait3A_132 = tpu.memref_slice %arg11[%add3A_29, %dma_wait3A_131] : memref<10240x128xf32, #tpu.memory_space<vmem_shared>> -> memref<128x128xf32, #tpu.memory_space<vmem_shared>>
      tpu.wait_dma2 semaphore(%run_scoped3A_124 : memref<!tpu.dma_semaphore, #tpu.memory_space<semaphore_mem>>) src(%arg9 : memref<128x128xf32, #tpu.memory_space<vmem>>) dst(%dma_wait3A_132 : memref<128x128xf32, #tpu.memory_space<vmem_shared>>)
      tpu.yield
    }) : () -> ()
    %mul3A_30 = arith.constant 640 : i32
    %mul3A_31 = arith.muli %arg1, %mul3A_30 : i32
    %add3A_32 = arith.constant 384 : i32
    %add3A_33 = arith.addi %mul3A_31, %add3A_32 : i32
    "tpu.region"() ({
      %run_scoped3A_124 = tpu.sem_alloc : memref<!tpu.dma_semaphore, #tpu.memory_space<semaphore_mem>>
      %dma_start3A_125 = arith.constant 0 : i32
      %dma_start3A_126 = tpu.memref_slice %arg11[%add3A_33, %dma_start3A_125] : memref<10240x128xf32, #tpu.memory_space<vmem_shared>> -> memref<128x128xf32, #tpu.memory_space<vmem_shared>>
      %dma_start3A_127 = arith.constant 0 : i32
      %dma_start3A_128 = tpu.memref_slice %arg11[%add3A_33, %dma_start3A_127] : memref<10240x128xf32, #tpu.memory_space<vmem_shared>> -> memref<128x128xf32, #tpu.memory_space<vmem_shared>>
      tpu.enqueue_dma source(%arg9 : memref<128x128xf32, #tpu.memory_space<vmem>>) target(%dma_start3A_128 : memref<128x128xf32, #tpu.memory_space<vmem_shared>>) target_semaphore(%run_scoped3A_124 : memref<!tpu.dma_semaphore, #tpu.memory_space<semaphore_mem>>)
      %dma_wait3A_129 = arith.constant 0 : i32
      %dma_wait3A_130 = tpu.memref_slice %arg11[%add3A_33, %dma_wait3A_129] : memref<10240x128xf32, #tpu.memory_space<vmem_shared>> -> memref<128x128xf32, #tpu.memory_space<vmem_shared>>
      %dma_wait3A_131 = arith.constant 0 : i32
      %dma_wait3A_132 = tpu.memref_slice %arg11[%add3A_33, %dma_wait3A_131] : memref<10240x128xf32, #tpu.memory_space<vmem_shared>> -> memref<128x128xf32, #tpu.memory_space<vmem_shared>>
      tpu.wait_dma2 semaphore(%run_scoped3A_124 : memref<!tpu.dma_semaphore, #tpu.memory_space<semaphore_mem>>) src(%arg9 : memref<128x128xf32, #tpu.memory_space<vmem>>) dst(%dma_wait3A_132 : memref<128x128xf32, #tpu.memory_space<vmem_shared>>)
      tpu.yield
    }) : () -> ()
    %mul3A_34 = arith.constant 640 : i32
    %mul3A_35 = arith.muli %arg1, %mul3A_34 : i32
    %add3A_36 = arith.constant 512 : i32
    %add3A_37 = arith.addi %mul3A_35, %add3A_36 : i32
    "tpu.region"() ({
      %run_scoped3A_124 = tpu.sem_alloc : memref<!tpu.dma_semaphore, #tpu.memory_space<semaphore_mem>>
      %dma_start3A_125 = arith.constant 0 : i32
      %dma_start3A_126 = tpu.memref_slice %arg11[%add3A_37, %dma_start3A_125] : memref<10240x128xf32, #tpu.memory_space<vmem_shared>> -> memref<128x128xf32, #tpu.memory_space<vmem_shared>>
      %dma_start3A_127 = arith.constant 0 : i32
      %dma_start3A_128 = tpu.memref_slice %arg11[%add3A_37, %dma_start3A_127] : memref<10240x128xf32, #tpu.memory_space<vmem_shared>> -> memref<128x128xf32, #tpu.memory_space<vmem_shared>>
      tpu.enqueue_dma source(%arg9 : memref<128x128xf32, #tpu.memory_space<vmem>>) target(%dma_start3A_128 : memref<128x128xf32, #tpu.memory_space<vmem_shared>>) target_semaphore(%run_scoped3A_124 : memref<!tpu.dma_semaphore, #tpu.memory_space<semaphore_mem>>)
      %dma_wait3A_129 = arith.constant 0 : i32
      %dma_wait3A_130 = tpu.memref_slice %arg11[%add3A_37, %dma_wait3A_129] : memref<10240x128xf32, #tpu.memory_space<vmem_shared>> -> memref<128x128xf32, #tpu.memory_space<vmem_shared>>
      %dma_wait3A_131 = arith.constant 0 : i32
      %dma_wait3A_132 = tpu.memref_slice %arg11[%add3A_37, %dma_wait3A_131] : memref<10240x128xf32, #tpu.memory_space<vmem_shared>> -> memref<128x128xf32, #tpu.memory_space<vmem_shared>>
      tpu.wait_dma2 semaphore(%run_scoped3A_124 : memref<!tpu.dma_semaphore, #tpu.memory_space<semaphore_mem>>) src(%arg9 : memref<128x128xf32, #tpu.memory_space<vmem>>) dst(%dma_wait3A_132 : memref<128x128xf32, #tpu.memory_space<vmem_shared>>)
      tpu.yield
    }) : () -> ()
    %barrier3A = arith.constant 0 : index
    tpu.barrier barrier_id(%barrier3A)
    %dma_wait3A = arith.constant 0 : i32
    %dma_wait3A_38 = tpu.memref_slice %arg4[%mul3A_2, %dma_wait3A] : memref<2560x128xi32, #tpu.memory_space<hbm>> -> memref<80x128xi32, #tpu.memory_space<hbm>>
    %dma_wait3A_39 = arith.constant 0 : i32
    %dma_wait3A_40 = tpu.memref_slice %arg4[%mul3A_2, %dma_wait3A_39] : memref<2560x128xi32, #tpu.memory_space<hbm>> -> memref<80x128xi32, #tpu.memory_space<hbm>>
    tpu.wait_dma2 semaphore(%arg12 : memref<!tpu.dma_semaphore, #tpu.memory_space<semaphore_mem>>) src(%dma_wait3A_40 : memref<80x128xi32, #tpu.memory_space<hbm>>) dst(%arg8 : memref<80x128xi32, #tpu.memory_space<vmem>>)
    %add3A_41 = arith.constant 0 : i32
    %add3A_42 = arith.addi %mul3A_4, %add3A_41 : i32
    %dma_wait3A_43 = tpu.memref_slice %arg3[%add3A_42] : memref<327680xi32, #tpu.memory_space<hbm>> -> memref<128xi32, #tpu.memory_space<hbm>>
    %dma_wait3A_44 = tpu.memref_slice %arg3[%add3A_42] : memref<327680xi32, #tpu.memory_space<hbm>> -> memref<128xi32, #tpu.memory_space<hbm>>
    tpu.wait_dma2 semaphore(%arg13 : memref<!tpu.dma_semaphore, #tpu.memory_space<semaphore_mem>>) src(%dma_wait3A_44 : memref<128xi32, #tpu.memory_space<hbm>>) dst(%arg6 : memref<128xi32, #tpu.memory_space<vmem>>)
    %dma_start3A_45 = arith.constant 0 : i32
    %dma_start3A_46 = arith.constant 0 : i32
    %dma_start3A_47 = tpu.memref_slice %arg2[%dma_start3A_45, %dma_start3A_46] : memref<10000x128xf32, #tpu.memory_space<hbm>> -> memref<10000x128xf32, #tpu.memory_space<hbm>>
    tpu.enqueue_indirect_dma source(%dma_start3A_47 : memref<10000x128xf32, #tpu.memory_space<hbm>>) target(%arg9 : memref<128x128xf32, #tpu.memory_space<vmem>>) offsets(%arg6 : memref<128xi32, #tpu.memory_space<vmem>>) semaphore(%arg15 : memref<!tpu.dma_semaphore, #tpu.memory_space<semaphore_mem>>)
    %add3A_48 = arith.constant 128 : i32
    %add3A_49 = arith.addi %mul3A_4, %add3A_48 : i32
    %dma_start3A_50 = tpu.memref_slice %arg3[%add3A_49] : memref<327680xi32, #tpu.memory_space<hbm>> -> memref<128xi32, #tpu.memory_space<hbm>>
    %dma_start3A_51 = tpu.memref_slice %arg3[%add3A_49] : memref<327680xi32, #tpu.memory_space<hbm>> -> memref<128xi32, #tpu.memory_space<hbm>>
    tpu.enqueue_dma source(%dma_start3A_51 : memref<128xi32, #tpu.memory_space<hbm>>) target(%arg7 : memref<128xi32, #tpu.memory_space<vmem>>) target_semaphore(%arg14 : memref<!tpu.dma_semaphore, #tpu.memory_space<semaphore_mem>>)
    %dma_wait3A_52 = arith.constant 0 : i32
    %dma_wait3A_53 = arith.constant 0 : i32
    %dma_wait3A_54 = tpu.memref_slice %arg2[%dma_wait3A_52, %dma_wait3A_53] : memref<10000x128xf32, #tpu.memory_space<hbm>> -> memref<10000x128xf32, #tpu.memory_space<hbm>>
    tpu.wait_indirect_dma semaphore(%arg15 : memref<!tpu.dma_semaphore, #tpu.memory_space<semaphore_mem>>) src(%dma_wait3A_54 : memref<10000x128xf32, #tpu.memory_space<hbm>>) dst(%arg9 : memref<128x128xf32, #tpu.memory_space<vmem>>)
    %add3A_55 = arith.constant 128 : i32
    %add3A_56 = arith.addi %mul3A_4, %add3A_55 : i32
    %dma_wait3A_57 = tpu.memref_slice %arg3[%add3A_56] : memref<327680xi32, #tpu.memory_space<hbm>> -> memref<128xi32, #tpu.memory_space<hbm>>
    %dma_wait3A_58 = tpu.memref_slice %arg3[%add3A_56] : memref<327680xi32, #tpu.memory_space<hbm>> -> memref<128xi32, #tpu.memory_space<hbm>>
    tpu.wait_dma2 semaphore(%arg14 : memref<!tpu.dma_semaphore, #tpu.memory_space<semaphore_mem>>) src(%dma_wait3A_58 : memref<128xi32, #tpu.memory_space<hbm>>) dst(%arg7 : memref<128xi32, #tpu.memory_space<vmem>>)
    %dma_start3A_59 = arith.constant 0 : i32
    %dma_start3A_60 = arith.constant 0 : i32
    %dma_start3A_61 = tpu.memref_slice %arg2[%dma_start3A_59, %dma_start3A_60] : memref<10000x128xf32, #tpu.memory_space<hbm>> -> memref<10000x128xf32, #tpu.memory_space<hbm>>
    tpu.enqueue_indirect_dma source(%dma_start3A_61 : memref<10000x128xf32, #tpu.memory_space<hbm>>) target(%arg10 : memref<128x128xf32, #tpu.memory_space<vmem>>) offsets(%arg7 : memref<128xi32, #tpu.memory_space<vmem>>) semaphore(%arg16 : memref<!tpu.dma_semaphore, #tpu.memory_space<semaphore_mem>>)
    %add3A_62 = arith.constant 256 : i32
    %add3A_63 = arith.addi %mul3A_4, %add3A_62 : i32
    %dma_start3A_64 = tpu.memref_slice %arg3[%add3A_63] : memref<327680xi32, #tpu.memory_space<hbm>> -> memref<128xi32, #tpu.memory_space<hbm>>
    %dma_start3A_65 = tpu.memref_slice %arg3[%add3A_63] : memref<327680xi32, #tpu.memory_space<hbm>> -> memref<128xi32, #tpu.memory_space<hbm>>
    tpu.enqueue_dma source(%dma_start3A_65 : memref<128xi32, #tpu.memory_space<hbm>>) target(%arg6 : memref<128xi32, #tpu.memory_space<vmem>>) target_semaphore(%arg13 : memref<!tpu.dma_semaphore, #tpu.memory_space<semaphore_mem>>)
    %run_scoped3A = arith.constant 0 : i32
    "tpu.region"() ({
      %run_scoped3A_124 = tpu.sem_alloc : memref<!tpu.dma_semaphore, #tpu.memory_space<semaphore_mem>>
      %dma_start3A_125 = arith.constant 0 : i32
      %dma_start3A_126 = tpu.memref_slice %arg8[%run_scoped3A, %dma_start3A_125] : memref<80x128xi32, #tpu.memory_space<vmem>> -> memref<1x128xi32, #tpu.memory_space<vmem>>
      %dma_start3A_127 = tpu.memref_squeeze %dma_start3A_126 : memref<1x128xi32, #tpu.memory_space<vmem>> -> memref<128xi32, #tpu.memory_space<vmem>>
      %dma_start3A_128 = arith.constant 0 : i32
      %dma_start3A_129 = arith.constant 0 : i32
      %dma_start3A_130 = tpu.memref_slice %arg11[%dma_start3A_128, %dma_start3A_129] : memref<10240x128xf32, #tpu.memory_space<vmem_shared>> -> memref<10240x128xf32, #tpu.memory_space<vmem_shared>>
      tpu.enqueue_indirect_dma source(%arg9 : memref<128x128xf32, #tpu.memory_space<vmem>>) target(%dma_start3A_130 : memref<10240x128xf32, #tpu.memory_space<vmem_shared>>) offsets(%dma_start3A_127 : memref<128xi32, #tpu.memory_space<vmem>>) semaphore(%run_scoped3A_124 : memref<!tpu.dma_semaphore, #tpu.memory_space<semaphore_mem>>) {add = true}
      %dma_wait3A_131 = arith.constant 0 : i32
      %dma_wait3A_132 = tpu.memref_slice %arg8[%run_scoped3A, %dma_wait3A_131] : memref<80x128xi32, #tpu.memory_space<vmem>> -> memref<1x128xi32, #tpu.memory_space<vmem>>
      %dma_wait3A_133 = tpu.memref_squeeze %dma_wait3A_132 : memref<1x128xi32, #tpu.memory_space<vmem>> -> memref<128xi32, #tpu.memory_space<vmem>>
      %dma_wait3A_134 = arith.constant 0 : i32
      %dma_wait3A_135 = arith.constant 0 : i32
      %dma_wait3A_136 = tpu.memref_slice %arg11[%dma_wait3A_134, %dma_wait3A_135] : memref<10240x128xf32, #tpu.memory_space<vmem_shared>> -> memref<10240x128xf32, #tpu.memory_space<vmem_shared>>
      tpu.wait_indirect_dma semaphore(%run_scoped3A_124 : memref<!tpu.dma_semaphore, #tpu.memory_space<semaphore_mem>>) src(%arg9 : memref<128x128xf32, #tpu.memory_space<vmem>>) dst(%dma_wait3A_136 : memref<10240x128xf32, #tpu.memory_space<vmem_shared>>)
      tpu.yield
    }) : () -> ()
    %scan3A_66 = arith.constant 0 : i32
    %scan3A_67 = arith.constant 0 : i32
    %scan3A_68 = arith.constant 38 : i32
    %scan3A_69 = arith.addi %scan3A_67, %scan3A_68 : i32
    %scan3A_70 = arith.constant 1 : i32
    %scan3A_71 = scf.for %scan3A_124 = %scan3A_67 to %scan3A_69 step %scan3A_70 iter_args(%scan3A_125 = %scan3A_66) -> (i32)  : i32 {
      %mul3A_126 = arith.constant 2 : i32
      %mul3A_127 = arith.muli %mul3A_126, %scan3A_124 : i32
      %add3A_128 = arith.constant 1 : i32
      %add3A_129 = arith.addi %mul3A_127, %add3A_128 : i32
      %dma_wait3A_130 = arith.constant 0 : i32
      %dma_wait3A_131 = arith.constant 0 : i32
      %dma_wait3A_132 = tpu.memref_slice %arg2[%dma_wait3A_130, %dma_wait3A_131] : memref<10000x128xf32, #tpu.memory_space<hbm>> -> memref<10000x128xf32, #tpu.memory_space<hbm>>
      tpu.wait_indirect_dma semaphore(%arg16 : memref<!tpu.dma_semaphore, #tpu.memory_space<semaphore_mem>>) src(%dma_wait3A_132 : memref<10000x128xf32, #tpu.memory_space<hbm>>) dst(%arg10 : memref<128x128xf32, #tpu.memory_space<vmem>>)
      %add3A_133 = arith.constant 1 : i32
      %add3A_134 = arith.addi %add3A_129, %add3A_133 : i32
      %mul3A_135 = arith.constant 128 : i32
      %mul3A_136 = arith.muli %add3A_134, %mul3A_135 : i32
      %add3A_137 = arith.addi %mul3A_4, %mul3A_136 : i32
      %dma_wait3A_138 = tpu.memref_slice %arg3[%add3A_137] : memref<327680xi32, #tpu.memory_space<hbm>> -> memref<128xi32, #tpu.memory_space<hbm>>
      %dma_wait3A_139 = tpu.memref_slice %arg3[%add3A_137] : memref<327680xi32, #tpu.memory_space<hbm>> -> memref<128xi32, #tpu.memory_space<hbm>>
      tpu.wait_dma2 semaphore(%arg13 : memref<!tpu.dma_semaphore, #tpu.memory_space<semaphore_mem>>) src(%dma_wait3A_139 : memref<128xi32, #tpu.memory_space<hbm>>) dst(%arg6 : memref<128xi32, #tpu.memory_space<vmem>>)
      %add3A_140 = arith.constant 1 : i32
      %add3A_141 = arith.addi %add3A_129, %add3A_140 : i32
      %dma_start3A_142 = arith.constant 0 : i32
      %dma_start3A_143 = arith.constant 0 : i32
      %dma_start3A_144 = tpu.memref_slice %arg2[%dma_start3A_142, %dma_start3A_143] : memref<10000x128xf32, #tpu.memory_space<hbm>> -> memref<10000x128xf32, #tpu.memory_space<hbm>>
      tpu.enqueue_indirect_dma source(%dma_start3A_144 : memref<10000x128xf32, #tpu.memory_space<hbm>>) target(%arg9 : memref<128x128xf32, #tpu.memory_space<vmem>>) offsets(%arg6 : memref<128xi32, #tpu.memory_space<vmem>>) semaphore(%arg15 : memref<!tpu.dma_semaphore, #tpu.memory_space<semaphore_mem>>)
      %add3A_145 = arith.constant 2 : i32
      %add3A_146 = arith.addi %add3A_129, %add3A_145 : i32
      %mul3A_147 = arith.constant 128 : i32
      %mul3A_148 = arith.muli %add3A_146, %mul3A_147 : i32
      %add3A_149 = arith.addi %mul3A_4, %mul3A_148 : i32
      %dma_start3A_150 = tpu.memref_slice %arg3[%add3A_149] : memref<327680xi32, #tpu.memory_space<hbm>> -> memref<128xi32, #tpu.memory_space<hbm>>
      %dma_start3A_151 = tpu.memref_slice %arg3[%add3A_149] : memref<327680xi32, #tpu.memory_space<hbm>> -> memref<128xi32, #tpu.memory_space<hbm>>
      tpu.enqueue_dma source(%dma_start3A_151 : memref<128xi32, #tpu.memory_space<hbm>>) target(%arg7 : memref<128xi32, #tpu.memory_space<vmem>>) target_semaphore(%arg14 : memref<!tpu.dma_semaphore, #tpu.memory_space<semaphore_mem>>)
      "tpu.region"() ({
        %run_scoped3A_179 = tpu.sem_alloc : memref<!tpu.dma_semaphore, #tpu.memory_space<semaphore_mem>>
        %dma_start3A_180 = arith.constant 0 : i32
        %dma_start3A_181 = tpu.memref_slice %arg8[%add3A_129, %dma_start3A_180] : memref<80x128xi32, #tpu.memory_space<vmem>> -> memref<1x128xi32, #tpu.memory_space<vmem>>
        %dma_start3A_182 = tpu.memref_squeeze %dma_start3A_181 : memref<1x128xi32, #tpu.memory_space<vmem>> -> memref<128xi32, #tpu.memory_space<vmem>>
        %dma_start3A_183 = arith.constant 0 : i32
        %dma_start3A_184 = arith.constant 0 : i32
        %dma_start3A_185 = tpu.memref_slice %arg11[%dma_start3A_183, %dma_start3A_184] : memref<10240x128xf32, #tpu.memory_space<vmem_shared>> -> memref<10240x128xf32, #tpu.memory_space<vmem_shared>>
        tpu.enqueue_indirect_dma source(%arg10 : memref<128x128xf32, #tpu.memory_space<vmem>>) target(%dma_start3A_185 : memref<10240x128xf32, #tpu.memory_space<vmem_shared>>) offsets(%dma_start3A_182 : memref<128xi32, #tpu.memory_space<vmem>>) semaphore(%run_scoped3A_179 : memref<!tpu.dma_semaphore, #tpu.memory_space<semaphore_mem>>) {add = true}
        %dma_wait3A_186 = arith.constant 0 : i32
        %dma_wait3A_187 = tpu.memref_slice %arg8[%add3A_129, %dma_wait3A_186] : memref<80x128xi32, #tpu.memory_space<vmem>> -> memref<1x128xi32, #tpu.memory_space<vmem>>
        %dma_wait3A_188 = tpu.memref_squeeze %dma_wait3A_187 : memref<1x128xi32, #tpu.memory_space<vmem>> -> memref<128xi32, #tpu.memory_space<vmem>>
        %dma_wait3A_189 = arith.constant 0 : i32
        %dma_wait3A_190 = arith.constant 0 : i32
        %dma_wait3A_191 = tpu.memref_slice %arg11[%dma_wait3A_189, %dma_wait3A_190] : memref<10240x128xf32, #tpu.memory_space<vmem_shared>> -> memref<10240x128xf32, #tpu.memory_space<vmem_shared>>
        tpu.wait_indirect_dma semaphore(%run_scoped3A_179 : memref<!tpu.dma_semaphore, #tpu.memory_space<semaphore_mem>>) src(%arg10 : memref<128x128xf32, #tpu.memory_space<vmem>>) dst(%dma_wait3A_191 : memref<10240x128xf32, #tpu.memory_space<vmem_shared>>)
        tpu.yield
      }) : () -> ()
      %mul3A_152 = arith.constant 2 : i32
      %mul3A_153 = arith.muli %mul3A_152, %scan3A_124 : i32
      %add3A_154 = arith.constant 2 : i32
      %add3A_155 = arith.addi %mul3A_153, %add3A_154 : i32
      %dma_wait3A_156 = arith.constant 0 : i32
      %dma_wait3A_157 = arith.constant 0 : i32
      %dma_wait3A_158 = tpu.memref_slice %arg2[%dma_wait3A_156, %dma_wait3A_157] : memref<10000x128xf32, #tpu.memory_space<hbm>> -> memref<10000x128xf32, #tpu.memory_space<hbm>>
      tpu.wait_indirect_dma semaphore(%arg15 : memref<!tpu.dma_semaphore, #tpu.memory_space<semaphore_mem>>) src(%dma_wait3A_158 : memref<10000x128xf32, #tpu.memory_space<hbm>>) dst(%arg9 : memref<128x128xf32, #tpu.memory_space<vmem>>)
      %add3A_159 = arith.constant 1 : i32
      %add3A_160 = arith.addi %add3A_155, %add3A_159 : i32
      %mul3A_161 = arith.constant 128 : i32
      %mul3A_162 = arith.muli %add3A_160, %mul3A_161 : i32
      %add3A_163 = arith.addi %mul3A_4, %mul3A_162 : i32
      %dma_wait3A_164 = tpu.memref_slice %arg3[%add3A_163] : memref<327680xi32, #tpu.memory_space<hbm>> -> memref<128xi32, #tpu.memory_space<hbm>>
      %dma_wait3A_165 = tpu.memref_slice %arg3[%add3A_163] : memref<327680xi32, #tpu.memory_space<hbm>> -> memref<128xi32, #tpu.memory_space<hbm>>
      tpu.wait_dma2 semaphore(%arg14 : memref<!tpu.dma_semaphore, #tpu.memory_space<semaphore_mem>>) src(%dma_wait3A_165 : memref<128xi32, #tpu.memory_space<hbm>>) dst(%arg7 : memref<128xi32, #tpu.memory_space<vmem>>)
      %add3A_166 = arith.constant 1 : i32
      %add3A_167 = arith.addi %add3A_155, %add3A_166 : i32
      %dma_start3A_168 = arith.constant 0 : i32
      %dma_start3A_169 = arith.constant 0 : i32
      %dma_start3A_170 = tpu.memref_slice %arg2[%dma_start3A_168, %dma_start3A_169] : memref<10000x128xf32, #tpu.memory_space<hbm>> -> memref<10000x128xf32, #tpu.memory_space<hbm>>
      tpu.enqueue_indirect_dma source(%dma_start3A_170 : memref<10000x128xf32, #tpu.memory_space<hbm>>) target(%arg10 : memref<128x128xf32, #tpu.memory_space<vmem>>) offsets(%arg7 : memref<128xi32, #tpu.memory_space<vmem>>) semaphore(%arg16 : memref<!tpu.dma_semaphore, #tpu.memory_space<semaphore_mem>>)
      %add3A_171 = arith.constant 2 : i32
      %add3A_172 = arith.addi %add3A_155, %add3A_171 : i32
      %mul3A_173 = arith.constant 128 : i32
      %mul3A_174 = arith.muli %add3A_172, %mul3A_173 : i32
      %add3A_175 = arith.addi %mul3A_4, %mul3A_174 : i32
      %dma_start3A_176 = tpu.memref_slice %arg3[%add3A_175] : memref<327680xi32, #tpu.memory_space<hbm>> -> memref<128xi32, #tpu.memory_space<hbm>>
      %dma_start3A_177 = tpu.memref_slice %arg3[%add3A_175] : memref<327680xi32, #tpu.memory_space<hbm>> -> memref<128xi32, #tpu.memory_space<hbm>>
      tpu.enqueue_dma source(%dma_start3A_177 : memref<128xi32, #tpu.memory_space<hbm>>) target(%arg6 : memref<128xi32, #tpu.memory_space<vmem>>) target_semaphore(%arg13 : memref<!tpu.dma_semaphore, #tpu.memory_space<semaphore_mem>>)
      "tpu.region"() ({
        %run_scoped3A_179 = tpu.sem_alloc : memref<!tpu.dma_semaphore, #tpu.memory_space<semaphore_mem>>
        %dma_start3A_180 = arith.constant 0 : i32
        %dma_start3A_181 = tpu.memref_slice %arg8[%add3A_155, %dma_start3A_180] : memref<80x128xi32, #tpu.memory_space<vmem>> -> memref<1x128xi32, #tpu.memory_space<vmem>>
        %dma_start3A_182 = tpu.memref_squeeze %dma_start3A_181 : memref<1x128xi32, #tpu.memory_space<vmem>> -> memref<128xi32, #tpu.memory_space<vmem>>
        %dma_start3A_183 = arith.constant 0 : i32
        %dma_start3A_184 = arith.constant 0 : i32
        %dma_start3A_185 = tpu.memref_slice %arg11[%dma_start3A_183, %dma_start3A_184] : memref<10240x128xf32, #tpu.memory_space<vmem_shared>> -> memref<10240x128xf32, #tpu.memory_space<vmem_shared>>
        tpu.enqueue_indirect_dma source(%arg9 : memref<128x128xf32, #tpu.memory_space<vmem>>) target(%dma_start3A_185 : memref<10240x128xf32, #tpu.memory_space<vmem_shared>>) offsets(%dma_start3A_182 : memref<128xi32, #tpu.memory_space<vmem>>) semaphore(%run_scoped3A_179 : memref<!tpu.dma_semaphore, #tpu.memory_space<semaphore_mem>>) {add = true}
        %dma_wait3A_186 = arith.constant 0 : i32
        %dma_wait3A_187 = tpu.memref_slice %arg8[%add3A_155, %dma_wait3A_186] : memref<80x128xi32, #tpu.memory_space<vmem>> -> memref<1x128xi32, #tpu.memory_space<vmem>>
        %dma_wait3A_188 = tpu.memref_squeeze %dma_wait3A_187 : memref<1x128xi32, #tpu.memory_space<vmem>> -> memref<128xi32, #tpu.memory_space<vmem>>
        %dma_wait3A_189 = arith.constant 0 : i32
        %dma_wait3A_190 = arith.constant 0 : i32
        %dma_wait3A_191 = tpu.memref_slice %arg11[%dma_wait3A_189, %dma_wait3A_190] : memref<10240x128xf32, #tpu.memory_space<vmem_shared>> -> memref<10240x128xf32, #tpu.memory_space<vmem_shared>>
        tpu.wait_indirect_dma semaphore(%run_scoped3A_179 : memref<!tpu.dma_semaphore, #tpu.memory_space<semaphore_mem>>) src(%arg9 : memref<128x128xf32, #tpu.memory_space<vmem>>) dst(%dma_wait3A_191 : memref<10240x128xf32, #tpu.memory_space<vmem_shared>>)
        tpu.yield
      }) : () -> ()
      %scan3A_178 = arith.constant 0 : i32
      scf.yield %scan3A_178 : i32
    }
    %scan3A_72 = arith.constant 38 : i32
    %dma_wait3A_73 = arith.constant 0 : i32
    %dma_wait3A_74 = arith.constant 0 : i32
    %dma_wait3A_75 = tpu.memref_slice %arg2[%dma_wait3A_73, %dma_wait3A_74] : memref<10000x128xf32, #tpu.memory_space<hbm>> -> memref<10000x128xf32, #tpu.memory_space<hbm>>
    tpu.wait_indirect_dma semaphore(%arg16 : memref<!tpu.dma_semaphore, #tpu.memory_space<semaphore_mem>>) src(%dma_wait3A_75 : memref<10000x128xf32, #tpu.memory_space<hbm>>) dst(%arg10 : memref<128x128xf32, #tpu.memory_space<vmem>>)
    %add3A_76 = arith.constant 9984 : i32
    %add3A_77 = arith.addi %mul3A_4, %add3A_76 : i32
    %dma_wait3A_78 = tpu.memref_slice %arg3[%add3A_77] : memref<327680xi32, #tpu.memory_space<hbm>> -> memref<128xi32, #tpu.memory_space<hbm>>
    %dma_wait3A_79 = tpu.memref_slice %arg3[%add3A_77] : memref<327680xi32, #tpu.memory_space<hbm>> -> memref<128xi32, #tpu.memory_space<hbm>>
    tpu.wait_dma2 semaphore(%arg13 : memref<!tpu.dma_semaphore, #tpu.memory_space<semaphore_mem>>) src(%dma_wait3A_79 : memref<128xi32, #tpu.memory_space<hbm>>) dst(%arg6 : memref<128xi32, #tpu.memory_space<vmem>>)
    %dma_start3A_80 = arith.constant 0 : i32
    %dma_start3A_81 = arith.constant 0 : i32
    %dma_start3A_82 = tpu.memref_slice %arg2[%dma_start3A_80, %dma_start3A_81] : memref<10000x128xf32, #tpu.memory_space<hbm>> -> memref<10000x128xf32, #tpu.memory_space<hbm>>
    tpu.enqueue_indirect_dma source(%dma_start3A_82 : memref<10000x128xf32, #tpu.memory_space<hbm>>) target(%arg9 : memref<128x128xf32, #tpu.memory_space<vmem>>) offsets(%arg6 : memref<128xi32, #tpu.memory_space<vmem>>) semaphore(%arg15 : memref<!tpu.dma_semaphore, #tpu.memory_space<semaphore_mem>>)
    %add3A_83 = arith.constant 10112 : i32
    %add3A_84 = arith.addi %mul3A_4, %add3A_83 : i32
    %dma_start3A_85 = tpu.memref_slice %arg3[%add3A_84] : memref<327680xi32, #tpu.memory_space<hbm>> -> memref<128xi32, #tpu.memory_space<hbm>>
    %dma_start3A_86 = tpu.memref_slice %arg3[%add3A_84] : memref<327680xi32, #tpu.memory_space<hbm>> -> memref<128xi32, #tpu.memory_space<hbm>>
    tpu.enqueue_dma source(%dma_start3A_86 : memref<128xi32, #tpu.memory_space<hbm>>) target(%arg7 : memref<128xi32, #tpu.memory_space<vmem>>) target_semaphore(%arg14 : memref<!tpu.dma_semaphore, #tpu.memory_space<semaphore_mem>>)
    %run_scoped3A_87 = arith.constant 77 : i32
    "tpu.region"() ({
      %run_scoped3A_124 = tpu.sem_alloc : memref<!tpu.dma_semaphore, #tpu.memory_space<semaphore_mem>>
      %dma_start3A_125 = arith.constant 0 : i32
      %dma_start3A_126 = tpu.memref_slice %arg8[%run_scoped3A_87, %dma_start3A_125] : memref<80x128xi32, #tpu.memory_space<vmem>> -> memref<1x128xi32, #tpu.memory_space<vmem>>
      %dma_start3A_127 = tpu.memref_squeeze %dma_start3A_126 : memref<1x128xi32, #tpu.memory_space<vmem>> -> memref<128xi32, #tpu.memory_space<vmem>>
      %dma_start3A_128 = arith.constant 0 : i32
      %dma_start3A_129 = arith.constant 0 : i32
      %dma_start3A_130 = tpu.memref_slice %arg11[%dma_start3A_128, %dma_start3A_129] : memref<10240x128xf32, #tpu.memory_space<vmem_shared>> -> memref<10240x128xf32, #tpu.memory_space<vmem_shared>>
      tpu.enqueue_indirect_dma source(%arg10 : memref<128x128xf32, #tpu.memory_space<vmem>>) target(%dma_start3A_130 : memref<10240x128xf32, #tpu.memory_space<vmem_shared>>) offsets(%dma_start3A_127 : memref<128xi32, #tpu.memory_space<vmem>>) semaphore(%run_scoped3A_124 : memref<!tpu.dma_semaphore, #tpu.memory_space<semaphore_mem>>) {add = true}
      %dma_wait3A_131 = arith.constant 0 : i32
      %dma_wait3A_132 = tpu.memref_slice %arg8[%run_scoped3A_87, %dma_wait3A_131] : memref<80x128xi32, #tpu.memory_space<vmem>> -> memref<1x128xi32, #tpu.memory_space<vmem>>
      %dma_wait3A_133 = tpu.memref_squeeze %dma_wait3A_132 : memref<1x128xi32, #tpu.memory_space<vmem>> -> memref<128xi32, #tpu.memory_space<vmem>>
      %dma_wait3A_134 = arith.constant 0 : i32
      %dma_wait3A_135 = arith.constant 0 : i32
      %dma_wait3A_136 = tpu.memref_slice %arg11[%dma_wait3A_134, %dma_wait3A_135] : memref<10240x128xf32, #tpu.memory_space<vmem_shared>> -> memref<10240x128xf32, #tpu.memory_space<vmem_shared>>
      tpu.wait_indirect_dma semaphore(%run_scoped3A_124 : memref<!tpu.dma_semaphore, #tpu.memory_space<semaphore_mem>>) src(%arg10 : memref<128x128xf32, #tpu.memory_space<vmem>>) dst(%dma_wait3A_136 : memref<10240x128xf32, #tpu.memory_space<vmem_shared>>)
      tpu.yield
    }) : () -> ()
    %dma_wait3A_88 = arith.constant 0 : i32
    %dma_wait3A_89 = arith.constant 0 : i32
    %dma_wait3A_90 = tpu.memref_slice %arg2[%dma_wait3A_88, %dma_wait3A_89] : memref<10000x128xf32, #tpu.memory_space<hbm>> -> memref<10000x128xf32, #tpu.memory_space<hbm>>
    tpu.wait_indirect_dma semaphore(%arg15 : memref<!tpu.dma_semaphore, #tpu.memory_space<semaphore_mem>>) src(%dma_wait3A_90 : memref<10000x128xf32, #tpu.memory_space<hbm>>) dst(%arg9 : memref<128x128xf32, #tpu.memory_space<vmem>>)
    %add3A_91 = arith.constant 10112 : i32
    %add3A_92 = arith.addi %mul3A_4, %add3A_91 : i32
    %dma_wait3A_93 = tpu.memref_slice %arg3[%add3A_92] : memref<327680xi32, #tpu.memory_space<hbm>> -> memref<128xi32, #tpu.memory_space<hbm>>
    %dma_wait3A_94 = tpu.memref_slice %arg3[%add3A_92] : memref<327680xi32, #tpu.memory_space<hbm>> -> memref<128xi32, #tpu.memory_space<hbm>>
    tpu.wait_dma2 semaphore(%arg14 : memref<!tpu.dma_semaphore, #tpu.memory_space<semaphore_mem>>) src(%dma_wait3A_94 : memref<128xi32, #tpu.memory_space<hbm>>) dst(%arg7 : memref<128xi32, #tpu.memory_space<vmem>>)
    %dma_start3A_95 = arith.constant 0 : i32
    %dma_start3A_96 = arith.constant 0 : i32
    %dma_start3A_97 = tpu.memref_slice %arg2[%dma_start3A_95, %dma_start3A_96] : memref<10000x128xf32, #tpu.memory_space<hbm>> -> memref<10000x128xf32, #tpu.memory_space<hbm>>
    tpu.enqueue_indirect_dma source(%dma_start3A_97 : memref<10000x128xf32, #tpu.memory_space<hbm>>) target(%arg10 : memref<128x128xf32, #tpu.memory_space<vmem>>) offsets(%arg7 : memref<128xi32, #tpu.memory_space<vmem>>) semaphore(%arg16 : memref<!tpu.dma_semaphore, #tpu.memory_space<semaphore_mem>>)
    %run_scoped3A_98 = arith.constant 78 : i32
    "tpu.region"() ({
      %run_scoped3A_124 = tpu.sem_alloc : memref<!tpu.dma_semaphore, #tpu.memory_space<semaphore_mem>>
      %dma_start3A_125 = arith.constant 0 : i32
      %dma_start3A_126 = tpu.memref_slice %arg8[%run_scoped3A_98, %dma_start3A_125] : memref<80x128xi32, #tpu.memory_space<vmem>> -> memref<1x128xi32, #tpu.memory_space<vmem>>
      %dma_start3A_127 = tpu.memref_squeeze %dma_start3A_126 : memref<1x128xi32, #tpu.memory_space<vmem>> -> memref<128xi32, #tpu.memory_space<vmem>>
      %dma_start3A_128 = arith.constant 0 : i32
      %dma_start3A_129 = arith.constant 0 : i32
      %dma_start3A_130 = tpu.memref_slice %arg11[%dma_start3A_128, %dma_start3A_129] : memref<10240x128xf32, #tpu.memory_space<vmem_shared>> -> memref<10240x128xf32, #tpu.memory_space<vmem_shared>>
      tpu.enqueue_indirect_dma source(%arg9 : memref<128x128xf32, #tpu.memory_space<vmem>>) target(%dma_start3A_130 : memref<10240x128xf32, #tpu.memory_space<vmem_shared>>) offsets(%dma_start3A_127 : memref<128xi32, #tpu.memory_space<vmem>>) semaphore(%run_scoped3A_124 : memref<!tpu.dma_semaphore, #tpu.memory_space<semaphore_mem>>) {add = true}
      %dma_wait3A_131 = arith.constant 0 : i32
      %dma_wait3A_132 = tpu.memref_slice %arg8[%run_scoped3A_98, %dma_wait3A_131] : memref<80x128xi32, #tpu.memory_space<vmem>> -> memref<1x128xi32, #tpu.memory_space<vmem>>
      %dma_wait3A_133 = tpu.memref_squeeze %dma_wait3A_132 : memref<1x128xi32, #tpu.memory_space<vmem>> -> memref<128xi32, #tpu.memory_space<vmem>>
      %dma_wait3A_134 = arith.constant 0 : i32
      %dma_wait3A_135 = arith.constant 0 : i32
      %dma_wait3A_136 = tpu.memref_slice %arg11[%dma_wait3A_134, %dma_wait3A_135] : memref<10240x128xf32, #tpu.memory_space<vmem_shared>> -> memref<10240x128xf32, #tpu.memory_space<vmem_shared>>
      tpu.wait_indirect_dma semaphore(%run_scoped3A_124 : memref<!tpu.dma_semaphore, #tpu.memory_space<semaphore_mem>>) src(%arg9 : memref<128x128xf32, #tpu.memory_space<vmem>>) dst(%dma_wait3A_136 : memref<10240x128xf32, #tpu.memory_space<vmem_shared>>)
      tpu.yield
    }) : () -> ()
    %dma_wait3A_99 = arith.constant 0 : i32
    %dma_wait3A_100 = arith.constant 0 : i32
    %dma_wait3A_101 = tpu.memref_slice %arg2[%dma_wait3A_99, %dma_wait3A_100] : memref<10000x128xf32, #tpu.memory_space<hbm>> -> memref<10000x128xf32, #tpu.memory_space<hbm>>
    tpu.wait_indirect_dma semaphore(%arg16 : memref<!tpu.dma_semaphore, #tpu.memory_space<semaphore_mem>>) src(%dma_wait3A_101 : memref<10000x128xf32, #tpu.memory_space<hbm>>) dst(%arg10 : memref<128x128xf32, #tpu.memory_space<vmem>>)
    %run_scoped3A_102 = arith.constant 79 : i32
    "tpu.region"() ({
      %run_scoped3A_124 = tpu.sem_alloc : memref<!tpu.dma_semaphore, #tpu.memory_space<semaphore_mem>>
      %dma_start3A_125 = arith.constant 0 : i32
      %dma_start3A_126 = tpu.memref_slice %arg8[%run_scoped3A_102, %dma_start3A_125] : memref<80x128xi32, #tpu.memory_space<vmem>> -> memref<1x128xi32, #tpu.memory_space<vmem>>
      %dma_start3A_127 = tpu.memref_squeeze %dma_start3A_126 : memref<1x128xi32, #tpu.memory_space<vmem>> -> memref<128xi32, #tpu.memory_space<vmem>>
      %dma_start3A_128 = arith.constant 0 : i32
      %dma_start3A_129 = arith.constant 0 : i32
      %dma_start3A_130 = tpu.memref_slice %arg11[%dma_start3A_128, %dma_start3A_129] : memref<10240x128xf32, #tpu.memory_space<vmem_shared>> -> memref<10240x128xf32, #tpu.memory_space<vmem_shared>>
      tpu.enqueue_indirect_dma source(%arg10 : memref<128x128xf32, #tpu.memory_space<vmem>>) target(%dma_start3A_130 : memref<10240x128xf32, #tpu.memory_space<vmem_shared>>) offsets(%dma_start3A_127 : memref<128xi32, #tpu.memory_space<vmem>>) semaphore(%run_scoped3A_124 : memref<!tpu.dma_semaphore, #tpu.memory_space<semaphore_mem>>) {add = true}
      %dma_wait3A_131 = arith.constant 0 : i32
      %dma_wait3A_132 = tpu.memref_slice %arg8[%run_scoped3A_102, %dma_wait3A_131] : memref<80x128xi32, #tpu.memory_space<vmem>> -> memref<1x128xi32, #tpu.memory_space<vmem>>
      %dma_wait3A_133 = tpu.memref_squeeze %dma_wait3A_132 : memref<1x128xi32, #tpu.memory_space<vmem>> -> memref<128xi32, #tpu.memory_space<vmem>>
      %dma_wait3A_134 = arith.constant 0 : i32
      %dma_wait3A_135 = arith.constant 0 : i32
      %dma_wait3A_136 = tpu.memref_slice %arg11[%dma_wait3A_134, %dma_wait3A_135] : memref<10240x128xf32, #tpu.memory_space<vmem_shared>> -> memref<10240x128xf32, #tpu.memory_space<vmem_shared>>
      tpu.wait_indirect_dma semaphore(%run_scoped3A_124 : memref<!tpu.dma_semaphore, #tpu.memory_space<semaphore_mem>>) src(%arg10 : memref<128x128xf32, #tpu.memory_space<vmem>>) dst(%dma_wait3A_136 : memref<10240x128xf32, #tpu.memory_space<vmem_shared>>)
      tpu.yield
    }) : () -> ()
    %barrier3A_103 = arith.constant 0 : index
    tpu.barrier barrier_id(%barrier3A_103)
    %mul3A_104 = arith.constant 640 : i32
    %mul3A_105 = arith.muli %arg1, %mul3A_104 : i32
    %add3A_106 = arith.constant 0 : i32
    %add3A_107 = arith.addi %mul3A_105, %add3A_106 : i32
    "tpu.region"() ({
      %run_scoped3A_124 = tpu.sem_alloc : memref<!tpu.dma_semaphore, #tpu.memory_space<semaphore_mem>>
      %dma_start3A_125 = arith.constant 0 : i32
      %dma_start3A_126 = tpu.memref_slice %arg5[%arg0, %add3A_107, %dma_start3A_125] : memref<2x10240x128xf32, #tpu.memory_space<hbm>> -> memref<1x128x128xf32, #tpu.memory_space<hbm>>
      %dma_start3A_127 = tpu.memref_squeeze %dma_start3A_126 : memref<1x128x128xf32, #tpu.memory_space<hbm>> -> memref<128x128xf32, #tpu.memory_space<hbm>>
      %dma_start3A_128 = arith.constant 0 : i32
      %dma_start3A_129 = tpu.memref_slice %arg11[%add3A_107, %dma_start3A_128] : memref<10240x128xf32, #tpu.memory_space<vmem_shared>> -> memref<128x128xf32, #tpu.memory_space<vmem_shared>>
      tpu.enqueue_dma source(%dma_start3A_129 : memref<128x128xf32, #tpu.memory_space<vmem_shared>>) target(%dma_start3A_127 : memref<128x128xf32, #tpu.memory_space<hbm>>) target_semaphore(%run_scoped3A_124 : memref<!tpu.dma_semaphore, #tpu.memory_space<semaphore_mem>>)
      %dma_wait3A_130 = arith.constant 0 : i32
      %dma_wait3A_131 = tpu.memref_slice %arg5[%arg0, %add3A_107, %dma_wait3A_130] : memref<2x10240x128xf32, #tpu.memory_space<hbm>> -> memref<1x128x128xf32, #tpu.memory_space<hbm>>
      %dma_wait3A_132 = tpu.memref_squeeze %dma_wait3A_131 : memref<1x128x128xf32, #tpu.memory_space<hbm>> -> memref<128x128xf32, #tpu.memory_space<hbm>>
      %dma_wait3A_133 = arith.constant 0 : i32
      %dma_wait3A_134 = tpu.memref_slice %arg11[%add3A_107, %dma_wait3A_133] : memref<10240x128xf32, #tpu.memory_space<vmem_shared>> -> memref<128x128xf32, #tpu.memory_space<vmem_shared>>
      tpu.wait_dma2 semaphore(%run_scoped3A_124 : memref<!tpu.dma_semaphore, #tpu.memory_space<semaphore_mem>>) src(%dma_wait3A_134 : memref<128x128xf32, #tpu.memory_space<vmem_shared>>) dst(%dma_wait3A_132 : memref<128x128xf32, #tpu.memory_space<hbm>>)
      tpu.yield
    }) : () -> ()
    %mul3A_108 = arith.constant 640 : i32
    %mul3A_109 = arith.muli %arg1, %mul3A_108 : i32
    %add3A_110 = arith.constant 128 : i32
    %add3A_111 = arith.addi %mul3A_109, %add3A_110 : i32
    "tpu.region"() ({
      %run_scoped3A_124 = tpu.sem_alloc : memref<!tpu.dma_semaphore, #tpu.memory_space<semaphore_mem>>
      %dma_start3A_125 = arith.constant 0 : i32
      %dma_start3A_126 = tpu.memref_slice %arg5[%arg0, %add3A_111, %dma_start3A_125] : memref<2x10240x128xf32, #tpu.memory_space<hbm>> -> memref<1x128x128xf32, #tpu.memory_space<hbm>>
      %dma_start3A_127 = tpu.memref_squeeze %dma_start3A_126 : memref<1x128x128xf32, #tpu.memory_space<hbm>> -> memref<128x128xf32, #tpu.memory_space<hbm>>
      %dma_start3A_128 = arith.constant 0 : i32
      %dma_start3A_129 = tpu.memref_slice %arg11[%add3A_111, %dma_start3A_128] : memref<10240x128xf32, #tpu.memory_space<vmem_shared>> -> memref<128x128xf32, #tpu.memory_space<vmem_shared>>
      tpu.enqueue_dma source(%dma_start3A_129 : memref<128x128xf32, #tpu.memory_space<vmem_shared>>) target(%dma_start3A_127 : memref<128x128xf32, #tpu.memory_space<hbm>>) target_semaphore(%run_scoped3A_124 : memref<!tpu.dma_semaphore, #tpu.memory_space<semaphore_mem>>)
      %dma_wait3A_130 = arith.constant 0 : i32
      %dma_wait3A_131 = tpu.memref_slice %arg5[%arg0, %add3A_111, %dma_wait3A_130] : memref<2x10240x128xf32, #tpu.memory_space<hbm>> -> memref<1x128x128xf32, #tpu.memory_space<hbm>>
      %dma_wait3A_132 = tpu.memref_squeeze %dma_wait3A_131 : memref<1x128x128xf32, #tpu.memory_space<hbm>> -> memref<128x128xf32, #tpu.memory_space<hbm>>
      %dma_wait3A_133 = arith.constant 0 : i32
      %dma_wait3A_134 = tpu.memref_slice %arg11[%add3A_111, %dma_wait3A_133] : memref<10240x128xf32, #tpu.memory_space<vmem_shared>> -> memref<128x128xf32, #tpu.memory_space<vmem_shared>>
      tpu.wait_dma2 semaphore(%run_scoped3A_124 : memref<!tpu.dma_semaphore, #tpu.memory_space<semaphore_mem>>) src(%dma_wait3A_134 : memref<128x128xf32, #tpu.memory_space<vmem_shared>>) dst(%dma_wait3A_132 : memref<128x128xf32, #tpu.memory_space<hbm>>)
      tpu.yield
    }) : () -> ()
    %mul3A_112 = arith.constant 640 : i32
    %mul3A_113 = arith.muli %arg1, %mul3A_112 : i32
    %add3A_114 = arith.constant 256 : i32
    %add3A_115 = arith.addi %mul3A_113, %add3A_114 : i32
    "tpu.region"() ({
      %run_scoped3A_124 = tpu.sem_alloc : memref<!tpu.dma_semaphore, #tpu.memory_space<semaphore_mem>>
      %dma_start3A_125 = arith.constant 0 : i32
      %dma_start3A_126 = tpu.memref_slice %arg5[%arg0, %add3A_115, %dma_start3A_125] : memref<2x10240x128xf32, #tpu.memory_space<hbm>> -> memref<1x128x128xf32, #tpu.memory_space<hbm>>
      %dma_start3A_127 = tpu.memref_squeeze %dma_start3A_126 : memref<1x128x128xf32, #tpu.memory_space<hbm>> -> memref<128x128xf32, #tpu.memory_space<hbm>>
      %dma_start3A_128 = arith.constant 0 : i32
      %dma_start3A_129 = tpu.memref_slice %arg11[%add3A_115, %dma_start3A_128] : memref<10240x128xf32, #tpu.memory_space<vmem_shared>> -> memref<128x128xf32, #tpu.memory_space<vmem_shared>>
      tpu.enqueue_dma source(%dma_start3A_129 : memref<128x128xf32, #tpu.memory_space<vmem_shared>>) target(%dma_start3A_127 : memref<128x128xf32, #tpu.memory_space<hbm>>) target_semaphore(%run_scoped3A_124 : memref<!tpu.dma_semaphore, #tpu.memory_space<semaphore_mem>>)
      %dma_wait3A_130 = arith.constant 0 : i32
      %dma_wait3A_131 = tpu.memref_slice %arg5[%arg0, %add3A_115, %dma_wait3A_130] : memref<2x10240x128xf32, #tpu.memory_space<hbm>> -> memref<1x128x128xf32, #tpu.memory_space<hbm>>
      %dma_wait3A_132 = tpu.memref_squeeze %dma_wait3A_131 : memref<1x128x128xf32, #tpu.memory_space<hbm>> -> memref<128x128xf32, #tpu.memory_space<hbm>>
      %dma_wait3A_133 = arith.constant 0 : i32
      %dma_wait3A_134 = tpu.memref_slice %arg11[%add3A_115, %dma_wait3A_133] : memref<10240x128xf32, #tpu.memory_space<vmem_shared>> -> memref<128x128xf32, #tpu.memory_space<vmem_shared>>
      tpu.wait_dma2 semaphore(%run_scoped3A_124 : memref<!tpu.dma_semaphore, #tpu.memory_space<semaphore_mem>>) src(%dma_wait3A_134 : memref<128x128xf32, #tpu.memory_space<vmem_shared>>) dst(%dma_wait3A_132 : memref<128x128xf32, #tpu.memory_space<hbm>>)
      tpu.yield
    }) : () -> ()
    %mul3A_116 = arith.constant 640 : i32
    %mul3A_117 = arith.muli %arg1, %mul3A_116 : i32
    %add3A_118 = arith.constant 384 : i32
    %add3A_119 = arith.addi %mul3A_117, %add3A_118 : i32
    "tpu.region"() ({
      %run_scoped3A_124 = tpu.sem_alloc : memref<!tpu.dma_semaphore, #tpu.memory_space<semaphore_mem>>
      %dma_start3A_125 = arith.constant 0 : i32
      %dma_start3A_126 = tpu.memref_slice %arg5[%arg0, %add3A_119, %dma_start3A_125] : memref<2x10240x128xf32, #tpu.memory_space<hbm>> -> memref<1x128x128xf32, #tpu.memory_space<hbm>>
      %dma_start3A_127 = tpu.memref_squeeze %dma_start3A_126 : memref<1x128x128xf32, #tpu.memory_space<hbm>> -> memref<128x128xf32, #tpu.memory_space<hbm>>
      %dma_start3A_128 = arith.constant 0 : i32
      %dma_start3A_129 = tpu.memref_slice %arg11[%add3A_119, %dma_start3A_128] : memref<10240x128xf32, #tpu.memory_space<vmem_shared>> -> memref<128x128xf32, #tpu.memory_space<vmem_shared>>
      tpu.enqueue_dma source(%dma_start3A_129 : memref<128x128xf32, #tpu.memory_space<vmem_shared>>) target(%dma_start3A_127 : memref<128x128xf32, #tpu.memory_space<hbm>>) target_semaphore(%run_scoped3A_124 : memref<!tpu.dma_semaphore, #tpu.memory_space<semaphore_mem>>)
      %dma_wait3A_130 = arith.constant 0 : i32
      %dma_wait3A_131 = tpu.memref_slice %arg5[%arg0, %add3A_119, %dma_wait3A_130] : memref<2x10240x128xf32, #tpu.memory_space<hbm>> -> memref<1x128x128xf32, #tpu.memory_space<hbm>>
      %dma_wait3A_132 = tpu.memref_squeeze %dma_wait3A_131 : memref<1x128x128xf32, #tpu.memory_space<hbm>> -> memref<128x128xf32, #tpu.memory_space<hbm>>
      %dma_wait3A_133 = arith.constant 0 : i32
      %dma_wait3A_134 = tpu.memref_slice %arg11[%add3A_119, %dma_wait3A_133] : memref<10240x128xf32, #tpu.memory_space<vmem_shared>> -> memref<128x128xf32, #tpu.memory_space<vmem_shared>>
      tpu.wait_dma2 semaphore(%run_scoped3A_124 : memref<!tpu.dma_semaphore, #tpu.memory_space<semaphore_mem>>) src(%dma_wait3A_134 : memref<128x128xf32, #tpu.memory_space<vmem_shared>>) dst(%dma_wait3A_132 : memref<128x128xf32, #tpu.memory_space<hbm>>)
      tpu.yield
    }) : () -> ()
    %mul3A_120 = arith.constant 640 : i32
    %mul3A_121 = arith.muli %arg1, %mul3A_120 : i32
    %add3A_122 = arith.constant 512 : i32
    %add3A_123 = arith.addi %mul3A_121, %add3A_122 : i32
    "tpu.region"() ({
      %run_scoped3A_124 = tpu.sem_alloc : memref<!tpu.dma_semaphore, #tpu.memory_space<semaphore_mem>>
      %dma_start3A_125 = arith.constant 0 : i32
      %dma_start3A_126 = tpu.memref_slice %arg5[%arg0, %add3A_123, %dma_start3A_125] : memref<2x10240x128xf32, #tpu.memory_space<hbm>> -> memref<1x128x128xf32, #tpu.memory_space<hbm>>
      %dma_start3A_127 = tpu.memref_squeeze %dma_start3A_126 : memref<1x128x128xf32, #tpu.memory_space<hbm>> -> memref<128x128xf32, #tpu.memory_space<hbm>>
      %dma_start3A_128 = arith.constant 0 : i32
      %dma_start3A_129 = tpu.memref_slice %arg11[%add3A_123, %dma_start3A_128] : memref<10240x128xf32, #tpu.memory_space<vmem_shared>> -> memref<128x128xf32, #tpu.memory_space<vmem_shared>>
      tpu.enqueue_dma source(%dma_start3A_129 : memref<128x128xf32, #tpu.memory_space<vmem_shared>>) target(%dma_start3A_127 : memref<128x128xf32, #tpu.memory_space<hbm>>) target_semaphore(%run_scoped3A_124 : memref<!tpu.dma_semaphore, #tpu.memory_space<semaphore_mem>>)
      %dma_wait3A_130 = arith.constant 0 : i32
      %dma_wait3A_131 = tpu.memref_slice %arg5[%arg0, %add3A_123, %dma_wait3A_130] : memref<2x10240x128xf32, #tpu.memory_space<hbm>> -> memref<1x128x128xf32, #tpu.memory_space<hbm>>
      %dma_wait3A_132 = tpu.memref_squeeze %dma_wait3A_131 : memref<1x128x128xf32, #tpu.memory_space<hbm>> -> memref<128x128xf32, #tpu.memory_space<hbm>>
      %dma_wait3A_133 = arith.constant 0 : i32
      %dma_wait3A_134 = tpu.memref_slice %arg11[%add3A_123, %dma_wait3A_133] : memref<10240x128xf32, #tpu.memory_space<vmem_shared>> -> memref<128x128xf32, #tpu.memory_space<vmem_shared>>
      tpu.wait_dma2 semaphore(%run_scoped3A_124 : memref<!tpu.dma_semaphore, #tpu.memory_space<semaphore_mem>>) src(%dma_wait3A_134 : memref<128x128xf32, #tpu.memory_space<vmem_shared>>) dst(%dma_wait3A_132 : memref<128x128xf32, #tpu.memory_space<hbm>>)
      tpu.yield
    }) : () -> ()
    return
  }
}

#map = affine_map<(d0, d1) -> (0, 0)>
#map1 = affine_map<(d0, d1) -> (0)>
#map2 = affine_map<(d0, d1) -> (0, 0, 0)>
module attributes {stable_mosaic.version = 14 : i64} {
  func.func @_agg_body(%arg0: i32, %arg1: i32, %arg2: memref<10000x128xf32, #tpu.memory_space<hbm>>, %arg3: memref<327680xi32, #tpu.memory_space<hbm>>, %arg4: memref<2560x128xi32, #tpu.memory_space<hbm>>, %arg5: memref<2x10240x128xf32, #tpu.memory_space<hbm>>, %arg6: memref<128xi32, #tpu.memory_space<vmem>>, %arg7: memref<128xi32, #tpu.memory_space<vmem>>, %arg8: memref<80x128xi32, #tpu.memory_space<vmem>>, %arg9: memref<128x128xf32, #tpu.memory_space<vmem>>, %arg10: memref<128x128xf32, #tpu.memory_space<vmem>>, %arg11: memref<10240x128xf32, #tpu.memory_space<vmem_shared>>, %arg12: memref<!tpu.dma_semaphore, #tpu.memory_space<semaphore_mem>>, %arg13: memref<!tpu.dma_semaphore, #tpu.memory_space<semaphore_mem>>, %arg14: memref<!tpu.dma_semaphore, #tpu.memory_space<semaphore_mem>>, %arg15: memref<!tpu.dma_semaphore, #tpu.memory_space<semaphore_mem>>, %arg16: memref<!tpu.dma_semaphore, #tpu.memory_space<semaphore_mem>>, %arg17: memref<!tpu.dma_semaphore, #tpu.memory_space<semaphore_mem>>, %arg18: memref<!tpu.dma_semaphore, #tpu.memory_space<semaphore_mem>>) attributes {dimension_semantics = [#tpu.dimension_semantics<core_parallel>, #tpu.dimension_semantics<subcore_parallel>], iteration_bounds = array<i64: 2, 16>, scalar_prefetch = 0 : i64, scratch_operands = 13 : i64, tpu.core_type = #tpu.core_type<sc_vector_subcore>, window_params = [{transform_indices = #map}, {transform_indices = #map1}, {transform_indices = #map}, {transform_indices = #map2}]} {
    %mul3A = arith.constant 16 : i32
    %mul3A_0 = arith.muli %arg0, %mul3A : i32
    %add3A = arith.addi %mul3A_0, %arg1 : i32
    %mul3A_1 = arith.constant 80 : i32
    %mul3A_2 = arith.muli %add3A, %mul3A_1 : i32
    %mul3A_3 = arith.constant 10240 : i32
    %mul3A_4 = arith.muli %add3A, %mul3A_3 : i32
    %dma_start3A = arith.constant 0 : i32
    %dma_start3A_5 = tpu.memref_slice %arg4[%mul3A_2, %dma_start3A] : memref<2560x128xi32, #tpu.memory_space<hbm>> -> memref<80x128xi32, #tpu.memory_space<hbm>>
    %dma_start3A_6 = arith.constant 0 : i32
    %dma_start3A_7 = tpu.memref_slice %arg4[%mul3A_2, %dma_start3A_6] : memref<2560x128xi32, #tpu.memory_space<hbm>> -> memref<80x128xi32, #tpu.memory_space<hbm>>
    tpu.enqueue_dma source(%dma_start3A_7 : memref<80x128xi32, #tpu.memory_space<hbm>>) target(%arg8 : memref<80x128xi32, #tpu.memory_space<vmem>>) target_semaphore(%arg12 : memref<!tpu.dma_semaphore, #tpu.memory_space<semaphore_mem>>)
    %add3A_8 = arith.constant 0 : i32
    %add3A_9 = arith.addi %mul3A_4, %add3A_8 : i32
    %dma_start3A_10 = tpu.memref_slice %arg3[%add3A_9] : memref<327680xi32, #tpu.memory_space<hbm>> -> memref<128xi32, #tpu.memory_space<hbm>>
    %dma_start3A_11 = tpu.memref_slice %arg3[%add3A_9] : memref<327680xi32, #tpu.memory_space<hbm>> -> memref<128xi32, #tpu.memory_space<hbm>>
    tpu.enqueue_dma source(%dma_start3A_11 : memref<128xi32, #tpu.memory_space<hbm>>) target(%arg6 : memref<128xi32, #tpu.memory_space<vmem>>) target_semaphore(%arg13 : memref<!tpu.dma_semaphore, #tpu.memory_space<semaphore_mem>>)
    %scan3A = arith.constant 0 : i32
    %scan3A_12 = arith.constant 0 : i32
    %scan3A_13 = arith.constant 1024 : i32
    %scan3A_14 = arith.addi %scan3A_12, %scan3A_13 : i32
    %scan3A_15 = arith.constant 1 : i32
    %scan3A_16 = scf.for %scan3A_124 = %scan3A_12 to %scan3A_14 step %scan3A_15 iter_args(%scan3A_125 = %scan3A) -> (i32)  : i32 {
      %jit3A = arith.constant 8 : i32
      %div3A = arith.divsi %scan3A_124, %jit3A : i32
      %sign3A = arith.constant 0 : i32
      %sign3A_126 = arith.cmpi sgt, %scan3A_124, %sign3A : i32
      %sign3A_127 = arith.extui %sign3A_126 : i1 to i32
      %sign3A_128 = arith.constant 0 : i32
      %sign3A_129 = arith.cmpi slt, %scan3A_124, %sign3A_128 : i32
      %sign3A_130 = arith.extui %sign3A_129 : i1 to i32
      %sign3A_131 = arith.subi %sign3A_127, %sign3A_130 : i32
      %sign3A_132 = arith.constant 0 : i32
      %sign3A_133 = arith.cmpi sgt, %jit3A, %sign3A_132 : i32
      %sign3A_134 = arith.extui %sign3A_133 : i1 to i32
      %sign3A_135 = arith.constant 0 : i32
      %sign3A_136 = arith.cmpi slt, %jit3A, %sign3A_135 : i32
      %sign3A_137 = arith.extui %sign3A_136 : i1 to i32
      %sign3A_138 = arith.subi %sign3A_134, %sign3A_137 : i32
      %ne3A = arith.cmpi ne, %sign3A_131, %sign3A_138 : i32
      %rem3A = arith.remsi %scan3A_124, %jit3A : i32
      %ne3A_139 = arith.constant 0 : i32
      %ne3A_140 = arith.cmpi ne, %rem3A, %ne3A_139 : i32
      %and3A = arith.andi %ne3A, %ne3A_140 : i1
      %sub3A = arith.constant 1 : i32
      %sub3A_141 = arith.subi %div3A, %sub3A : i32
      %select_n3A = arith.select %and3A, %sub3A_141, %div3A : i32
      %jit3A_142 = arith.constant 8 : i32
      %eq3A = arith.constant 0 : i32
      %eq3A_143 = arith.cmpi eq, %jit3A_142, %eq3A : i32
      %jit3A_144 = arith.constant 1 : i32
      %select_n3A_145 = arith.select %eq3A_143, %jit3A_144, %jit3A_142 : i32
      %rem3A_146 = arith.remsi %scan3A_124, %select_n3A_145 : i32
      %ne3A_147 = arith.constant 0 : i32
      %ne3A_148 = arith.cmpi ne, %rem3A_146, %ne3A_147 : i32
      %lt3A = arith.constant 0 : i32
      %lt3A_149 = arith.cmpi slt, %rem3A_146, %lt3A : i32
      %lt3A_150 = arith.constant 0 : i32
      %lt3A_151 = arith.cmpi slt, %select_n3A_145, %lt3A_150 : i32
      %ne3A_152 = arith.xori %lt3A_149, %lt3A_151 : i1
      %and3A_153 = arith.andi %ne3A_152, %ne3A_148 : i1
      %add3A_154 = arith.addi %rem3A_146, %select_n3A_145 : i32
      %select_n3A_155 = arith.select %and3A_153, %add3A_154, %rem3A_146 : i32
      %broadcast_in_dim3A = arith.constant 0.000000e+00 : f32
      %broadcast_in_dim3A_156 = vector.broadcast %broadcast_in_dim3A : f32 to vector<16xf32>
      %mul3A_157 = arith.constant 16 : i32
      %mul3A_158 = arith.muli %select_n3A_155, %mul3A_157 : i32
      %swap3A = arith.index_cast %select_n3A : i32 to index
      %swap3A_159 = arith.index_cast %mul3A_158 : i32 to index
      %swap3A_160 = tpu.vector_load %arg9[%swap3A, %swap3A_159] {strides = array<i32>} : memref<128x128xf32, #tpu.memory_space<vmem>>, vector<1x16xf32>,
      %swap3A_161 = vector.shape_cast %swap3A_160 : vector<1x16xf32> to vector<16xf32>
      %swap3A_162 = vector.shape_cast %broadcast_in_dim3A_156 : vector<16xf32> to vector<1x16xf32>
      tpu.vector_store %arg9[%swap3A, %swap3A_159], %swap3A_162 {strides = array<i32>} : memref<128x128xf32, #tpu.memory_space<vmem>>, vector<1x16xf32>,
      %scan3A_163 = arith.constant 0 : i32
      scf.yield %scan3A_163 : i32
    }
    %scan3A_17 = arith.constant 1024 : i32
    %mul3A_18 = arith.constant 640 : i32
    %mul3A_19 = arith.muli %arg1, %mul3A_18 : i32
    %add3A_20 = arith.constant 0 : i32
    %add3A_21 = arith.addi %mul3A_19, %add3A_20 : i32
    "tpu.region"() ({
      %run_scoped3A_124 = tpu.sem_alloc : memref<!tpu.dma_semaphore, #tpu.memory_space<semaphore_mem>>
      %dma_start3A_125 = arith.constant 0 : i32
      %dma_start3A_126 = tpu.memref_slice %arg11[%add3A_21, %dma_start3A_125] : memref<10240x128xf32, #tpu.memory_space<vmem_shared>> -> memref<128x128xf32, #tpu.memory_space<vmem_shared>>
      %dma_start3A_127 = arith.constant 0 : i32
      %dma_start3A_128 = tpu.memref_slice %arg11[%add3A_21, %dma_start3A_127] : memref<10240x128xf32, #tpu.memory_space<vmem_shared>> -> memref<128x128xf32, #tpu.memory_space<vmem_shared>>
      tpu.enqueue_dma source(%arg9 : memref<128x128xf32, #tpu.memory_space<vmem>>) target(%dma_start3A_128 : memref<128x128xf32, #tpu.memory_space<vmem_shared>>) target_semaphore(%run_scoped3A_124 : memref<!tpu.dma_semaphore, #tpu.memory_space<semaphore_mem>>)
      %dma_wait3A_129 = arith.constant 0 : i32
      %dma_wait3A_130 = tpu.memref_slice %arg11[%add3A_21, %dma_wait3A_129] : memref<10240x128xf32, #tpu.memory_space<vmem_shared>> -> memref<128x128xf32, #tpu.memory_space<vmem_shared>>
      %dma_wait3A_131 = arith.constant 0 : i32
      %dma_wait3A_132 = tpu.memref_slice %arg11[%add3A_21, %dma_wait3A_131] : memref<10240x128xf32, #tpu.memory_space<vmem_shared>> -> memref<128x128xf32, #tpu.memory_space<vmem_shared>>
      tpu.wait_dma2 semaphore(%run_scoped3A_124 : memref<!tpu.dma_semaphore, #tpu.memory_space<semaphore_mem>>) src(%arg9 : memref<128x128xf32, #tpu.memory_space<vmem>>) dst(%dma_wait3A_132 : memref<128x128xf32, #tpu.memory_space<vmem_shared>>)
      tpu.yield
    }) : () -> ()
    %mul3A_22 = arith.constant 640 : i32
    %mul3A_23 = arith.muli %arg1, %mul3A_22 : i32
    %add3A_24 = arith.constant 128 : i32
    %add3A_25 = arith.addi %mul3A_23, %add3A_24 : i32
    "tpu.region"() ({
      %run_scoped3A_124 = tpu.sem_alloc : memref<!tpu.dma_semaphore, #tpu.memory_space<semaphore_mem>>
      %dma_start3A_125 = arith.constant 0 : i32
      %dma_start3A_126 = tpu.memref_slice %arg11[%add3A_25, %dma_start3A_125] : memref<10240x128xf32, #tpu.memory_space<vmem_shared>> -> memref<128x128xf32, #tpu.memory_space<vmem_shared>>
      %dma_start3A_127 = arith.constant 0 : i32
      %dma_start3A_128 = tpu.memref_slice %arg11[%add3A_25, %dma_start3A_127] : memref<10240x128xf32, #tpu.memory_space<vmem_shared>> -> memref<128x128xf32, #tpu.memory_space<vmem_shared>>
      tpu.enqueue_dma source(%arg9 : memref<128x128xf32, #tpu.memory_space<vmem>>) target(%dma_start3A_128 : memref<128x128xf32, #tpu.memory_space<vmem_shared>>) target_semaphore(%run_scoped3A_124 : memref<!tpu.dma_semaphore, #tpu.memory_space<semaphore_mem>>)
      %dma_wait3A_129 = arith.constant 0 : i32
      %dma_wait3A_130 = tpu.memref_slice %arg11[%add3A_25, %dma_wait3A_129] : memref<10240x128xf32, #tpu.memory_space<vmem_shared>> -> memref<128x128xf32, #tpu.memory_space<vmem_shared>>
      %dma_wait3A_131 = arith.constant 0 : i32
      %dma_wait3A_132 = tpu.memref_slice %arg11[%add3A_25, %dma_wait3A_131] : memref<10240x128xf32, #tpu.memory_space<vmem_shared>> -> memref<128x128xf32, #tpu.memory_space<vmem_shared>>
      tpu.wait_dma2 semaphore(%run_scoped3A_124 : memref<!tpu.dma_semaphore, #tpu.memory_space<semaphore_mem>>) src(%arg9 : memref<128x128xf32, #tpu.memory_space<vmem>>) dst(%dma_wait3A_132 : memref<128x128xf32, #tpu.memory_space<vmem_shared>>)
      tpu.yield
    }) : () -> ()
    %mul3A_26 = arith.constant 640 : i32
    %mul3A_27 = arith.muli %arg1, %mul3A_26 : i32
    %add3A_28 = arith.constant 256 : i32
    %add3A_29 = arith.addi %mul3A_27, %add3A_28 : i32
    "tpu.region"() ({
      %run_scoped3A_124 = tpu.sem_alloc : memref<!tpu.dma_semaphore, #tpu.memory_space<semaphore_mem>>
      %dma_start3A_125 = arith.constant 0 : i32
      %dma_start3A_126 = tpu.memref_slice %arg11[%add3A_29, %dma_start3A_125] : memref<10240x128xf32, #tpu.memory_space<vmem_shared>> -> memref<128x128xf32, #tpu.memory_space<vmem_shared>>
      %dma_start3A_127 = arith.constant 0 : i32
      %dma_start3A_128 = tpu.memref_slice %arg11[%add3A_29, %dma_start3A_127] : memref<10240x128xf32, #tpu.memory_space<vmem_shared>> -> memref<128x128xf32, #tpu.memory_space<vmem_shared>>
      tpu.enqueue_dma source(%arg9 : memref<128x128xf32, #tpu.memory_space<vmem>>) target(%dma_start3A_128 : memref<128x128xf32, #tpu.memory_space<vmem_shared>>) target_semaphore(%run_scoped3A_124 : memref<!tpu.dma_semaphore, #tpu.memory_space<semaphore_mem>>)
      %dma_wait3A_129 = arith.constant 0 : i32
      %dma_wait3A_130 = tpu.memref_slice %arg11[%add3A_29, %dma_wait3A_129] : memref<10240x128xf32, #tpu.memory_space<vmem_shared>> -> memref<128x128xf32, #tpu.memory_space<vmem_shared>>
      %dma_wait3A_131 = arith.constant 0 : i32
      %dma_wait3A_132 = tpu.memref_slice %arg11[%add3A_29, %dma_wait3A_131] : memref<10240x128xf32, #tpu.memory_space<vmem_shared>> -> memref<128x128xf32, #tpu.memory_space<vmem_shared>>
      tpu.wait_dma2 semaphore(%run_scoped3A_124 : memref<!tpu.dma_semaphore, #tpu.memory_space<semaphore_mem>>) src(%arg9 : memref<128x128xf32, #tpu.memory_space<vmem>>) dst(%dma_wait3A_132 : memref<128x128xf32, #tpu.memory_space<vmem_shared>>)
      tpu.yield
    }) : () -> ()
    %mul3A_30 = arith.constant 640 : i32
    %mul3A_31 = arith.muli %arg1, %mul3A_30 : i32
    %add3A_32 = arith.constant 384 : i32
    %add3A_33 = arith.addi %mul3A_31, %add3A_32 : i32
    "tpu.region"() ({
      %run_scoped3A_124 = tpu.sem_alloc : memref<!tpu.dma_semaphore, #tpu.memory_space<semaphore_mem>>
      %dma_start3A_125 = arith.constant 0 : i32
      %dma_start3A_126 = tpu.memref_slice %arg11[%add3A_33, %dma_start3A_125] : memref<10240x128xf32, #tpu.memory_space<vmem_shared>> -> memref<128x128xf32, #tpu.memory_space<vmem_shared>>
      %dma_start3A_127 = arith.constant 0 : i32
      %dma_start3A_128 = tpu.memref_slice %arg11[%add3A_33, %dma_start3A_127] : memref<10240x128xf32, #tpu.memory_space<vmem_shared>> -> memref<128x128xf32, #tpu.memory_space<vmem_shared>>
      tpu.enqueue_dma source(%arg9 : memref<128x128xf32, #tpu.memory_space<vmem>>) target(%dma_start3A_128 : memref<128x128xf32, #tpu.memory_space<vmem_shared>>) target_semaphore(%run_scoped3A_124 : memref<!tpu.dma_semaphore, #tpu.memory_space<semaphore_mem>>)
      %dma_wait3A_129 = arith.constant 0 : i32
      %dma_wait3A_130 = tpu.memref_slice %arg11[%add3A_33, %dma_wait3A_129] : memref<10240x128xf32, #tpu.memory_space<vmem_shared>> -> memref<128x128xf32, #tpu.memory_space<vmem_shared>>
      %dma_wait3A_131 = arith.constant 0 : i32
      %dma_wait3A_132 = tpu.memref_slice %arg11[%add3A_33, %dma_wait3A_131] : memref<10240x128xf32, #tpu.memory_space<vmem_shared>> -> memref<128x128xf32, #tpu.memory_space<vmem_shared>>
      tpu.wait_dma2 semaphore(%run_scoped3A_124 : memref<!tpu.dma_semaphore, #tpu.memory_space<semaphore_mem>>) src(%arg9 : memref<128x128xf32, #tpu.memory_space<vmem>>) dst(%dma_wait3A_132 : memref<128x128xf32, #tpu.memory_space<vmem_shared>>)
      tpu.yield
    }) : () -> ()
    %mul3A_34 = arith.constant 640 : i32
    %mul3A_35 = arith.muli %arg1, %mul3A_34 : i32
    %add3A_36 = arith.constant 512 : i32
    %add3A_37 = arith.addi %mul3A_35, %add3A_36 : i32
    "tpu.region"() ({
      %run_scoped3A_124 = tpu.sem_alloc : memref<!tpu.dma_semaphore, #tpu.memory_space<semaphore_mem>>
      %dma_start3A_125 = arith.constant 0 : i32
      %dma_start3A_126 = tpu.memref_slice %arg11[%add3A_37, %dma_start3A_125] : memref<10240x128xf32, #tpu.memory_space<vmem_shared>> -> memref<128x128xf32, #tpu.memory_space<vmem_shared>>
      %dma_start3A_127 = arith.constant 0 : i32
      %dma_start3A_128 = tpu.memref_slice %arg11[%add3A_37, %dma_start3A_127] : memref<10240x128xf32, #tpu.memory_space<vmem_shared>> -> memref<128x128xf32, #tpu.memory_space<vmem_shared>>
      tpu.enqueue_dma source(%arg9 : memref<128x128xf32, #tpu.memory_space<vmem>>) target(%dma_start3A_128 : memref<128x128xf32, #tpu.memory_space<vmem_shared>>) target_semaphore(%run_scoped3A_124 : memref<!tpu.dma_semaphore, #tpu.memory_space<semaphore_mem>>)
      %dma_wait3A_129 = arith.constant 0 : i32
      %dma_wait3A_130 = tpu.memref_slice %arg11[%add3A_37, %dma_wait3A_129] : memref<10240x128xf32, #tpu.memory_space<vmem_shared>> -> memref<128x128xf32, #tpu.memory_space<vmem_shared>>
      %dma_wait3A_131 = arith.constant 0 : i32
      %dma_wait3A_132 = tpu.memref_slice %arg11[%add3A_37, %dma_wait3A_131] : memref<10240x128xf32, #tpu.memory_space<vmem_shared>> -> memref<128x128xf32, #tpu.memory_space<vmem_shared>>
      tpu.wait_dma2 semaphore(%run_scoped3A_124 : memref<!tpu.dma_semaphore, #tpu.memory_space<semaphore_mem>>) src(%arg9 : memref<128x128xf32, #tpu.memory_space<vmem>>) dst(%dma_wait3A_132 : memref<128x128xf32, #tpu.memory_space<vmem_shared>>)
      tpu.yield
    }) : () -> ()
    %barrier3A = arith.constant 0 : index
    tpu.barrier barrier_id(%barrier3A)
    %dma_wait3A = arith.constant 0 : i32
    %dma_wait3A_38 = tpu.memref_slice %arg4[%mul3A_2, %dma_wait3A] : memref<2560x128xi32, #tpu.memory_space<hbm>> -> memref<80x128xi32, #tpu.memory_space<hbm>>
    %dma_wait3A_39 = arith.constant 0 : i32
    %dma_wait3A_40 = tpu.memref_slice %arg4[%mul3A_2, %dma_wait3A_39] : memref<2560x128xi32, #tpu.memory_space<hbm>> -> memref<80x128xi32, #tpu.memory_space<hbm>>
    tpu.wait_dma2 semaphore(%arg12 : memref<!tpu.dma_semaphore, #tpu.memory_space<semaphore_mem>>) src(%dma_wait3A_40 : memref<80x128xi32, #tpu.memory_space<hbm>>) dst(%arg8 : memref<80x128xi32, #tpu.memory_space<vmem>>)
    %add3A_41 = arith.constant 0 : i32
    %add3A_42 = arith.addi %mul3A_4, %add3A_41 : i32
    %dma_wait3A_43 = tpu.memref_slice %arg3[%add3A_42] : memref<327680xi32, #tpu.memory_space<hbm>> -> memref<128xi32, #tpu.memory_space<hbm>>
    %dma_wait3A_44 = tpu.memref_slice %arg3[%add3A_42] : memref<327680xi32, #tpu.memory_space<hbm>> -> memref<128xi32, #tpu.memory_space<hbm>>
    tpu.wait_dma2 semaphore(%arg13 : memref<!tpu.dma_semaphore, #tpu.memory_space<semaphore_mem>>) src(%dma_wait3A_44 : memref<128xi32, #tpu.memory_space<hbm>>) dst(%arg6 : memref<128xi32, #tpu.memory_space<vmem>>)
    %dma_start3A_45 = arith.constant 0 : i32
    %dma_start3A_46 = arith.constant 0 : i32
    %dma_start3A_47 = tpu.memref_slice %arg2[%dma_start3A_45, %dma_start3A_46] : memref<10000x128xf32, #tpu.memory_space<hbm>> -> memref<10000x128xf32, #tpu.memory_space<hbm>>
    tpu.enqueue_indirect_dma source(%dma_start3A_47 : memref<10000x128xf32, #tpu.memory_space<hbm>>) target(%arg9 : memref<128x128xf32, #tpu.memory_space<vmem>>) offsets(%arg6 : memref<128xi32, #tpu.memory_space<vmem>>) semaphore(%arg15 : memref<!tpu.dma_semaphore, #tpu.memory_space<semaphore_mem>>)
    %add3A_48 = arith.constant 128 : i32
    %add3A_49 = arith.addi %mul3A_4, %add3A_48 : i32
    %dma_start3A_50 = tpu.memref_slice %arg3[%add3A_49] : memref<327680xi32, #tpu.memory_space<hbm>> -> memref<128xi32, #tpu.memory_space<hbm>>
    %dma_start3A_51 = tpu.memref_slice %arg3[%add3A_49] : memref<327680xi32, #tpu.memory_space<hbm>> -> memref<128xi32, #tpu.memory_space<hbm>>
    tpu.enqueue_dma source(%dma_start3A_51 : memref<128xi32, #tpu.memory_space<hbm>>) target(%arg7 : memref<128xi32, #tpu.memory_space<vmem>>) target_semaphore(%arg14 : memref<!tpu.dma_semaphore, #tpu.memory_space<semaphore_mem>>)
    %dma_wait3A_52 = arith.constant 0 : i32
    %dma_wait3A_53 = arith.constant 0 : i32
    %dma_wait3A_54 = tpu.memref_slice %arg2[%dma_wait3A_52, %dma_wait3A_53] : memref<10000x128xf32, #tpu.memory_space<hbm>> -> memref<10000x128xf32, #tpu.memory_space<hbm>>
    tpu.wait_indirect_dma semaphore(%arg15 : memref<!tpu.dma_semaphore, #tpu.memory_space<semaphore_mem>>) src(%dma_wait3A_54 : memref<10000x128xf32, #tpu.memory_space<hbm>>) dst(%arg9 : memref<128x128xf32, #tpu.memory_space<vmem>>)
    %add3A_55 = arith.constant 128 : i32
    %add3A_56 = arith.addi %mul3A_4, %add3A_55 : i32
    %dma_wait3A_57 = tpu.memref_slice %arg3[%add3A_56] : memref<327680xi32, #tpu.memory_space<hbm>> -> memref<128xi32, #tpu.memory_space<hbm>>
    %dma_wait3A_58 = tpu.memref_slice %arg3[%add3A_56] : memref<327680xi32, #tpu.memory_space<hbm>> -> memref<128xi32, #tpu.memory_space<hbm>>
    tpu.wait_dma2 semaphore(%arg14 : memref<!tpu.dma_semaphore, #tpu.memory_space<semaphore_mem>>) src(%dma_wait3A_58 : memref<128xi32, #tpu.memory_space<hbm>>) dst(%arg7 : memref<128xi32, #tpu.memory_space<vmem>>)
    %dma_start3A_59 = arith.constant 0 : i32
    %dma_start3A_60 = arith.constant 0 : i32
    %dma_start3A_61 = tpu.memref_slice %arg2[%dma_start3A_59, %dma_start3A_60] : memref<10000x128xf32, #tpu.memory_space<hbm>> -> memref<10000x128xf32, #tpu.memory_space<hbm>>
    tpu.enqueue_indirect_dma source(%dma_start3A_61 : memref<10000x128xf32, #tpu.memory_space<hbm>>) target(%arg10 : memref<128x128xf32, #tpu.memory_space<vmem>>) offsets(%arg7 : memref<128xi32, #tpu.memory_space<vmem>>) semaphore(%arg16 : memref<!tpu.dma_semaphore, #tpu.memory_space<semaphore_mem>>)
    %add3A_62 = arith.constant 256 : i32
    %add3A_63 = arith.addi %mul3A_4, %add3A_62 : i32
    %dma_start3A_64 = tpu.memref_slice %arg3[%add3A_63] : memref<327680xi32, #tpu.memory_space<hbm>> -> memref<128xi32, #tpu.memory_space<hbm>>
    %dma_start3A_65 = tpu.memref_slice %arg3[%add3A_63] : memref<327680xi32, #tpu.memory_space<hbm>> -> memref<128xi32, #tpu.memory_space<hbm>>
    tpu.enqueue_dma source(%dma_start3A_65 : memref<128xi32, #tpu.memory_space<hbm>>) target(%arg6 : memref<128xi32, #tpu.memory_space<vmem>>) target_semaphore(%arg13 : memref<!tpu.dma_semaphore, #tpu.memory_space<semaphore_mem>>)
    %run_scoped3A = arith.constant 0 : i32
    "tpu.region"() ({
      %run_scoped3A_124 = tpu.sem_alloc : memref<!tpu.dma_semaphore, #tpu.memory_space<semaphore_mem>>
      %dma_start3A_125 = arith.constant 0 : i32
      %dma_start3A_126 = tpu.memref_slice %arg8[%run_scoped3A, %dma_start3A_125] : memref<80x128xi32, #tpu.memory_space<vmem>> -> memref<1x128xi32, #tpu.memory_space<vmem>>
      %dma_start3A_127 = tpu.memref_squeeze %dma_start3A_126 : memref<1x128xi32, #tpu.memory_space<vmem>> -> memref<128xi32, #tpu.memory_space<vmem>>
      %dma_start3A_128 = arith.constant 0 : i32
      %dma_start3A_129 = arith.constant 0 : i32
      %dma_start3A_130 = tpu.memref_slice %arg11[%dma_start3A_128, %dma_start3A_129] : memref<10240x128xf32, #tpu.memory_space<vmem_shared>> -> memref<10240x128xf32, #tpu.memory_space<vmem_shared>>
      tpu.enqueue_indirect_dma source(%arg9 : memref<128x128xf32, #tpu.memory_space<vmem>>) target(%dma_start3A_130 : memref<10240x128xf32, #tpu.memory_space<vmem_shared>>) offsets(%dma_start3A_127 : memref<128xi32, #tpu.memory_space<vmem>>) semaphore(%run_scoped3A_124 : memref<!tpu.dma_semaphore, #tpu.memory_space<semaphore_mem>>) {add = true}
      %dma_wait3A_131 = arith.constant 0 : i32
      %dma_wait3A_132 = tpu.memref_slice %arg8[%run_scoped3A, %dma_wait3A_131] : memref<80x128xi32, #tpu.memory_space<vmem>> -> memref<1x128xi32, #tpu.memory_space<vmem>>
      %dma_wait3A_133 = tpu.memref_squeeze %dma_wait3A_132 : memref<1x128xi32, #tpu.memory_space<vmem>> -> memref<128xi32, #tpu.memory_space<vmem>>
      %dma_wait3A_134 = arith.constant 0 : i32
      %dma_wait3A_135 = arith.constant 0 : i32
      %dma_wait3A_136 = tpu.memref_slice %arg11[%dma_wait3A_134, %dma_wait3A_135] : memref<10240x128xf32, #tpu.memory_space<vmem_shared>> -> memref<10240x128xf32, #tpu.memory_space<vmem_shared>>
      tpu.wait_indirect_dma semaphore(%run_scoped3A_124 : memref<!tpu.dma_semaphore, #tpu.memory_space<semaphore_mem>>) src(%arg9 : memref<128x128xf32, #tpu.memory_space<vmem>>) dst(%dma_wait3A_136 : memref<10240x128xf32, #tpu.memory_space<vmem_shared>>)
      tpu.yield
    }) : () -> ()
    %scan3A_66 = arith.constant 0 : i32
    %scan3A_67 = arith.constant 0 : i32
    %scan3A_68 = arith.constant 38 : i32
    %scan3A_69 = arith.addi %scan3A_67, %scan3A_68 : i32
    %scan3A_70 = arith.constant 1 : i32
    %scan3A_71 = scf.for %scan3A_124 = %scan3A_67 to %scan3A_69 step %scan3A_70 iter_args(%scan3A_125 = %scan3A_66) -> (i32)  : i32 {
      %mul3A_126 = arith.constant 2 : i32
      %mul3A_127 = arith.muli %mul3A_126, %scan3A_124 : i32
      %add3A_128 = arith.constant 1 : i32
      %add3A_129 = arith.addi %mul3A_127, %add3A_128 : i32
      %dma_wait3A_130 = arith.constant 0 : i32
      %dma_wait3A_131 = arith.constant 0 : i32
      %dma_wait3A_132 = tpu.memref_slice %arg2[%dma_wait3A_130, %dma_wait3A_131] : memref<10000x128xf32, #tpu.memory_space<hbm>> -> memref<10000x128xf32, #tpu.memory_space<hbm>>
      tpu.wait_indirect_dma semaphore(%arg16 : memref<!tpu.dma_semaphore, #tpu.memory_space<semaphore_mem>>) src(%dma_wait3A_132 : memref<10000x128xf32, #tpu.memory_space<hbm>>) dst(%arg10 : memref<128x128xf32, #tpu.memory_space<vmem>>)
      %add3A_133 = arith.constant 1 : i32
      %add3A_134 = arith.addi %add3A_129, %add3A_133 : i32
      %mul3A_135 = arith.constant 128 : i32
      %mul3A_136 = arith.muli %add3A_134, %mul3A_135 : i32
      %add3A_137 = arith.addi %mul3A_4, %mul3A_136 : i32
      %dma_wait3A_138 = tpu.memref_slice %arg3[%add3A_137] : memref<327680xi32, #tpu.memory_space<hbm>> -> memref<128xi32, #tpu.memory_space<hbm>>
      %dma_wait3A_139 = tpu.memref_slice %arg3[%add3A_137] : memref<327680xi32, #tpu.memory_space<hbm>> -> memref<128xi32, #tpu.memory_space<hbm>>
      tpu.wait_dma2 semaphore(%arg13 : memref<!tpu.dma_semaphore, #tpu.memory_space<semaphore_mem>>) src(%dma_wait3A_139 : memref<128xi32, #tpu.memory_space<hbm>>) dst(%arg6 : memref<128xi32, #tpu.memory_space<vmem>>)
      %add3A_140 = arith.constant 1 : i32
      %add3A_141 = arith.addi %add3A_129, %add3A_140 : i32
      %dma_start3A_142 = arith.constant 0 : i32
      %dma_start3A_143 = arith.constant 0 : i32
      %dma_start3A_144 = tpu.memref_slice %arg2[%dma_start3A_142, %dma_start3A_143] : memref<10000x128xf32, #tpu.memory_space<hbm>> -> memref<10000x128xf32, #tpu.memory_space<hbm>>
      tpu.enqueue_indirect_dma source(%dma_start3A_144 : memref<10000x128xf32, #tpu.memory_space<hbm>>) target(%arg9 : memref<128x128xf32, #tpu.memory_space<vmem>>) offsets(%arg6 : memref<128xi32, #tpu.memory_space<vmem>>) semaphore(%arg15 : memref<!tpu.dma_semaphore, #tpu.memory_space<semaphore_mem>>)
      %add3A_145 = arith.constant 2 : i32
      %add3A_146 = arith.addi %add3A_129, %add3A_145 : i32
      %mul3A_147 = arith.constant 128 : i32
      %mul3A_148 = arith.muli %add3A_146, %mul3A_147 : i32
      %add3A_149 = arith.addi %mul3A_4, %mul3A_148 : i32
      %dma_start3A_150 = tpu.memref_slice %arg3[%add3A_149] : memref<327680xi32, #tpu.memory_space<hbm>> -> memref<128xi32, #tpu.memory_space<hbm>>
      %dma_start3A_151 = tpu.memref_slice %arg3[%add3A_149] : memref<327680xi32, #tpu.memory_space<hbm>> -> memref<128xi32, #tpu.memory_space<hbm>>
      tpu.enqueue_dma source(%dma_start3A_151 : memref<128xi32, #tpu.memory_space<hbm>>) target(%arg7 : memref<128xi32, #tpu.memory_space<vmem>>) target_semaphore(%arg14 : memref<!tpu.dma_semaphore, #tpu.memory_space<semaphore_mem>>)
      "tpu.region"() ({
        %run_scoped3A_179 = tpu.sem_alloc : memref<!tpu.dma_semaphore, #tpu.memory_space<semaphore_mem>>
        %dma_start3A_180 = arith.constant 0 : i32
        %dma_start3A_181 = tpu.memref_slice %arg8[%add3A_129, %dma_start3A_180] : memref<80x128xi32, #tpu.memory_space<vmem>> -> memref<1x128xi32, #tpu.memory_space<vmem>>
        %dma_start3A_182 = tpu.memref_squeeze %dma_start3A_181 : memref<1x128xi32, #tpu.memory_space<vmem>> -> memref<128xi32, #tpu.memory_space<vmem>>
        %dma_start3A_183 = arith.constant 0 : i32
        %dma_start3A_184 = arith.constant 0 : i32
        %dma_start3A_185 = tpu.memref_slice %arg11[%dma_start3A_183, %dma_start3A_184] : memref<10240x128xf32, #tpu.memory_space<vmem_shared>> -> memref<10240x128xf32, #tpu.memory_space<vmem_shared>>
        tpu.enqueue_indirect_dma source(%arg10 : memref<128x128xf32, #tpu.memory_space<vmem>>) target(%dma_start3A_185 : memref<10240x128xf32, #tpu.memory_space<vmem_shared>>) offsets(%dma_start3A_182 : memref<128xi32, #tpu.memory_space<vmem>>) semaphore(%run_scoped3A_179 : memref<!tpu.dma_semaphore, #tpu.memory_space<semaphore_mem>>) {add = true}
        %dma_wait3A_186 = arith.constant 0 : i32
        %dma_wait3A_187 = tpu.memref_slice %arg8[%add3A_129, %dma_wait3A_186] : memref<80x128xi32, #tpu.memory_space<vmem>> -> memref<1x128xi32, #tpu.memory_space<vmem>>
        %dma_wait3A_188 = tpu.memref_squeeze %dma_wait3A_187 : memref<1x128xi32, #tpu.memory_space<vmem>> -> memref<128xi32, #tpu.memory_space<vmem>>
        %dma_wait3A_189 = arith.constant 0 : i32
        %dma_wait3A_190 = arith.constant 0 : i32
        %dma_wait3A_191 = tpu.memref_slice %arg11[%dma_wait3A_189, %dma_wait3A_190] : memref<10240x128xf32, #tpu.memory_space<vmem_shared>> -> memref<10240x128xf32, #tpu.memory_space<vmem_shared>>
        tpu.wait_indirect_dma semaphore(%run_scoped3A_179 : memref<!tpu.dma_semaphore, #tpu.memory_space<semaphore_mem>>) src(%arg10 : memref<128x128xf32, #tpu.memory_space<vmem>>) dst(%dma_wait3A_191 : memref<10240x128xf32, #tpu.memory_space<vmem_shared>>)
        tpu.yield
      }) : () -> ()
      %mul3A_152 = arith.constant 2 : i32
      %mul3A_153 = arith.muli %mul3A_152, %scan3A_124 : i32
      %add3A_154 = arith.constant 2 : i32
      %add3A_155 = arith.addi %mul3A_153, %add3A_154 : i32
      %dma_wait3A_156 = arith.constant 0 : i32
      %dma_wait3A_157 = arith.constant 0 : i32
      %dma_wait3A_158 = tpu.memref_slice %arg2[%dma_wait3A_156, %dma_wait3A_157] : memref<10000x128xf32, #tpu.memory_space<hbm>> -> memref<10000x128xf32, #tpu.memory_space<hbm>>
      tpu.wait_indirect_dma semaphore(%arg15 : memref<!tpu.dma_semaphore, #tpu.memory_space<semaphore_mem>>) src(%dma_wait3A_158 : memref<10000x128xf32, #tpu.memory_space<hbm>>) dst(%arg9 : memref<128x128xf32, #tpu.memory_space<vmem>>)
      %add3A_159 = arith.constant 1 : i32
      %add3A_160 = arith.addi %add3A_155, %add3A_159 : i32
      %mul3A_161 = arith.constant 128 : i32
      %mul3A_162 = arith.muli %add3A_160, %mul3A_161 : i32
      %add3A_163 = arith.addi %mul3A_4, %mul3A_162 : i32
      %dma_wait3A_164 = tpu.memref_slice %arg3[%add3A_163] : memref<327680xi32, #tpu.memory_space<hbm>> -> memref<128xi32, #tpu.memory_space<hbm>>
      %dma_wait3A_165 = tpu.memref_slice %arg3[%add3A_163] : memref<327680xi32, #tpu.memory_space<hbm>> -> memref<128xi32, #tpu.memory_space<hbm>>
      tpu.wait_dma2 semaphore(%arg14 : memref<!tpu.dma_semaphore, #tpu.memory_space<semaphore_mem>>) src(%dma_wait3A_165 : memref<128xi32, #tpu.memory_space<hbm>>) dst(%arg7 : memref<128xi32, #tpu.memory_space<vmem>>)
      %add3A_166 = arith.constant 1 : i32
      %add3A_167 = arith.addi %add3A_155, %add3A_166 : i32
      %dma_start3A_168 = arith.constant 0 : i32
      %dma_start3A_169 = arith.constant 0 : i32
      %dma_start3A_170 = tpu.memref_slice %arg2[%dma_start3A_168, %dma_start3A_169] : memref<10000x128xf32, #tpu.memory_space<hbm>> -> memref<10000x128xf32, #tpu.memory_space<hbm>>
      tpu.enqueue_indirect_dma source(%dma_start3A_170 : memref<10000x128xf32, #tpu.memory_space<hbm>>) target(%arg10 : memref<128x128xf32, #tpu.memory_space<vmem>>) offsets(%arg7 : memref<128xi32, #tpu.memory_space<vmem>>) semaphore(%arg16 : memref<!tpu.dma_semaphore, #tpu.memory_space<semaphore_mem>>)
      %add3A_171 = arith.constant 2 : i32
      %add3A_172 = arith.addi %add3A_155, %add3A_171 : i32
      %mul3A_173 = arith.constant 128 : i32
      %mul3A_174 = arith.muli %add3A_172, %mul3A_173 : i32
      %add3A_175 = arith.addi %mul3A_4, %mul3A_174 : i32
      %dma_start3A_176 = tpu.memref_slice %arg3[%add3A_175] : memref<327680xi32, #tpu.memory_space<hbm>> -> memref<128xi32, #tpu.memory_space<hbm>>
      %dma_start3A_177 = tpu.memref_slice %arg3[%add3A_175] : memref<327680xi32, #tpu.memory_space<hbm>> -> memref<128xi32, #tpu.memory_space<hbm>>
      tpu.enqueue_dma source(%dma_start3A_177 : memref<128xi32, #tpu.memory_space<hbm>>) target(%arg6 : memref<128xi32, #tpu.memory_space<vmem>>) target_semaphore(%arg13 : memref<!tpu.dma_semaphore, #tpu.memory_space<semaphore_mem>>)
      "tpu.region"() ({
        %run_scoped3A_179 = tpu.sem_alloc : memref<!tpu.dma_semaphore, #tpu.memory_space<semaphore_mem>>
        %dma_start3A_180 = arith.constant 0 : i32
        %dma_start3A_181 = tpu.memref_slice %arg8[%add3A_155, %dma_start3A_180] : memref<80x128xi32, #tpu.memory_space<vmem>> -> memref<1x128xi32, #tpu.memory_space<vmem>>
        %dma_start3A_182 = tpu.memref_squeeze %dma_start3A_181 : memref<1x128xi32, #tpu.memory_space<vmem>> -> memref<128xi32, #tpu.memory_space<vmem>>
        %dma_start3A_183 = arith.constant 0 : i32
        %dma_start3A_184 = arith.constant 0 : i32
        %dma_start3A_185 = tpu.memref_slice %arg11[%dma_start3A_183, %dma_start3A_184] : memref<10240x128xf32, #tpu.memory_space<vmem_shared>> -> memref<10240x128xf32, #tpu.memory_space<vmem_shared>>
        tpu.enqueue_indirect_dma source(%arg9 : memref<128x128xf32, #tpu.memory_space<vmem>>) target(%dma_start3A_185 : memref<10240x128xf32, #tpu.memory_space<vmem_shared>>) offsets(%dma_start3A_182 : memref<128xi32, #tpu.memory_space<vmem>>) semaphore(%run_scoped3A_179 : memref<!tpu.dma_semaphore, #tpu.memory_space<semaphore_mem>>) {add = true}
        %dma_wait3A_186 = arith.constant 0 : i32
        %dma_wait3A_187 = tpu.memref_slice %arg8[%add3A_155, %dma_wait3A_186] : memref<80x128xi32, #tpu.memory_space<vmem>> -> memref<1x128xi32, #tpu.memory_space<vmem>>
        %dma_wait3A_188 = tpu.memref_squeeze %dma_wait3A_187 : memref<1x128xi32, #tpu.memory_space<vmem>> -> memref<128xi32, #tpu.memory_space<vmem>>
        %dma_wait3A_189 = arith.constant 0 : i32
        %dma_wait3A_190 = arith.constant 0 : i32
        %dma_wait3A_191 = tpu.memref_slice %arg11[%dma_wait3A_189, %dma_wait3A_190] : memref<10240x128xf32, #tpu.memory_space<vmem_shared>> -> memref<10240x128xf32, #tpu.memory_space<vmem_shared>>
        tpu.wait_indirect_dma semaphore(%run_scoped3A_179 : memref<!tpu.dma_semaphore, #tpu.memory_space<semaphore_mem>>) src(%arg9 : memref<128x128xf32, #tpu.memory_space<vmem>>) dst(%dma_wait3A_191 : memref<10240x128xf32, #tpu.memory_space<vmem_shared>>)
        tpu.yield
      }) : () -> ()
      %scan3A_178 = arith.constant 0 : i32
      scf.yield %scan3A_178 : i32
    }
    %scan3A_72 = arith.constant 38 : i32
    %dma_wait3A_73 = arith.constant 0 : i32
    %dma_wait3A_74 = arith.constant 0 : i32
    %dma_wait3A_75 = tpu.memref_slice %arg2[%dma_wait3A_73, %dma_wait3A_74] : memref<10000x128xf32, #tpu.memory_space<hbm>> -> memref<10000x128xf32, #tpu.memory_space<hbm>>
    tpu.wait_indirect_dma semaphore(%arg16 : memref<!tpu.dma_semaphore, #tpu.memory_space<semaphore_mem>>) src(%dma_wait3A_75 : memref<10000x128xf32, #tpu.memory_space<hbm>>) dst(%arg10 : memref<128x128xf32, #tpu.memory_space<vmem>>)
    %add3A_76 = arith.constant 9984 : i32
    %add3A_77 = arith.addi %mul3A_4, %add3A_76 : i32
    %dma_wait3A_78 = tpu.memref_slice %arg3[%add3A_77] : memref<327680xi32, #tpu.memory_space<hbm>> -> memref<128xi32, #tpu.memory_space<hbm>>
    %dma_wait3A_79 = tpu.memref_slice %arg3[%add3A_77] : memref<327680xi32, #tpu.memory_space<hbm>> -> memref<128xi32, #tpu.memory_space<hbm>>
    tpu.wait_dma2 semaphore(%arg13 : memref<!tpu.dma_semaphore, #tpu.memory_space<semaphore_mem>>) src(%dma_wait3A_79 : memref<128xi32, #tpu.memory_space<hbm>>) dst(%arg6 : memref<128xi32, #tpu.memory_space<vmem>>)
    %dma_start3A_80 = arith.constant 0 : i32
    %dma_start3A_81 = arith.constant 0 : i32
    %dma_start3A_82 = tpu.memref_slice %arg2[%dma_start3A_80, %dma_start3A_81] : memref<10000x128xf32, #tpu.memory_space<hbm>> -> memref<10000x128xf32, #tpu.memory_space<hbm>>
    tpu.enqueue_indirect_dma source(%dma_start3A_82 : memref<10000x128xf32, #tpu.memory_space<hbm>>) target(%arg9 : memref<128x128xf32, #tpu.memory_space<vmem>>) offsets(%arg6 : memref<128xi32, #tpu.memory_space<vmem>>) semaphore(%arg15 : memref<!tpu.dma_semaphore, #tpu.memory_space<semaphore_mem>>)
    %add3A_83 = arith.constant 10112 : i32
    %add3A_84 = arith.addi %mul3A_4, %add3A_83 : i32
    %dma_start3A_85 = tpu.memref_slice %arg3[%add3A_84] : memref<327680xi32, #tpu.memory_space<hbm>> -> memref<128xi32, #tpu.memory_space<hbm>>
    %dma_start3A_86 = tpu.memref_slice %arg3[%add3A_84] : memref<327680xi32, #tpu.memory_space<hbm>> -> memref<128xi32, #tpu.memory_space<hbm>>
    tpu.enqueue_dma source(%dma_start3A_86 : memref<128xi32, #tpu.memory_space<hbm>>) target(%arg7 : memref<128xi32, #tpu.memory_space<vmem>>) target_semaphore(%arg14 : memref<!tpu.dma_semaphore, #tpu.memory_space<semaphore_mem>>)
    %run_scoped3A_87 = arith.constant 77 : i32
    "tpu.region"() ({
      %run_scoped3A_124 = tpu.sem_alloc : memref<!tpu.dma_semaphore, #tpu.memory_space<semaphore_mem>>
      %dma_start3A_125 = arith.constant 0 : i32
      %dma_start3A_126 = tpu.memref_slice %arg8[%run_scoped3A_87, %dma_start3A_125] : memref<80x128xi32, #tpu.memory_space<vmem>> -> memref<1x128xi32, #tpu.memory_space<vmem>>
      %dma_start3A_127 = tpu.memref_squeeze %dma_start3A_126 : memref<1x128xi32, #tpu.memory_space<vmem>> -> memref<128xi32, #tpu.memory_space<vmem>>
      %dma_start3A_128 = arith.constant 0 : i32
      %dma_start3A_129 = arith.constant 0 : i32
      %dma_start3A_130 = tpu.memref_slice %arg11[%dma_start3A_128, %dma_start3A_129] : memref<10240x128xf32, #tpu.memory_space<vmem_shared>> -> memref<10240x128xf32, #tpu.memory_space<vmem_shared>>
      tpu.enqueue_indirect_dma source(%arg10 : memref<128x128xf32, #tpu.memory_space<vmem>>) target(%dma_start3A_130 : memref<10240x128xf32, #tpu.memory_space<vmem_shared>>) offsets(%dma_start3A_127 : memref<128xi32, #tpu.memory_space<vmem>>) semaphore(%run_scoped3A_124 : memref<!tpu.dma_semaphore, #tpu.memory_space<semaphore_mem>>) {add = true}
      %dma_wait3A_131 = arith.constant 0 : i32
      %dma_wait3A_132 = tpu.memref_slice %arg8[%run_scoped3A_87, %dma_wait3A_131] : memref<80x128xi32, #tpu.memory_space<vmem>> -> memref<1x128xi32, #tpu.memory_space<vmem>>
      %dma_wait3A_133 = tpu.memref_squeeze %dma_wait3A_132 : memref<1x128xi32, #tpu.memory_space<vmem>> -> memref<128xi32, #tpu.memory_space<vmem>>
      %dma_wait3A_134 = arith.constant 0 : i32
      %dma_wait3A_135 = arith.constant 0 : i32
      %dma_wait3A_136 = tpu.memref_slice %arg11[%dma_wait3A_134, %dma_wait3A_135] : memref<10240x128xf32, #tpu.memory_space<vmem_shared>> -> memref<10240x128xf32, #tpu.memory_space<vmem_shared>>
      tpu.wait_indirect_dma semaphore(%run_scoped3A_124 : memref<!tpu.dma_semaphore, #tpu.memory_space<semaphore_mem>>) src(%arg10 : memref<128x128xf32, #tpu.memory_space<vmem>>) dst(%dma_wait3A_136 : memref<10240x128xf32, #tpu.memory_space<vmem_shared>>)
      tpu.yield
    }) : () -> ()
    %dma_wait3A_88 = arith.constant 0 : i32
    %dma_wait3A_89 = arith.constant 0 : i32
    %dma_wait3A_90 = tpu.memref_slice %arg2[%dma_wait3A_88, %dma_wait3A_89] : memref<10000x128xf32, #tpu.memory_space<hbm>> -> memref<10000x128xf32, #tpu.memory_space<hbm>>
    tpu.wait_indirect_dma semaphore(%arg15 : memref<!tpu.dma_semaphore, #tpu.memory_space<semaphore_mem>>) src(%dma_wait3A_90 : memref<10000x128xf32, #tpu.memory_space<hbm>>) dst(%arg9 : memref<128x128xf32, #tpu.memory_space<vmem>>)
    %add3A_91 = arith.constant 10112 : i32
    %add3A_92 = arith.addi %mul3A_4, %add3A_91 : i32
    %dma_wait3A_93 = tpu.memref_slice %arg3[%add3A_92] : memref<327680xi32, #tpu.memory_space<hbm>> -> memref<128xi32, #tpu.memory_space<hbm>>
    %dma_wait3A_94 = tpu.memref_slice %arg3[%add3A_92] : memref<327680xi32, #tpu.memory_space<hbm>> -> memref<128xi32, #tpu.memory_space<hbm>>
    tpu.wait_dma2 semaphore(%arg14 : memref<!tpu.dma_semaphore, #tpu.memory_space<semaphore_mem>>) src(%dma_wait3A_94 : memref<128xi32, #tpu.memory_space<hbm>>) dst(%arg7 : memref<128xi32, #tpu.memory_space<vmem>>)
    %dma_start3A_95 = arith.constant 0 : i32
    %dma_start3A_96 = arith.constant 0 : i32
    %dma_start3A_97 = tpu.memref_slice %arg2[%dma_start3A_95, %dma_start3A_96] : memref<10000x128xf32, #tpu.memory_space<hbm>> -> memref<10000x128xf32, #tpu.memory_space<hbm>>
    tpu.enqueue_indirect_dma source(%dma_start3A_97 : memref<10000x128xf32, #tpu.memory_space<hbm>>) target(%arg10 : memref<128x128xf32, #tpu.memory_space<vmem>>) offsets(%arg7 : memref<128xi32, #tpu.memory_space<vmem>>) semaphore(%arg16 : memref<!tpu.dma_semaphore, #tpu.memory_space<semaphore_mem>>)
    %run_scoped3A_98 = arith.constant 78 : i32
    "tpu.region"() ({
      %run_scoped3A_124 = tpu.sem_alloc : memref<!tpu.dma_semaphore, #tpu.memory_space<semaphore_mem>>
      %dma_start3A_125 = arith.constant 0 : i32
      %dma_start3A_126 = tpu.memref_slice %arg8[%run_scoped3A_98, %dma_start3A_125] : memref<80x128xi32, #tpu.memory_space<vmem>> -> memref<1x128xi32, #tpu.memory_space<vmem>>
      %dma_start3A_127 = tpu.memref_squeeze %dma_start3A_126 : memref<1x128xi32, #tpu.memory_space<vmem>> -> memref<128xi32, #tpu.memory_space<vmem>>
      %dma_start3A_128 = arith.constant 0 : i32
      %dma_start3A_129 = arith.constant 0 : i32
      %dma_start3A_130 = tpu.memref_slice %arg11[%dma_start3A_128, %dma_start3A_129] : memref<10240x128xf32, #tpu.memory_space<vmem_shared>> -> memref<10240x128xf32, #tpu.memory_space<vmem_shared>>
      tpu.enqueue_indirect_dma source(%arg9 : memref<128x128xf32, #tpu.memory_space<vmem>>) target(%dma_start3A_130 : memref<10240x128xf32, #tpu.memory_space<vmem_shared>>) offsets(%dma_start3A_127 : memref<128xi32, #tpu.memory_space<vmem>>) semaphore(%run_scoped3A_124 : memref<!tpu.dma_semaphore, #tpu.memory_space<semaphore_mem>>) {add = true}
      %dma_wait3A_131 = arith.constant 0 : i32
      %dma_wait3A_132 = tpu.memref_slice %arg8[%run_scoped3A_98, %dma_wait3A_131] : memref<80x128xi32, #tpu.memory_space<vmem>> -> memref<1x128xi32, #tpu.memory_space<vmem>>
      %dma_wait3A_133 = tpu.memref_squeeze %dma_wait3A_132 : memref<1x128xi32, #tpu.memory_space<vmem>> -> memref<128xi32, #tpu.memory_space<vmem>>
      %dma_wait3A_134 = arith.constant 0 : i32
      %dma_wait3A_135 = arith.constant 0 : i32
      %dma_wait3A_136 = tpu.memref_slice %arg11[%dma_wait3A_134, %dma_wait3A_135] : memref<10240x128xf32, #tpu.memory_space<vmem_shared>> -> memref<10240x128xf32, #tpu.memory_space<vmem_shared>>
      tpu.wait_indirect_dma semaphore(%run_scoped3A_124 : memref<!tpu.dma_semaphore, #tpu.memory_space<semaphore_mem>>) src(%arg9 : memref<128x128xf32, #tpu.memory_space<vmem>>) dst(%dma_wait3A_136 : memref<10240x128xf32, #tpu.memory_space<vmem_shared>>)
      tpu.yield
    }) : () -> ()
    %dma_wait3A_99 = arith.constant 0 : i32
    %dma_wait3A_100 = arith.constant 0 : i32
    %dma_wait3A_101 = tpu.memref_slice %arg2[%dma_wait3A_99, %dma_wait3A_100] : memref<10000x128xf32, #tpu.memory_space<hbm>> -> memref<10000x128xf32, #tpu.memory_space<hbm>>
    tpu.wait_indirect_dma semaphore(%arg16 : memref<!tpu.dma_semaphore, #tpu.memory_space<semaphore_mem>>) src(%dma_wait3A_101 : memref<10000x128xf32, #tpu.memory_space<hbm>>) dst(%arg10 : memref<128x128xf32, #tpu.memory_space<vmem>>)
    %run_scoped3A_102 = arith.constant 79 : i32
    "tpu.region"() ({
      %run_scoped3A_124 = tpu.sem_alloc : memref<!tpu.dma_semaphore, #tpu.memory_space<semaphore_mem>>
      %dma_start3A_125 = arith.constant 0 : i32
      %dma_start3A_126 = tpu.memref_slice %arg8[%run_scoped3A_102, %dma_start3A_125] : memref<80x128xi32, #tpu.memory_space<vmem>> -> memref<1x128xi32, #tpu.memory_space<vmem>>
      %dma_start3A_127 = tpu.memref_squeeze %dma_start3A_126 : memref<1x128xi32, #tpu.memory_space<vmem>> -> memref<128xi32, #tpu.memory_space<vmem>>
      %dma_start3A_128 = arith.constant 0 : i32
      %dma_start3A_129 = arith.constant 0 : i32
      %dma_start3A_130 = tpu.memref_slice %arg11[%dma_start3A_128, %dma_start3A_129] : memref<10240x128xf32, #tpu.memory_space<vmem_shared>> -> memref<10240x128xf32, #tpu.memory_space<vmem_shared>>
      tpu.enqueue_indirect_dma source(%arg10 : memref<128x128xf32, #tpu.memory_space<vmem>>) target(%dma_start3A_130 : memref<10240x128xf32, #tpu.memory_space<vmem_shared>>) offsets(%dma_start3A_127 : memref<128xi32, #tpu.memory_space<vmem>>) semaphore(%run_scoped3A_124 : memref<!tpu.dma_semaphore, #tpu.memory_space<semaphore_mem>>) {add = true}
      %dma_wait3A_131 = arith.constant 0 : i32
      %dma_wait3A_132 = tpu.memref_slice %arg8[%run_scoped3A_102, %dma_wait3A_131] : memref<80x128xi32, #tpu.memory_space<vmem>> -> memref<1x128xi32, #tpu.memory_space<vmem>>
      %dma_wait3A_133 = tpu.memref_squeeze %dma_wait3A_132 : memref<1x128xi32, #tpu.memory_space<vmem>> -> memref<128xi32, #tpu.memory_space<vmem>>
      %dma_wait3A_134 = arith.constant 0 : i32
      %dma_wait3A_135 = arith.constant 0 : i32
      %dma_wait3A_136 = tpu.memref_slice %arg11[%dma_wait3A_134, %dma_wait3A_135] : memref<10240x128xf32, #tpu.memory_space<vmem_shared>> -> memref<10240x128xf32, #tpu.memory_space<vmem_shared>>
      tpu.wait_indirect_dma semaphore(%run_scoped3A_124 : memref<!tpu.dma_semaphore, #tpu.memory_space<semaphore_mem>>) src(%arg10 : memref<128x128xf32, #tpu.memory_space<vmem>>) dst(%dma_wait3A_136 : memref<10240x128xf32, #tpu.memory_space<vmem_shared>>)
      tpu.yield
    }) : () -> ()
    %barrier3A_103 = arith.constant 0 : index
    tpu.barrier barrier_id(%barrier3A_103)
    %mul3A_104 = arith.constant 640 : i32
    %mul3A_105 = arith.muli %arg1, %mul3A_104 : i32
    %add3A_106 = arith.constant 0 : i32
    %add3A_107 = arith.addi %mul3A_105, %add3A_106 : i32
    "tpu.region"() ({
      %run_scoped3A_124 = tpu.sem_alloc : memref<!tpu.dma_semaphore, #tpu.memory_space<semaphore_mem>>
      %dma_start3A_125 = arith.constant 0 : i32
      %dma_start3A_126 = tpu.memref_slice %arg5[%arg0, %add3A_107, %dma_start3A_125] : memref<2x10240x128xf32, #tpu.memory_space<hbm>> -> memref<1x128x128xf32, #tpu.memory_space<hbm>>
      %dma_start3A_127 = tpu.memref_squeeze %dma_start3A_126 : memref<1x128x128xf32, #tpu.memory_space<hbm>> -> memref<128x128xf32, #tpu.memory_space<hbm>>
      %dma_start3A_128 = arith.constant 0 : i32
      %dma_start3A_129 = tpu.memref_slice %arg11[%add3A_107, %dma_start3A_128] : memref<10240x128xf32, #tpu.memory_space<vmem_shared>> -> memref<128x128xf32, #tpu.memory_space<vmem_shared>>
      tpu.enqueue_dma source(%dma_start3A_129 : memref<128x128xf32, #tpu.memory_space<vmem_shared>>) target(%dma_start3A_127 : memref<128x128xf32, #tpu.memory_space<hbm>>) target_semaphore(%run_scoped3A_124 : memref<!tpu.dma_semaphore, #tpu.memory_space<semaphore_mem>>)
      %dma_wait3A_130 = arith.constant 0 : i32
      %dma_wait3A_131 = tpu.memref_slice %arg5[%arg0, %add3A_107, %dma_wait3A_130] : memref<2x10240x128xf32, #tpu.memory_space<hbm>> -> memref<1x128x128xf32, #tpu.memory_space<hbm>>
      %dma_wait3A_132 = tpu.memref_squeeze %dma_wait3A_131 : memref<1x128x128xf32, #tpu.memory_space<hbm>> -> memref<128x128xf32, #tpu.memory_space<hbm>>
      %dma_wait3A_133 = arith.constant 0 : i32
      %dma_wait3A_134 = tpu.memref_slice %arg11[%add3A_107, %dma_wait3A_133] : memref<10240x128xf32, #tpu.memory_space<vmem_shared>> -> memref<128x128xf32, #tpu.memory_space<vmem_shared>>
      tpu.wait_dma2 semaphore(%run_scoped3A_124 : memref<!tpu.dma_semaphore, #tpu.memory_space<semaphore_mem>>) src(%dma_wait3A_134 : memref<128x128xf32, #tpu.memory_space<vmem_shared>>) dst(%dma_wait3A_132 : memref<128x128xf32, #tpu.memory_space<hbm>>)
      tpu.yield
    }) : () -> ()
    %mul3A_108 = arith.constant 640 : i32
    %mul3A_109 = arith.muli %arg1, %mul3A_108 : i32
    %add3A_110 = arith.constant 128 : i32
    %add3A_111 = arith.addi %mul3A_109, %add3A_110 : i32
    "tpu.region"() ({
      %run_scoped3A_124 = tpu.sem_alloc : memref<!tpu.dma_semaphore, #tpu.memory_space<semaphore_mem>>
      %dma_start3A_125 = arith.constant 0 : i32
      %dma_start3A_126 = tpu.memref_slice %arg5[%arg0, %add3A_111, %dma_start3A_125] : memref<2x10240x128xf32, #tpu.memory_space<hbm>> -> memref<1x128x128xf32, #tpu.memory_space<hbm>>
      %dma_start3A_127 = tpu.memref_squeeze %dma_start3A_126 : memref<1x128x128xf32, #tpu.memory_space<hbm>> -> memref<128x128xf32, #tpu.memory_space<hbm>>
      %dma_start3A_128 = arith.constant 0 : i32
      %dma_start3A_129 = tpu.memref_slice %arg11[%add3A_111, %dma_start3A_128] : memref<10240x128xf32, #tpu.memory_space<vmem_shared>> -> memref<128x128xf32, #tpu.memory_space<vmem_shared>>
      tpu.enqueue_dma source(%dma_start3A_129 : memref<128x128xf32, #tpu.memory_space<vmem_shared>>) target(%dma_start3A_127 : memref<128x128xf32, #tpu.memory_space<hbm>>) target_semaphore(%run_scoped3A_124 : memref<!tpu.dma_semaphore, #tpu.memory_space<semaphore_mem>>)
      %dma_wait3A_130 = arith.constant 0 : i32
      %dma_wait3A_131 = tpu.memref_slice %arg5[%arg0, %add3A_111, %dma_wait3A_130] : memref<2x10240x128xf32, #tpu.memory_space<hbm>> -> memref<1x128x128xf32, #tpu.memory_space<hbm>>
      %dma_wait3A_132 = tpu.memref_squeeze %dma_wait3A_131 : memref<1x128x128xf32, #tpu.memory_space<hbm>> -> memref<128x128xf32, #tpu.memory_space<hbm>>
      %dma_wait3A_133 = arith.constant 0 : i32
      %dma_wait3A_134 = tpu.memref_slice %arg11[%add3A_111, %dma_wait3A_133] : memref<10240x128xf32, #tpu.memory_space<vmem_shared>> -> memref<128x128xf32, #tpu.memory_space<vmem_shared>>
      tpu.wait_dma2 semaphore(%run_scoped3A_124 : memref<!tpu.dma_semaphore, #tpu.memory_space<semaphore_mem>>) src(%dma_wait3A_134 : memref<128x128xf32, #tpu.memory_space<vmem_shared>>) dst(%dma_wait3A_132 : memref<128x128xf32, #tpu.memory_space<hbm>>)
      tpu.yield
    }) : () -> ()
    %mul3A_112 = arith.constant 640 : i32
    %mul3A_113 = arith.muli %arg1, %mul3A_112 : i32
    %add3A_114 = arith.constant 256 : i32
    %add3A_115 = arith.addi %mul3A_113, %add3A_114 : i32
    "tpu.region"() ({
      %run_scoped3A_124 = tpu.sem_alloc : memref<!tpu.dma_semaphore, #tpu.memory_space<semaphore_mem>>
      %dma_start3A_125 = arith.constant 0 : i32
      %dma_start3A_126 = tpu.memref_slice %arg5[%arg0, %add3A_115, %dma_start3A_125] : memref<2x10240x128xf32, #tpu.memory_space<hbm>> -> memref<1x128x128xf32, #tpu.memory_space<hbm>>
      %dma_start3A_127 = tpu.memref_squeeze %dma_start3A_126 : memref<1x128x128xf32, #tpu.memory_space<hbm>> -> memref<128x128xf32, #tpu.memory_space<hbm>>
      %dma_start3A_128 = arith.constant 0 : i32
      %dma_start3A_129 = tpu.memref_slice %arg11[%add3A_115, %dma_start3A_128] : memref<10240x128xf32, #tpu.memory_space<vmem_shared>> -> memref<128x128xf32, #tpu.memory_space<vmem_shared>>
      tpu.enqueue_dma source(%dma_start3A_129 : memref<128x128xf32, #tpu.memory_space<vmem_shared>>) target(%dma_start3A_127 : memref<128x128xf32, #tpu.memory_space<hbm>>) target_semaphore(%run_scoped3A_124 : memref<!tpu.dma_semaphore, #tpu.memory_space<semaphore_mem>>)
      %dma_wait3A_130 = arith.constant 0 : i32
      %dma_wait3A_131 = tpu.memref_slice %arg5[%arg0, %add3A_115, %dma_wait3A_130] : memref<2x10240x128xf32, #tpu.memory_space<hbm>> -> memref<1x128x128xf32, #tpu.memory_space<hbm>>
      %dma_wait3A_132 = tpu.memref_squeeze %dma_wait3A_131 : memref<1x128x128xf32, #tpu.memory_space<hbm>> -> memref<128x128xf32, #tpu.memory_space<hbm>>
      %dma_wait3A_133 = arith.constant 0 : i32
      %dma_wait3A_134 = tpu.memref_slice %arg11[%add3A_115, %dma_wait3A_133] : memref<10240x128xf32, #tpu.memory_space<vmem_shared>> -> memref<128x128xf32, #tpu.memory_space<vmem_shared>>
      tpu.wait_dma2 semaphore(%run_scoped3A_124 : memref<!tpu.dma_semaphore, #tpu.memory_space<semaphore_mem>>) src(%dma_wait3A_134 : memref<128x128xf32, #tpu.memory_space<vmem_shared>>) dst(%dma_wait3A_132 : memref<128x128xf32, #tpu.memory_space<hbm>>)
      tpu.yield
    }) : () -> ()
    %mul3A_116 = arith.constant 640 : i32
    %mul3A_117 = arith.muli %arg1, %mul3A_116 : i32
    %add3A_118 = arith.constant 384 : i32
    %add3A_119 = arith.addi %mul3A_117, %add3A_118 : i32
    "tpu.region"() ({
      %run_scoped3A_124 = tpu.sem_alloc : memref<!tpu.dma_semaphore, #tpu.memory_space<semaphore_mem>>
      %dma_start3A_125 = arith.constant 0 : i32
      %dma_start3A_126 = tpu.memref_slice %arg5[%arg0, %add3A_119, %dma_start3A_125] : memref<2x10240x128xf32, #tpu.memory_space<hbm>> -> memref<1x128x128xf32, #tpu.memory_space<hbm>>
      %dma_start3A_127 = tpu.memref_squeeze %dma_start3A_126 : memref<1x128x128xf32, #tpu.memory_space<hbm>> -> memref<128x128xf32, #tpu.memory_space<hbm>>
      %dma_start3A_128 = arith.constant 0 : i32
      %dma_start3A_129 = tpu.memref_slice %arg11[%add3A_119, %dma_start3A_128] : memref<10240x128xf32, #tpu.memory_space<vmem_shared>> -> memref<128x128xf32, #tpu.memory_space<vmem_shared>>
      tpu.enqueue_dma source(%dma_start3A_129 : memref<128x128xf32, #tpu.memory_space<vmem_shared>>) target(%dma_start3A_127 : memref<128x128xf32, #tpu.memory_space<hbm>>) target_semaphore(%run_scoped3A_124 : memref<!tpu.dma_semaphore, #tpu.memory_space<semaphore_mem>>)
      %dma_wait3A_130 = arith.constant 0 : i32
      %dma_wait3A_131 = tpu.memref_slice %arg5[%arg0, %add3A_119, %dma_wait3A_130] : memref<2x10240x128xf32, #tpu.memory_space<hbm>> -> memref<1x128x128xf32, #tpu.memory_space<hbm>>
      %dma_wait3A_132 = tpu.memref_squeeze %dma_wait3A_131 : memref<1x128x128xf32, #tpu.memory_space<hbm>> -> memref<128x128xf32, #tpu.memory_space<hbm>>
      %dma_wait3A_133 = arith.constant 0 : i32
      %dma_wait3A_134 = tpu.memref_slice %arg11[%add3A_119, %dma_wait3A_133] : memref<10240x128xf32, #tpu.memory_space<vmem_shared>> -> memref<128x128xf32, #tpu.memory_space<vmem_shared>>
      tpu.wait_dma2 semaphore(%run_scoped3A_124 : memref<!tpu.dma_semaphore, #tpu.memory_space<semaphore_mem>>) src(%dma_wait3A_134 : memref<128x128xf32, #tpu.memory_space<vmem_shared>>) dst(%dma_wait3A_132 : memref<128x128xf32, #tpu.memory_space<hbm>>)
      tpu.yield
    }) : () -> ()
    %mul3A_120 = arith.constant 640 : i32
    %mul3A_121 = arith.muli %arg1, %mul3A_120 : i32
    %add3A_122 = arith.constant 512 : i32
    %add3A_123 = arith.addi %mul3A_121, %add3A_122 : i32
    "tpu.region"() ({
      %run_scoped3A_124 = tpu.sem_alloc : memref<!tpu.dma_semaphore, #tpu.memory_space<semaphore_mem>>
      %dma_start3A_125 = arith.constant 0 : i32
      %dma_start3A_126 = tpu.memref_slice %arg5[%arg0, %add3A_123, %dma_start3A_125] : memref<2x10240x128xf32, #tpu.memory_space<hbm>> -> memref<1x128x128xf32, #tpu.memory_space<hbm>>
      %dma_start3A_127 = tpu.memref_squeeze %dma_start3A_126 : memref<1x128x128xf32, #tpu.memory_space<hbm>> -> memref<128x128xf32, #tpu.memory_space<hbm>>
      %dma_start3A_128 = arith.constant 0 : i32
      %dma_start3A_129 = tpu.memref_slice %arg11[%add3A_123, %dma_start3A_128] : memref<10240x128xf32, #tpu.memory_space<vmem_shared>> -> memref<128x128xf32, #tpu.memory_space<vmem_shared>>
      tpu.enqueue_dma source(%dma_start3A_129 : memref<128x128xf32, #tpu.memory_space<vmem_shared>>) target(%dma_start3A_127 : memref<128x128xf32, #tpu.memory_space<hbm>>) target_semaphore(%run_scoped3A_124 : memref<!tpu.dma_semaphore, #tpu.memory_space<semaphore_mem>>)
      %dma_wait3A_130 = arith.constant 0 : i32
      %dma_wait3A_131 = tpu.memref_slice %arg5[%arg0, %add3A_123, %dma_wait3A_130] : memref<2x10240x128xf32, #tpu.memory_space<hbm>> -> memref<1x128x128xf32, #tpu.memory_space<hbm>>
      %dma_wait3A_132 = tpu.memref_squeeze %dma_wait3A_131 : memref<1x128x128xf32, #tpu.memory_space<hbm>> -> memref<128x128xf32, #tpu.memory_space<hbm>>
      %dma_wait3A_133 = arith.constant 0 : i32
      %dma_wait3A_134 = tpu.memref_slice %arg11[%add3A_123, %dma_wait3A_133] : memref<10240x128xf32, #tpu.memory_space<vmem_shared>> -> memref<128x128xf32, #tpu.memory_space<vmem_shared>>
      tpu.wait_dma2 semaphore(%run_scoped3A_124 : memref<!tpu.dma_semaphore, #tpu.memory_space<semaphore_mem>>) src(%dma_wait3A_134 : memref<128x128xf32, #tpu.memory_space<vmem_shared>>) dst(%dma_wait3A_132 : memref<128x128xf32, #tpu.memory_space<hbm>>)
      tpu.yield
    }) : () -> ()
    return
  }
}

module attributes {stable_mosaic.version = 14 : i64} {
  func.func @_k0_body(%arg0: i32, %arg1: memref<1000x128xf32, #tpu.memory_space<vmem>>, %arg2: memref<128x128xf32, #tpu.memory_space<vmem>>, %arg3: memref<2x1000x128xf32, #tpu.memory_space<vmem>>, %arg4: memref<1000x128xf32, #tpu.memory_space<vmem>>, %arg5: memref<1000x1xf32, #tpu.memory_space<vmem>>) attributes {dimension_semantics = [#tpu.dimension_semantics<arbitrary>], iteration_bounds = array<i64: 10>, scalar_prefetch = 0 : i64, scratch_operands = 0 : i64, tpu.core_type = #tpu.core_type<tc>, window_params = [{transform_indices = @transform_0, window_bounds = array<i64: 1000, 128>}, {pipeline_mode = #tpu.pipeline_mode<synchronous>, transform_indices = @transform_1, window_bounds = array<i64: 128, 128>}, {transform_indices = @transform_2, window_bounds = array<i64: 2, 1000, 128>}, {transform_indices = @transform_3, window_bounds = array<i64: 1000, 128>}, {transform_indices = @transform_4, window_bounds = array<i64: 1000, 1>}]} {
    %get3A = arith.constant 0 : index
    %get3A_0 = arith.constant 0 : index
    %get3A_1 = arith.constant 0 : index
    %get3A_2 = vector.load %arg3[%get3A, %get3A_0, %get3A_1] : memref<2x1000x128xf32, #tpu.memory_space<vmem>>, vector<2x1000x128xf32>
    %slice3A = vector.extract_strided_slice %get3A_2 {offsets = [0, 0, 0], sizes = [1, 1000, 1], strides = [1, 1, 1]} : vector<2x1000x128xf32> to vector<1x1000x1xf32>
    %squeeze3A = vector.shape_cast %slice3A : vector<1x1000x1xf32> to vector<1000x1xf32>
    %add3A = arith.constant 1.000000e+00 : f32
    %add3A_3 = vector.broadcast %add3A : f32 to vector<1000x1xf32>
    %add3A_4 = arith.addf %add3A_3, %squeeze3A : vector<1000x1xf32>
    %slice3A_5 = vector.extract_strided_slice %get3A_2 {offsets = [1, 0, 0], sizes = [1, 1000, 1], strides = [1, 1, 1]} : vector<2x1000x128xf32> to vector<1x1000x1xf32>
    %squeeze3A_6 = vector.shape_cast %slice3A_5 : vector<1x1000x1xf32> to vector<1000x1xf32>
    %add3A_7 = arith.addf %add3A_4, %squeeze3A_6 : vector<1000x1xf32>
    %rsqrt3A = math.rsqrt %add3A_7 : vector<1000x1xf32>
    %get3A_8 = arith.constant 0 : index
    %get3A_9 = arith.constant 0 : index
    %get3A_10 = vector.load %arg1[%get3A_8, %get3A_9] : memref<1000x128xf32, #tpu.memory_space<vmem>>, vector<1000x128xf32>
    %get3A_11 = arith.constant 0 : index
    %get3A_12 = arith.constant 0 : index
    %get3A_13 = vector.load %arg2[%get3A_11, %get3A_12] : memref<128x128xf32, #tpu.memory_space<vmem>>, vector<128x128xf32>
    %dot_general3A = arith.constant dense<0.000000e+00> : vector<1000x128xf32>
    %dot_general3A_14 = tpu.matmul %get3A_10, %get3A_13, %dot_general3A {dimension_numbers = #tpu.dot_dimension_numbers<[1], [0], [0], [1], [0, 0, 1, 1], [], []>, transpose_lhs_hint = false} : vector<1000x128xf32>, vector<128x128xf32>, vector<1000x128xf32> -> vector<1000x128xf32>
    %mul3A = vector.broadcast %rsqrt3A : vector<1000x1xf32> to vector<1000x128xf32>
    %mul3A_15 = arith.mulf %dot_general3A_14, %mul3A : vector<1000x128xf32>
    %swap3A = arith.constant 0 : index
    %swap3A_16 = arith.constant 0 : index
    %swap3A_17 = vector.load %arg4[%swap3A, %swap3A_16] : memref<1000x128xf32, #tpu.memory_space<vmem>>, vector<1000x128xf32>
    tpu.vector_store %arg4[%swap3A, %swap3A_16], %mul3A_15 {strides = array<i32>} : memref<1000x128xf32, #tpu.memory_space<vmem>>, vector<1000x128xf32>,
    %swap3A_18 = arith.constant 0 : index
    %swap3A_19 = arith.constant 0 : index
    %swap3A_20 = vector.load %arg5[%swap3A_18, %swap3A_19] : memref<1000x1xf32, #tpu.memory_space<vmem>>, vector<1000x1xf32>
    tpu.vector_store %arg5[%swap3A_18, %swap3A_19], %rsqrt3A {strides = array<i32>} : memref<1000x1xf32, #tpu.memory_space<vmem>>, vector<1000x1xf32>,
    return
  }
  func.func @transform_0(%arg0: i32) -> (i32, i32) {
    %c0_i32 = arith.constant 0 : i32
    %c0_i32_0 = arith.constant 0 : i32
    return %arg0, %c0_i32 : i32, i32
  }
  func.func @transform_1(%arg0: i32) -> (i32, i32) {
    %c0_i32 = arith.constant 0 : i32
    %c0_i32_0 = arith.constant 0 : i32
    %c0_i32_1 = arith.constant 0 : i32
    return %c0_i32, %c0_i32_0 : i32, i32
  }
  func.func @transform_2(%arg0: i32) -> (i32, i32, i32) {
    %c0_i32 = arith.constant 0 : i32
    %c0_i32_0 = arith.constant 0 : i32
    %c0_i32_1 = arith.constant 0 : i32
    return %c0_i32, %arg0, %c0_i32_0 : i32, i32, i32
  }
  func.func @transform_3(%arg0: i32) -> (i32, i32) {
    %c0_i32 = arith.constant 0 : i32
    %c0_i32_0 = arith.constant 0 : i32
    return %arg0, %c0_i32 : i32, i32
  }
  func.func @transform_4(%arg0: i32) -> (i32, i32) {
    %c0_i32 = arith.constant 0 : i32
    %c0_i32_0 = arith.constant 0 : i32
    return %arg0, %c0_i32 : i32, i32
  }
}

module attributes {stable_mosaic.version = 14 : i64} {
  func.func @_mid_body(%arg0: i32, %arg1: memref<2x1000x128xf32, #tpu.memory_space<vmem>>, %arg2: memref<1000x128xf32, #tpu.memory_space<vmem>>, %arg3: memref<1000x1xf32, #tpu.memory_space<vmem>>, %arg4: memref<1x128xf32, #tpu.memory_space<vmem>>, %arg5: memref<128x128xf32, #tpu.memory_space<vmem>>, %arg6: memref<1000x128xf32, #tpu.memory_space<vmem>>) attributes {dimension_semantics = [#tpu.dimension_semantics<arbitrary>], iteration_bounds = array<i64: 10>, scalar_prefetch = 0 : i64, scratch_operands = 0 : i64, tpu.core_type = #tpu.core_type<tc>, window_params = [{transform_indices = @transform_0, window_bounds = array<i64: 2, 1000, 128>}, {transform_indices = @transform_1, window_bounds = array<i64: 1000, 128>}, {transform_indices = @transform_2, window_bounds = array<i64: 1000, 1>}, {pipeline_mode = #tpu.pipeline_mode<synchronous>, transform_indices = @transform_3, window_bounds = array<i64: 1, 128>}, {pipeline_mode = #tpu.pipeline_mode<synchronous>, transform_indices = @transform_4, window_bounds = array<i64: 128, 128>}, {transform_indices = @transform_5, window_bounds = array<i64: 1000, 128>}]} {
    %get3A = arith.constant 0 : index
    %get3A_0 = arith.constant 0 : index
    %get3A_1 = arith.constant 0 : index
    %get3A_2 = vector.load %arg1[%get3A, %get3A_0, %get3A_1] : memref<2x1000x128xf32, #tpu.memory_space<vmem>>, vector<2x1000x128xf32>
    %get3A_3 = arith.constant 0 : index
    %get3A_4 = arith.constant 0 : index
    %get3A_5 = vector.load %arg3[%get3A_3, %get3A_4] : memref<1000x1xf32, #tpu.memory_space<vmem>>, vector<1000x1xf32>
    %slice3A = vector.extract_strided_slice %get3A_2 {offsets = [0, 0, 0], sizes = [1, 1000, 128], strides = [1, 1, 1]} : vector<2x1000x128xf32> to vector<1x1000x128xf32>
    %squeeze3A = vector.shape_cast %slice3A : vector<1x1000x128xf32> to vector<1000x128xf32>
    %slice3A_6 = vector.extract_strided_slice %get3A_2 {offsets = [1, 0, 0], sizes = [1, 1000, 128], strides = [1, 1, 1]} : vector<2x1000x128xf32> to vector<1x1000x128xf32>
    %squeeze3A_7 = vector.shape_cast %slice3A_6 : vector<1x1000x128xf32> to vector<1000x128xf32>
    %add3A = arith.addf %squeeze3A, %squeeze3A_7 : vector<1000x128xf32>
    %get3A_8 = arith.constant 0 : index
    %get3A_9 = arith.constant 0 : index
    %get3A_10 = vector.load %arg2[%get3A_8, %get3A_9] : memref<1000x128xf32, #tpu.memory_space<vmem>>, vector<1000x128xf32>
    %add3A_11 = arith.addf %add3A, %get3A_10 : vector<1000x128xf32>
    %mul3A = vector.broadcast %get3A_5 : vector<1000x1xf32> to vector<1000x128xf32>
    %mul3A_12 = arith.mulf %mul3A, %add3A_11 : vector<1000x128xf32>
    %get3A_13 = arith.constant 0 : index
    %get3A_14 = arith.constant 0 : index
    %get3A_15 = vector.load %arg4[%get3A_13, %get3A_14] : memref<1x128xf32, #tpu.memory_space<vmem>>, vector<1x128xf32>
    %add3A_16 = vector.broadcast %get3A_15 : vector<1x128xf32> to vector<1000x128xf32>
    %add3A_17 = arith.addf %mul3A_12, %add3A_16 : vector<1000x128xf32>
    %max3A = arith.constant 0.000000e+00 : f32
    %max3A_18 = vector.broadcast %max3A : f32 to vector<1000x128xf32>
    %max3A_19 = arith.maximumf %add3A_17, %max3A_18 : vector<1000x128xf32>
    %get3A_20 = arith.constant 0 : index
    %get3A_21 = arith.constant 0 : index
    %get3A_22 = vector.load %arg5[%get3A_20, %get3A_21] : memref<128x128xf32, #tpu.memory_space<vmem>>, vector<128x128xf32>
    %dot_general3A = arith.constant dense<0.000000e+00> : vector<1000x128xf32>
    %dot_general3A_23 = tpu.matmul %max3A_19, %get3A_22, %dot_general3A {dimension_numbers = #tpu.dot_dimension_numbers<[1], [0], [0], [1], [0, 0, 1, 1], [], []>, transpose_lhs_hint = false} : vector<1000x128xf32>, vector<128x128xf32>, vector<1000x128xf32> -> vector<1000x128xf32>
    %mul3A_24 = vector.broadcast %get3A_5 : vector<1000x1xf32> to vector<1000x128xf32>
    %mul3A_25 = arith.mulf %mul3A_24, %dot_general3A_23 : vector<1000x128xf32>
    %swap3A = arith.constant 0 : index
    %swap3A_26 = arith.constant 0 : index
    %swap3A_27 = vector.load %arg6[%swap3A, %swap3A_26] : memref<1000x128xf32, #tpu.memory_space<vmem>>, vector<1000x128xf32>
    tpu.vector_store %arg6[%swap3A, %swap3A_26], %mul3A_25 {strides = array<i32>} : memref<1000x128xf32, #tpu.memory_space<vmem>>, vector<1000x128xf32>,
    return
  }
  func.func @transform_0(%arg0: i32) -> (i32, i32, i32) {
    %c0_i32 = arith.constant 0 : i32
    %c0_i32_0 = arith.constant 0 : i32
    %c0_i32_1 = arith.constant 0 : i32
    return %c0_i32, %arg0, %c0_i32_0 : i32, i32, i32
  }
  func.func @transform_1(%arg0: i32) -> (i32, i32) {
    %c0_i32 = arith.constant 0 : i32
    %c0_i32_0 = arith.constant 0 : i32
    return %arg0, %c0_i32 : i32, i32
  }
  func.func @transform_2(%arg0: i32) -> (i32, i32) {
    %c0_i32 = arith.constant 0 : i32
    %c0_i32_0 = arith.constant 0 : i32
    return %arg0, %c0_i32 : i32, i32
  }
  func.func @transform_3(%arg0: i32) -> (i32, i32) {
    %c0_i32 = arith.constant 0 : i32
    %c0_i32_0 = arith.constant 0 : i32
    %c0_i32_1 = arith.constant 0 : i32
    return %c0_i32, %c0_i32_0 : i32, i32
  }
  func.func @transform_4(%arg0: i32) -> (i32, i32) {
    %c0_i32 = arith.constant 0 : i32
    %c0_i32_0 = arith.constant 0 : i32
    %c0_i32_1 = arith.constant 0 : i32
    return %c0_i32, %c0_i32_0 : i32, i32
  }
  func.func @transform_5(%arg0: i32) -> (i32, i32) {
    %c0_i32 = arith.constant 0 : i32
    %c0_i32_0 = arith.constant 0 : i32
    return %arg0, %c0_i32 : i32, i32
  }
}

module attributes {stable_mosaic.version = 14 : i64} {
  func.func @_pool_body(%arg0: i32, %arg1: memref<2x400x128xf32, #tpu.memory_space<vmem>>, %arg2: memref<400x128xf32, #tpu.memory_space<vmem>>, %arg3: memref<400x1xf32, #tpu.memory_space<vmem>>, %arg4: memref<1x128xf32, #tpu.memory_space<vmem>>, %arg5: memref<1x400x1xi32, #tpu.memory_space<vmem>>, %arg6: memref<256x64xf32, #tpu.memory_space<vmem>>, %arg7: memref<1x64xf32, #tpu.memory_space<vmem>>, %arg8: memref<64x64xf32, #tpu.memory_space<vmem>>, %arg9: memref<64x128xf32, #tpu.memory_space<vmem>>, %arg10: memref<64x128xf32, #tpu.memory_space<vmem>>, %arg11: memref<64x1xf32, #tpu.memory_space<vmem>>) attributes {dimension_semantics = [#tpu.dimension_semantics<arbitrary>], iteration_bounds = array<i64: 25>, scalar_prefetch = 0 : i64, scratch_operands = 3 : i64, tpu.core_type = #tpu.core_type<tc>, window_params = [{transform_indices = @transform_0, window_bounds = array<i64: 2, 400, 128>}, {transform_indices = @transform_1, window_bounds = array<i64: 400, 128>}, {transform_indices = @transform_2, window_bounds = array<i64: 400, 1>}, {pipeline_mode = #tpu.pipeline_mode<synchronous>, transform_indices = @transform_3, window_bounds = array<i64: 1, 128>}, {transform_indices = @transform_4, window_bounds = array<i64: 1, 400, 1>}, {pipeline_mode = #tpu.pipeline_mode<synchronous>, transform_indices = @transform_5, window_bounds = array<i64: 256, 64>}, {pipeline_mode = #tpu.pipeline_mode<synchronous>, transform_indices = @transform_6, window_bounds = array<i64: 1, 64>}, {pipeline_mode = #tpu.pipeline_mode<synchronous>, transform_indices = @transform_7, window_bounds = array<i64: 64, 64>}]} {
    %eq3A = arith.constant 0 : i32
    %eq3A_0 = arith.cmpi eq, %arg0, %eq3A : i32
    %convert_element_type3A = arith.extui %eq3A_0 : i1 to i32
    %cond3A = arith.constant 0 : i32
    %cond3A_1 = arith.cmpi ne, %convert_element_type3A, %cond3A : i32
    scf.if %cond3A_1 {
      %broadcast_in_dim3A_67 = arith.constant 0xFF800000 : f32
      %broadcast_in_dim3A_68 = vector.broadcast %broadcast_in_dim3A_67 : f32 to vector<64x128xf32>
      %swap3A_69 = arith.constant 0 : index
      %swap3A_70 = arith.constant 0 : index
      %swap3A_71 = vector.load %arg9[%swap3A_69, %swap3A_70] : memref<64x128xf32, #tpu.memory_space<vmem>>, vector<64x128xf32>
      tpu.vector_store %arg9[%swap3A_69, %swap3A_70], %broadcast_in_dim3A_68 {strides = array<i32>} : memref<64x128xf32, #tpu.memory_space<vmem>>, vector<64x128xf32>,
      %broadcast_in_dim3A_72 = arith.constant 0.000000e+00 : f32
      %broadcast_in_dim3A_73 = vector.broadcast %broadcast_in_dim3A_72 : f32 to vector<64x128xf32>
      %swap3A_74 = arith.constant 0 : index
      %swap3A_75 = arith.constant 0 : index
      %swap3A_76 = vector.load %arg10[%swap3A_74, %swap3A_75] : memref<64x128xf32, #tpu.memory_space<vmem>>, vector<64x128xf32>
      tpu.vector_store %arg10[%swap3A_74, %swap3A_75], %broadcast_in_dim3A_73 {strides = array<i32>} : memref<64x128xf32, #tpu.memory_space<vmem>>, vector<64x128xf32>,
      %broadcast_in_dim3A_77 = arith.constant 0.000000e+00 : f32
      %broadcast_in_dim3A_78 = vector.broadcast %broadcast_in_dim3A_77 : f32 to vector<64x1xf32>
      %swap3A_79 = arith.constant 0 : index
      %swap3A_80 = arith.constant 0 : index
      %swap3A_81 = vector.load %arg11[%swap3A_79, %swap3A_80] : memref<64x1xf32, #tpu.memory_space<vmem>>, vector<64x1xf32>
      tpu.vector_store %arg11[%swap3A_79, %swap3A_80], %broadcast_in_dim3A_78 {strides = array<i32>} : memref<64x1xf32, #tpu.memory_space<vmem>>, vector<64x1xf32>,
    } else {
    }
    %get3A = arith.constant 0 : index
    %get3A_2 = arith.constant 0 : index
    %get3A_3 = arith.constant 0 : index
    %get3A_4 = vector.load %arg1[%get3A, %get3A_2, %get3A_3] : memref<2x400x128xf32, #tpu.memory_space<vmem>>, vector<2x400x128xf32>
    %get3A_5 = arith.constant 0 : index
    %get3A_6 = arith.constant 0 : index
    %get3A_7 = vector.load %arg3[%get3A_5, %get3A_6] : memref<400x1xf32, #tpu.memory_space<vmem>>, vector<400x1xf32>
    %slice3A = vector.extract_strided_slice %get3A_4 {offsets = [0, 0, 0], sizes = [1, 400, 128], strides = [1, 1, 1]} : vector<2x400x128xf32> to vector<1x400x128xf32>
    %squeeze3A = vector.shape_cast %slice3A : vector<1x400x128xf32> to vector<400x128xf32>
    %slice3A_8 = vector.extract_strided_slice %get3A_4 {offsets = [1, 0, 0], sizes = [1, 400, 128], strides = [1, 1, 1]} : vector<2x400x128xf32> to vector<1x400x128xf32>
    %squeeze3A_9 = vector.shape_cast %slice3A_8 : vector<1x400x128xf32> to vector<400x128xf32>
    %add3A = arith.addf %squeeze3A, %squeeze3A_9 : vector<400x128xf32>
    %get3A_10 = arith.constant 0 : index
    %get3A_11 = arith.constant 0 : index
    %get3A_12 = vector.load %arg2[%get3A_10, %get3A_11] : memref<400x128xf32, #tpu.memory_space<vmem>>, vector<400x128xf32>
    %add3A_13 = arith.addf %add3A, %get3A_12 : vector<400x128xf32>
    %mul3A = vector.broadcast %get3A_7 : vector<400x1xf32> to vector<400x128xf32>
    %mul3A_14 = arith.mulf %mul3A, %add3A_13 : vector<400x128xf32>
    %get3A_15 = arith.constant 0 : index
    %get3A_16 = arith.constant 0 : index
    %get3A_17 = vector.load %arg4[%get3A_15, %get3A_16] : memref<1x128xf32, #tpu.memory_space<vmem>>, vector<1x128xf32>
    %add3A_18 = vector.broadcast %get3A_17 : vector<1x128xf32> to vector<400x128xf32>
    %add3A_19 = arith.addf %mul3A_14, %add3A_18 : vector<400x128xf32>
    %max3A = arith.constant 0.000000e+00 : f32
    %max3A_20 = vector.broadcast %max3A : f32 to vector<400x128xf32>
    %max3A_21 = arith.maximumf %add3A_19, %max3A_20 : vector<400x128xf32>
    %get3A_22 = arith.constant 0 : index
    %get3A_23 = arith.constant 0 : index
    %get3A_24 = arith.constant 0 : index
    %get3A_25 = vector.load %arg5[%get3A_22, %get3A_23, %get3A_24] : memref<1x400x1xi32, #tpu.memory_space<vmem>>, vector<1x400x1xi32>
    %get3A_26 = vector.shape_cast %get3A_25 : vector<1x400x1xi32> to vector<400x1xi32>
    %iota3A = tpu.iota {dimensions = array<i32: 1>} : vector<400x64xi32>
    %eq3A_27 = vector.broadcast %get3A_26 : vector<400x1xi32> to vector<400x64xi32>
    %eq3A_28 = arith.cmpi eq, %iota3A, %eq3A_27 : vector<400x64xi32>
    %convert_element_type3A_29 = arith.extui %eq3A_28 : vector<400x64xi1> to vector<400x64xi32>
    %convert_element_type3A_30 = arith.sitofp %convert_element_type3A_29 : vector<400x64xi32> to vector<400x64xf32>
    %get3A_31 = arith.constant 0 : index
    %get3A_32 = arith.constant 0 : index
    %get3A_33 = vector.load %arg10[%get3A_31, %get3A_32] : memref<64x128xf32, #tpu.memory_space<vmem>>, vector<64x128xf32>
    %dot_general3A = arith.constant dense<0.000000e+00> : vector<64x128xf32>
    %dot_general3A_34 = tpu.matmul %convert_element_type3A_30, %max3A_21, %dot_general3A {dimension_numbers = #tpu.dot_dimension_numbers<[0], [0], [1], [1], [0, 1, 1, 1], [], []>, transpose_lhs_hint = false} : vector<400x64xf32>, vector<400x128xf32>, vector<64x128xf32> -> vector<64x128xf32>
    %add3A_35 = arith.addf %get3A_33, %dot_general3A_34 : vector<64x128xf32>
    %swap3A = arith.constant 0 : index
    %swap3A_36 = arith.constant 0 : index
    %swap3A_37 = vector.load %arg10[%swap3A, %swap3A_36] : memref<64x128xf32, #tpu.memory_space<vmem>>, vector<64x128xf32>
    tpu.vector_store %arg10[%swap3A, %swap3A_36], %add3A_35 {strides = array<i32>} : memref<64x128xf32, #tpu.memory_space<vmem>>, vector<64x128xf32>,
    %get3A_38 = arith.constant 0 : index
    %get3A_39 = arith.constant 0 : index
    %get3A_40 = vector.load %arg11[%get3A_38, %get3A_39] : memref<64x1xf32, #tpu.memory_space<vmem>>, vector<64x1xf32>
    %reduce_sum3A = arith.constant dense<0.000000e+00> : vector<64xf32>
    %reduce_sum3A_41 = vector.multi_reduction <add>, %convert_element_type3A_30, %reduce_sum3A [0] : vector<400x64xf32> to vector<64xf32>
    %broadcast_in_dim3A = vector.shape_cast %reduce_sum3A_41 : vector<64xf32> to vector<64x1xf32>
    %add3A_42 = arith.addf %get3A_40, %broadcast_in_dim3A : vector<64x1xf32>
    %swap3A_43 = arith.constant 0 : index
    %swap3A_44 = arith.constant 0 : index
    %swap3A_45 = vector.load %arg11[%swap3A_43, %swap3A_44] : memref<64x1xf32, #tpu.memory_space<vmem>>, vector<64x1xf32>
    tpu.vector_store %arg11[%swap3A_43, %swap3A_44], %add3A_42 {strides = array<i32>} : memref<64x1xf32, #tpu.memory_space<vmem>>, vector<64x1xf32>,
    %slice3A_46 = vector.extract_strided_slice %get3A_26 {offsets = [0, 0], sizes = [1, 1], strides = [1, 1]} : vector<400x1xi32> to vector<1x1xi32>
    %squeeze3A_47 = vector.extract %slice3A_46[0, 0] : i32 from vector<1x1xi32>
    %slice3A_48 = vector.extract_strided_slice %get3A_26 {offsets = [399, 0], sizes = [1, 1], strides = [1, 1]} : vector<400x1xi32> to vector<1x1xi32>
    %squeeze3A_49 = vector.extract %slice3A_48[0, 0] : i32 from vector<1x1xi32>
    %add3A_50 = arith.constant 1 : i32
    %add3A_51 = arith.addi %squeeze3A_49, %add3A_50 : i32
    %while3A = arith.constant 0 : i32
    %while3A_52 = arith.subi %add3A_51, %squeeze3A_47 : i32
    %while3A_53 = arith.addi %squeeze3A_47, %while3A_52 : i32
    %while3A_54 = arith.constant 1 : i32
    %while3A_55 = arith.divsi %while3A_52, %while3A_54 : i32
    %while3A_56 = arith.muli %while3A_55, %while3A_54 : i32
    %while3A_57 = arith.addi %squeeze3A_47, %while3A_56 : i32
    %while3A_58 = arith.constant 1 : i32
    %while3A_59 = scf.for %while3A_67 = %squeeze3A_47 to %while3A_57 step %while3A_58 iter_args(%while3A_68 = %while3A) -> (i32)  : i32 {
      %eq3A_69 = vector.broadcast %while3A_67 : i32 to vector<400x1xi32>
      %eq3A_70 = arith.cmpi eq, %get3A_26, %eq3A_69 : vector<400x1xi32>
      %jit3A = arith.constant 0xFF800000 : f32
      %broadcast_in_dim3A_71 = vector.shape_cast %eq3A_70 : vector<400x1xi1> to vector<400x1xi1>
      %broadcast_in_dim3A_72 = vector.broadcast %broadcast_in_dim3A_71 : vector<400x1xi1> to vector<400x128xi1>
      %broadcast_in_dim3A_73 = vector.broadcast %jit3A : f32 to vector<400x128xf32>
      %select_n3A = arith.select %broadcast_in_dim3A_72, %max3A_21, %broadcast_in_dim3A_73 : vector<400x128xi1>, vector<400x128xf32>
      %reduce_max3A = arith.constant dense<0xFF800000> : vector<128xf32>
      %reduce_max3A_74 = vector.multi_reduction <maximumf>, %select_n3A, %reduce_max3A [0] : vector<400x128xf32> to vector<128xf32>
      %broadcast_in_dim3A_75 = vector.shape_cast %reduce_max3A_74 : vector<128xf32> to vector<1x128xf32>
      %get3A_76 = arith.index_cast %while3A_67 : i32 to index
      %get3A_77 = arith.constant 0 : index
      %get3A_78 = vector.load %arg9[%get3A_76, %get3A_77] : memref<64x128xf32, #tpu.memory_space<vmem>>, vector<1x128xf32>
      %max3A_79 = arith.maximumf %get3A_78, %broadcast_in_dim3A_75 : vector<1x128xf32>
      %swap3A_80 = arith.index_cast %while3A_67 : i32 to index
      %swap3A_81 = arith.constant 0 : index
      %swap3A_82 = vector.load %arg9[%swap3A_80, %swap3A_81] : memref<64x128xf32, #tpu.memory_space<vmem>>, vector<1x128xf32>
      tpu.vector_store %arg9[%swap3A_80, %swap3A_81], %max3A_79 {strides = array<i32>} : memref<64x128xf32, #tpu.memory_space<vmem>>, vector<1x128xf32>,
      %while3A_83 = arith.constant 0 : i32
      scf.yield %while3A_83 : i32
    }
    %while3A_60 = arith.constant 1 : i32
    %while3A_61 = scf.for %while3A_67 = %while3A_57 to %while3A_53 step %while3A_60 iter_args(%while3A_68 = %while3A_59) -> (i32)  : i32 {
      %eq3A_69 = vector.broadcast %while3A_67 : i32 to vector<400x1xi32>
      %eq3A_70 = arith.cmpi eq, %get3A_26, %eq3A_69 : vector<400x1xi32>
      %jit3A = arith.constant 0xFF800000 : f32
      %broadcast_in_dim3A_71 = vector.shape_cast %eq3A_70 : vector<400x1xi1> to vector<400x1xi1>
      %broadcast_in_dim3A_72 = vector.broadcast %broadcast_in_dim3A_71 : vector<400x1xi1> to vector<400x128xi1>
      %broadcast_in_dim3A_73 = vector.broadcast %jit3A : f32 to vector<400x128xf32>
      %select_n3A = arith.select %broadcast_in_dim3A_72, %max3A_21, %broadcast_in_dim3A_73 : vector<400x128xi1>, vector<400x128xf32>
      %reduce_max3A = arith.constant dense<0xFF800000> : vector<128xf32>
      %reduce_max3A_74 = vector.multi_reduction <maximumf>, %select_n3A, %reduce_max3A [0] : vector<400x128xf32> to vector<128xf32>
      %broadcast_in_dim3A_75 = vector.shape_cast %reduce_max3A_74 : vector<128xf32> to vector<1x128xf32>
      %get3A_76 = arith.index_cast %while3A_67 : i32 to index
      %get3A_77 = arith.constant 0 : index
      %get3A_78 = vector.load %arg9[%get3A_76, %get3A_77] : memref<64x128xf32, #tpu.memory_space<vmem>>, vector<1x128xf32>
      %max3A_79 = arith.maximumf %get3A_78, %broadcast_in_dim3A_75 : vector<1x128xf32>
      %swap3A_80 = arith.index_cast %while3A_67 : i32 to index
      %swap3A_81 = arith.constant 0 : index
      %swap3A_82 = vector.load %arg9[%swap3A_80, %swap3A_81] : memref<64x128xf32, #tpu.memory_space<vmem>>, vector<1x128xf32>
      tpu.vector_store %arg9[%swap3A_80, %swap3A_81], %max3A_79 {strides = array<i32>} : memref<64x128xf32, #tpu.memory_space<vmem>>, vector<1x128xf32>,
      %while3A_83 = arith.constant 0 : i32
      scf.yield %while3A_83 : i32
    }
    %eq3A_62 = arith.constant 24 : i32
    %eq3A_63 = arith.cmpi eq, %arg0, %eq3A_62 : i32
    %convert_element_type3A_64 = arith.extui %eq3A_63 : i1 to i32
    %cond3A_65 = arith.constant 0 : i32
    %cond3A_66 = arith.cmpi ne, %convert_element_type3A_64, %cond3A_65 : i32
    scf.if %cond3A_66 {
      %get3A_67 = arith.constant 0 : index
      %get3A_68 = arith.constant 0 : index
      %get3A_69 = vector.load %arg10[%get3A_67, %get3A_68] : memref<64x128xf32, #tpu.memory_space<vmem>>, vector<64x128xf32>
      %get3A_70 = arith.constant 0 : index
      %get3A_71 = arith.constant 0 : index
      %get3A_72 = vector.load %arg11[%get3A_70, %get3A_71] : memref<64x1xf32, #tpu.memory_space<vmem>>, vector<64x1xf32>
      %max3A_73 = arith.constant 1.000000e+00 : f32
      %max3A_74 = vector.broadcast %max3A_73 : f32 to vector<64x1xf32>
      %max3A_75 = arith.maximumf %get3A_72, %max3A_74 : vector<64x1xf32>
      %div3A = vector.broadcast %max3A_75 : vector<64x1xf32> to vector<64x128xf32>
      %div3A_76 = arith.divf %get3A_69, %div3A : vector<64x128xf32>
      %get3A_77 = arith.constant 0 : index
      %get3A_78 = arith.constant 0 : index
      %get3A_79 = vector.load %arg9[%get3A_77, %get3A_78] : memref<64x128xf32, #tpu.memory_space<vmem>>, vector<64x128xf32>
      %concatenate3A = tpu.concatenate %get3A_79, %div3A_76 in 1 : vector<64x128xf32>, vector<64x128xf32> -> vector<64x256xf32>
      %get3A_80 = arith.constant 0 : index
      %get3A_81 = arith.constant 0 : index
      %get3A_82 = vector.load %arg6[%get3A_80, %get3A_81] : memref<256x64xf32, #tpu.memory_space<vmem>>, vector<256x64xf32>
      %dot_general3A_83 = arith.constant dense<0.000000e+00> : vector<64x64xf32>
      %dot_general3A_84 = tpu.matmul %concatenate3A, %get3A_82, %dot_general3A_83 {dimension_numbers = #tpu.dot_dimension_numbers<[1], [0], [0], [1], [0, 0, 1, 1], [], []>, transpose_lhs_hint = false} : vector<64x256xf32>, vector<256x64xf32>, vector<64x64xf32> -> vector<64x64xf32>
      %get3A_85 = arith.constant 0 : index
      %get3A_86 = arith.constant 0 : index
      %get3A_87 = vector.load %arg7[%get3A_85, %get3A_86] : memref<1x64xf32, #tpu.memory_space<vmem>>, vector<1x64xf32>
      %add3A_88 = vector.broadcast %get3A_87 : vector<1x64xf32> to vector<64x64xf32>
      %add3A_89 = arith.addf %dot_general3A_84, %add3A_88 : vector<64x64xf32>
      %swap3A_90 = arith.constant 0 : index
      %swap3A_91 = arith.constant 0 : index
      %swap3A_92 = vector.load %arg8[%swap3A_90, %swap3A_91] : memref<64x64xf32, #tpu.memory_space<vmem>>, vector<64x64xf32>
      tpu.vector_store %arg8[%swap3A_90, %swap3A_91], %add3A_89 {strides = array<i32>} : memref<64x64xf32, #tpu.memory_space<vmem>>, vector<64x64xf32>,
    } else {
    }
    return
  }
  func.func @transform_0(%arg0: i32) -> (i32, i32, i32) {
    %c0_i32 = arith.constant 0 : i32
    %c0_i32_0 = arith.constant 0 : i32
    %c0_i32_1 = arith.constant 0 : i32
    return %c0_i32, %arg0, %c0_i32_0 : i32, i32, i32
  }
  func.func @transform_1(%arg0: i32) -> (i32, i32) {
    %c0_i32 = arith.constant 0 : i32
    %c0_i32_0 = arith.constant 0 : i32
    return %arg0, %c0_i32 : i32, i32
  }
  func.func @transform_2(%arg0: i32) -> (i32, i32) {
    %c0_i32 = arith.constant 0 : i32
    %c0_i32_0 = arith.constant 0 : i32
    return %arg0, %c0_i32 : i32, i32
  }
  func.func @transform_3(%arg0: i32) -> (i32, i32) {
    %c0_i32 = arith.constant 0 : i32
    %c0_i32_0 = arith.constant 0 : i32
    %c0_i32_1 = arith.constant 0 : i32
    return %c0_i32, %c0_i32_0 : i32, i32
  }
  func.func @transform_4(%arg0: i32) -> (i32, i32, i32) {
    %c0_i32 = arith.constant 0 : i32
    %c0_i32_0 = arith.constant 0 : i32
    %c0_i32_1 = arith.constant 0 : i32
    return %arg0, %c0_i32, %c0_i32_0 : i32, i32, i32
  }
  func.func @transform_5(%arg0: i32) -> (i32, i32) {
    %c0_i32 = arith.constant 0 : i32
    %c0_i32_0 = arith.constant 0 : i32
    %c0_i32_1 = arith.constant 0 : i32
    return %c0_i32, %c0_i32_0 : i32, i32
  }
  func.func @transform_6(%arg0: i32) -> (i32, i32) {
    %c0_i32 = arith.constant 0 : i32
    %c0_i32_0 = arith.constant 0 : i32
    %c0_i32_1 = arith.constant 0 : i32
    return %c0_i32, %c0_i32_0 : i32, i32
  }
  func.func @transform_7(%arg0: i32) -> (i32, i32) {
    %c0_i32 = arith.constant 0 : i32
    %c0_i32_0 = arith.constant 0 : i32
    %c0_i32_1 = arith.constant 0 : i32
    return %c0_i32, %c0_i32_0 : i32, i32
  }
}

</mosaic_0001>

<sc_bundles>
// kernel: kernel.12.cloned.1.call-start
scs
__scs_entry_jumppad:
0x0: {  	(pc) =	sbr.rel $0x88, $3  }
0x1: {  	(tag) =	ssettag $0x0;
	lr =	simm.s32 $0x1  }
0x2: {  	[smem:$0x3F94] =	sst lr;
	_ =	strace $0xD0000000  }
0x3: {  	_ = 	snop  }
0x4: {  	_ = 	snop  }
0x5: {  	_ = 	snop  }
0x6: {  	_ = 	snop  }
0x7: {  	_ = 	snop  }
__scs_overlays_trampoline_lowered:
0x8: {  	[smem:$0x3FA3] =	sst s0  }
0x9: {  	[smem:$0x3FA4] =	sst s1  }
0xa: {  	[smem:$0x3FA5] =	sst s2  }
0xb: {  	[smem:$0x3FA6] =	sst s3  }
0xc: {  	[smem:$0x3FA7] =	sst s4  }
0xd: {  	[smem:$0x3FA8] =	sst s5  }
0xe: {  	[smem:$0x3FA9] =	sst s6  }
0xf: {  	[smem:$0x3FAA] =	sst s7  }
0x10: {  	[smem:$0x3FAB] =	sst s8  }
0x11: {  	[smem:$0x3FAC] =	sst s9;
	s0 =	simm.s32 @!p0 $0x0  }
0x12: {  	s1 =	sld [smem:$0x3F92];
	s0 =	simm.s32 @p0 $0x1  }
0x13: {  	[smem:$0x3FAD] =	sst s0;
	s0 =	simm.s32 @!p1 $0x0  }
0x14: {  	s2 =	sld [smem:$0x3F91];
	s0 =	simm.s32 @p1 $0x1  }
0x15: {  	[smem:$0x3FAE] =	sst s0;
	s0 =	simm.s32 @!p2 $0x0  }
0x16: {  	s3 =	sld [smem:$0x3FDB];
	s0 =	simm.s32 @p2 $0x1  }
0x17: {  	s4 =	simm.s32 $0x1BF5;
	[smem:$0x3FB0] =	sst s0  }
0x18: {  	s0 =	sld [smem:$0x3F93];
	_ =	swait.ge [sflag:s4], $0x0  }
0x19: {  	s7 =	sld [smem:$0x3F94]  }
0x1a: {  	s8 =	sadd.s32 $0xFFFFE003, lr  }
0x1b: {  	s9 =	sadd.s32 $0xFFFFFEF7, lr;
	s5 =	simm.s32 $0xFFFFFFFF;
	p2 =	slt.u32 s8, $0xFFFFF086  }
0x1c: {  	p1 =	slt.u32 s9, $0xF7A;
	s5 =	simm.s32 @!p2 $0x0  }
0x1d: {  	s5 =	simm.s32 @p1 $0x1;
	p0 =	seq.s32 s7, s2  }
0x1e: {  	s7 =	smul.u32 @!p0 $0xF7A, s2;
	p2 =	seq.s32 @!p0 s5, $0x0  }
0x1f: {  	s9 =	smul.u32 $0xF7A, s1;
	s8 =	simm.s32 @!p0 $0x1BF5;
	p2 =	por !p2, p0  }
0x20: {  	[sflag:s8] =	ssyncset.s32 @!p0 $0xFFFFF086;
	s6 =	sadd.s32 @!p0 s3, s7;
	s7 =	simm.s32 @!p0 $0x108  }
0x21: {  	s3 =	sadd.s32 s3, s9;
	s6 =	sadd.s32 @!p0 $0x88, s6;
	s7 =	simm.s32 @p2 $0x1082  }
0x22: {  	[simem:s7], [sflag:s8] =	dma.local @!p0 [hbm:s6], $0xF7A  }
0x23: {  	s9 =	sor.u32 $0xD0000000, s2;
	s6 =	simm.s32 $0x108;
	_ =	swait.ge @!p0 [sflag:s8], $0x0  }
0x24: {  	s3 =	sadd.s32 $0x88, s3;
	s6 =	simm.s32 @!p1 $0x1082;
	[sflag:s4] =	ssyncset.s32 $0xFFFFF086  }
0x25: {  	[simem:s6], [sflag:s4] =	dma.local [hbm:s3], $0xF7A  }
0x26: {  	[smem:$0x3F94] =	sst s1;
	(tag) =	ssettag s2;
	_ =	strace s9  }
0x27: {  	s1 =	sld [smem:$0x3FA4]  }
0x28: {  	s2 =	sld [smem:$0x3FA5]  }
0x29: {  	s4 =	sld [smem:$0x3FA7]  }
0x2a: {  	p0 =	seq.s32 s5, $0x0;
	s5 =	sld [smem:$0x3FA8]  }
0x2b: {  	s6 =	sld [smem:$0x3FA9]  }
0x2c: {  	s7 =	sld [smem:$0x3FAA]  }
0x2d: {  	s3 =	simm.s32 $0x108;
	s8 =	sld [smem:$0x3FAB]  }
0x2e: {  	s3 =	simm.s32 @!p0 $0x1082;
	s9 =	sld [smem:$0x3FAC]  }
0x2f: {  	lr =	sadd.s32 s0, s3;
	s0 =	sld [smem:$0x3FA3]  }
0x30: {  	s3 =	sld [smem:$0x3FA6]  }
0x31: {  	[smem:$0x3FAF] =	sst s10  }
0x32: {  	s10 =	sld [smem:$0x3FAD];
	_ =	sdelay $0x3  }
0x33: {  	p0 =	seq.s32 s10, $0x1;
	s10 =	sld [smem:$0x3FAF];
	_ =	sdelay $0x3  }
0x34: {  	[smem:$0x3FAF] =	sst s10  }
0x35: {  	s10 =	sld [smem:$0x3FAE];
	_ =	sdelay $0x3  }
0x36: {  	p1 =	seq.s32 s10, $0x1;
	s10 =	sld [smem:$0x3FAF];
	_ =	sdelay $0x3  }
0x37: {  	[smem:$0x3FAF] =	sst s10  }
0x38: {  	s10 =	sld [smem:$0x3FB0]  }
0x39: {  	_ = 	snop;
	(pc) =	sbr.ind lr, $3  }
0x3a: {  	_ = 	snop  }
0x3b: {  	_ = 	snop  }
0x3c: {  	p2 =	seq.s32 s10, $0x1;
	s10 =	sld [smem:$0x3FAF]  }
0x3d: {  	_ =	shalt  }
0x3e: {  	_ =	shalt  }
0x3f: {  	_ =	shalt  }
0x40: {  	_ =	shalt  }
0x41: {  	_ =	shalt  }
0x42: {  	_ =	shalt  }
0x43: {  	_ =	shalt  }
0x44: {  	_ =	shalt  }
0x45: {  	_ =	shalt  }
0x46: {  	_ =	shalt  }
0x47: {  	_ =	shalt  }
0x48: {  	_ =	shalt  }
0x49: {  	_ =	shalt  }
0x4a: {  	_ =	shalt  }
0x4b: {  	_ =	shalt  }
0x4c: {  	_ =	shalt  }
0x4d: {  	_ =	shalt  }
0x4e: {  	_ =	shalt  }
0x4f: {  	_ =	shalt  }
0x50: {  	_ =	shalt  }
0x51: {  	_ =	shalt  }
0x52: {  	_ =	shalt  }
0x53: {  	_ =	shalt  }
0x54: {  	_ =	shalt  }
0x55: {  	_ =	shalt  }
0x56: {  	_ =	shalt  }
0x57: {  	_ =	shalt  }
0x58: {  	_ =	shalt  }
0x59: {  	_ =	shalt  }
0x5a: {  	_ =	shalt  }
0x5b: {  	_ =	shalt  }
0x5c: {  	_ =	shalt  }
0x5d: {  	_ =	shalt  }
0x5e: {  	_ =	shalt  }
0x5f: {  	_ =	shalt  }
0x60: {  	_ =	shalt  }
0x61: {  	_ =	shalt  }
0x62: {  	_ =	shalt  }
0x63: {  	_ =	shalt  }
0x64: {  	_ =	shalt  }
0x65: {  	_ =	shalt  }
0x66: {  	_ =	shalt  }
0x67: {  	_ =	shalt  }
0x68: {  	_ =	shalt  }
0x69: {  	_ =	shalt  }
0x6a: {  	_ =	shalt  }
0x6b: {  	_ =	shalt  }
0x6c: {  	_ =	shalt  }
0x6d: {  	_ =	shalt  }
0x6e: {  	_ =	shalt  }
0x6f: {  	_ =	shalt  }
0x70: {  	_ =	shalt  }
0x71: {  	_ =	shalt  }
0x72: {  	_ =	shalt  }
0x73: {  	_ =	shalt  }
0x74: {  	_ =	shalt  }
0x75: {  	_ =	shalt  }
0x76: {  	_ =	shalt  }
0x77: {  	_ =	shalt  }
0x78: {  	_ =	shalt  }
0x79: {  	_ =	shalt  }
0x7a: {  	_ =	shalt  }
0x7b: {  	_ =	shalt  }
0x7c: {  	_ =	shalt  }
0x7d: {  	_ =	shalt  }
0x7e: {  	_ =	shalt  }
0x7f: {  	_ =	shalt  }
0x80: {  	_ =	shalt  }
0x81: {  	_ =	shalt  }
0x82: {  	_ =	shalt  }
0x83: {  	_ =	shalt  }
0x84: {  	_ =	shalt  }
0x85: {  	_ =	shalt  }
0x86: {  	_ =	shalt  }
0x87: {  	_ =	shalt  }
.Lfunc_end0:
.L_simem_size_0:
called_computation_lowered:
.L_overlay_start_0:
0x88: {  	s2 =	sld [smem:$0x3FD9]  }
0x89: {  	s3 =	sld [smem:$0x3FFE];
	_ =	sdelay $0x1  }
0x8a: {  	s1 =	srdreg.scid  }
0x8b: {  	s0 =	sand.u32 $0x1, s1  }
0x8c: {  	s16 =	sshll.u32 s0, $0xA;
	s2 =	sadd.s32 s3, s2  }
0x8d: {  	s2 =	sadd.s32 s2, s16  }
0x8e: {  	[smem:$0x3FBB] =	sst s2  }
0x8f: {  	_ = 	snop  }
0x90: {  	(tm) =	ssettm $0x1  }
0x91: {  	s17 =	sld [smem:$0x3FFB];
	_ =	sdelay $0x3  }
0x92: {  	_ =	strace s17  }
0x93: {  	s2 =	sld [smem:$0x3FFC];
	_ =	sdelay $0x3  }
0x94: {  	_ =	strace s2  }
0x95: {  	s2 =	sld [smem:$0x3FFD];
	_ =	sdelay $0x3  }
0x96: {  	_ =	strace s2  }
0x97: {  	_ =	strace $0x8FFFFFFF  }
0x98: {  	s18 =	sld [smem:$0x3FDB];
	_ =	sdelay $0x1  }
0x99: {  	s19 =	simm.s32 $_scs_section_size  }
0x9a: {  	s4 =	simm.s32 $_size__tile_overlayer_lowered;
	s5 =	simm.s32 $_tile_overlayer_lowered  }
0x9b: {  	s22 =	simm.s32 $0x1BFF;
	s21 =	sshll.u32 s5, $0x1;
	s2 =	sadd.s32 s19, s18  }
0x9c: {  	s6 =	simm.s32 $0x0;
	s20 =	sshll.u32 s4, $0x1;
	s4 =	sadd.s32 s21, s2  }
0x9d: {  	[timem:s6], [sflag:s22] =	dma.local [hbm:s4], s20  }
0x9e: {  	_ =	swait.ge [sflag:s22], s20  }
0x9f: {  	s3 =	ssub.s32 $0x0, s20;
	[sflag:s22] =	ssyncset.done $0x0  }
0xa0: {  	[sflag:s22] =	ssyncadd.s32 s3;
	_ =	sdelay $0x1  }
0xa1: {  	s23 =	simm.s32 $0x1B8B  }
0xa2: {  	_ =	swait.ge [sflag:s23], $0x1  }
0xa3: {  	[sflag:s23] =	ssyncset.done $0x0  }
0xa4: {  	s25 =	simm.s32 $0x1B8E;
	s24 =	sld [smem:$0x3FFE];
	[sflag:s23] =	ssyncadd.s32 $0xFFFFFFFF  }
0xa5: {  	s26 =	simm.s32 $execute0_lowered;
	[smem:$0x3FD2] =	sst s25  }
0xa6: {  	s4 =	sshll.u32 s26, $0x1;
	_ =	strace $0x80000046;
	[dreg:$0x1] =	wrdreg $0xFFFFFFFF  }
0xa7: {  	s28 =	simm.s32 $_size_execute0_lowered;
	s2 =	sadd.s32 s2, s4;
	[dreg:$0x0] =	wrdreg $0x0  }
0xa8: {  	s4 =	sshll.u32 s28, $0x1;
	[dreg:$0x2] =	wrdreg s2  }
0xa9: {  	[dreg:$0x3] =	wrdreg s4  }
0xaa: {  	[dreg:$0x4] =	wrdreg $0xC0  }
0xab: {  	_ =	task [dreg:s6], $0x5FFFF  }
0xac: {  	[dreg:$0x1] =	wrdreg $0xFFFFFFFF  }
0xad: {  	[dreg:$0x0] =	wrdreg $0x60  }
0xae: {  	[dreg:$0x2] =	wrdreg s24  }
0xaf: {  	[dreg:$0x3] =	wrdreg $0xA8000  }
0xb0: {  	[dreg:$0x4] =	wrdreg $0x9  }
0xb1: {  	_ =	task.clear_ibuf [dreg:s6], $0x5FFFF;
	_ =	strace $0x90000046  }
0xb2: {  	s29 =	simm.s32 $0x9;
	_ =	strace $0x80000048  }
0xb3: {  	_ =	swait.ge [sflag:s29], $0x1  }
0xb4: {  	[sflag:s29] =	ssyncadd.s32 $0xFFFFFFFF  }
0xb5: {  	_ =	strace $0x90000048  }
0xb6: {  	_ =	sfence  }
0xb7: {  	s30 =	sld [smem:$0x0];
	_ =	sdelay $0x2  }
0xb8: {  	s31 =	sshll.u32 s1, $0xD;
	s1 =	sshrl.u32 s1, $0x2  }
0xb9: {  	s3 =	sand.u32 $0x4000, s31;
	s1 =	sadd.s32 s1, s30  }
0xba: {  	s0 =	sor.u32 s3, s0;
	s1 =	sshll.u32 s1, $0x11  }
0xbb: {  	s0 =	sor.u32 s1, s0  }
0xbc: {  	s0 =	sadd.s32 $0x8F2B, s0  }
0xbd: {  	[sflag:s0] =	ssyncadd.remote.s32 $0x1  }
0xbe: {  	_ =	sfence.sel $0xFFFF  }
0xbf: {  	[dreg:$0x0] =	wrdreg $0xFFFFFFFF;
	(pc) =	sbr.abs _section_cstart, $3  }
0xc0: {  	[dreg:$0x1] =	wrdreg $0xFFFFFFFF  }
0xc1: {  	_ =	task.clear_ibuf [dreg:s6], $0x2FFFF;
	_ =	strace $0x9FFFFFFF  }
0xc2: {  	(tm) =	ssettm $0x7FFFFFFF  }
0xc3: {  	_ =	shalt  }
tec
execute0_lowered:
.L_overlay_start_1:
0x0: {  	(tag) =	ssettag $0x1  }
0x1: {  	s4 =	rddreg [dreg:$0x0]  }
0x2: {  	s0 =	srdreg.scid;
	s2 =	rddreg [dreg:$0x1]  }
0x3: {  	s1 =	stileid.u32;
	s3 =	simm.s32 $0x0;
	s19 =	simm.s32 $0x80  }
0x4: {  	s20 =	simm.s32 $0x2800;
	s21 =	simm.s32 $0x2;
	s22 =	simm.s32 $0x0  }
0x5: {  	s6 =	sand.u32 $0x1, s0;
	s0 =	rddreg [dreg:$0x2];
	s8 =	smul.u32 $0x50000, s1  }
0x6: {  	[smem:$0x7FF] =	sst s3;
	s14 =	sadd.s32 $0xE200, s4;
	s9 =	smul.u32 $0x14000, s1  }
0x7: {  	s5 =	sshll.u32 s6, $0x4;
	_ =	strace $0x80000047;
	s7 =	ssub.s32 $0x2, s6  }
0x8: {  	s12 =	smul.u32 $0x140000, s6;
	s5 =	sor.u32 s1, s5;
	s28 =	sshrl.u32 s7, $0x1  }
0x9: {  	s29 =	sshrl.u32 s8, $0x2;
	s10 =	sadd.s32 $0x4000, s9;
	s13 =	sadd.s32 $0x8000, s9  }
0xa: {  	s16 =	sadd.s32 $0xC000, s9;
	s17 =	sadd.s32 $0x10000, s9;
	s5 =	smul.u32 $0x500, s5  }
0xb: {  	s15 =	ssub.s32 s7, s28;
	s6 =	sadd.s32 s10, s2;
	s7 =	sadd.s32 s13, s2  }
0xc: {  	s8 =	sadd.s32 s16, s2;
	s11 =	sadd.s32 s9, s12;
	s18 =	sadd.s32 s12, s10  }
0xd: {  	s9 =	sadd.s32 s17, s2;
	s13 =	sadd.s32 s12, s13;
	s16 =	sadd.s32 s12, s16  }
0xe: {  	s17 =	sadd.s32 s12, s17;
	s11 =	sshrl.u32 s11, $0x3;
	s30 =	sshrl.u32 s18, $0x3  }
0xf: {  	s13 =	sshrl.u32 s13, $0x3;
	s16 =	sshrl.u32 s16, $0x3;
	s31 =	sshrl.u32 s17, $0x3  }
0x10: {  	s15 =	smax.u32 s15, $0x1;
	s17 =	simm.s32 $0x3;
	s18 =	simm.s32 $0x1  }
0x11: {  	s5 =	sadd.s32 s5, s4;
	s10 =	sadd.s32 s14, s11;
	s11 =	sadd.s32 s14, s30  }
0x12: {  	s12 =	sadd.s32 s14, s13;
	s13 =	sadd.s32 s14, s16;
	s14 =	sadd.s32 s14, s31  }
0x13: {  	v0 =	vimm.f32 $0.0e+00;
	v1 =	vimm.f32 $1.000000000e+00;
	s16 =	simm.s32 $0x6800;
	s4 =	sadd.s32 $0x4200, s5;
	s5 =	sadd.s32 s29, s2  }
.LBB2_1:
0x14: {  	[tilespmem:s3], [sflag:$0x1] =	stream.linear.gather [hbm4b:s4+s3], $0x2800, $0x38;
	[tilespmem:$0x1E800] =	vst v63  }
0x15: {  	s23 =	simm.s32 $0x0;
	s24 =	simm.s32 $0x0  }
.LBB2_2:
0x16: {  	p0 =	sne.s32 s24, $0xFFC0  }
.Ltmp0:
0x17: {  	_ = 	snop;
	(pc) =	sbr.rel @p0 .LBB2_2-.Ltmp0, $4  }
0x18: {  	s25 =	sand.u32 $0xFE00, s24  }
0x19: {  	s26 =	sand.u32 $0x70, s23;
	s25 =	sshrl.u32 s25, $0x2  }
0x1a: {  	s25 =	sor.u32 s26, s25  }
0x1b: {  	s23 =	sadd.s32 $0x10, s23;
	s24 =	sadd.s32 $0x40, s24;
	[tilespmem:s25+$0x6800] =	vst v0  }
0x1c: {  	s23 =	simm.s32 $0x0  }
0x1d: {  	s24 =	sand.u32 $0xFE00, s23  }
0x1e: {  	s25 =	sand.u32 $0x70, s23;
	s26 =	sshrl.u32 s24, $0x2  }
0x1f: {  	s24 =	simm.s32 $0x40;
	s25 =	sor.u32 s25, s26  }
.LBB2_4:
0x20: {  	p0 =	sne.s32 s24, $0xFFC0  }
0x21: {  	[tilespmem:s25+$0x2800] =	vst v1;
	s23 =	sadd.s32 $0x10, s23;
	s25 =	smov.u32 s24;
	s24 =	sadd.s32 $0x40, s24  }
.Ltmp1:
0x22: {  	(pc) =	sbr.rel @p0 .LBB2_4-.Ltmp1, $4  }
0x23: {  	_ = 	snop  }
0x24: {  	s25 =	sand.u32 $0xFE00, s25  }
0x25: {  	s26 =	sand.u32 $0x70, s23;
	s25 =	sshrl.u32 s25, $0x2  }
0x26: {  	s25 =	sor.u32 s26, s25  }
0x27: {  	[tilespmem:s25+$0x2800] =	vst v1  }
0x28: {  	[spmem:s5] =	stream.linear.scatter [tilespmem:s16], [sflag:$0x3], $0x4000, $0x38;
	[tilespmem:$0x1E800] =	vst v63  }
0x29: {  	_ =	swait.ge [sflag:s17], $0x4000  }
0x2a: {  	[sflag:s17] =	ssyncset.done $0x0  }
0x2b: {  	[sflag:s17] =	ssyncadd.s32 $0xFFFFC000  }
0x2c: {  	[spmem:s6] =	stream.linear.scatter [tilespmem:s16], [sflag:$0x3], $0x4000, $0x38;
	[tilespmem:$0x1E800] =	vst v63  }
0x2d: {  	_ =	swait.ge [sflag:s17], $0x4000  }
0x2e: {  	[sflag:s17] =	ssyncset.done $0x0  }
0x2f: {  	[sflag:s17] =	ssyncadd.s32 $0xFFFFC000  }
0x30: {  	[spmem:s7] =	stream.linear.scatter [tilespmem:s16], [sflag:$0x3], $0x4000, $0x38;
	[tilespmem:$0x1E800] =	vst v63  }
0x31: {  	_ =	swait.ge [sflag:s17], $0x4000  }
0x32: {  	[sflag:s17] =	ssyncset.done $0x0  }
0x33: {  	[sflag:s17] =	ssyncadd.s32 $0xFFFFC000  }
0x34: {  	[spmem:s8] =	stream.linear.scatter [tilespmem:s16], [sflag:$0x3], $0x4000, $0x38;
	[tilespmem:$0x1E800] =	vst v63  }
0x35: {  	_ =	swait.ge [sflag:s17], $0x4000  }
0x36: {  	[sflag:s17] =	ssyncset.done $0x0  }
0x37: {  	[sflag:s17] =	ssyncadd.s32 $0xFFFFC000  }
0x38: {  	[spmem:s9] =	stream.linear.scatter [tilespmem:s16], [sflag:$0x3], $0x4000, $0x38;
	[tilespmem:$0x1E800] =	vst v63  }
0x39: {  	_ =	swait.ge [sflag:s17], $0x4000  }
0x3a: {  	[sflag:s17] =	ssyncset.done $0x0  }
0x3b: {  	[sflag:s17] =	ssyncadd.s32 $0xFFFFC000  }
0x3c: {  	[bflag:$0x0] =	sbarrier.arrive $0xFFFF  }
0x3d: {  	_ =	swait.ge [sflag:s18], $0x2800  }
0x3e: {  	[sflag:s18] =	ssyncset.done $0x0  }
0x3f: {  	s23 =	simm.s32 $0x0;
	[sflag:s18] =	ssyncadd.s32 $0xFFFFD800  }
0x40: {  	[spmem:s2] =	stream.indirect.scatter.add.f32 [tilespmem:s20], [sflag:$0x2], $0x80, s23, s19, $0xb8;
	[tilespmem:$0x1E800] =	vst v63  }
0x41: {  	s24 =	simm.s32 $0x80  }
0x42: {  	[spmem:s2] =	stream.indirect.scatter.add.f32 [tilespmem:s20], [sflag:$0x2], $0x80, s24, s19, $0xb8;
	[tilespmem:$0x1E800] =	vst v63  }
0x43: {  	s25 =	simm.s32 $0x100  }
0x44: {  	[spmem:s2] =	stream.indirect.scatter.add.f32 [tilespmem:s20], [sflag:$0x2], $0x80, s25, s19, $0xb8;
	[tilespmem:$0x1E800] =	vst v63  }
0x45: {  	s26 =	simm.s32 $0x180  }
0x46: {  	[spmem:s2] =	stream.indirect.scatter.add.f32 [tilespmem:s20], [sflag:$0x2], $0x80, s26, s19, $0xb8;
	[tilespmem:$0x1E800] =	vst v63  }
0x47: {  	s28 =	simm.s32 $0x200  }
0x48: {  	[spmem:s2] =	stream.indirect.scatter.add.f32 [tilespmem:s20], [sflag:$0x2], $0x80, s28, s19, $0xb8;
	[tilespmem:$0x1E800] =	vst v63  }
0x49: {  	s29 =	simm.s32 $0x280  }
0x4a: {  	[spmem:s2] =	stream.indirect.scatter.add.f32 [tilespmem:s20], [sflag:$0x2], $0x80, s29, s19, $0xb8;
	[tilespmem:$0x1E800] =	vst v63  }
0x4b: {  	s30 =	simm.s32 $0x300  }
0x4c: {  	[spmem:s2] =	stream.indirect.scatter.add.f32 [tilespmem:s20], [sflag:$0x2], $0x80, s30, s19, $0xb8;
	[tilespmem:$0x1E800] =	vst v63  }
0x4d: {  	s31 =	simm.s32 $0x380  }
0x4e: {  	[spmem:s2] =	stream.indirect.scatter.add.f32 [tilespmem:s20], [sflag:$0x2], $0x80, s31, s19, $0xb8;
	[tilespmem:$0x1E800] =	vst v63  }
0x4f: {  	_ =	swait.ge [sflag:s21], $0x4000  }
0x50: {  	[sflag:s21] =	ssyncset.done $0x0  }
0x51: {  	[sflag:s21] =	ssyncadd.s32 $0xFFFFC000  }
0x52: {  	_ =	swait.ge [sflag:s21], $0x4000  }
0x53: {  	[sflag:s21] =	ssyncset.done $0x0  }
0x54: {  	[sflag:s21] =	ssyncadd.s32 $0xFFFFC000  }
0x55: {  	_ =	swait.ge [sflag:s21], $0x4000  }
0x56: {  	[sflag:s21] =	ssyncset.done $0x0  }
0x57: {  	[sflag:s21] =	ssyncadd.s32 $0xFFFFC000  }
0x58: {  	_ =	swait.ge [sflag:s21], $0x4000  }
0x59: {  	[sflag:s21] =	ssyncset.done $0x0  }
0x5a: {  	[sflag:s21] =	ssyncadd.s32 $0xFFFFC000  }
0x5b: {  	_ =	swait.ge [sflag:s21], $0x4000  }
0x5c: {  	[sflag:s21] =	ssyncset.done $0x0  }
0x5d: {  	[sflag:s21] =	ssyncadd.s32 $0xFFFFC000  }
0x5e: {  	_ =	swait.ge [sflag:s21], $0x4000  }
0x5f: {  	[sflag:s21] =	ssyncset.done $0x0  }
0x60: {  	[sflag:s21] =	ssyncadd.s32 $0xFFFFC000  }
0x61: {  	_ =	swait.ge [sflag:s21], $0x4000  }
0x62: {  	[sflag:s21] =	ssyncset.done $0x0  }
0x63: {  	[sflag:s21] =	ssyncadd.s32 $0xFFFFC000  }
0x64: {  	_ =	swait.ge [sflag:s21], $0x4000  }
0x65: {  	s23 =	simm.s32 $0x1000;
	s25 =	simm.s32 $0x2000;
	[sflag:s21] =	ssyncset.done $0x0  }
.LBB2_6:
0x66: {  	s26 =	sshra.s32 s23, $0x2  }
0x67: {  	[sflag:s21] =	ssyncadd.s32 $0xFFFFC000;
	s23 =	smov.u32 s25;
	s24 =	sadd.s32 $0x1000, s25  }
0x68: {  	[spmem:s2] =	stream.indirect.scatter.add.f32 [tilespmem:s20], [sflag:$0x2], $0x80, s26, s19, $0xb8;
	[tilespmem:$0x1E800] =	vst v63  }
0x69: {  	p0 =	sne.s32 s25, $0x9000;
	s25 =	sadd.s32 $0x80, s26  }
0x6a: {  	[spmem:s2] =	stream.indirect.scatter.add.f32 [tilespmem:s20], [sflag:$0x2], $0x80, s25, s19, $0xb8;
	[tilespmem:$0x1E800] =	vst v63  }
0x6b: {  	s25 =	sadd.s32 $0x100, s26  }
0x6c: {  	[spmem:s2] =	stream.indirect.scatter.add.f32 [tilespmem:s20], [sflag:$0x2], $0x80, s25, s19, $0xb8;
	[tilespmem:$0x1E800] =	vst v63  }
0x6d: {  	s25 =	sadd.s32 $0x180, s26  }
0x6e: {  	[spmem:s2] =	stream.indirect.scatter.add.f32 [tilespmem:s20], [sflag:$0x2], $0x80, s25, s19, $0xb8;
	[tilespmem:$0x1E800] =	vst v63  }
0x6f: {  	s25 =	sadd.s32 $0x200, s26  }
0x70: {  	[spmem:s2] =	stream.indirect.scatter.add.f32 [tilespmem:s20], [sflag:$0x2], $0x80, s25, s19, $0xb8;
	[tilespmem:$0x1E800] =	vst v63  }
0x71: {  	s25 =	sadd.s32 $0x280, s26  }
0x72: {  	[spmem:s2] =	stream.indirect.scatter.add.f32 [tilespmem:s20], [sflag:$0x2], $0x80, s25, s19, $0xb8;
	[tilespmem:$0x1E800] =	vst v63  }
0x73: {  	s25 =	sadd.s32 $0x300, s26  }
0x74: {  	[spmem:s2] =	stream.indirect.scatter.add.f32 [tilespmem:s20], [sflag:$0x2], $0x80, s25, s19, $0xb8;
	[tilespmem:$0x1E800] =	vst v63  }
0x75: {  	s25 =	sadd.s32 $0x380, s26  }
0x76: {  	[spmem:s2] =	stream.indirect.scatter.add.f32 [tilespmem:s20], [sflag:$0x2], $0x80, s25, s19, $0xb8;
	[tilespmem:$0x1E800] =	vst v63  }
0x77: {  	_ =	swait.ge [sflag:s21], $0x4000  }
0x78: {  	[sflag:s21] =	ssyncset.done $0x0  }
0x79: {  	[sflag:s21] =	ssyncadd.s32 $0xFFFFC000  }
0x7a: {  	_ =	swait.ge [sflag:s21], $0x4000  }
0x7b: {  	[sflag:s21] =	ssyncset.done $0x0  }
0x7c: {  	[sflag:s21] =	ssyncadd.s32 $0xFFFFC000  }
0x7d: {  	_ =	swait.ge [sflag:s21], $0x4000  }
0x7e: {  	[sflag:s21] =	ssyncset.done $0x0  }
0x7f: {  	[sflag:s21] =	ssyncadd.s32 $0xFFFFC000  }
0x80: {  	_ =	swait.ge [sflag:s21], $0x4000  }
0x81: {  	[sflag:s21] =	ssyncset.done $0x0  }
0x82: {  	[sflag:s21] =	ssyncadd.s32 $0xFFFFC000  }
0x83: {  	_ =	swait.ge [sflag:s21], $0x4000  }
0x84: {  	[sflag:s21] =	ssyncset.done $0x0  }
0x85: {  	[sflag:s21] =	ssyncadd.s32 $0xFFFFC000  }
0x86: {  	_ =	swait.ge [sflag:s21], $0x4000  }
0x87: {  	[sflag:s21] =	ssyncset.done $0x0  }
0x88: {  	[sflag:s21] =	ssyncadd.s32 $0xFFFFC000  }
.Ltmp2:
0x89: {  	_ =	swait.ge [sflag:s21], $0x4000;
	(pc) =	sbr.rel @p0 .LBB2_6-.Ltmp2, $4  }
0x8a: {  	[sflag:s21] =	ssyncset.done $0x0  }
0x8b: {  	[sflag:s21] =	ssyncadd.s32 $0xFFFFC000  }
0x8c: {  	_ =	swait.ge [sflag:s21], $0x4000  }
0x8d: {  	s25 =	smov.u32 s24;
	[sflag:s21] =	ssyncset.done $0x0  }
0x8e: {  	s23 =	sshra.s32 s23, $0x2;
	[sflag:s21] =	ssyncadd.s32 $0xFFFFC000  }
0x8f: {  	[spmem:s2] =	stream.indirect.scatter.add.f32 [tilespmem:s20], [sflag:$0x2], $0x80, s23, s19, $0xb8;
	[tilespmem:$0x1E800] =	vst v63  }
0x90: {  	s24 =	sadd.s32 $0x80, s23  }
0x91: {  	[spmem:s2] =	stream.indirect.scatter.add.f32 [tilespmem:s20], [sflag:$0x2], $0x80, s24, s19, $0xb8;
	[tilespmem:$0x1E800] =	vst v63  }
0x92: {  	s26 =	sadd.s32 $0x100, s23  }
0x93: {  	[spmem:s2] =	stream.indirect.scatter.add.f32 [tilespmem:s20], [sflag:$0x2], $0x80, s26, s19, $0xb8;
	[tilespmem:$0x1E800] =	vst v63  }
0x94: {  	s28 =	sadd.s32 $0x180, s23  }
0x95: {  	[spmem:s2] =	stream.indirect.scatter.add.f32 [tilespmem:s20], [sflag:$0x2], $0x80, s28, s19, $0xb8;
	[tilespmem:$0x1E800] =	vst v63  }
0x96: {  	s29 =	sadd.s32 $0x200, s23  }
0x97: {  	[spmem:s2] =	stream.indirect.scatter.add.f32 [tilespmem:s20], [sflag:$0x2], $0x80, s29, s19, $0xb8;
	[tilespmem:$0x1E800] =	vst v63  }
0x98: {  	s30 =	sadd.s32 $0x280, s23  }
0x99: {  	[spmem:s2] =	stream.indirect.scatter.add.f32 [tilespmem:s20], [sflag:$0x2], $0x80, s30, s19, $0xb8;
	[tilespmem:$0x1E800] =	vst v63  }
0x9a: {  	s31 =	sadd.s32 $0x300, s23  }
0x9b: {  	[spmem:s2] =	stream.indirect.scatter.add.f32 [tilespmem:s20], [sflag:$0x2], $0x80, s31, s19, $0xb8;
	[tilespmem:$0x1E800] =	vst v63  }
0x9c: {  	s23 =	sadd.s32 $0x380, s23  }
0x9d: {  	[spmem:s2] =	stream.indirect.scatter.add.f32 [tilespmem:s20], [sflag:$0x2], $0x80, s23, s19, $0xb8;
	[tilespmem:$0x1E800] =	vst v63  }
0x9e: {  	_ =	swait.ge [sflag:s21], $0x4000  }
0x9f: {  	[sflag:s21] =	ssyncset.done $0x0  }
0xa0: {  	[sflag:s21] =	ssyncadd.s32 $0xFFFFC000  }
0xa1: {  	_ =	swait.ge [sflag:s21], $0x4000  }
0xa2: {  	[sflag:s21] =	ssyncset.done $0x0  }
0xa3: {  	[sflag:s21] =	ssyncadd.s32 $0xFFFFC000  }
0xa4: {  	_ =	swait.ge [sflag:s21], $0x4000  }
0xa5: {  	[sflag:s21] =	ssyncset.done $0x0  }
0xa6: {  	[sflag:s21] =	ssyncadd.s32 $0xFFFFC000  }
0xa7: {  	_ =	swait.ge [sflag:s21], $0x4000  }
0xa8: {  	[sflag:s21] =	ssyncset.done $0x0  }
0xa9: {  	[sflag:s21] =	ssyncadd.s32 $0xFFFFC000  }
0xaa: {  	_ =	swait.ge [sflag:s21], $0x4000  }
0xab: {  	[sflag:s21] =	ssyncset.done $0x0  }
0xac: {  	[sflag:s21] =	ssyncadd.s32 $0xFFFFC000  }
0xad: {  	_ =	swait.ge [sflag:s21], $0x4000  }
0xae: {  	[sflag:s21] =	ssyncset.done $0x0  }
0xaf: {  	[sflag:s21] =	ssyncadd.s32 $0xFFFFC000  }
0xb0: {  	_ =	swait.ge [sflag:s21], $0x4000  }
0xb1: {  	[sflag:s21] =	ssyncset.done $0x0  }
0xb2: {  	[sflag:s21] =	ssyncadd.s32 $0xFFFFC000  }
0xb3: {  	_ =	swait.ge [sflag:s21], $0x4000  }
0xb4: {  	[sflag:s21] =	ssyncset.done $0x0  }
0xb5: {  	s25 =	sshll.u32 s1, $0x6;
	[sflag:s21] =	ssyncadd.s32 $0xFFFFC000  }
0xb6: {  	s26 =	sshrl.u32 s5, $0x3;
	s23 =	sor.u32 $0x1C03, s25;
	[bflag:$0x0] =	sbarrier.arrive $0xFFFF  }
0xb7: {  	[hbm:s10], [sflag:s23] =	dma.local [spmem:s26], $0x800  }
0xb8: {  	_ =	swait.ge [sflag:s17], $0x800  }
0xb9: {  	[sflag:s17] =	ssyncset.done $0x0  }
0xba: {  	s28 =	sshrl.u32 s6, $0x3;
	[sflag:s17] =	ssyncadd.s32 $0xFFFFF800  }
0xbb: {  	[hbm:s11], [sflag:s23] =	dma.local [spmem:s28], $0x800  }
0xbc: {  	_ =	swait.ge [sflag:s17], $0x800  }
0xbd: {  	[sflag:s17] =	ssyncset.done $0x0  }
0xbe: {  	s29 =	sshrl.u32 s7, $0x3;
	[sflag:s17] =	ssyncadd.s32 $0xFFFFF800  }
0xbf: {  	[hbm:s12], [sflag:s23] =	dma.local [spmem:s29], $0x800  }
0xc0: {  	_ =	swait.ge [sflag:s17], $0x800  }
0xc1: {  	[sflag:s17] =	ssyncset.done $0x0  }
0xc2: {  	s30 =	sshrl.u32 s8, $0x3;
	[sflag:s17] =	ssyncadd.s32 $0xFFFFF800  }
0xc3: {  	[hbm:s13], [sflag:s23] =	dma.local [spmem:s30], $0x800  }
0xc4: {  	s22 =	sadd.s32 $0x1, s22;
	_ =	swait.ge [sflag:s17], $0x800  }
0xc5: {  	p0 =	sne.s32 s22, s15;
	[sflag:s17] =	ssyncset.done $0x0  }
.Ltmp3:
0xc6: {  	s31 =	sshrl.u32 s9, $0x3;
	[sflag:s17] =	ssyncadd.s32 $0xFFFFF800;
	(pc) =	sbr.rel @p0 .LBB2_1-.Ltmp3, $4  }
0xc7: {  	[hbm:s14], [sflag:s23] =	dma.local [spmem:s31], $0x800  }
0xc8: {  	_ =	swait.ge [sflag:s17], $0x800  }
0xc9: {  	[sflag:s17] =	ssyncset.done $0x0  }
0xca: {  	[sflag:s17] =	ssyncadd.s32 $0xFFFFF800  }
0xcb: {  	_ =	sfence.sel $0x180000  }
0xcc: {  	[bflag:$0x0] =	sbarrier.arrive $0xFFFF  }
0xcd: {  	p0 =	sne.s32 s1, $0x0;
	_ =	strace $0x90000047  }
0xce: {  	s0 =	sadd.s32 @!p0 $0x100000, s0;
	[bflag:$0x2] =	sbarrier.arrive $0xFFFF  }
0xcf: {  	[sflag:s0] =	ssyncadd.tile.s32 @!p0 $0x1;
	_ =	shalt  }
.Lfunc_end2:
_tile_overlayer_lowered:
.L_overlay_start_2:
0xd0: {  	(tag) =	ssettag $0x2  }
0xd1: {  	s0 =	rddreg [dreg:$0x0];
	s2 =	stileid.u32  }
0xd2: {  	s1 =	rddreg [dreg:$0x1];
	p0 =	sne.s32 s2, $0x0  }
0xd3: {  	s3 =	rddreg [dreg:$0x2];
	[bflag:$0x3] =	sbarrier.arrive $0xFFFF;
	s2 =	simm.s32 @!p0 $0x1C03  }
0xd4: {  	[timem:s3], [sflag:s2] =	dma.local @!p0 [hbm:s0], s1  }
0xd5: {  	s0 =	simm.s32 @!p0 $0x3  }
0xd6: {  	_ =	swait.ge @!p0 [sflag:s0], s1  }
0xd7: {  	s1 =	ssub.s32 @!p0 $0x0, s1;
	[sflag:s0] =	ssyncset.done @!p0 $0x0  }
0xd8: {  	[sflag:s0] =	ssyncadd.s32 @!p0 s1  }
0xd9: {  	[bflag:$0x3] =	sbarrier.arrive $0xFFFF  }
0xda: {  	_ =	shalt  }

// kernel: kernel.15.cloned.1.call-start
scs
__scs_entry_jumppad:
0x0: {  	(pc) =	sbr.rel $0x88, $3  }
0x1: {  	(tag) =	ssettag $0x0;
	lr =	simm.s32 $0x1  }
0x2: {  	[smem:$0x3F94] =	sst lr;
	_ =	strace $0xD0000000  }
0x3: {  	_ = 	snop  }
0x4: {  	_ = 	snop  }
0x5: {  	_ = 	snop  }
0x6: {  	_ = 	snop  }
0x7: {  	_ = 	snop  }
__scs_overlays_trampoline_lowered:
0x8: {  	[smem:$0x3FA3] =	sst s0  }
0x9: {  	[smem:$0x3FA4] =	sst s1  }
0xa: {  	[smem:$0x3FA5] =	sst s2  }
0xb: {  	[smem:$0x3FA6] =	sst s3  }
0xc: {  	[smem:$0x3FA7] =	sst s4  }
0xd: {  	[smem:$0x3FA8] =	sst s5  }
0xe: {  	[smem:$0x3FA9] =	sst s6  }
0xf: {  	[smem:$0x3FAA] =	sst s7  }
0x10: {  	[smem:$0x3FAB] =	sst s8  }
0x11: {  	[smem:$0x3FAC] =	sst s9;
	s0 =	simm.s32 @!p0 $0x0  }
0x12: {  	s1 =	sld [smem:$0x3F92];
	s0 =	simm.s32 @p0 $0x1  }
0x13: {  	[smem:$0x3FAD] =	sst s0;
	s0 =	simm.s32 @!p1 $0x0  }
0x14: {  	s2 =	sld [smem:$0x3F91];
	s0 =	simm.s32 @p1 $0x1  }
0x15: {  	[smem:$0x3FAE] =	sst s0;
	s0 =	simm.s32 @!p2 $0x0  }
0x16: {  	s3 =	sld [smem:$0x3FDB];
	s0 =	simm.s32 @p2 $0x1  }
0x17: {  	s4 =	simm.s32 $0x1BF5;
	[smem:$0x3FB0] =	sst s0  }
0x18: {  	s0 =	sld [smem:$0x3F93];
	_ =	swait.ge [sflag:s4], $0x0  }
0x19: {  	s7 =	sld [smem:$0x3F94]  }
0x1a: {  	s8 =	sadd.s32 $0xFFFFE003, lr  }
0x1b: {  	s9 =	sadd.s32 $0xFFFFFEF7, lr;
	s5 =	simm.s32 $0xFFFFFFFF;
	p2 =	slt.u32 s8, $0xFFFFF086  }
0x1c: {  	p1 =	slt.u32 s9, $0xF7A;
	s5 =	simm.s32 @!p2 $0x0  }
0x1d: {  	s5 =	simm.s32 @p1 $0x1;
	p0 =	seq.s32 s7, s2  }
0x1e: {  	s7 =	smul.u32 @!p0 $0xF7A, s2;
	p2 =	seq.s32 @!p0 s5, $0x0  }
0x1f: {  	s9 =	smul.u32 $0xF7A, s1;
	s8 =	simm.s32 @!p0 $0x1BF5;
	p2 =	por !p2, p0  }
0x20: {  	[sflag:s8] =	ssyncset.s32 @!p0 $0xFFFFF086;
	s6 =	sadd.s32 @!p0 s3, s7;
	s7 =	simm.s32 @!p0 $0x108  }
0x21: {  	s3 =	sadd.s32 s3, s9;
	s6 =	sadd.s32 @!p0 $0x88, s6;
	s7 =	simm.s32 @p2 $0x1082  }
0x22: {  	[simem:s7], [sflag:s8] =	dma.local @!p0 [hbm:s6], $0xF7A  }
0x23: {  	s9 =	sor.u32 $0xD0000000, s2;
	s6 =	simm.s32 $0x108;
	_ =	swait.ge @!p0 [sflag:s8], $0x0  }
0x24: {  	s3 =	sadd.s32 $0x88, s3;
	s6 =	simm.s32 @!p1 $0x1082;
	[sflag:s4] =	ssyncset.s32 $0xFFFFF086  }
0x25: {  	[simem:s6], [sflag:s4] =	dma.local [hbm:s3], $0xF7A  }
0x26: {  	[smem:$0x3F94] =	sst s1;
	(tag) =	ssettag s2;
	_ =	strace s9  }
0x27: {  	s1 =	sld [smem:$0x3FA4]  }
0x28: {  	s2 =	sld [smem:$0x3FA5]  }
0x29: {  	s4 =	sld [smem:$0x3FA7]  }
0x2a: {  	p0 =	seq.s32 s5, $0x0;
	s5 =	sld [smem:$0x3FA8]  }
0x2b: {  	s6 =	sld [smem:$0x3FA9]  }
0x2c: {  	s7 =	sld [smem:$0x3FAA]  }
0x2d: {  	s3 =	simm.s32 $0x108;
	s8 =	sld [smem:$0x3FAB]  }
0x2e: {  	s3 =	simm.s32 @!p0 $0x1082;
	s9 =	sld [smem:$0x3FAC]  }
0x2f: {  	lr =	sadd.s32 s0, s3;
	s0 =	sld [smem:$0x3FA3]  }
0x30: {  	s3 =	sld [smem:$0x3FA6]  }
0x31: {  	[smem:$0x3FAF] =	sst s10  }
0x32: {  	s10 =	sld [smem:$0x3FAD];
	_ =	sdelay $0x3  }
0x33: {  	p0 =	seq.s32 s10, $0x1;
	s10 =	sld [smem:$0x3FAF];
	_ =	sdelay $0x3  }
0x34: {  	[smem:$0x3FAF] =	sst s10  }
0x35: {  	s10 =	sld [smem:$0x3FAE];
	_ =	sdelay $0x3  }
0x36: {  	p1 =	seq.s32 s10, $0x1;
	s10 =	sld [smem:$0x3FAF];
	_ =	sdelay $0x3  }
0x37: {  	[smem:$0x3FAF] =	sst s10  }
0x38: {  	s10 =	sld [smem:$0x3FB0]  }
0x39: {  	_ = 	snop;
	(pc) =	sbr.ind lr, $3  }
0x3a: {  	_ = 	snop  }
0x3b: {  	_ = 	snop  }
0x3c: {  	p2 =	seq.s32 s10, $0x1;
	s10 =	sld [smem:$0x3FAF]  }
0x3d: {  	_ =	shalt  }
0x3e: {  	_ =	shalt  }
0x3f: {  	_ =	shalt  }
0x40: {  	_ =	shalt  }
0x41: {  	_ =	shalt  }
0x42: {  	_ =	shalt  }
0x43: {  	_ =	shalt  }
0x44: {  	_ =	shalt  }
0x45: {  	_ =	shalt  }
0x46: {  	_ =	shalt  }
0x47: {  	_ =	shalt  }
0x48: {  	_ =	shalt  }
0x49: {  	_ =	shalt  }
0x4a: {  	_ =	shalt  }
0x4b: {  	_ =	shalt  }
0x4c: {  	_ =	shalt  }
0x4d: {  	_ =	shalt  }
0x4e: {  	_ =	shalt  }
0x4f: {  	_ =	shalt  }
0x50: {  	_ =	shalt  }
0x51: {  	_ =	shalt  }
0x52: {  	_ =	shalt  }
0x53: {  	_ =	shalt  }
0x54: {  	_ =	shalt  }
0x55: {  	_ =	shalt  }
0x56: {  	_ =	shalt  }
0x57: {  	_ =	shalt  }
0x58: {  	_ =	shalt  }
0x59: {  	_ =	shalt  }
0x5a: {  	_ =	shalt  }
0x5b: {  	_ =	shalt  }
0x5c: {  	_ =	shalt  }
0x5d: {  	_ =	shalt  }
0x5e: {  	_ =	shalt  }
0x5f: {  	_ =	shalt  }
0x60: {  	_ =	shalt  }
0x61: {  	_ =	shalt  }
0x62: {  	_ =	shalt  }
0x63: {  	_ =	shalt  }
0x64: {  	_ =	shalt  }
0x65: {  	_ =	shalt  }
0x66: {  	_ =	shalt  }
0x67: {  	_ =	shalt  }
0x68: {  	_ =	shalt  }
0x69: {  	_ =	shalt  }
0x6a: {  	_ =	shalt  }
0x6b: {  	_ =	shalt  }
0x6c: {  	_ =	shalt  }
0x6d: {  	_ =	shalt  }
0x6e: {  	_ =	shalt  }
0x6f: {  	_ =	shalt  }
0x70: {  	_ =	shalt  }
0x71: {  	_ =	shalt  }
0x72: {  	_ =	shalt  }
0x73: {  	_ =	shalt  }
0x74: {  	_ =	shalt  }
0x75: {  	_ =	shalt  }
0x76: {  	_ =	shalt  }
0x77: {  	_ =	shalt  }
0x78: {  	_ =	shalt  }
0x79: {  	_ =	shalt  }
0x7a: {  	_ =	shalt  }
0x7b: {  	_ =	shalt  }
0x7c: {  	_ =	shalt  }
0x7d: {  	_ =	shalt  }
0x7e: {  	_ =	shalt  }
0x7f: {  	_ =	shalt  }
0x80: {  	_ =	shalt  }
0x81: {  	_ =	shalt  }
0x82: {  	_ =	shalt  }
0x83: {  	_ =	shalt  }
0x84: {  	_ =	shalt  }
0x85: {  	_ =	shalt  }
0x86: {  	_ =	shalt  }
0x87: {  	_ =	shalt  }
.Lfunc_end0:
.L_simem_size_0:
called_computation.1_lowered:
.L_overlay_start_0:
0x88: {  	s2 =	sld [smem:$0x3FD9]  }
0x89: {  	s3 =	sld [smem:$0x3FFE];
	_ =	sdelay $0x1  }
0x8a: {  	s1 =	srdreg.scid  }
0x8b: {  	s0 =	sand.u32 $0x1, s1  }
0x8c: {  	s16 =	sshll.u32 s0, $0xA;
	s2 =	sadd.s32 s3, s2  }
0x8d: {  	s2 =	sadd.s32 s2, s16  }
0x8e: {  	[smem:$0x3FBB] =	sst s2  }
0x8f: {  	_ = 	snop  }
0x90: {  	(tm) =	ssettm $0x1  }
0x91: {  	s17 =	sld [smem:$0x3FFB];
	_ =	sdelay $0x3  }
0x92: {  	_ =	strace s17  }
0x93: {  	s2 =	sld [smem:$0x3FFC];
	_ =	sdelay $0x3  }
0x94: {  	_ =	strace s2  }
0x95: {  	s2 =	sld [smem:$0x3FFD];
	_ =	sdelay $0x3  }
0x96: {  	_ =	strace s2  }
0x97: {  	_ =	strace $0x8FFFFFFF  }
0x98: {  	s18 =	sld [smem:$0x3FDB];
	_ =	sdelay $0x1  }
0x99: {  	s19 =	simm.s32 $_scs_section_size  }
0x9a: {  	s4 =	simm.s32 $_size__tile_overlayer_lowered;
	s5 =	simm.s32 $_tile_overlayer_lowered  }
0x9b: {  	s22 =	simm.s32 $0x1BFF;
	s21 =	sshll.u32 s5, $0x1;
	s2 =	sadd.s32 s19, s18  }
0x9c: {  	s6 =	simm.s32 $0x0;
	s20 =	sshll.u32 s4, $0x1;
	s4 =	sadd.s32 s21, s2  }
0x9d: {  	[timem:s6], [sflag:s22] =	dma.local [hbm:s4], s20  }
0x9e: {  	_ =	swait.ge [sflag:s22], s20  }
0x9f: {  	s3 =	ssub.s32 $0x0, s20;
	[sflag:s22] =	ssyncset.done $0x0  }
0xa0: {  	[sflag:s22] =	ssyncadd.s32 s3;
	_ =	sdelay $0x1  }
0xa1: {  	s23 =	simm.s32 $0x1B8B  }
0xa2: {  	_ =	swait.ge [sflag:s23], $0x1  }
0xa3: {  	[sflag:s23] =	ssyncset.done $0x0  }
0xa4: {  	s25 =	simm.s32 $0x1B8E;
	s24 =	sld [smem:$0x3FFE];
	[sflag:s23] =	ssyncadd.s32 $0xFFFFFFFF  }
0xa5: {  	s26 =	simm.s32 $execute0_lowered;
	[smem:$0x3FD2] =	sst s25  }
0xa6: {  	s4 =	sshll.u32 s26, $0x1;
	_ =	strace $0x80000049;
	[dreg:$0x1] =	wrdreg $0xFFFFFFFF  }
0xa7: {  	s28 =	simm.s32 $_size_execute0_lowered;
	s2 =	sadd.s32 s2, s4;
	[dreg:$0x0] =	wrdreg $0x0  }
0xa8: {  	s4 =	sshll.u32 s28, $0x1;
	[dreg:$0x2] =	wrdreg s2  }
0xa9: {  	[dreg:$0x3] =	wrdreg s4  }
0xaa: {  	[dreg:$0x4] =	wrdreg $0xC0  }
0xab: {  	_ =	task [dreg:s6], $0x5FFFF  }
0xac: {  	[dreg:$0x1] =	wrdreg $0xFFFFFFFF  }
0xad: {  	[dreg:$0x0] =	wrdreg $0x60  }
0xae: {  	[dreg:$0x2] =	wrdreg s24  }
0xaf: {  	[dreg:$0x3] =	wrdreg $0xA9000  }
0xb0: {  	[dreg:$0x4] =	wrdreg $0x9  }
0xb1: {  	_ =	task.clear_ibuf [dreg:s6], $0x5FFFF;
	_ =	strace $0x90000049  }
0xb2: {  	s29 =	simm.s32 $0x9;
	_ =	strace $0x8000004B  }
0xb3: {  	_ =	swait.ge [sflag:s29], $0x1  }
0xb4: {  	[sflag:s29] =	ssyncadd.s32 $0xFFFFFFFF  }
0xb5: {  	_ =	strace $0x9000004B  }
0xb6: {  	_ =	sfence  }
0xb7: {  	s30 =	sld [smem:$0x0];
	_ =	sdelay $0x2  }
0xb8: {  	s31 =	sshll.u32 s1, $0xD;
	s1 =	sshrl.u32 s1, $0x2  }
0xb9: {  	s3 =	sand.u32 $0x4000, s31;
	s1 =	sadd.s32 s1, s30  }
0xba: {  	s0 =	sor.u32 s3, s0;
	s1 =	sshll.u32 s1, $0x11  }
0xbb: {  	s0 =	sor.u32 s1, s0  }
0xbc: {  	s0 =	sadd.s32 $0x8F2B, s0  }
0xbd: {  	[sflag:s0] =	ssyncadd.remote.s32 $0x1  }
0xbe: {  	_ =	sfence.sel $0xFFFF  }
0xbf: {  	[dreg:$0x0] =	wrdreg $0xFFFFFFFF;
	(pc) =	sbr.abs _section_cstart, $3  }
0xc0: {  	[dreg:$0x1] =	wrdreg $0xFFFFFFFF  }
0xc1: {  	_ =	task.clear_ibuf [dreg:s6], $0x2FFFF;
	_ =	strace $0x9FFFFFFF  }
0xc2: {  	(tm) =	ssettm $0x7FFFFFFF  }
0xc3: {  	_ =	shalt  }
tec
execute0_lowered:
.L_overlay_start_1:
0x0: {  	(tag) =	ssettag $0x1  }
0x1: {  	s0 =	rddreg [dreg:$0x0]  }
0x2: {  	s1 =	rddreg [dreg:$0x1];
	s2 =	srdreg.scid;
	s3 =	simm.s32 $0x0  }
0x3: {  	s16 =	stileid.u32;
	s28 =	simm.s32 $0x2;
	s29 =	simm.s32 $0x80  }
0x4: {  	s30 =	simm.s32 $0x4;
	s31 =	simm.s32 $0x3;
	s9 =	smul.u32 $0x50000, s16  }
0x5: {  	s2 =	sand.u32 $0x1, s2;
	[smem:$0x7FF] =	sst s3;
	s11 =	smul.u32 $0x14000, s16  }
0x6: {  	s12 =	sadd.s32 $0x5E200, s0;
	s21 =	smul.u32 $0x2800, s16;
	s4 =	sshll.u32 s2, $0x4  }
0x7: {  	_ =	strace $0x8000004A;
	s7 =	ssub.s32 $0x2, s2;
	s18 =	smul.u32 $0x140000, s2  }
0x8: {  	s2 =	smul.u32 $0x28000, s2;
	s5 =	sor.u32 s16, s4;
	s4 =	sadd.s32 $0xE200, s0  }
0x9: {  	s8 =	sshrl.u32 s7, $0x1;
	s23 =	sshrl.u32 s9, $0x2;
	s24 =	sadd.s32 $0x4000, s11  }
0xa: {  	s14 =	sadd.s32 $0x8000, s11;
	s19 =	sadd.s32 $0xC000, s11;
	s6 =	smul.u32 $0x500, s5  }
0xb: {  	s20 =	sadd.s32 $0x10000, s11;
	s5 =	smul.u32 $0x2800, s5;
	s13 =	ssub.s32 s7, s8  }
0xc: {  	s7 =	sadd.s32 s23, s1;
	s8 =	sadd.s32 s24, s1;
	s9 =	sadd.s32 s14, s1  }
0xd: {  	s10 =	sadd.s32 s19, s1;
	s15 =	sadd.s32 s11, s18;
	s11 =	sadd.s32 s20, s1  }
0xe: {  	s14 =	sadd.s32 s18, s14;
	s19 =	sadd.s32 s18, s19;
	s22 =	sadd.s32 s18, s20  }
0xf: {  	s2 =	sadd.s32 s21, s2;
	s15 =	sshrl.u32 s15, $0x3;
	s14 =	sshrl.u32 s14, $0x3  }
0x10: {  	s23 =	sshrl.u32 s22, $0x3;
	s20 =	smax.u32 s13, $0x1;
	s6 =	sadd.s32 s6, s0  }
0x11: {  	s0 =	sadd.s32 $0x68200, s0;
	s5 =	sshrl.u32 s5, $0x3;
	s6 =	sadd.s32 $0x4200, s6  }
0x12: {  	s15 =	sadd.s32 s0, s15;
	[dreg:$0x3] =	wrdreg s6;
	s6 =	sadd.s32 s12, s5  }
0x13: {  	[dreg:$0x7] =	wrdreg s15;
	s5 =	sadd.s32 s18, s24;
	s17 =	sadd.s32 $0x10, s6  }
0x14: {  	s24 =	sor.u32 $0x200, s2;
	s25 =	sadd.s32 $0x20, s6;
	[dreg:$0x4] =	wrdreg s17  }
0x15: {  	s26 =	sadd.s32 $0x4F0, s6;
	s5 =	sshrl.u32 s5, $0x3;
	[dreg:$0x5] =	wrdreg s25  }
0x16: {  	s2 =	sor.u32 $0x180, s2;
	[dreg:$0x6] =	wrdreg s26;
	s16 =	sadd.s32 s0, s5  }
0x17: {  	s17 =	sadd.s32 s0, s14;
	s5 =	sshrl.u32 s19, $0x3;
	s19 =	sadd.s32 s0, s23  }
0x18: {  	s25 =	sshrl.u32 s24, $0x3;
	s26 =	sshrl.u32 s2, $0x3;
	s23 =	simm.s32 $0x100  }
0x19: {  	s24 =	simm.s32 $0x2900;
	s2 =	simm.s32 $0x5;
	s18 =	sadd.s32 s0, s5  }
0x1a: {  	s21 =	sadd.s32 s25, s12;
	s22 =	sadd.s32 s26, s12;
	s25 =	simm.s32 $0x6  }
0x1b: {  	v0 =	vimm.f32 $0.0e+00;
	s26 =	simm.s32 $0x1;
	s0 =	simm.s32 $0x6900;
	s5 =	simm.s32 $0x0  }
.LBB2_1:
0x1c: {  	s12 =	rddreg [dreg:$0x3];
	s15 =	sand.u32 $0xFE00, s3  }
0x1d: {  	[tilespmem:s23], [sflag:$0x1] =	stream.linear.gather [hbm4b:s12+s3], $0x2800, $0x38;
	[tilespmem:$0x1E900] =	vst v63  }
0x1e: {  	s13 =	sand.u32 $0x70, s3;
	s14 =	sshrl.u32 s15, $0x2  }
0x1f: {  	s12 =	simm.s32 $0x40;
	s14 =	sor.u32 s13, s14;
	s13 =	simm.s32 $0x0  }
0x20: {  	[tilespmem:s3], [sflag:$0x2] =	stream.linear.gather [hbm4b:s6+s3], $0x80, $0x38;
	[tilespmem:$0x1E900] =	vst v63  }
.LBB2_2:
0x21: {  	p0 =	sne.s32 s12, $0xFFC0  }
0x22: {  	[tilespmem:s14+$0x2900] =	vst v0;
	s13 =	sadd.s32 $0x10, s13;
	s14 =	smov.u32 s12;
	s12 =	sadd.s32 $0x40, s12  }
.Ltmp0:
0x23: {  	(pc) =	sbr.rel @p0 .LBB2_2-.Ltmp0, $4  }
0x24: {  	_ = 	snop  }
0x25: {  	s14 =	sand.u32 $0xFE00, s14  }
0x26: {  	s15 =	sand.u32 $0x70, s13;
	s14 =	sshrl.u32 s14, $0x2  }
0x27: {  	s14 =	sor.u32 s15, s14  }
0x28: {  	[tilespmem:s14+$0x2900] =	vst v0  }
0x29: {  	[spmem:s7] =	stream.linear.scatter [tilespmem:s24], [sflag:$0x6], $0x4000, $0x38;
	[tilespmem:$0x1E900] =	vst v63  }
0x2a: {  	_ =	swait.ge [sflag:s25], $0x4000  }
0x2b: {  	[sflag:s25] =	ssyncset.done $0x0  }
0x2c: {  	[sflag:s25] =	ssyncadd.s32 $0xFFFFC000  }
0x2d: {  	[spmem:s8] =	stream.linear.scatter [tilespmem:s24], [sflag:$0x6], $0x4000, $0x38;
	[tilespmem:$0x1E900] =	vst v63  }
0x2e: {  	_ =	swait.ge [sflag:s25], $0x4000  }
0x2f: {  	[sflag:s25] =	ssyncset.done $0x0  }
0x30: {  	[sflag:s25] =	ssyncadd.s32 $0xFFFFC000  }
0x31: {  	[spmem:s9] =	stream.linear.scatter [tilespmem:s24], [sflag:$0x6], $0x4000, $0x38;
	[tilespmem:$0x1E900] =	vst v63  }
0x32: {  	_ =	swait.ge [sflag:s25], $0x4000  }
0x33: {  	[sflag:s25] =	ssyncset.done $0x0  }
0x34: {  	[sflag:s25] =	ssyncadd.s32 $0xFFFFC000  }
0x35: {  	[spmem:s10] =	stream.linear.scatter [tilespmem:s24], [sflag:$0x6], $0x4000, $0x38;
	[tilespmem:$0x1E900] =	vst v63  }
0x36: {  	_ =	swait.ge [sflag:s25], $0x4000  }
0x37: {  	[sflag:s25] =	ssyncset.done $0x0  }
0x38: {  	[sflag:s25] =	ssyncadd.s32 $0xFFFFC000  }
0x39: {  	[spmem:s11] =	stream.linear.scatter [tilespmem:s24], [sflag:$0x6], $0x4000, $0x38;
	[tilespmem:$0x1E900] =	vst v63  }
0x3a: {  	_ =	swait.ge [sflag:s25], $0x4000  }
0x3b: {  	[sflag:s25] =	ssyncset.done $0x0  }
0x3c: {  	[sflag:s25] =	ssyncadd.s32 $0xFFFFC000  }
0x3d: {  	[bflag:$0x0] =	sbarrier.arrive $0xFFFF  }
0x3e: {  	_ =	swait.ge [sflag:s26], $0x2800  }
0x3f: {  	[sflag:s26] =	ssyncset.done $0x0  }
0x40: {  	[sflag:s26] =	ssyncadd.s32 $0xFFFFD800  }
0x41: {  	_ =	swait.ge [sflag:s28], $0x80  }
0x42: {  	[sflag:s28] =	ssyncset.done $0x0  }
0x43: {  	s12 =	simm.s32 $0x0;
	[sflag:s28] =	ssyncadd.s32 $0xFFFFFF80  }
0x44: {  	[tilespmem:s24], [sflag:$0x4] =	stream.indirect.gather [hbm4b:s4+s29], $0x80, s12, s29, $0xb8;
	[tilespmem:$0x1E900] =	vst v63  }
0x45: {  	s13 =	rddreg [dreg:$0x4]  }
0x46: {  	[tilespmem:s29], [sflag:$0x3] =	stream.linear.gather [hbm4b:s13+s12], $0x80, $0x38;
	[tilespmem:$0x1E900] =	vst v63  }
0x47: {  	_ =	swait.ge [sflag:s30], $0x4000  }
0x48: {  	[sflag:s30] =	ssyncset.done $0x0  }
0x49: {  	[sflag:s30] =	ssyncadd.s32 $0xFFFFC000  }
0x4a: {  	_ =	swait.ge [sflag:s31], $0x80  }
0x4b: {  	[sflag:s31] =	ssyncset.done $0x0  }
0x4c: {  	[sflag:s31] =	ssyncadd.s32 $0xFFFFFF80  }
0x4d: {  	[tilespmem:s0], [sflag:$0x5] =	stream.indirect.gather [hbm4b:s4+s29], $0x80, s29, s29, $0xb8;
	[tilespmem:$0x1E900] =	vst v63  }
0x4e: {  	s15 =	rddreg [dreg:$0x5]  }
0x4f: {  	[tilespmem:s12], [sflag:$0x2] =	stream.linear.gather [hbm4b:s15+s12], $0x80, $0x38;
	[tilespmem:$0x1E900] =	vst v63  }
0x50: {  	_ = 	snop  }
0x51: {  	[spmem:s1] =	stream.indirect.scatter.add.f32 [tilespmem:s24], [sflag:$0x6], $0x80, s23, s29, $0xb8;
	[tilespmem:$0x1E900] =	vst v63  }
0x52: {  	_ =	swait.ge [sflag:s25], $0x4000  }
0x53: {  	[sflag:s25] =	ssyncset.done $0x0  }
0x54: {  	[sflag:s25] =	ssyncadd.s32 $0xFFFFC000  }
0x55: {  	_ =	swait.ge [sflag:s2], $0x4000  }
0x56: {  	[sflag:s2] =	ssyncset.done $0x0  }
0x57: {  	[sflag:s2] =	ssyncadd.s32 $0xFFFFC000  }
0x58: {  	_ =	swait.ge [sflag:s28], $0x80  }
0x59: {  	[sflag:s28] =	ssyncset.done $0x0  }
0x5a: {  	[sflag:s28] =	ssyncadd.s32 $0xFFFFFF80  }
0x5b: {  	[tilespmem:s24], [sflag:$0x4] =	stream.indirect.gather [hbm4b:s4+s29], $0x80, s3, s29, $0xb8;
	[tilespmem:$0x1E900] =	vst v63  }
0x5c: {  	s13 =	sadd.s32 $0x0, s22  }
0x5d: {  	[tilespmem:s29], [sflag:$0x3] =	stream.linear.gather [hbm4b:s13+s3], $0x80, $0x38;
	[tilespmem:$0x1E900] =	vst v63  }
0x5e: {  	s14 =	simm.s32 $0x180  }
0x5f: {  	[spmem:s1] =	stream.indirect.scatter.add.f32 [tilespmem:s0], [sflag:$0x6], $0x80, s14, s29, $0xb8;
	[tilespmem:$0x1E900] =	vst v63  }
0x60: {  	_ =	swait.ge [sflag:s25], $0x4000  }
0x61: {  	[sflag:s25] =	ssyncset.done $0x0  }
0x62: {  	[sflag:s25] =	ssyncadd.s32 $0xFFFFC000  }
0x63: {  	_ =	swait.ge [sflag:s30], $0x4000  }
0x64: {  	[sflag:s30] =	ssyncset.done $0x0  }
0x65: {  	[sflag:s30] =	ssyncadd.s32 $0xFFFFC000  }
0x66: {  	_ =	swait.ge [sflag:s31], $0x80  }
0x67: {  	[sflag:s31] =	ssyncset.done $0x0  }
0x68: {  	[sflag:s31] =	ssyncadd.s32 $0xFFFFFF80  }
0x69: {  	[tilespmem:s0], [sflag:$0x5] =	stream.indirect.gather [hbm4b:s4+s29], $0x80, s29, s29, $0xb8;
	[tilespmem:$0x1E900] =	vst v63  }
0x6a: {  	s15 =	sadd.s32 $0x0, s21  }
0x6b: {  	[tilespmem:s3], [sflag:$0x2] =	stream.linear.gather [hbm4b:s15+s3], $0x80, $0x38;
	[tilespmem:$0x1E900] =	vst v63  }
0x6c: {  	s12 =	simm.s32 $0x200  }
0x6d: {  	[spmem:s1] =	stream.indirect.scatter.add.f32 [tilespmem:s24], [sflag:$0x6], $0x80, s12, s29, $0xb8;
	[tilespmem:$0x1E900] =	vst v63  }
0x6e: {  	_ =	swait.ge [sflag:s25], $0x4000  }
0x6f: {  	s13 =	simm.s32 $0x20;
	[sflag:s25] =	ssyncset.done $0x0  }
.LBB2_4:
0x70: {  	p0 =	sne.s32 s13, $0x4A0;
	[sflag:s25] =	ssyncadd.s32 $0xFFFFC000;
	s12 =	sadd.s32 $0x100, s12  }
0x71: {  	s14 =	smov.u32 s13;
	s13 =	sadd.s32 $0x20, s13  }
0x72: {  	_ =	swait.ge [sflag:s2], $0x4000  }
0x73: {  	[sflag:s2] =	ssyncset.done $0x0  }
0x74: {  	[sflag:s2] =	ssyncadd.s32 $0xFFFFC000  }
0x75: {  	_ =	swait.ge [sflag:s28], $0x80  }
0x76: {  	[sflag:s28] =	ssyncset.done $0x0  }
0x77: {  	[sflag:s28] =	ssyncadd.s32 $0xFFFFFF80  }
0x78: {  	[tilespmem:s24], [sflag:$0x4] =	stream.indirect.gather [hbm4b:s4+s29], $0x80, s3, s29, $0xb8;
	[tilespmem:$0x1E900] =	vst v63  }
0x79: {  	s15 =	sadd.s32 s14, s22  }
0x7a: {  	[tilespmem:s29], [sflag:$0x3] =	stream.linear.gather [hbm4b:s15+s3], $0x80, $0x38;
	[tilespmem:$0x1E900] =	vst v63  }
0x7b: {  	s15 =	sadd.s32 $0xFFFFFF80, s12  }
0x7c: {  	[spmem:s1] =	stream.indirect.scatter.add.f32 [tilespmem:s0], [sflag:$0x6], $0x80, s15, s29, $0xb8;
	[tilespmem:$0x1E900] =	vst v63  }
0x7d: {  	_ =	swait.ge [sflag:s25], $0x4000  }
0x7e: {  	[sflag:s25] =	ssyncset.done $0x0  }
0x7f: {  	[sflag:s25] =	ssyncadd.s32 $0xFFFFC000  }
0x80: {  	_ =	swait.ge [sflag:s30], $0x4000  }
0x81: {  	[sflag:s30] =	ssyncset.done $0x0  }
0x82: {  	[sflag:s30] =	ssyncadd.s32 $0xFFFFC000  }
0x83: {  	_ =	swait.ge [sflag:s31], $0x80  }
0x84: {  	[sflag:s31] =	ssyncset.done $0x0  }
0x85: {  	[sflag:s31] =	ssyncadd.s32 $0xFFFFFF80  }
0x86: {  	[tilespmem:s0], [sflag:$0x5] =	stream.indirect.gather [hbm4b:s4+s29], $0x80, s29, s29, $0xb8;
	[tilespmem:$0x1E900] =	vst v63  }
0x87: {  	s14 =	sadd.s32 s14, s21  }
0x88: {  	[tilespmem:s3], [sflag:$0x2] =	stream.linear.gather [hbm4b:s14+s3], $0x80, $0x38;
	[tilespmem:$0x1E900] =	vst v63  }
.Ltmp1:
0x89: {  	_ = 	snop;
	(pc) =	sbr.rel @p0 .LBB2_4-.Ltmp1, $4  }
0x8a: {  	_ = 	snop  }
0x8b: {  	[spmem:s1] =	stream.indirect.scatter.add.f32 [tilespmem:s24], [sflag:$0x6], $0x80, s12, s29, $0xb8;
	[tilespmem:$0x1E900] =	vst v63  }
0x8c: {  	_ =	swait.ge [sflag:s25], $0x4000  }
0x8d: {  	[sflag:s25] =	ssyncset.done $0x0  }
0x8e: {  	[sflag:s25] =	ssyncadd.s32 $0xFFFFC000  }
0x8f: {  	_ =	swait.ge [sflag:s2], $0x4000  }
0x90: {  	[sflag:s2] =	ssyncset.done $0x0  }
0x91: {  	[sflag:s2] =	ssyncadd.s32 $0xFFFFC000  }
0x92: {  	_ =	swait.ge [sflag:s28], $0x80  }
0x93: {  	[sflag:s28] =	ssyncset.done $0x0  }
0x94: {  	[sflag:s28] =	ssyncadd.s32 $0xFFFFFF80  }
0x95: {  	[tilespmem:s24], [sflag:$0x4] =	stream.indirect.gather [hbm4b:s4+s29], $0x80, s3, s29, $0xb8;
	[tilespmem:$0x1E900] =	vst v63  }
0x96: {  	s12 =	rddreg [dreg:$0x6]  }
0x97: {  	[tilespmem:s29], [sflag:$0x3] =	stream.linear.gather [hbm4b:s12+s3], $0x80, $0x38;
	[tilespmem:$0x1E900] =	vst v63  }
0x98: {  	s13 =	simm.s32 $0x2780  }
0x99: {  	[spmem:s1] =	stream.indirect.scatter.add.f32 [tilespmem:s0], [sflag:$0x6], $0x80, s13, s29, $0xb8;
	[tilespmem:$0x1E900] =	vst v63  }
0x9a: {  	_ =	swait.ge [sflag:s25], $0x4000  }
0x9b: {  	[sflag:s25] =	ssyncset.done $0x0  }
0x9c: {  	[sflag:s25] =	ssyncadd.s32 $0xFFFFC000  }
0x9d: {  	_ =	swait.ge [sflag:s30], $0x4000  }
0x9e: {  	[sflag:s30] =	ssyncset.done $0x0  }
0x9f: {  	[sflag:s30] =	ssyncadd.s32 $0xFFFFC000  }
0xa0: {  	_ =	swait.ge [sflag:s31], $0x80  }
0xa1: {  	[sflag:s31] =	ssyncset.done $0x0  }
0xa2: {  	[sflag:s31] =	ssyncadd.s32 $0xFFFFFF80  }
0xa3: {  	[tilespmem:s0], [sflag:$0x5] =	stream.indirect.gather [hbm4b:s4+s29], $0x80, s29, s29, $0xb8;
	[tilespmem:$0x1E900] =	vst v63  }
0xa4: {  	s14 =	simm.s32 $0x2800  }
0xa5: {  	[spmem:s1] =	stream.indirect.scatter.add.f32 [tilespmem:s24], [sflag:$0x6], $0x80, s14, s29, $0xb8;
	[tilespmem:$0x1E900] =	vst v63  }
0xa6: {  	_ =	swait.ge [sflag:s25], $0x4000  }
0xa7: {  	[sflag:s25] =	ssyncset.done $0x0  }
0xa8: {  	[sflag:s25] =	ssyncadd.s32 $0xFFFFC000  }
0xa9: {  	_ =	swait.ge [sflag:s2], $0x4000  }
0xaa: {  	[sflag:s2] =	ssyncset.done $0x0  }
0xab: {  	s15 =	simm.s32 $0x2880;
	[sflag:s2] =	ssyncadd.s32 $0xFFFFC000  }
0xac: {  	[spmem:s1] =	stream.indirect.scatter.add.f32 [tilespmem:s0], [sflag:$0x6], $0x80, s15, s29, $0xb8;
	[tilespmem:$0x1E900] =	vst v63  }
0xad: {  	_ =	swait.ge [sflag:s25], $0x4000  }
0xae: {  	[sflag:s25] =	ssyncset.done $0x0  }
0xaf: {  	s13 =	stileid.u32;
	[sflag:s25] =	ssyncadd.s32 $0xFFFFC000  }
0xb0: {  	s12 =	sshll.u32 s13, $0x6;
	[bflag:$0x0] =	sbarrier.arrive $0xFFFF  }
0xb1: {  	s13 =	sshrl.u32 s7, $0x3;
	s12 =	sor.u32 $0x1C06, s12;
	s14 =	rddreg [dreg:$0x7]  }
0xb2: {  	[hbm:s14], [sflag:s12] =	dma.local [spmem:s13], $0x800  }
0xb3: {  	_ =	swait.ge [sflag:s25], $0x800  }
0xb4: {  	[sflag:s25] =	ssyncset.done $0x0  }
0xb5: {  	s14 =	sshrl.u32 s8, $0x3;
	[sflag:s25] =	ssyncadd.s32 $0xFFFFF800  }
0xb6: {  	[hbm:s16], [sflag:s12] =	dma.local [spmem:s14], $0x800  }
0xb7: {  	_ =	swait.ge [sflag:s25], $0x800  }
0xb8: {  	[sflag:s25] =	ssyncset.done $0x0  }
0xb9: {  	s15 =	sshrl.u32 s9, $0x3;
	[sflag:s25] =	ssyncadd.s32 $0xFFFFF800  }
0xba: {  	[hbm:s17], [sflag:s12] =	dma.local [spmem:s15], $0x800  }
0xbb: {  	_ =	swait.ge [sflag:s25], $0x800  }
0xbc: {  	[sflag:s25] =	ssyncset.done $0x0  }
0xbd: {  	s14 =	sshrl.u32 s10, $0x3;
	[sflag:s25] =	ssyncadd.s32 $0xFFFFF800  }
0xbe: {  	[hbm:s18], [sflag:s12] =	dma.local [spmem:s14], $0x800  }
0xbf: {  	s5 =	sadd.s32 $0x1, s5;
	_ =	swait.ge [sflag:s25], $0x800  }
0xc0: {  	p0 =	sne.s32 s5, s20;
	[sflag:s25] =	ssyncset.done $0x0  }
.Ltmp2:
0xc1: {  	s15 =	sshrl.u32 s11, $0x3;
	[sflag:s25] =	ssyncadd.s32 $0xFFFFF800;
	(pc) =	sbr.rel @p0 .LBB2_1-.Ltmp2, $4  }
0xc2: {  	[hbm:s19], [sflag:s12] =	dma.local [spmem:s15], $0x800  }
0xc3: {  	_ =	swait.ge [sflag:s25], $0x800  }
0xc4: {  	[sflag:s25] =	ssyncset.done $0x0  }
0xc5: {  	[sflag:s25] =	ssyncadd.s32 $0xFFFFF800  }
0xc6: {  	_ =	sfence.sel $0x180000  }
0xc7: {  	[bflag:$0x0] =	sbarrier.arrive $0xFFFF  }
0xc8: {  	_ =	strace $0x9000004A  }
0xc9: {  	s0 =	stileid.u32;
	[bflag:$0x2] =	sbarrier.arrive $0xFFFF  }
0xca: {  	p0 =	sne.s32 s0, $0x0;
	s0 =	rddreg [dreg:$0x2]  }
0xcb: {  	s0 =	sadd.s32 @!p0 $0x100000, s0  }
0xcc: {  	[sflag:s0] =	ssyncadd.tile.s32 @!p0 $0x1;
	_ =	shalt  }
.Lfunc_end2:
_tile_overlayer_lowered:
.L_overlay_start_2:
0xcd: {  	(tag) =	ssettag $0x2  }
0xce: {  	s0 =	rddreg [dreg:$0x0];
	s2 =	stileid.u32  }
0xcf: {  	s1 =	rddreg [dreg:$0x1];
	p0 =	sne.s32 s2, $0x0  }
0xd0: {  	s3 =	rddreg [dreg:$0x2];
	[bflag:$0x3] =	sbarrier.arrive $0xFFFF;
	s2 =	simm.s32 @!p0 $0x1C06  }
0xd1: {  	[timem:s3], [sflag:s2] =	dma.local @!p0 [hbm:s0], s1  }
0xd2: {  	s0 =	simm.s32 @!p0 $0x6  }
0xd3: {  	_ =	swait.ge @!p0 [sflag:s0], s1  }
0xd4: {  	s1 =	ssub.s32 @!p0 $0x0, s1;
	[sflag:s0] =	ssyncset.done @!p0 $0x0  }
0xd5: {  	[sflag:s0] =	ssyncadd.s32 @!p0 s1  }
0xd6: {  	[bflag:$0x3] =	sbarrier.arrive $0xFFFF  }
0xd7: {  	_ =	shalt  }

// kernel: kernel.18.cloned.1.call-start
scs
__scs_entry_jumppad:
0x0: {  	(pc) =	sbr.rel $0x88, $3  }
0x1: {  	(tag) =	ssettag $0x0;
	lr =	simm.s32 $0x1  }
0x2: {  	[smem:$0x3F94] =	sst lr;
	_ =	strace $0xD0000000  }
0x3: {  	_ = 	snop  }
0x4: {  	_ = 	snop  }
0x5: {  	_ = 	snop  }
0x6: {  	_ = 	snop  }
0x7: {  	_ = 	snop  }
__scs_overlays_trampoline_lowered:
0x8: {  	[smem:$0x3FA3] =	sst s0  }
0x9: {  	[smem:$0x3FA4] =	sst s1  }
0xa: {  	[smem:$0x3FA5] =	sst s2  }
0xb: {  	[smem:$0x3FA6] =	sst s3  }
0xc: {  	[smem:$0x3FA7] =	sst s4  }
0xd: {  	[smem:$0x3FA8] =	sst s5  }
0xe: {  	[smem:$0x3FA9] =	sst s6  }
0xf: {  	[smem:$0x3FAA] =	sst s7  }
0x10: {  	[smem:$0x3FAB] =	sst s8  }
0x11: {  	[smem:$0x3FAC] =	sst s9;
	s0 =	simm.s32 @!p0 $0x0  }
0x12: {  	s1 =	sld [smem:$0x3F92];
	s0 =	simm.s32 @p0 $0x1  }
0x13: {  	[smem:$0x3FAD] =	sst s0;
	s0 =	simm.s32 @!p1 $0x0  }
0x14: {  	s2 =	sld [smem:$0x3F91];
	s0 =	simm.s32 @p1 $0x1  }
0x15: {  	[smem:$0x3FAE] =	sst s0;
	s0 =	simm.s32 @!p2 $0x0  }
0x16: {  	s3 =	sld [smem:$0x3FDB];
	s0 =	simm.s32 @p2 $0x1  }
0x17: {  	s4 =	simm.s32 $0x1BF5;
	[smem:$0x3FB0] =	sst s0  }
0x18: {  	s0 =	sld [smem:$0x3F93];
	_ =	swait.ge [sflag:s4], $0x0  }
0x19: {  	s7 =	sld [smem:$0x3F94]  }
0x1a: {  	s8 =	sadd.s32 $0xFFFFE003, lr  }
0x1b: {  	s9 =	sadd.s32 $0xFFFFFEF7, lr;
	s5 =	simm.s32 $0xFFFFFFFF;
	p2 =	slt.u32 s8, $0xFFFFF086  }
0x1c: {  	p1 =	slt.u32 s9, $0xF7A;
	s5 =	simm.s32 @!p2 $0x0  }
0x1d: {  	s5 =	simm.s32 @p1 $0x1;
	p0 =	seq.s32 s7, s2  }
0x1e: {  	s7 =	smul.u32 @!p0 $0xF7A, s2;
	p2 =	seq.s32 @!p0 s5, $0x0  }
0x1f: {  	s9 =	smul.u32 $0xF7A, s1;
	s8 =	simm.s32 @!p0 $0x1BF5;
	p2 =	por !p2, p0  }
0x20: {  	[sflag:s8] =	ssyncset.s32 @!p0 $0xFFFFF086;
	s6 =	sadd.s32 @!p0 s3, s7;
	s7 =	simm.s32 @!p0 $0x108  }
0x21: {  	s3 =	sadd.s32 s3, s9;
	s6 =	sadd.s32 @!p0 $0x88, s6;
	s7 =	simm.s32 @p2 $0x1082  }
0x22: {  	[simem:s7], [sflag:s8] =	dma.local @!p0 [hbm:s6], $0xF7A  }
0x23: {  	s9 =	sor.u32 $0xD0000000, s2;
	s6 =	simm.s32 $0x108;
	_ =	swait.ge @!p0 [sflag:s8], $0x0  }
0x24: {  	s3 =	sadd.s32 $0x88, s3;
	s6 =	simm.s32 @!p1 $0x1082;
	[sflag:s4] =	ssyncset.s32 $0xFFFFF086  }
0x25: {  	[simem:s6], [sflag:s4] =	dma.local [hbm:s3], $0xF7A  }
0x26: {  	[smem:$0x3F94] =	sst s1;
	(tag) =	ssettag s2;
	_ =	strace s9  }
0x27: {  	s1 =	sld [smem:$0x3FA4]  }
0x28: {  	s2 =	sld [smem:$0x3FA5]  }
0x29: {  	s4 =	sld [smem:$0x3FA7]  }
0x2a: {  	p0 =	seq.s32 s5, $0x0;
	s5 =	sld [smem:$0x3FA8]  }
0x2b: {  	s6 =	sld [smem:$0x3FA9]  }
0x2c: {  	s7 =	sld [smem:$0x3FAA]  }
0x2d: {  	s3 =	simm.s32 $0x108;
	s8 =	sld [smem:$0x3FAB]  }
0x2e: {  	s3 =	simm.s32 @!p0 $0x1082;
	s9 =	sld [smem:$0x3FAC]  }
0x2f: {  	lr =	sadd.s32 s0, s3;
	s0 =	sld [smem:$0x3FA3]  }
0x30: {  	s3 =	sld [smem:$0x3FA6]  }
0x31: {  	[smem:$0x3FAF] =	sst s10  }
0x32: {  	s10 =	sld [smem:$0x3FAD];
	_ =	sdelay $0x3  }
0x33: {  	p0 =	seq.s32 s10, $0x1;
	s10 =	sld [smem:$0x3FAF];
	_ =	sdelay $0x3  }
0x34: {  	[smem:$0x3FAF] =	sst s10  }
0x35: {  	s10 =	sld [smem:$0x3FAE];
	_ =	sdelay $0x3  }
0x36: {  	p1 =	seq.s32 s10, $0x1;
	s10 =	sld [smem:$0x3FAF];
	_ =	sdelay $0x3  }
0x37: {  	[smem:$0x3FAF] =	sst s10  }
0x38: {  	s10 =	sld [smem:$0x3FB0]  }
0x39: {  	_ = 	snop;
	(pc) =	sbr.ind lr, $3  }
0x3a: {  	_ = 	snop  }
0x3b: {  	_ = 	snop  }
0x3c: {  	p2 =	seq.s32 s10, $0x1;
	s10 =	sld [smem:$0x3FAF]  }
0x3d: {  	_ =	shalt  }
0x3e: {  	_ =	shalt  }
0x3f: {  	_ =	shalt  }
0x40: {  	_ =	shalt  }
0x41: {  	_ =	shalt  }
0x42: {  	_ =	shalt  }
0x43: {  	_ =	shalt  }
0x44: {  	_ =	shalt  }
0x45: {  	_ =	shalt  }
0x46: {  	_ =	shalt  }
0x47: {  	_ =	shalt  }
0x48: {  	_ =	shalt  }
0x49: {  	_ =	shalt  }
0x4a: {  	_ =	shalt  }
0x4b: {  	_ =	shalt  }
0x4c: {  	_ =	shalt  }
0x4d: {  	_ =	shalt  }
0x4e: {  	_ =	shalt  }
0x4f: {  	_ =	shalt  }
0x50: {  	_ =	shalt  }
0x51: {  	_ =	shalt  }
0x52: {  	_ =	shalt  }
0x53: {  	_ =	shalt  }
0x54: {  	_ =	shalt  }
0x55: {  	_ =	shalt  }
0x56: {  	_ =	shalt  }
0x57: {  	_ =	shalt  }
0x58: {  	_ =	shalt  }
0x59: {  	_ =	shalt  }
0x5a: {  	_ =	shalt  }
0x5b: {  	_ =	shalt  }
0x5c: {  	_ =	shalt  }
0x5d: {  	_ =	shalt  }
0x5e: {  	_ =	shalt  }
0x5f: {  	_ =	shalt  }
0x60: {  	_ =	shalt  }
0x61: {  	_ =	shalt  }
0x62: {  	_ =	shalt  }
0x63: {  	_ =	shalt  }
0x64: {  	_ =	shalt  }
0x65: {  	_ =	shalt  }
0x66: {  	_ =	shalt  }
0x67: {  	_ =	shalt  }
0x68: {  	_ =	shalt  }
0x69: {  	_ =	shalt  }
0x6a: {  	_ =	shalt  }
0x6b: {  	_ =	shalt  }
0x6c: {  	_ =	shalt  }
0x6d: {  	_ =	shalt  }
0x6e: {  	_ =	shalt  }
0x6f: {  	_ =	shalt  }
0x70: {  	_ =	shalt  }
0x71: {  	_ =	shalt  }
0x72: {  	_ =	shalt  }
0x73: {  	_ =	shalt  }
0x74: {  	_ =	shalt  }
0x75: {  	_ =	shalt  }
0x76: {  	_ =	shalt  }
0x77: {  	_ =	shalt  }
0x78: {  	_ =	shalt  }
0x79: {  	_ =	shalt  }
0x7a: {  	_ =	shalt  }
0x7b: {  	_ =	shalt  }
0x7c: {  	_ =	shalt  }
0x7d: {  	_ =	shalt  }
0x7e: {  	_ =	shalt  }
0x7f: {  	_ =	shalt  }
0x80: {  	_ =	shalt  }
0x81: {  	_ =	shalt  }
0x82: {  	_ =	shalt  }
0x83: {  	_ =	shalt  }
0x84: {  	_ =	shalt  }
0x85: {  	_ =	shalt  }
0x86: {  	_ =	shalt  }
0x87: {  	_ =	shalt  }
.Lfunc_end0:
.L_simem_size_0:
called_computation.2_lowered:
.L_overlay_start_0:
0x88: {  	s2 =	sld [smem:$0x3FD9]  }
0x89: {  	s3 =	sld [smem:$0x3FFE];
	_ =	sdelay $0x1  }
0x8a: {  	s1 =	srdreg.scid  }
0x8b: {  	s0 =	sand.u32 $0x1, s1  }
0x8c: {  	s16 =	sshll.u32 s0, $0xA;
	s2 =	sadd.s32 s3, s2  }
0x8d: {  	s2 =	sadd.s32 s2, s16  }
0x8e: {  	[smem:$0x3FBB] =	sst s2  }
0x8f: {  	_ = 	snop  }
0x90: {  	(tm) =	ssettm $0x1  }
0x91: {  	s17 =	sld [smem:$0x3FFB];
	_ =	sdelay $0x3  }
0x92: {  	_ =	strace s17  }
0x93: {  	s2 =	sld [smem:$0x3FFC];
	_ =	sdelay $0x3  }
0x94: {  	_ =	strace s2  }
0x95: {  	s2 =	sld [smem:$0x3FFD];
	_ =	sdelay $0x3  }
0x96: {  	_ =	strace s2  }
0x97: {  	_ =	strace $0x8FFFFFFF  }
0x98: {  	s18 =	sld [smem:$0x3FDB];
	_ =	sdelay $0x1  }
0x99: {  	s19 =	simm.s32 $_scs_section_size  }
0x9a: {  	s4 =	simm.s32 $_size__tile_overlayer_lowered;
	s5 =	simm.s32 $_tile_overlayer_lowered  }
0x9b: {  	s22 =	simm.s32 $0x1BFF;
	s21 =	sshll.u32 s5, $0x1;
	s2 =	sadd.s32 s19, s18  }
0x9c: {  	s6 =	simm.s32 $0x0;
	s20 =	sshll.u32 s4, $0x1;
	s4 =	sadd.s32 s21, s2  }
0x9d: {  	[timem:s6], [sflag:s22] =	dma.local [hbm:s4], s20  }
0x9e: {  	_ =	swait.ge [sflag:s22], s20  }
0x9f: {  	s3 =	ssub.s32 $0x0, s20;
	[sflag:s22] =	ssyncset.done $0x0  }
0xa0: {  	[sflag:s22] =	ssyncadd.s32 s3;
	_ =	sdelay $0x1  }
0xa1: {  	s23 =	simm.s32 $0x1B8B  }
0xa2: {  	_ =	swait.ge [sflag:s23], $0x1  }
0xa3: {  	[sflag:s23] =	ssyncset.done $0x0  }
0xa4: {  	s25 =	simm.s32 $0x1B8E;
	s24 =	sld [smem:$0x3FFE];
	[sflag:s23] =	ssyncadd.s32 $0xFFFFFFFF  }
0xa5: {  	s26 =	simm.s32 $execute0_lowered;
	[smem:$0x3FD2] =	sst s25  }
0xa6: {  	s4 =	sshll.u32 s26, $0x1;
	_ =	strace $0x8000004C;
	[dreg:$0x1] =	wrdreg $0xFFFFFFFF  }
0xa7: {  	s28 =	simm.s32 $_size_execute0_lowered;
	s2 =	sadd.s32 s2, s4;
	[dreg:$0x0] =	wrdreg $0x0  }
0xa8: {  	s4 =	sshll.u32 s28, $0x1;
	[dreg:$0x2] =	wrdreg s2  }
0xa9: {  	[dreg:$0x3] =	wrdreg s4  }
0xaa: {  	[dreg:$0x4] =	wrdreg $0xC0  }
0xab: {  	_ =	task [dreg:s6], $0x5FFFF  }
0xac: {  	[dreg:$0x1] =	wrdreg $0xFFFFFFFF  }
0xad: {  	[dreg:$0x0] =	wrdreg $0x60  }
0xae: {  	[dreg:$0x2] =	wrdreg s24  }
0xaf: {  	[dreg:$0x3] =	wrdreg $0xA9000  }
0xb0: {  	[dreg:$0x4] =	wrdreg $0x9  }
0xb1: {  	_ =	task.clear_ibuf [dreg:s6], $0x5FFFF;
	_ =	strace $0x9000004C  }
0xb2: {  	s29 =	simm.s32 $0x9;
	_ =	strace $0x8000004E  }
0xb3: {  	_ =	swait.ge [sflag:s29], $0x1  }
0xb4: {  	[sflag:s29] =	ssyncadd.s32 $0xFFFFFFFF  }
0xb5: {  	_ =	strace $0x9000004E  }
0xb6: {  	_ =	sfence  }
0xb7: {  	s30 =	sld [smem:$0x0];
	_ =	sdelay $0x2  }
0xb8: {  	s31 =	sshll.u32 s1, $0xD;
	s1 =	sshrl.u32 s1, $0x2  }
0xb9: {  	s3 =	sand.u32 $0x4000, s31;
	s1 =	sadd.s32 s1, s30  }
0xba: {  	s0 =	sor.u32 s3, s0;
	s1 =	sshll.u32 s1, $0x11  }
0xbb: {  	s0 =	sor.u32 s1, s0  }
0xbc: {  	s0 =	sadd.s32 $0x8F2B, s0  }
0xbd: {  	[sflag:s0] =	ssyncadd.remote.s32 $0x1  }
0xbe: {  	_ =	sfence.sel $0xFFFF  }
0xbf: {  	[dreg:$0x0] =	wrdreg $0xFFFFFFFF;
	(pc) =	sbr.abs _section_cstart, $3  }
0xc0: {  	[dreg:$0x1] =	wrdreg $0xFFFFFFFF  }
0xc1: {  	_ =	task.clear_ibuf [dreg:s6], $0x2FFFF;
	_ =	strace $0x9FFFFFFF  }
0xc2: {  	(tm) =	ssettm $0x7FFFFFFF  }
0xc3: {  	_ =	shalt  }
tec
execute0_lowered:
.L_overlay_start_1:
0x0: {  	(tag) =	ssettag $0x1  }
0x1: {  	s0 =	rddreg [dreg:$0x0]  }
0x2: {  	s1 =	rddreg [dreg:$0x1];
	s2 =	srdreg.scid;
	s3 =	simm.s32 $0x0  }
0x3: {  	s16 =	stileid.u32;
	s28 =	simm.s32 $0x2;
	s29 =	simm.s32 $0x80  }
0x4: {  	s30 =	simm.s32 $0x4;
	s31 =	simm.s32 $0x3;
	s9 =	smul.u32 $0x50000, s16  }
0x5: {  	s2 =	sand.u32 $0x1, s2;
	[smem:$0x7FF] =	sst s3;
	s11 =	smul.u32 $0x14000, s16  }
0x6: {  	s12 =	sadd.s32 $0x5E200, s0;
	s21 =	smul.u32 $0x2800, s16;
	s4 =	sshll.u32 s2, $0x4  }
0x7: {  	_ =	strace $0x8000004D;
	s7 =	ssub.s32 $0x2, s2;
	s18 =	smul.u32 $0x140000, s2  }
0x8: {  	s2 =	smul.u32 $0x28000, s2;
	s5 =	sor.u32 s16, s4;
	s4 =	sadd.s32 $0xE200, s0  }
0x9: {  	s8 =	sshrl.u32 s7, $0x1;
	s23 =	sshrl.u32 s9, $0x2;
	s24 =	sadd.s32 $0x4000, s11  }
0xa: {  	s14 =	sadd.s32 $0x8000, s11;
	s19 =	sadd.s32 $0xC000, s11;
	s6 =	smul.u32 $0x500, s5  }
0xb: {  	s20 =	sadd.s32 $0x10000, s11;
	s5 =	smul.u32 $0x2800, s5;
	s13 =	ssub.s32 s7, s8  }
0xc: {  	s7 =	sadd.s32 s23, s1;
	s8 =	sadd.s32 s24, s1;
	s9 =	sadd.s32 s14, s1  }
0xd: {  	s10 =	sadd.s32 s19, s1;
	s15 =	sadd.s32 s11, s18;
	s11 =	sadd.s32 s20, s1  }
0xe: {  	s14 =	sadd.s32 s18, s14;
	s19 =	sadd.s32 s18, s19;
	s22 =	sadd.s32 s18, s20  }
0xf: {  	s2 =	sadd.s32 s21, s2;
	s15 =	sshrl.u32 s15, $0x3;
	s14 =	sshrl.u32 s14, $0x3  }
0x10: {  	s23 =	sshrl.u32 s22, $0x3;
	s20 =	smax.u32 s13, $0x1;
	s6 =	sadd.s32 s6, s0  }
0x11: {  	s0 =	sadd.s32 $0x68200, s0;
	s5 =	sshrl.u32 s5, $0x3;
	s6 =	sadd.s32 $0x4200, s6  }
0x12: {  	s15 =	sadd.s32 s0, s15;
	[dreg:$0x3] =	wrdreg s6;
	s6 =	sadd.s32 s12, s5  }
0x13: {  	[dreg:$0x7] =	wrdreg s15;
	s5 =	sadd.s32 s18, s24;
	s17 =	sadd.s32 $0x10, s6  }
0x14: {  	s24 =	sor.u32 $0x200, s2;
	s25 =	sadd.s32 $0x20, s6;
	[dreg:$0x4] =	wrdreg s17  }
0x15: {  	s26 =	sadd.s32 $0x4F0, s6;
	s5 =	sshrl.u32 s5, $0x3;
	[dreg:$0x5] =	wrdreg s25  }
0x16: {  	s2 =	sor.u32 $0x180, s2;
	[dreg:$0x6] =	wrdreg s26;
	s16 =	sadd.s32 s0, s5  }
0x17: {  	s17 =	sadd.s32 s0, s14;
	s5 =	sshrl.u32 s19, $0x3;
	s19 =	sadd.s32 s0, s23  }
0x18: {  	s25 =	sshrl.u32 s24, $0x3;
	s26 =	sshrl.u32 s2, $0x3;
	s23 =	simm.s32 $0x100  }
0x19: {  	s24 =	simm.s32 $0x2900;
	s2 =	simm.s32 $0x5;
	s18 =	sadd.s32 s0, s5  }
0x1a: {  	s21 =	sadd.s32 s25, s12;
	s22 =	sadd.s32 s26, s12;
	s25 =	simm.s32 $0x6  }
0x1b: {  	v0 =	vimm.f32 $0.0e+00;
	s26 =	simm.s32 $0x1;
	s0 =	simm.s32 $0x6900;
	s5 =	simm.s32 $0x0  }
.LBB2_1:
0x1c: {  	s12 =	rddreg [dreg:$0x3];
	s15 =	sand.u32 $0xFE00, s3  }
0x1d: {  	[tilespmem:s23], [sflag:$0x1] =	stream.linear.gather [hbm4b:s12+s3], $0x2800, $0x38;
	[tilespmem:$0x1E900] =	vst v63  }
0x1e: {  	s13 =	sand.u32 $0x70, s3;
	s14 =	sshrl.u32 s15, $0x2  }
0x1f: {  	s12 =	simm.s32 $0x40;
	s14 =	sor.u32 s13, s14;
	s13 =	simm.s32 $0x0  }
0x20: {  	[tilespmem:s3], [sflag:$0x2] =	stream.linear.gather [hbm4b:s6+s3], $0x80, $0x38;
	[tilespmem:$0x1E900] =	vst v63  }
.LBB2_2:
0x21: {  	p0 =	sne.s32 s12, $0xFFC0  }
0x22: {  	[tilespmem:s14+$0x2900] =	vst v0;
	s13 =	sadd.s32 $0x10, s13;
	s14 =	smov.u32 s12;
	s12 =	sadd.s32 $0x40, s12  }
.Ltmp0:
0x23: {  	(pc) =	sbr.rel @p0 .LBB2_2-.Ltmp0, $4  }
0x24: {  	_ = 	snop  }
0x25: {  	s14 =	sand.u32 $0xFE00, s14  }
0x26: {  	s15 =	sand.u32 $0x70, s13;
	s14 =	sshrl.u32 s14, $0x2  }
0x27: {  	s14 =	sor.u32 s15, s14  }
0x28: {  	[tilespmem:s14+$0x2900] =	vst v0  }
0x29: {  	[spmem:s7] =	stream.linear.scatter [tilespmem:s24], [sflag:$0x6], $0x4000, $0x38;
	[tilespmem:$0x1E900] =	vst v63  }
0x2a: {  	_ =	swait.ge [sflag:s25], $0x4000  }
0x2b: {  	[sflag:s25] =	ssyncset.done $0x0  }
0x2c: {  	[sflag:s25] =	ssyncadd.s32 $0xFFFFC000  }
0x2d: {  	[spmem:s8] =	stream.linear.scatter [tilespmem:s24], [sflag:$0x6], $0x4000, $0x38;
	[tilespmem:$0x1E900] =	vst v63  }
0x2e: {  	_ =	swait.ge [sflag:s25], $0x4000  }
0x2f: {  	[sflag:s25] =	ssyncset.done $0x0  }
0x30: {  	[sflag:s25] =	ssyncadd.s32 $0xFFFFC000  }
0x31: {  	[spmem:s9] =	stream.linear.scatter [tilespmem:s24], [sflag:$0x6], $0x4000, $0x38;
	[tilespmem:$0x1E900] =	vst v63  }
0x32: {  	_ =	swait.ge [sflag:s25], $0x4000  }
0x33: {  	[sflag:s25] =	ssyncset.done $0x0  }
0x34: {  	[sflag:s25] =	ssyncadd.s32 $0xFFFFC000  }
0x35: {  	[spmem:s10] =	stream.linear.scatter [tilespmem:s24], [sflag:$0x6], $0x4000, $0x38;
	[tilespmem:$0x1E900] =	vst v63  }
0x36: {  	_ =	swait.ge [sflag:s25], $0x4000  }
0x37: {  	[sflag:s25] =	ssyncset.done $0x0  }
0x38: {  	[sflag:s25] =	ssyncadd.s32 $0xFFFFC000  }
0x39: {  	[spmem:s11] =	stream.linear.scatter [tilespmem:s24], [sflag:$0x6], $0x4000, $0x38;
	[tilespmem:$0x1E900] =	vst v63  }
0x3a: {  	_ =	swait.ge [sflag:s25], $0x4000  }
0x3b: {  	[sflag:s25] =	ssyncset.done $0x0  }
0x3c: {  	[sflag:s25] =	ssyncadd.s32 $0xFFFFC000  }
0x3d: {  	[bflag:$0x0] =	sbarrier.arrive $0xFFFF  }
0x3e: {  	_ =	swait.ge [sflag:s26], $0x2800  }
0x3f: {  	[sflag:s26] =	ssyncset.done $0x0  }
0x40: {  	[sflag:s26] =	ssyncadd.s32 $0xFFFFD800  }
0x41: {  	_ =	swait.ge [sflag:s28], $0x80  }
0x42: {  	[sflag:s28] =	ssyncset.done $0x0  }
0x43: {  	s12 =	simm.s32 $0x0;
	[sflag:s28] =	ssyncadd.s32 $0xFFFFFF80  }
0x44: {  	[tilespmem:s24], [sflag:$0x4] =	stream.indirect.gather [hbm4b:s4+s29], $0x80, s12, s29, $0xb8;
	[tilespmem:$0x1E900] =	vst v63  }
0x45: {  	s13 =	rddreg [dreg:$0x4]  }
0x46: {  	[tilespmem:s29], [sflag:$0x3] =	stream.linear.gather [hbm4b:s13+s12], $0x80, $0x38;
	[tilespmem:$0x1E900] =	vst v63  }
0x47: {  	_ =	swait.ge [sflag:s30], $0x4000  }
0x48: {  	[sflag:s30] =	ssyncset.done $0x0  }
0x49: {  	[sflag:s30] =	ssyncadd.s32 $0xFFFFC000  }
0x4a: {  	_ =	swait.ge [sflag:s31], $0x80  }
0x4b: {  	[sflag:s31] =	ssyncset.done $0x0  }
0x4c: {  	[sflag:s31] =	ssyncadd.s32 $0xFFFFFF80  }
0x4d: {  	[tilespmem:s0], [sflag:$0x5] =	stream.indirect.gather [hbm4b:s4+s29], $0x80, s29, s29, $0xb8;
	[tilespmem:$0x1E900] =	vst v63  }
0x4e: {  	s15 =	rddreg [dreg:$0x5]  }
0x4f: {  	[tilespmem:s12], [sflag:$0x2] =	stream.linear.gather [hbm4b:s15+s12], $0x80, $0x38;
	[tilespmem:$0x1E900] =	vst v63  }
0x50: {  	_ = 	snop  }
0x51: {  	[spmem:s1] =	stream.indirect.scatter.add.f32 [tilespmem:s24], [sflag:$0x6], $0x80, s23, s29, $0xb8;
	[tilespmem:$0x1E900] =	vst v63  }
0x52: {  	_ =	swait.ge [sflag:s25], $0x4000  }
0x53: {  	[sflag:s25] =	ssyncset.done $0x0  }
0x54: {  	[sflag:s25] =	ssyncadd.s32 $0xFFFFC000  }
0x55: {  	_ =	swait.ge [sflag:s2], $0x4000  }
0x56: {  	[sflag:s2] =	ssyncset.done $0x0  }
0x57: {  	[sflag:s2] =	ssyncadd.s32 $0xFFFFC000  }
0x58: {  	_ =	swait.ge [sflag:s28], $0x80  }
0x59: {  	[sflag:s28] =	ssyncset.done $0x0  }
0x5a: {  	[sflag:s28] =	ssyncadd.s32 $0xFFFFFF80  }
0x5b: {  	[tilespmem:s24], [sflag:$0x4] =	stream.indirect.gather [hbm4b:s4+s29], $0x80, s3, s29, $0xb8;
	[tilespmem:$0x1E900] =	vst v63  }
0x5c: {  	s13 =	sadd.s32 $0x0, s22  }
0x5d: {  	[tilespmem:s29], [sflag:$0x3] =	stream.linear.gather [hbm4b:s13+s3], $0x80, $0x38;
	[tilespmem:$0x1E900] =	vst v63  }
0x5e: {  	s14 =	simm.s32 $0x180  }
0x5f: {  	[spmem:s1] =	stream.indirect.scatter.add.f32 [tilespmem:s0], [sflag:$0x6], $0x80, s14, s29, $0xb8;
	[tilespmem:$0x1E900] =	vst v63  }
0x60: {  	_ =	swait.ge [sflag:s25], $0x4000  }
0x61: {  	[sflag:s25] =	ssyncset.done $0x0  }
0x62: {  	[sflag:s25] =	ssyncadd.s32 $0xFFFFC000  }
0x63: {  	_ =	swait.ge [sflag:s30], $0x4000  }
0x64: {  	[sflag:s30] =	ssyncset.done $0x0  }
0x65: {  	[sflag:s30] =	ssyncadd.s32 $0xFFFFC000  }
0x66: {  	_ =	swait.ge [sflag:s31], $0x80  }
0x67: {  	[sflag:s31] =	ssyncset.done $0x0  }
0x68: {  	[sflag:s31] =	ssyncadd.s32 $0xFFFFFF80  }
0x69: {  	[tilespmem:s0], [sflag:$0x5] =	stream.indirect.gather [hbm4b:s4+s29], $0x80, s29, s29, $0xb8;
	[tilespmem:$0x1E900] =	vst v63  }
0x6a: {  	s15 =	sadd.s32 $0x0, s21  }
0x6b: {  	[tilespmem:s3], [sflag:$0x2] =	stream.linear.gather [hbm4b:s15+s3], $0x80, $0x38;
	[tilespmem:$0x1E900] =	vst v63  }
0x6c: {  	s12 =	simm.s32 $0x200  }
0x6d: {  	[spmem:s1] =	stream.indirect.scatter.add.f32 [tilespmem:s24], [sflag:$0x6], $0x80, s12, s29, $0xb8;
	[tilespmem:$0x1E900] =	vst v63  }
0x6e: {  	_ =	swait.ge [sflag:s25], $0x4000  }
0x6f: {  	s13 =	simm.s32 $0x20;
	[sflag:s25] =	ssyncset.done $0x0  }
.LBB2_4:
0x70: {  	p0 =	sne.s32 s13, $0x4A0;
	[sflag:s25] =	ssyncadd.s32 $0xFFFFC000;
	s12 =	sadd.s32 $0x100, s12  }
0x71: {  	s14 =	smov.u32 s13;
	s13 =	sadd.s32 $0x20, s13  }
0x72: {  	_ =	swait.ge [sflag:s2], $0x4000  }
0x73: {  	[sflag:s2] =	ssyncset.done $0x0  }
0x74: {  	[sflag:s2] =	ssyncadd.s32 $0xFFFFC000  }
0x75: {  	_ =	swait.ge [sflag:s28], $0x80  }
0x76: {  	[sflag:s28] =	ssyncset.done $0x0  }
0x77: {  	[sflag:s28] =	ssyncadd.s32 $0xFFFFFF80  }
0x78: {  	[tilespmem:s24], [sflag:$0x4] =	stream.indirect.gather [hbm4b:s4+s29], $0x80, s3, s29, $0xb8;
	[tilespmem:$0x1E900] =	vst v63  }
0x79: {  	s15 =	sadd.s32 s14, s22  }
0x7a: {  	[tilespmem:s29], [sflag:$0x3] =	stream.linear.gather [hbm4b:s15+s3], $0x80, $0x38;
	[tilespmem:$0x1E900] =	vst v63  }
0x7b: {  	s15 =	sadd.s32 $0xFFFFFF80, s12  }
0x7c: {  	[spmem:s1] =	stream.indirect.scatter.add.f32 [tilespmem:s0], [sflag:$0x6], $0x80, s15, s29, $0xb8;
	[tilespmem:$0x1E900] =	vst v63  }
0x7d: {  	_ =	swait.ge [sflag:s25], $0x4000  }
0x7e: {  	[sflag:s25] =	ssyncset.done $0x0  }
0x7f: {  	[sflag:s25] =	ssyncadd.s32 $0xFFFFC000  }
0x80: {  	_ =	swait.ge [sflag:s30], $0x4000  }
0x81: {  	[sflag:s30] =	ssyncset.done $0x0  }
0x82: {  	[sflag:s30] =	ssyncadd.s32 $0xFFFFC000  }
0x83: {  	_ =	swait.ge [sflag:s31], $0x80  }
0x84: {  	[sflag:s31] =	ssyncset.done $0x0  }
0x85: {  	[sflag:s31] =	ssyncadd.s32 $0xFFFFFF80  }
0x86: {  	[tilespmem:s0], [sflag:$0x5] =	stream.indirect.gather [hbm4b:s4+s29], $0x80, s29, s29, $0xb8;
	[tilespmem:$0x1E900] =	vst v63  }
0x87: {  	s14 =	sadd.s32 s14, s21  }
0x88: {  	[tilespmem:s3], [sflag:$0x2] =	stream.linear.gather [hbm4b:s14+s3], $0x80, $0x38;
	[tilespmem:$0x1E900] =	vst v63  }
.Ltmp1:
0x89: {  	_ = 	snop;
	(pc) =	sbr.rel @p0 .LBB2_4-.Ltmp1, $4  }
0x8a: {  	_ = 	snop  }
0x8b: {  	[spmem:s1] =	stream.indirect.scatter.add.f32 [tilespmem:s24], [sflag:$0x6], $0x80, s12, s29, $0xb8;
	[tilespmem:$0x1E900] =	vst v63  }
0x8c: {  	_ =	swait.ge [sflag:s25], $0x4000  }
0x8d: {  	[sflag:s25] =	ssyncset.done $0x0  }
0x8e: {  	[sflag:s25] =	ssyncadd.s32 $0xFFFFC000  }
0x8f: {  	_ =	swait.ge [sflag:s2], $0x4000  }
0x90: {  	[sflag:s2] =	ssyncset.done $0x0  }
0x91: {  	[sflag:s2] =	ssyncadd.s32 $0xFFFFC000  }
0x92: {  	_ =	swait.ge [sflag:s28], $0x80  }
0x93: {  	[sflag:s28] =	ssyncset.done $0x0  }
0x94: {  	[sflag:s28] =	ssyncadd.s32 $0xFFFFFF80  }
0x95: {  	[tilespmem:s24], [sflag:$0x4] =	stream.indirect.gather [hbm4b:s4+s29], $0x80, s3, s29, $0xb8;
	[tilespmem:$0x1E900] =	vst v63  }
0x96: {  	s12 =	rddreg [dreg:$0x6]  }
0x97: {  	[tilespmem:s29], [sflag:$0x3] =	stream.linear.gather [hbm4b:s12+s3], $0x80, $0x38;
	[tilespmem:$0x1E900] =	vst v63  }
0x98: {  	s13 =	simm.s32 $0x2780  }
0x99: {  	[spmem:s1] =	stream.indirect.scatter.add.f32 [tilespmem:s0], [sflag:$0x6], $0x80, s13, s29, $0xb8;
	[tilespmem:$0x1E900] =	vst v63  }
0x9a: {  	_ =	swait.ge [sflag:s25], $0x4000  }
0x9b: {  	[sflag:s25] =	ssyncset.done $0x0  }
0x9c: {  	[sflag:s25] =	ssyncadd.s32 $0xFFFFC000  }
0x9d: {  	_ =	swait.ge [sflag:s30], $0x4000  }
0x9e: {  	[sflag:s30] =	ssyncset.done $0x0  }
0x9f: {  	[sflag:s30] =	ssyncadd.s32 $0xFFFFC000  }
0xa0: {  	_ =	swait.ge [sflag:s31], $0x80  }
0xa1: {  	[sflag:s31] =	ssyncset.done $0x0  }
0xa2: {  	[sflag:s31] =	ssyncadd.s32 $0xFFFFFF80  }
0xa3: {  	[tilespmem:s0], [sflag:$0x5] =	stream.indirect.gather [hbm4b:s4+s29], $0x80, s29, s29, $0xb8;
	[tilespmem:$0x1E900] =	vst v63  }
0xa4: {  	s14 =	simm.s32 $0x2800  }
0xa5: {  	[spmem:s1] =	stream.indirect.scatter.add.f32 [tilespmem:s24], [sflag:$0x6], $0x80, s14, s29, $0xb8;
	[tilespmem:$0x1E900] =	vst v63  }
0xa6: {  	_ =	swait.ge [sflag:s25], $0x4000  }
0xa7: {  	[sflag:s25] =	ssyncset.done $0x0  }
0xa8: {  	[sflag:s25] =	ssyncadd.s32 $0xFFFFC000  }
0xa9: {  	_ =	swait.ge [sflag:s2], $0x4000  }
0xaa: {  	[sflag:s2] =	ssyncset.done $0x0  }
0xab: {  	s15 =	simm.s32 $0x2880;
	[sflag:s2] =	ssyncadd.s32 $0xFFFFC000  }
0xac: {  	[spmem:s1] =	stream.indirect.scatter.add.f32 [tilespmem:s0], [sflag:$0x6], $0x80, s15, s29, $0xb8;
	[tilespmem:$0x1E900] =	vst v63  }
0xad: {  	_ =	swait.ge [sflag:s25], $0x4000  }
0xae: {  	[sflag:s25] =	ssyncset.done $0x0  }
0xaf: {  	s13 =	stileid.u32;
	[sflag:s25] =	ssyncadd.s32 $0xFFFFC000  }
0xb0: {  	s12 =	sshll.u32 s13, $0x6;
	[bflag:$0x0] =	sbarrier.arrive $0xFFFF  }
0xb1: {  	s13 =	sshrl.u32 s7, $0x3;
	s12 =	sor.u32 $0x1C06, s12;
	s14 =	rddreg [dreg:$0x7]  }
0xb2: {  	[hbm:s14], [sflag:s12] =	dma.local [spmem:s13], $0x800  }
0xb3: {  	_ =	swait.ge [sflag:s25], $0x800  }
0xb4: {  	[sflag:s25] =	ssyncset.done $0x0  }
0xb5: {  	s14 =	sshrl.u32 s8, $0x3;
	[sflag:s25] =	ssyncadd.s32 $0xFFFFF800  }
0xb6: {  	[hbm:s16], [sflag:s12] =	dma.local [spmem:s14], $0x800  }
0xb7: {  	_ =	swait.ge [sflag:s25], $0x800  }
0xb8: {  	[sflag:s25] =	ssyncset.done $0x0  }
0xb9: {  	s15 =	sshrl.u32 s9, $0x3;
	[sflag:s25] =	ssyncadd.s32 $0xFFFFF800  }
0xba: {  	[hbm:s17], [sflag:s12] =	dma.local [spmem:s15], $0x800  }
0xbb: {  	_ =	swait.ge [sflag:s25], $0x800  }
0xbc: {  	[sflag:s25] =	ssyncset.done $0x0  }
0xbd: {  	s14 =	sshrl.u32 s10, $0x3;
	[sflag:s25] =	ssyncadd.s32 $0xFFFFF800  }
0xbe: {  	[hbm:s18], [sflag:s12] =	dma.local [spmem:s14], $0x800  }
0xbf: {  	s5 =	sadd.s32 $0x1, s5;
	_ =	swait.ge [sflag:s25], $0x800  }
0xc0: {  	p0 =	sne.s32 s5, s20;
	[sflag:s25] =	ssyncset.done $0x0  }
.Ltmp2:
0xc1: {  	s15 =	sshrl.u32 s11, $0x3;
	[sflag:s25] =	ssyncadd.s32 $0xFFFFF800;
	(pc) =	sbr.rel @p0 .LBB2_1-.Ltmp2, $4  }
0xc2: {  	[hbm:s19], [sflag:s12] =	dma.local [spmem:s15], $0x800  }
0xc3: {  	_ =	swait.ge [sflag:s25], $0x800  }
0xc4: {  	[sflag:s25] =	ssyncset.done $0x0  }
0xc5: {  	[sflag:s25] =	ssyncadd.s32 $0xFFFFF800  }
0xc6: {  	_ =	sfence.sel $0x180000  }
0xc7: {  	[bflag:$0x0] =	sbarrier.arrive $0xFFFF  }
0xc8: {  	_ =	strace $0x9000004D  }
0xc9: {  	s0 =	stileid.u32;
	[bflag:$0x2] =	sbarrier.arrive $0xFFFF  }
0xca: {  	p0 =	sne.s32 s0, $0x0;
	s0 =	rddreg [dreg:$0x2]  }
0xcb: {  	s0 =	sadd.s32 @!p0 $0x100000, s0  }
0xcc: {  	[sflag:s0] =	ssyncadd.tile.s32 @!p0 $0x1;
	_ =	shalt  }
.Lfunc_end2:
_tile_overlayer_lowered:
.L_overlay_start_2:
0xcd: {  	(tag) =	ssettag $0x2  }
0xce: {  	s0 =	rddreg [dreg:$0x0];
	s2 =	stileid.u32  }
0xcf: {  	s1 =	rddreg [dreg:$0x1];
	p0 =	sne.s32 s2, $0x0  }
0xd0: {  	s3 =	rddreg [dreg:$0x2];
	[bflag:$0x3] =	sbarrier.arrive $0xFFFF;
	s2 =	simm.s32 @!p0 $0x1C06  }
0xd1: {  	[timem:s3], [sflag:s2] =	dma.local @!p0 [hbm:s0], s1  }
0xd2: {  	s0 =	simm.s32 @!p0 $0x6  }
0xd3: {  	_ =	swait.ge @!p0 [sflag:s0], s1  }
0xd4: {  	s1 =	ssub.s32 @!p0 $0x0, s1;
	[sflag:s0] =	ssyncset.done @!p0 $0x0  }
0xd5: {  	[sflag:s0] =	ssyncadd.s32 @!p0 s1  }
0xd6: {  	[bflag:$0x3] =	sbarrier.arrive $0xFFFF  }
0xd7: {  	_ =	shalt  }

// kernel: kernel.21.cloned.1.call-start
scs
__scs_entry_jumppad:
0x0: {  	(pc) =	sbr.rel $0x88, $3  }
0x1: {  	(tag) =	ssettag $0x0;
	lr =	simm.s32 $0x1  }
0x2: {  	[smem:$0x3F94] =	sst lr;
	_ =	strace $0xD0000000  }
0x3: {  	_ = 	snop  }
0x4: {  	_ = 	snop  }
0x5: {  	_ = 	snop  }
0x6: {  	_ = 	snop  }
0x7: {  	_ = 	snop  }
__scs_overlays_trampoline_lowered:
0x8: {  	[smem:$0x3FA3] =	sst s0  }
0x9: {  	[smem:$0x3FA4] =	sst s1  }
0xa: {  	[smem:$0x3FA5] =	sst s2  }
0xb: {  	[smem:$0x3FA6] =	sst s3  }
0xc: {  	[smem:$0x3FA7] =	sst s4  }
0xd: {  	[smem:$0x3FA8] =	sst s5  }
0xe: {  	[smem:$0x3FA9] =	sst s6  }
0xf: {  	[smem:$0x3FAA] =	sst s7  }
0x10: {  	[smem:$0x3FAB] =	sst s8  }
0x11: {  	[smem:$0x3FAC] =	sst s9;
	s0 =	simm.s32 @!p0 $0x0  }
0x12: {  	s1 =	sld [smem:$0x3F92];
	s0 =	simm.s32 @p0 $0x1  }
0x13: {  	[smem:$0x3FAD] =	sst s0;
	s0 =	simm.s32 @!p1 $0x0  }
0x14: {  	s2 =	sld [smem:$0x3F91];
	s0 =	simm.s32 @p1 $0x1  }
0x15: {  	[smem:$0x3FAE] =	sst s0;
	s0 =	simm.s32 @!p2 $0x0  }
0x16: {  	s3 =	sld [smem:$0x3FDB];
	s0 =	simm.s32 @p2 $0x1  }
0x17: {  	s4 =	simm.s32 $0x1BF5;
	[smem:$0x3FB0] =	sst s0  }
0x18: {  	s0 =	sld [smem:$0x3F93];
	_ =	swait.ge [sflag:s4], $0x0  }
0x19: {  	s7 =	sld [smem:$0x3F94]  }
0x1a: {  	s8 =	sadd.s32 $0xFFFFE003, lr  }
0x1b: {  	s9 =	sadd.s32 $0xFFFFFEF7, lr;
	s5 =	simm.s32 $0xFFFFFFFF;
	p2 =	slt.u32 s8, $0xFFFFF086  }
0x1c: {  	p1 =	slt.u32 s9, $0xF7A;
	s5 =	simm.s32 @!p2 $0x0  }
0x1d: {  	s5 =	simm.s32 @p1 $0x1;
	p0 =	seq.s32 s7, s2  }
0x1e: {  	s7 =	smul.u32 @!p0 $0xF7A, s2;
	p2 =	seq.s32 @!p0 s5, $0x0  }
0x1f: {  	s9 =	smul.u32 $0xF7A, s1;
	s8 =	simm.s32 @!p0 $0x1BF5;
	p2 =	por !p2, p0  }
0x20: {  	[sflag:s8] =	ssyncset.s32 @!p0 $0xFFFFF086;
	s6 =	sadd.s32 @!p0 s3, s7;
	s7 =	simm.s32 @!p0 $0x108  }
0x21: {  	s3 =	sadd.s32 s3, s9;
	s6 =	sadd.s32 @!p0 $0x88, s6;
	s7 =	simm.s32 @p2 $0x1082  }
0x22: {  	[simem:s7], [sflag:s8] =	dma.local @!p0 [hbm:s6], $0xF7A  }
0x23: {  	s9 =	sor.u32 $0xD0000000, s2;
	s6 =	simm.s32 $0x108;
	_ =	swait.ge @!p0 [sflag:s8], $0x0  }
0x24: {  	s3 =	sadd.s32 $0x88, s3;
	s6 =	simm.s32 @!p1 $0x1082;
	[sflag:s4] =	ssyncset.s32 $0xFFFFF086  }
0x25: {  	[simem:s6], [sflag:s4] =	dma.local [hbm:s3], $0xF7A  }
0x26: {  	[smem:$0x3F94] =	sst s1;
	(tag) =	ssettag s2;
	_ =	strace s9  }
0x27: {  	s1 =	sld [smem:$0x3FA4]  }
0x28: {  	s2 =	sld [smem:$0x3FA5]  }
0x29: {  	s4 =	sld [smem:$0x3FA7]  }
0x2a: {  	p0 =	seq.s32 s5, $0x0;
	s5 =	sld [smem:$0x3FA8]  }
0x2b: {  	s6 =	sld [smem:$0x3FA9]  }
0x2c: {  	s7 =	sld [smem:$0x3FAA]  }
0x2d: {  	s3 =	simm.s32 $0x108;
	s8 =	sld [smem:$0x3FAB]  }
0x2e: {  	s3 =	simm.s32 @!p0 $0x1082;
	s9 =	sld [smem:$0x3FAC]  }
0x2f: {  	lr =	sadd.s32 s0, s3;
	s0 =	sld [smem:$0x3FA3]  }
0x30: {  	s3 =	sld [smem:$0x3FA6]  }
0x31: {  	[smem:$0x3FAF] =	sst s10  }
0x32: {  	s10 =	sld [smem:$0x3FAD];
	_ =	sdelay $0x3  }
0x33: {  	p0 =	seq.s32 s10, $0x1;
	s10 =	sld [smem:$0x3FAF];
	_ =	sdelay $0x3  }
0x34: {  	[smem:$0x3FAF] =	sst s10  }
0x35: {  	s10 =	sld [smem:$0x3FAE];
	_ =	sdelay $0x3  }
0x36: {  	p1 =	seq.s32 s10, $0x1;
	s10 =	sld [smem:$0x3FAF];
	_ =	sdelay $0x3  }
0x37: {  	[smem:$0x3FAF] =	sst s10  }
0x38: {  	s10 =	sld [smem:$0x3FB0]  }
0x39: {  	_ = 	snop;
	(pc) =	sbr.ind lr, $3  }
0x3a: {  	_ = 	snop  }
0x3b: {  	_ = 	snop  }
0x3c: {  	p2 =	seq.s32 s10, $0x1;
	s10 =	sld [smem:$0x3FAF]  }
0x3d: {  	_ =	shalt  }
0x3e: {  	_ =	shalt  }
0x3f: {  	_ =	shalt  }
0x40: {  	_ =	shalt  }
0x41: {  	_ =	shalt  }
0x42: {  	_ =	shalt  }
0x43: {  	_ =	shalt  }
0x44: {  	_ =	shalt  }
0x45: {  	_ =	shalt  }
0x46: {  	_ =	shalt  }
0x47: {  	_ =	shalt  }
0x48: {  	_ =	shalt  }
0x49: {  	_ =	shalt  }
0x4a: {  	_ =	shalt  }
0x4b: {  	_ =	shalt  }
0x4c: {  	_ =	shalt  }
0x4d: {  	_ =	shalt  }
0x4e: {  	_ =	shalt  }
0x4f: {  	_ =	shalt  }
0x50: {  	_ =	shalt  }
0x51: {  	_ =	shalt  }
0x52: {  	_ =	shalt  }
0x53: {  	_ =	shalt  }
0x54: {  	_ =	shalt  }
0x55: {  	_ =	shalt  }
0x56: {  	_ =	shalt  }
0x57: {  	_ =	shalt  }
0x58: {  	_ =	shalt  }
0x59: {  	_ =	shalt  }
0x5a: {  	_ =	shalt  }
0x5b: {  	_ =	shalt  }
0x5c: {  	_ =	shalt  }
0x5d: {  	_ =	shalt  }
0x5e: {  	_ =	shalt  }
0x5f: {  	_ =	shalt  }
0x60: {  	_ =	shalt  }
0x61: {  	_ =	shalt  }
0x62: {  	_ =	shalt  }
0x63: {  	_ =	shalt  }
0x64: {  	_ =	shalt  }
0x65: {  	_ =	shalt  }
0x66: {  	_ =	shalt  }
0x67: {  	_ =	shalt  }
0x68: {  	_ =	shalt  }
0x69: {  	_ =	shalt  }
0x6a: {  	_ =	shalt  }
0x6b: {  	_ =	shalt  }
0x6c: {  	_ =	shalt  }
0x6d: {  	_ =	shalt  }
0x6e: {  	_ =	shalt  }
0x6f: {  	_ =	shalt  }
0x70: {  	_ =	shalt  }
0x71: {  	_ =	shalt  }
0x72: {  	_ =	shalt  }
0x73: {  	_ =	shalt  }
0x74: {  	_ =	shalt  }
0x75: {  	_ =	shalt  }
0x76: {  	_ =	shalt  }
0x77: {  	_ =	shalt  }
0x78: {  	_ =	shalt  }
0x79: {  	_ =	shalt  }
0x7a: {  	_ =	shalt  }
0x7b: {  	_ =	shalt  }
0x7c: {  	_ =	shalt  }
0x7d: {  	_ =	shalt  }
0x7e: {  	_ =	shalt  }
0x7f: {  	_ =	shalt  }
0x80: {  	_ =	shalt  }
0x81: {  	_ =	shalt  }
0x82: {  	_ =	shalt  }
0x83: {  	_ =	shalt  }
0x84: {  	_ =	shalt  }
0x85: {  	_ =	shalt  }
0x86: {  	_ =	shalt  }
0x87: {  	_ =	shalt  }
.Lfunc_end0:
.L_simem_size_0:
called_computation.3_lowered:
.L_overlay_start_0:
0x88: {  	s2 =	sld [smem:$0x3FD9]  }
0x89: {  	s3 =	sld [smem:$0x3FFE];
	_ =	sdelay $0x1  }
0x8a: {  	s1 =	srdreg.scid  }
0x8b: {  	s0 =	sand.u32 $0x1, s1  }
0x8c: {  	s16 =	sshll.u32 s0, $0xA;
	s2 =	sadd.s32 s3, s2  }
0x8d: {  	s2 =	sadd.s32 s2, s16  }
0x8e: {  	[smem:$0x3FBB] =	sst s2  }
0x8f: {  	_ = 	snop  }
0x90: {  	(tm) =	ssettm $0x1  }
0x91: {  	s17 =	sld [smem:$0x3FFB];
	_ =	sdelay $0x3  }
0x92: {  	_ =	strace s17  }
0x93: {  	s2 =	sld [smem:$0x3FFC];
	_ =	sdelay $0x3  }
0x94: {  	_ =	strace s2  }
0x95: {  	s2 =	sld [smem:$0x3FFD];
	_ =	sdelay $0x3  }
0x96: {  	_ =	strace s2  }
0x97: {  	_ =	strace $0x8FFFFFFF  }
0x98: {  	s18 =	sld [smem:$0x3FDB];
	_ =	sdelay $0x1  }
0x99: {  	s19 =	simm.s32 $_scs_section_size  }
0x9a: {  	s4 =	simm.s32 $_size__tile_overlayer_lowered;
	s5 =	simm.s32 $_tile_overlayer_lowered  }
0x9b: {  	s22 =	simm.s32 $0x1BFF;
	s21 =	sshll.u32 s5, $0x1;
	s2 =	sadd.s32 s19, s18  }
0x9c: {  	s6 =	simm.s32 $0x0;
	s20 =	sshll.u32 s4, $0x1;
	s4 =	sadd.s32 s21, s2  }
0x9d: {  	[timem:s6], [sflag:s22] =	dma.local [hbm:s4], s20  }
0x9e: {  	_ =	swait.ge [sflag:s22], s20  }
0x9f: {  	s3 =	ssub.s32 $0x0, s20;
	[sflag:s22] =	ssyncset.done $0x0  }
0xa0: {  	[sflag:s22] =	ssyncadd.s32 s3;
	_ =	sdelay $0x1  }
0xa1: {  	s23 =	simm.s32 $0x1B8B  }
0xa2: {  	_ =	swait.ge [sflag:s23], $0x1  }
0xa3: {  	[sflag:s23] =	ssyncset.done $0x0  }
0xa4: {  	s25 =	simm.s32 $0x1B8E;
	s24 =	sld [smem:$0x3FFE];
	[sflag:s23] =	ssyncadd.s32 $0xFFFFFFFF  }
0xa5: {  	s26 =	simm.s32 $execute0_lowered;
	[smem:$0x3FD2] =	sst s25  }
0xa6: {  	s4 =	sshll.u32 s26, $0x1;
	_ =	strace $0x8000004F;
	[dreg:$0x1] =	wrdreg $0xFFFFFFFF  }
0xa7: {  	s28 =	simm.s32 $_size_execute0_lowered;
	s2 =	sadd.s32 s2, s4;
	[dreg:$0x0] =	wrdreg $0x0  }
0xa8: {  	s4 =	sshll.u32 s28, $0x1;
	[dreg:$0x2] =	wrdreg s2  }
0xa9: {  	[dreg:$0x3] =	wrdreg s4  }
0xaa: {  	[dreg:$0x4] =	wrdreg $0xC0  }
0xab: {  	_ =	task [dreg:s6], $0x5FFFF  }
0xac: {  	[dreg:$0x1] =	wrdreg $0xFFFFFFFF  }
0xad: {  	[dreg:$0x0] =	wrdreg $0x60  }
0xae: {  	[dreg:$0x2] =	wrdreg s24  }
0xaf: {  	[dreg:$0x3] =	wrdreg $0xA9000  }
0xb0: {  	[dreg:$0x4] =	wrdreg $0x9  }
0xb1: {  	_ =	task.clear_ibuf [dreg:s6], $0x5FFFF;
	_ =	strace $0x9000004F  }
0xb2: {  	s29 =	simm.s32 $0x9;
	_ =	strace $0x80000051  }
0xb3: {  	_ =	swait.ge [sflag:s29], $0x1  }
0xb4: {  	[sflag:s29] =	ssyncadd.s32 $0xFFFFFFFF  }
0xb5: {  	_ =	strace $0x90000051  }
0xb6: {  	_ =	sfence  }
0xb7: {  	s30 =	sld [smem:$0x0];
	_ =	sdelay $0x2  }
0xb8: {  	s31 =	sshll.u32 s1, $0xD;
	s1 =	sshrl.u32 s1, $0x2  }
0xb9: {  	s3 =	sand.u32 $0x4000, s31;
	s1 =	sadd.s32 s1, s30  }
0xba: {  	s0 =	sor.u32 s3, s0;
	s1 =	sshll.u32 s1, $0x11  }
0xbb: {  	s0 =	sor.u32 s1, s0  }
0xbc: {  	s0 =	sadd.s32 $0x8F2B, s0  }
0xbd: {  	[sflag:s0] =	ssyncadd.remote.s32 $0x1  }
0xbe: {  	_ =	sfence.sel $0xFFFF  }
0xbf: {  	[dreg:$0x0] =	wrdreg $0xFFFFFFFF;
	(pc) =	sbr.abs _section_cstart, $3  }
0xc0: {  	[dreg:$0x1] =	wrdreg $0xFFFFFFFF  }
0xc1: {  	_ =	task.clear_ibuf [dreg:s6], $0x2FFFF;
	_ =	strace $0x9FFFFFFF  }
0xc2: {  	(tm) =	ssettm $0x7FFFFFFF  }
0xc3: {  	_ =	shalt  }
tec
execute0_lowered:
.L_overlay_start_1:
0x0: {  	(tag) =	ssettag $0x1  }
0x1: {  	s0 =	rddreg [dreg:$0x0]  }
0x2: {  	s1 =	rddreg [dreg:$0x1];
	s2 =	srdreg.scid;
	s3 =	simm.s32 $0x0  }
0x3: {  	s16 =	stileid.u32;
	s28 =	simm.s32 $0x2;
	s29 =	simm.s32 $0x80  }
0x4: {  	s30 =	simm.s32 $0x4;
	s31 =	simm.s32 $0x3;
	s9 =	smul.u32 $0x50000, s16  }
0x5: {  	s2 =	sand.u32 $0x1, s2;
	[smem:$0x7FF] =	sst s3;
	s11 =	smul.u32 $0x14000, s16  }
0x6: {  	s12 =	sadd.s32 $0x5E200, s0;
	s21 =	smul.u32 $0x2800, s16;
	s4 =	sshll.u32 s2, $0x4  }
0x7: {  	_ =	strace $0x80000050;
	s7 =	ssub.s32 $0x2, s2;
	s18 =	smul.u32 $0x140000, s2  }
0x8: {  	s2 =	smul.u32 $0x28000, s2;
	s5 =	sor.u32 s16, s4;
	s4 =	sadd.s32 $0xE200, s0  }
0x9: {  	s8 =	sshrl.u32 s7, $0x1;
	s23 =	sshrl.u32 s9, $0x2;
	s24 =	sadd.s32 $0x4000, s11  }
0xa: {  	s14 =	sadd.s32 $0x8000, s11;
	s19 =	sadd.s32 $0xC000, s11;
	s6 =	smul.u32 $0x500, s5  }
0xb: {  	s20 =	sadd.s32 $0x10000, s11;
	s5 =	smul.u32 $0x2800, s5;
	s13 =	ssub.s32 s7, s8  }
0xc: {  	s7 =	sadd.s32 s23, s1;
	s8 =	sadd.s32 s24, s1;
	s9 =	sadd.s32 s14, s1  }
0xd: {  	s10 =	sadd.s32 s19, s1;
	s15 =	sadd.s32 s11, s18;
	s11 =	sadd.s32 s20, s1  }
0xe: {  	s14 =	sadd.s32 s18, s14;
	s19 =	sadd.s32 s18, s19;
	s22 =	sadd.s32 s18, s20  }
0xf: {  	s2 =	sadd.s32 s21, s2;
	s15 =	sshrl.u32 s15, $0x3;
	s14 =	sshrl.u32 s14, $0x3  }
0x10: {  	s23 =	sshrl.u32 s22, $0x3;
	s20 =	smax.u32 s13, $0x1;
	s6 =	sadd.s32 s6, s0  }
0x11: {  	s0 =	sadd.s32 $0x68200, s0;
	s5 =	sshrl.u32 s5, $0x3;
	s6 =	sadd.s32 $0x4200, s6  }
0x12: {  	s15 =	sadd.s32 s0, s15;
	[dreg:$0x3] =	wrdreg s6;
	s6 =	sadd.s32 s12, s5  }
0x13: {  	[dreg:$0x7] =	wrdreg s15;
	s5 =	sadd.s32 s18, s24;
	s17 =	sadd.s32 $0x10, s6  }
0x14: {  	s24 =	sor.u32 $0x200, s2;
	s25 =	sadd.s32 $0x20, s6;
	[dreg:$0x4] =	wrdreg s17  }
0x15: {  	s26 =	sadd.s32 $0x4F0, s6;
	s5 =	sshrl.u32 s5, $0x3;
	[dreg:$0x5] =	wrdreg s25  }
0x16: {  	s2 =	sor.u32 $0x180, s2;
	[dreg:$0x6] =	wrdreg s26;
	s16 =	sadd.s32 s0, s5  }
0x17: {  	s17 =	sadd.s32 s0, s14;
	s5 =	sshrl.u32 s19, $0x3;
	s19 =	sadd.s32 s0, s23  }
0x18: {  	s25 =	sshrl.u32 s24, $0x3;
	s26 =	sshrl.u32 s2, $0x3;
	s23 =	simm.s32 $0x100  }
0x19: {  	s24 =	simm.s32 $0x2900;
	s2 =	simm.s32 $0x5;
	s18 =	sadd.s32 s0, s5  }
0x1a: {  	s21 =	sadd.s32 s25, s12;
	s22 =	sadd.s32 s26, s12;
	s25 =	simm.s32 $0x6  }
0x1b: {  	v0 =	vimm.f32 $0.0e+00;
	s26 =	simm.s32 $0x1;
	s0 =	simm.s32 $0x6900;
	s5 =	simm.s32 $0x0  }
.LBB2_1:
0x1c: {  	s12 =	rddreg [dreg:$0x3];
	s15 =	sand.u32 $0xFE00, s3  }
0x1d: {  	[tilespmem:s23], [sflag:$0x1] =	stream.linear.gather [hbm4b:s12+s3], $0x2800, $0x38;
	[tilespmem:$0x1E900] =	vst v63  }
0x1e: {  	s13 =	sand.u32 $0x70, s3;
	s14 =	sshrl.u32 s15, $0x2  }
0x1f: {  	s12 =	simm.s32 $0x40;
	s14 =	sor.u32 s13, s14;
	s13 =	simm.s32 $0x0  }
0x20: {  	[tilespmem:s3], [sflag:$0x2] =	stream.linear.gather [hbm4b:s6+s3], $0x80, $0x38;
	[tilespmem:$0x1E900] =	vst v63  }
.LBB2_2:
0x21: {  	p0 =	sne.s32 s12, $0xFFC0  }
0x22: {  	[tilespmem:s14+$0x2900] =	vst v0;
	s13 =	sadd.s32 $0x10, s13;
	s14 =	smov.u32 s12;
	s12 =	sadd.s32 $0x40, s12  }
.Ltmp0:
0x23: {  	(pc) =	sbr.rel @p0 .LBB2_2-.Ltmp0, $4  }
0x24: {  	_ = 	snop  }
0x25: {  	s14 =	sand.u32 $0xFE00, s14  }
0x26: {  	s15 =	sand.u32 $0x70, s13;
	s14 =	sshrl.u32 s14, $0x2  }
0x27: {  	s14 =	sor.u32 s15, s14  }
0x28: {  	[tilespmem:s14+$0x2900] =	vst v0  }
0x29: {  	[spmem:s7] =	stream.linear.scatter [tilespmem:s24], [sflag:$0x6], $0x4000, $0x38;
	[tilespmem:$0x1E900] =	vst v63  }
0x2a: {  	_ =	swait.ge [sflag:s25], $0x4000  }
0x2b: {  	[sflag:s25] =	ssyncset.done $0x0  }
0x2c: {  	[sflag:s25] =	ssyncadd.s32 $0xFFFFC000  }
0x2d: {  	[spmem:s8] =	stream.linear.scatter [tilespmem:s24], [sflag:$0x6], $0x4000, $0x38;
	[tilespmem:$0x1E900] =	vst v63  }
0x2e: {  	_ =	swait.ge [sflag:s25], $0x4000  }
0x2f: {  	[sflag:s25] =	ssyncset.done $0x0  }
0x30: {  	[sflag:s25] =	ssyncadd.s32 $0xFFFFC000  }
0x31: {  	[spmem:s9] =	stream.linear.scatter [tilespmem:s24], [sflag:$0x6], $0x4000, $0x38;
	[tilespmem:$0x1E900] =	vst v63  }
0x32: {  	_ =	swait.ge [sflag:s25], $0x4000  }
0x33: {  	[sflag:s25] =	ssyncset.done $0x0  }
0x34: {  	[sflag:s25] =	ssyncadd.s32 $0xFFFFC000  }
0x35: {  	[spmem:s10] =	stream.linear.scatter [tilespmem:s24], [sflag:$0x6], $0x4000, $0x38;
	[tilespmem:$0x1E900] =	vst v63  }
0x36: {  	_ =	swait.ge [sflag:s25], $0x4000  }
0x37: {  	[sflag:s25] =	ssyncset.done $0x0  }
0x38: {  	[sflag:s25] =	ssyncadd.s32 $0xFFFFC000  }
0x39: {  	[spmem:s11] =	stream.linear.scatter [tilespmem:s24], [sflag:$0x6], $0x4000, $0x38;
	[tilespmem:$0x1E900] =	vst v63  }
0x3a: {  	_ =	swait.ge [sflag:s25], $0x4000  }
0x3b: {  	[sflag:s25] =	ssyncset.done $0x0  }
0x3c: {  	[sflag:s25] =	ssyncadd.s32 $0xFFFFC000  }
0x3d: {  	[bflag:$0x0] =	sbarrier.arrive $0xFFFF  }
0x3e: {  	_ =	swait.ge [sflag:s26], $0x2800  }
0x3f: {  	[sflag:s26] =	ssyncset.done $0x0  }
0x40: {  	[sflag:s26] =	ssyncadd.s32 $0xFFFFD800  }
0x41: {  	_ =	swait.ge [sflag:s28], $0x80  }
0x42: {  	[sflag:s28] =	ssyncset.done $0x0  }
0x43: {  	s12 =	simm.s32 $0x0;
	[sflag:s28] =	ssyncadd.s32 $0xFFFFFF80  }
0x44: {  	[tilespmem:s24], [sflag:$0x4] =	stream.indirect.gather [hbm4b:s4+s29], $0x80, s12, s29, $0xb8;
	[tilespmem:$0x1E900] =	vst v63  }
0x45: {  	s13 =	rddreg [dreg:$0x4]  }
0x46: {  	[tilespmem:s29], [sflag:$0x3] =	stream.linear.gather [hbm4b:s13+s12], $0x80, $0x38;
	[tilespmem:$0x1E900] =	vst v63  }
0x47: {  	_ =	swait.ge [sflag:s30], $0x4000  }
0x48: {  	[sflag:s30] =	ssyncset.done $0x0  }
0x49: {  	[sflag:s30] =	ssyncadd.s32 $0xFFFFC000  }
0x4a: {  	_ =	swait.ge [sflag:s31], $0x80  }
0x4b: {  	[sflag:s31] =	ssyncset.done $0x0  }
0x4c: {  	[sflag:s31] =	ssyncadd.s32 $0xFFFFFF80  }
0x4d: {  	[tilespmem:s0], [sflag:$0x5] =	stream.indirect.gather [hbm4b:s4+s29], $0x80, s29, s29, $0xb8;
	[tilespmem:$0x1E900] =	vst v63  }
0x4e: {  	s15 =	rddreg [dreg:$0x5]  }
0x4f: {  	[tilespmem:s12], [sflag:$0x2] =	stream.linear.gather [hbm4b:s15+s12], $0x80, $0x38;
	[tilespmem:$0x1E900] =	vst v63  }
0x50: {  	_ = 	snop  }
0x51: {  	[spmem:s1] =	stream.indirect.scatter.add.f32 [tilespmem:s24], [sflag:$0x6], $0x80, s23, s29, $0xb8;
	[tilespmem:$0x1E900] =	vst v63  }
0x52: {  	_ =	swait.ge [sflag:s25], $0x4000  }
0x53: {  	[sflag:s25] =	ssyncset.done $0x0  }
0x54: {  	[sflag:s25] =	ssyncadd.s32 $0xFFFFC000  }
0x55: {  	_ =	swait.ge [sflag:s2], $0x4000  }
0x56: {  	[sflag:s2] =	ssyncset.done $0x0  }
0x57: {  	[sflag:s2] =	ssyncadd.s32 $0xFFFFC000  }
0x58: {  	_ =	swait.ge [sflag:s28], $0x80  }
0x59: {  	[sflag:s28] =	ssyncset.done $0x0  }
0x5a: {  	[sflag:s28] =	ssyncadd.s32 $0xFFFFFF80  }
0x5b: {  	[tilespmem:s24], [sflag:$0x4] =	stream.indirect.gather [hbm4b:s4+s29], $0x80, s3, s29, $0xb8;
	[tilespmem:$0x1E900] =	vst v63  }
0x5c: {  	s13 =	sadd.s32 $0x0, s22  }
0x5d: {  	[tilespmem:s29], [sflag:$0x3] =	stream.linear.gather [hbm4b:s13+s3], $0x80, $0x38;
	[tilespmem:$0x1E900] =	vst v63  }
0x5e: {  	s14 =	simm.s32 $0x180  }
0x5f: {  	[spmem:s1] =	stream.indirect.scatter.add.f32 [tilespmem:s0], [sflag:$0x6], $0x80, s14, s29, $0xb8;
	[tilespmem:$0x1E900] =	vst v63  }
0x60: {  	_ =	swait.ge [sflag:s25], $0x4000  }
0x61: {  	[sflag:s25] =	ssyncset.done $0x0  }
0x62: {  	[sflag:s25] =	ssyncadd.s32 $0xFFFFC000  }
0x63: {  	_ =	swait.ge [sflag:s30], $0x4000  }
0x64: {  	[sflag:s30] =	ssyncset.done $0x0  }
0x65: {  	[sflag:s30] =	ssyncadd.s32 $0xFFFFC000  }
0x66: {  	_ =	swait.ge [sflag:s31], $0x80  }
0x67: {  	[sflag:s31] =	ssyncset.done $0x0  }
0x68: {  	[sflag:s31] =	ssyncadd.s32 $0xFFFFFF80  }
0x69: {  	[tilespmem:s0], [sflag:$0x5] =	stream.indirect.gather [hbm4b:s4+s29], $0x80, s29, s29, $0xb8;
	[tilespmem:$0x1E900] =	vst v63  }
0x6a: {  	s15 =	sadd.s32 $0x0, s21  }
0x6b: {  	[tilespmem:s3], [sflag:$0x2] =	stream.linear.gather [hbm4b:s15+s3], $0x80, $0x38;
	[tilespmem:$0x1E900] =	vst v63  }
0x6c: {  	s12 =	simm.s32 $0x200  }
0x6d: {  	[spmem:s1] =	stream.indirect.scatter.add.f32 [tilespmem:s24], [sflag:$0x6], $0x80, s12, s29, $0xb8;
	[tilespmem:$0x1E900] =	vst v63  }
0x6e: {  	_ =	swait.ge [sflag:s25], $0x4000  }
0x6f: {  	s13 =	simm.s32 $0x20;
	[sflag:s25] =	ssyncset.done $0x0  }
.LBB2_4:
0x70: {  	p0 =	sne.s32 s13, $0x4A0;
	[sflag:s25] =	ssyncadd.s32 $0xFFFFC000;
	s12 =	sadd.s32 $0x100, s12  }
0x71: {  	s14 =	smov.u32 s13;
	s13 =	sadd.s32 $0x20, s13  }
0x72: {  	_ =	swait.ge [sflag:s2], $0x4000  }
0x73: {  	[sflag:s2] =	ssyncset.done $0x0  }
0x74: {  	[sflag:s2] =	ssyncadd.s32 $0xFFFFC000  }
0x75: {  	_ =	swait.ge [sflag:s28], $0x80  }
0x76: {  	[sflag:s28] =	ssyncset.done $0x0  }
0x77: {  	[sflag:s28] =	ssyncadd.s32 $0xFFFFFF80  }
0x78: {  	[tilespmem:s24], [sflag:$0x4] =	stream.indirect.gather [hbm4b:s4+s29], $0x80, s3, s29, $0xb8;
	[tilespmem:$0x1E900] =	vst v63  }
0x79: {  	s15 =	sadd.s32 s14, s22  }
0x7a: {  	[tilespmem:s29], [sflag:$0x3] =	stream.linear.gather [hbm4b:s15+s3], $0x80, $0x38;
	[tilespmem:$0x1E900] =	vst v63  }
0x7b: {  	s15 =	sadd.s32 $0xFFFFFF80, s12  }
0x7c: {  	[spmem:s1] =	stream.indirect.scatter.add.f32 [tilespmem:s0], [sflag:$0x6], $0x80, s15, s29, $0xb8;
	[tilespmem:$0x1E900] =	vst v63  }
0x7d: {  	_ =	swait.ge [sflag:s25], $0x4000  }
0x7e: {  	[sflag:s25] =	ssyncset.done $0x0  }
0x7f: {  	[sflag:s25] =	ssyncadd.s32 $0xFFFFC000  }
0x80: {  	_ =	swait.ge [sflag:s30], $0x4000  }
0x81: {  	[sflag:s30] =	ssyncset.done $0x0  }
0x82: {  	[sflag:s30] =	ssyncadd.s32 $0xFFFFC000  }
0x83: {  	_ =	swait.ge [sflag:s31], $0x80  }
0x84: {  	[sflag:s31] =	ssyncset.done $0x0  }
0x85: {  	[sflag:s31] =	ssyncadd.s32 $0xFFFFFF80  }
0x86: {  	[tilespmem:s0], [sflag:$0x5] =	stream.indirect.gather [hbm4b:s4+s29], $0x80, s29, s29, $0xb8;
	[tilespmem:$0x1E900] =	vst v63  }
0x87: {  	s14 =	sadd.s32 s14, s21  }
0x88: {  	[tilespmem:s3], [sflag:$0x2] =	stream.linear.gather [hbm4b:s14+s3], $0x80, $0x38;
	[tilespmem:$0x1E900] =	vst v63  }
.Ltmp1:
0x89: {  	_ = 	snop;
	(pc) =	sbr.rel @p0 .LBB2_4-.Ltmp1, $4  }
0x8a: {  	_ = 	snop  }
0x8b: {  	[spmem:s1] =	stream.indirect.scatter.add.f32 [tilespmem:s24], [sflag:$0x6], $0x80, s12, s29, $0xb8;
	[tilespmem:$0x1E900] =	vst v63  }
0x8c: {  	_ =	swait.ge [sflag:s25], $0x4000  }
0x8d: {  	[sflag:s25] =	ssyncset.done $0x0  }
0x8e: {  	[sflag:s25] =	ssyncadd.s32 $0xFFFFC000  }
0x8f: {  	_ =	swait.ge [sflag:s2], $0x4000  }
0x90: {  	[sflag:s2] =	ssyncset.done $0x0  }
0x91: {  	[sflag:s2] =	ssyncadd.s32 $0xFFFFC000  }
0x92: {  	_ =	swait.ge [sflag:s28], $0x80  }
0x93: {  	[sflag:s28] =	ssyncset.done $0x0  }
0x94: {  	[sflag:s28] =	ssyncadd.s32 $0xFFFFFF80  }
0x95: {  	[tilespmem:s24], [sflag:$0x4] =	stream.indirect.gather [hbm4b:s4+s29], $0x80, s3, s29, $0xb8;
	[tilespmem:$0x1E900] =	vst v63  }
0x96: {  	s12 =	rddreg [dreg:$0x6]  }
0x97: {  	[tilespmem:s29], [sflag:$0x3] =	stream.linear.gather [hbm4b:s12+s3], $0x80, $0x38;
	[tilespmem:$0x1E900] =	vst v63  }
0x98: {  	s13 =	simm.s32 $0x2780  }
0x99: {  	[spmem:s1] =	stream.indirect.scatter.add.f32 [tilespmem:s0], [sflag:$0x6], $0x80, s13, s29, $0xb8;
	[tilespmem:$0x1E900] =	vst v63  }
0x9a: {  	_ =	swait.ge [sflag:s25], $0x4000  }
0x9b: {  	[sflag:s25] =	ssyncset.done $0x0  }
0x9c: {  	[sflag:s25] =	ssyncadd.s32 $0xFFFFC000  }
0x9d: {  	_ =	swait.ge [sflag:s30], $0x4000  }
0x9e: {  	[sflag:s30] =	ssyncset.done $0x0  }
0x9f: {  	[sflag:s30] =	ssyncadd.s32 $0xFFFFC000  }
0xa0: {  	_ =	swait.ge [sflag:s31], $0x80  }
0xa1: {  	[sflag:s31] =	ssyncset.done $0x0  }
0xa2: {  	[sflag:s31] =	ssyncadd.s32 $0xFFFFFF80  }
0xa3: {  	[tilespmem:s0], [sflag:$0x5] =	stream.indirect.gather [hbm4b:s4+s29], $0x80, s29, s29, $0xb8;
	[tilespmem:$0x1E900] =	vst v63  }
0xa4: {  	s14 =	simm.s32 $0x2800  }
0xa5: {  	[spmem:s1] =	stream.indirect.scatter.add.f32 [tilespmem:s24], [sflag:$0x6], $0x80, s14, s29, $0xb8;
	[tilespmem:$0x1E900] =	vst v63  }
0xa6: {  	_ =	swait.ge [sflag:s25], $0x4000  }
0xa7: {  	[sflag:s25] =	ssyncset.done $0x0  }
0xa8: {  	[sflag:s25] =	ssyncadd.s32 $0xFFFFC000  }
0xa9: {  	_ =	swait.ge [sflag:s2], $0x4000  }
0xaa: {  	[sflag:s2] =	ssyncset.done $0x0  }
0xab: {  	s15 =	simm.s32 $0x2880;
	[sflag:s2] =	ssyncadd.s32 $0xFFFFC000  }
0xac: {  	[spmem:s1] =	stream.indirect.scatter.add.f32 [tilespmem:s0], [sflag:$0x6], $0x80, s15, s29, $0xb8;
	[tilespmem:$0x1E900] =	vst v63  }
0xad: {  	_ =	swait.ge [sflag:s25], $0x4000  }
0xae: {  	[sflag:s25] =	ssyncset.done $0x0  }
0xaf: {  	s13 =	stileid.u32;
	[sflag:s25] =	ssyncadd.s32 $0xFFFFC000  }
0xb0: {  	s12 =	sshll.u32 s13, $0x6;
	[bflag:$0x0] =	sbarrier.arrive $0xFFFF  }
0xb1: {  	s13 =	sshrl.u32 s7, $0x3;
	s12 =	sor.u32 $0x1C06, s12;
	s14 =	rddreg [dreg:$0x7]  }
0xb2: {  	[hbm:s14], [sflag:s12] =	dma.local [spmem:s13], $0x800  }
0xb3: {  	_ =	swait.ge [sflag:s25], $0x800  }
0xb4: {  	[sflag:s25] =	ssyncset.done $0x0  }
0xb5: {  	s14 =	sshrl.u32 s8, $0x3;
	[sflag:s25] =	ssyncadd.s32 $0xFFFFF800  }
0xb6: {  	[hbm:s16], [sflag:s12] =	dma.local [spmem:s14], $0x800  }
0xb7: {  	_ =	swait.ge [sflag:s25], $0x800  }
0xb8: {  	[sflag:s25] =	ssyncset.done $0x0  }
0xb9: {  	s15 =	sshrl.u32 s9, $0x3;
	[sflag:s25] =	ssyncadd.s32 $0xFFFFF800  }
0xba: {  	[hbm:s17], [sflag:s12] =	dma.local [spmem:s15], $0x800  }
0xbb: {  	_ =	swait.ge [sflag:s25], $0x800  }
0xbc: {  	[sflag:s25] =	ssyncset.done $0x0  }
0xbd: {  	s14 =	sshrl.u32 s10, $0x3;
	[sflag:s25] =	ssyncadd.s32 $0xFFFFF800  }
0xbe: {  	[hbm:s18], [sflag:s12] =	dma.local [spmem:s14], $0x800  }
0xbf: {  	s5 =	sadd.s32 $0x1, s5;
	_ =	swait.ge [sflag:s25], $0x800  }
0xc0: {  	p0 =	sne.s32 s5, s20;
	[sflag:s25] =	ssyncset.done $0x0  }
.Ltmp2:
0xc1: {  	s15 =	sshrl.u32 s11, $0x3;
	[sflag:s25] =	ssyncadd.s32 $0xFFFFF800;
	(pc) =	sbr.rel @p0 .LBB2_1-.Ltmp2, $4  }
0xc2: {  	[hbm:s19], [sflag:s12] =	dma.local [spmem:s15], $0x800  }
0xc3: {  	_ =	swait.ge [sflag:s25], $0x800  }
0xc4: {  	[sflag:s25] =	ssyncset.done $0x0  }
0xc5: {  	[sflag:s25] =	ssyncadd.s32 $0xFFFFF800  }
0xc6: {  	_ =	sfence.sel $0x180000  }
0xc7: {  	[bflag:$0x0] =	sbarrier.arrive $0xFFFF  }
0xc8: {  	_ =	strace $0x90000050  }
0xc9: {  	s0 =	stileid.u32;
	[bflag:$0x2] =	sbarrier.arrive $0xFFFF  }
0xca: {  	p0 =	sne.s32 s0, $0x0;
	s0 =	rddreg [dreg:$0x2]  }
0xcb: {  	s0 =	sadd.s32 @!p0 $0x100000, s0  }
0xcc: {  	[sflag:s0] =	ssyncadd.tile.s32 @!p0 $0x1;
	_ =	shalt  }
.Lfunc_end2:
_tile_overlayer_lowered:
.L_overlay_start_2:
0xcd: {  	(tag) =	ssettag $0x2  }
0xce: {  	s0 =	rddreg [dreg:$0x0];
	s2 =	stileid.u32  }
0xcf: {  	s1 =	rddreg [dreg:$0x1];
	p0 =	sne.s32 s2, $0x0  }
0xd0: {  	s3 =	rddreg [dreg:$0x2];
	[bflag:$0x3] =	sbarrier.arrive $0xFFFF;
	s2 =	simm.s32 @!p0 $0x1C06  }
0xd1: {  	[timem:s3], [sflag:s2] =	dma.local @!p0 [hbm:s0], s1  }
0xd2: {  	s0 =	simm.s32 @!p0 $0x6  }
0xd3: {  	_ =	swait.ge @!p0 [sflag:s0], s1  }
0xd4: {  	s1 =	ssub.s32 @!p0 $0x0, s1;
	[sflag:s0] =	ssyncset.done @!p0 $0x0  }
0xd5: {  	[sflag:s0] =	ssyncadd.s32 @!p0 s1  }
0xd6: {  	[bflag:$0x3] =	sbarrier.arrive $0xFFFF  }
0xd7: {  	_ =	shalt  }

// kernel: kernel.24.cloned.1.call-start
scs
__scs_entry_jumppad:
0x0: {  	(pc) =	sbr.rel $0x88, $3  }
0x1: {  	(tag) =	ssettag $0x0;
	lr =	simm.s32 $0x1  }
0x2: {  	[smem:$0x3F94] =	sst lr;
	_ =	strace $0xD0000000  }
0x3: {  	_ = 	snop  }
0x4: {  	_ = 	snop  }
0x5: {  	_ = 	snop  }
0x6: {  	_ = 	snop  }
0x7: {  	_ = 	snop  }
__scs_overlays_trampoline_lowered:
0x8: {  	[smem:$0x3FA3] =	sst s0  }
0x9: {  	[smem:$0x3FA4] =	sst s1  }
0xa: {  	[smem:$0x3FA5] =	sst s2  }
0xb: {  	[smem:$0x3FA6] =	sst s3  }
0xc: {  	[smem:$0x3FA7] =	sst s4  }
0xd: {  	[smem:$0x3FA8] =	sst s5  }
0xe: {  	[smem:$0x3FA9] =	sst s6  }
0xf: {  	[smem:$0x3FAA] =	sst s7  }
0x10: {  	[smem:$0x3FAB] =	sst s8  }
0x11: {  	[smem:$0x3FAC] =	sst s9;
	s0 =	simm.s32 @!p0 $0x0  }
0x12: {  	s1 =	sld [smem:$0x3F92];
	s0 =	simm.s32 @p0 $0x1  }
0x13: {  	[smem:$0x3FAD] =	sst s0;
	s0 =	simm.s32 @!p1 $0x0  }
0x14: {  	s2 =	sld [smem:$0x3F91];
	s0 =	simm.s32 @p1 $0x1  }
0x15: {  	[smem:$0x3FAE] =	sst s0;
	s0 =	simm.s32 @!p2 $0x0  }
0x16: {  	s3 =	sld [smem:$0x3FDB];
	s0 =	simm.s32 @p2 $0x1  }
0x17: {  	s4 =	simm.s32 $0x1BF5;
	[smem:$0x3FB0] =	sst s0  }
0x18: {  	s0 =	sld [smem:$0x3F93];
	_ =	swait.ge [sflag:s4], $0x0  }
0x19: {  	s7 =	sld [smem:$0x3F94]  }
0x1a: {  	s8 =	sadd.s32 $0xFFFFE003, lr  }
0x1b: {  	s9 =	sadd.s32 $0xFFFFFEF7, lr;
	s5 =	simm.s32 $0xFFFFFFFF;
	p2 =	slt.u32 s8, $0xFFFFF086  }
0x1c: {  	p1 =	slt.u32 s9, $0xF7A;
	s5 =	simm.s32 @!p2 $0x0  }
0x1d: {  	s5 =	simm.s32 @p1 $0x1;
	p0 =	seq.s32 s7, s2  }
0x1e: {  	s7 =	smul.u32 @!p0 $0xF7A, s2;
	p2 =	seq.s32 @!p0 s5, $0x0  }
0x1f: {  	s9 =	smul.u32 $0xF7A, s1;
	s8 =	simm.s32 @!p0 $0x1BF5;
	p2 =	por !p2, p0  }
0x20: {  	[sflag:s8] =	ssyncset.s32 @!p0 $0xFFFFF086;
	s6 =	sadd.s32 @!p0 s3, s7;
	s7 =	simm.s32 @!p0 $0x108  }
0x21: {  	s3 =	sadd.s32 s3, s9;
	s6 =	sadd.s32 @!p0 $0x88, s6;
	s7 =	simm.s32 @p2 $0x1082  }
0x22: {  	[simem:s7], [sflag:s8] =	dma.local @!p0 [hbm:s6], $0xF7A  }
0x23: {  	s9 =	sor.u32 $0xD0000000, s2;
	s6 =	simm.s32 $0x108;
	_ =	swait.ge @!p0 [sflag:s8], $0x0  }
0x24: {  	s3 =	sadd.s32 $0x88, s3;
	s6 =	simm.s32 @!p1 $0x1082;
	[sflag:s4] =	ssyncset.s32 $0xFFFFF086  }
0x25: {  	[simem:s6], [sflag:s4] =	dma.local [hbm:s3], $0xF7A  }
0x26: {  	[smem:$0x3F94] =	sst s1;
	(tag) =	ssettag s2;
	_ =	strace s9  }
0x27: {  	s1 =	sld [smem:$0x3FA4]  }
0x28: {  	s2 =	sld [smem:$0x3FA5]  }
0x29: {  	s4 =	sld [smem:$0x3FA7]  }
0x2a: {  	p0 =	seq.s32 s5, $0x0;
	s5 =	sld [smem:$0x3FA8]  }
0x2b: {  	s6 =	sld [smem:$0x3FA9]  }
0x2c: {  	s7 =	sld [smem:$0x3FAA]  }
0x2d: {  	s3 =	simm.s32 $0x108;
	s8 =	sld [smem:$0x3FAB]  }
0x2e: {  	s3 =	simm.s32 @!p0 $0x1082;
	s9 =	sld [smem:$0x3FAC]  }
0x2f: {  	lr =	sadd.s32 s0, s3;
	s0 =	sld [smem:$0x3FA3]  }
0x30: {  	s3 =	sld [smem:$0x3FA6]  }
0x31: {  	[smem:$0x3FAF] =	sst s10  }
0x32: {  	s10 =	sld [smem:$0x3FAD];
	_ =	sdelay $0x3  }
0x33: {  	p0 =	seq.s32 s10, $0x1;
	s10 =	sld [smem:$0x3FAF];
	_ =	sdelay $0x3  }
0x34: {  	[smem:$0x3FAF] =	sst s10  }
0x35: {  	s10 =	sld [smem:$0x3FAE];
	_ =	sdelay $0x3  }
0x36: {  	p1 =	seq.s32 s10, $0x1;
	s10 =	sld [smem:$0x3FAF];
	_ =	sdelay $0x3  }
0x37: {  	[smem:$0x3FAF] =	sst s10  }
0x38: {  	s10 =	sld [smem:$0x3FB0]  }
0x39: {  	_ = 	snop;
	(pc) =	sbr.ind lr, $3  }
0x3a: {  	_ = 	snop  }
0x3b: {  	_ = 	snop  }
0x3c: {  	p2 =	seq.s32 s10, $0x1;
	s10 =	sld [smem:$0x3FAF]  }
0x3d: {  	_ =	shalt  }
0x3e: {  	_ =	shalt  }
0x3f: {  	_ =	shalt  }
0x40: {  	_ =	shalt  }
0x41: {  	_ =	shalt  }
0x42: {  	_ =	shalt  }
0x43: {  	_ =	shalt  }
0x44: {  	_ =	shalt  }
0x45: {  	_ =	shalt  }
0x46: {  	_ =	shalt  }
0x47: {  	_ =	shalt  }
0x48: {  	_ =	shalt  }
0x49: {  	_ =	shalt  }
0x4a: {  	_ =	shalt  }
0x4b: {  	_ =	shalt  }
0x4c: {  	_ =	shalt  }
0x4d: {  	_ =	shalt  }
0x4e: {  	_ =	shalt  }
0x4f: {  	_ =	shalt  }
0x50: {  	_ =	shalt  }
0x51: {  	_ =	shalt  }
0x52: {  	_ =	shalt  }
0x53: {  	_ =	shalt  }
0x54: {  	_ =	shalt  }
0x55: {  	_ =	shalt  }
0x56: {  	_ =	shalt  }
0x57: {  	_ =	shalt  }
0x58: {  	_ =	shalt  }
0x59: {  	_ =	shalt  }
0x5a: {  	_ =	shalt  }
0x5b: {  	_ =	shalt  }
0x5c: {  	_ =	shalt  }
0x5d: {  	_ =	shalt  }
0x5e: {  	_ =	shalt  }
0x5f: {  	_ =	shalt  }
0x60: {  	_ =	shalt  }
0x61: {  	_ =	shalt  }
0x62: {  	_ =	shalt  }
0x63: {  	_ =	shalt  }
0x64: {  	_ =	shalt  }
0x65: {  	_ =	shalt  }
0x66: {  	_ =	shalt  }
0x67: {  	_ =	shalt  }
0x68: {  	_ =	shalt  }
0x69: {  	_ =	shalt  }
0x6a: {  	_ =	shalt  }
0x6b: {  	_ =	shalt  }
0x6c: {  	_ =	shalt  }
0x6d: {  	_ =	shalt  }
0x6e: {  	_ =	shalt  }
0x6f: {  	_ =	shalt  }
0x70: {  	_ =	shalt  }
0x71: {  	_ =	shalt  }
0x72: {  	_ =	shalt  }
0x73: {  	_ =	shalt  }
0x74: {  	_ =	shalt  }
0x75: {  	_ =	shalt  }
0x76: {  	_ =	shalt  }
0x77: {  	_ =	shalt  }
0x78: {  	_ =	shalt  }
0x79: {  	_ =	shalt  }
0x7a: {  	_ =	shalt  }
0x7b: {  	_ =	shalt  }
0x7c: {  	_ =	shalt  }
0x7d: {  	_ =	shalt  }
0x7e: {  	_ =	shalt  }
0x7f: {  	_ =	shalt  }
0x80: {  	_ =	shalt  }
0x81: {  	_ =	shalt  }
0x82: {  	_ =	shalt  }
0x83: {  	_ =	shalt  }
0x84: {  	_ =	shalt  }
0x85: {  	_ =	shalt  }
0x86: {  	_ =	shalt  }
0x87: {  	_ =	shalt  }
.Lfunc_end0:
.L_simem_size_0:
called_computation.4_lowered:
.L_overlay_start_0:
0x88: {  	s2 =	sld [smem:$0x3FD9]  }
0x89: {  	s3 =	sld [smem:$0x3FFE];
	_ =	sdelay $0x1  }
0x8a: {  	s1 =	srdreg.scid  }
0x8b: {  	s0 =	sand.u32 $0x1, s1  }
0x8c: {  	s16 =	sshll.u32 s0, $0xA;
	s2 =	sadd.s32 s3, s2  }
0x8d: {  	s2 =	sadd.s32 s2, s16  }
0x8e: {  	[smem:$0x3FBB] =	sst s2  }
0x8f: {  	_ = 	snop  }
0x90: {  	(tm) =	ssettm $0x1  }
0x91: {  	s17 =	sld [smem:$0x3FFB];
	_ =	sdelay $0x3  }
0x92: {  	_ =	strace s17  }
0x93: {  	s2 =	sld [smem:$0x3FFC];
	_ =	sdelay $0x3  }
0x94: {  	_ =	strace s2  }
0x95: {  	s2 =	sld [smem:$0x3FFD];
	_ =	sdelay $0x3  }
0x96: {  	_ =	strace s2  }
0x97: {  	_ =	strace $0x8FFFFFFF  }
0x98: {  	s18 =	sld [smem:$0x3FDB];
	_ =	sdelay $0x1  }
0x99: {  	s19 =	simm.s32 $_scs_section_size  }
0x9a: {  	s4 =	simm.s32 $_size__tile_overlayer_lowered;
	s5 =	simm.s32 $_tile_overlayer_lowered  }
0x9b: {  	s22 =	simm.s32 $0x1BFF;
	s21 =	sshll.u32 s5, $0x1;
	s2 =	sadd.s32 s19, s18  }
0x9c: {  	s6 =	simm.s32 $0x0;
	s20 =	sshll.u32 s4, $0x1;
	s4 =	sadd.s32 s21, s2  }
0x9d: {  	[timem:s6], [sflag:s22] =	dma.local [hbm:s4], s20  }
0x9e: {  	_ =	swait.ge [sflag:s22], s20  }
0x9f: {  	s3 =	ssub.s32 $0x0, s20;
	[sflag:s22] =	ssyncset.done $0x0  }
0xa0: {  	[sflag:s22] =	ssyncadd.s32 s3;
	_ =	sdelay $0x1  }
0xa1: {  	s23 =	simm.s32 $0x1B8B  }
0xa2: {  	_ =	swait.ge [sflag:s23], $0x1  }
0xa3: {  	[sflag:s23] =	ssyncset.done $0x0  }
0xa4: {  	s25 =	simm.s32 $0x1B8E;
	s24 =	sld [smem:$0x3FFE];
	[sflag:s23] =	ssyncadd.s32 $0xFFFFFFFF  }
0xa5: {  	s26 =	simm.s32 $execute0_lowered;
	[smem:$0x3FD2] =	sst s25  }
0xa6: {  	s4 =	sshll.u32 s26, $0x1;
	_ =	strace $0x80000052;
	[dreg:$0x1] =	wrdreg $0xFFFFFFFF  }
0xa7: {  	s28 =	simm.s32 $_size_execute0_lowered;
	s2 =	sadd.s32 s2, s4;
	[dreg:$0x0] =	wrdreg $0x0  }
0xa8: {  	s4 =	sshll.u32 s28, $0x1;
	[dreg:$0x2] =	wrdreg s2  }
0xa9: {  	[dreg:$0x3] =	wrdreg s4  }
0xaa: {  	[dreg:$0x4] =	wrdreg $0xC0  }
0xab: {  	_ =	task [dreg:s6], $0x5FFFF  }
0xac: {  	[dreg:$0x1] =	wrdreg $0xFFFFFFFF  }
0xad: {  	[dreg:$0x0] =	wrdreg $0x60  }
0xae: {  	[dreg:$0x2] =	wrdreg s24  }
0xaf: {  	[dreg:$0x3] =	wrdreg $0xA9000  }
0xb0: {  	[dreg:$0x4] =	wrdreg $0x9  }
0xb1: {  	_ =	task.clear_ibuf [dreg:s6], $0x5FFFF;
	_ =	strace $0x90000052  }
0xb2: {  	s29 =	simm.s32 $0x9;
	_ =	strace $0x80000054  }
0xb3: {  	_ =	swait.ge [sflag:s29], $0x1  }
0xb4: {  	[sflag:s29] =	ssyncadd.s32 $0xFFFFFFFF  }
0xb5: {  	_ =	strace $0x90000054  }
0xb6: {  	_ =	sfence  }
0xb7: {  	s30 =	sld [smem:$0x0];
	_ =	sdelay $0x2  }
0xb8: {  	s31 =	sshll.u32 s1, $0xD;
	s1 =	sshrl.u32 s1, $0x2  }
0xb9: {  	s3 =	sand.u32 $0x4000, s31;
	s1 =	sadd.s32 s1, s30  }
0xba: {  	s0 =	sor.u32 s3, s0;
	s1 =	sshll.u32 s1, $0x11  }
0xbb: {  	s0 =	sor.u32 s1, s0  }
0xbc: {  	s0 =	sadd.s32 $0x8F2B, s0  }
0xbd: {  	[sflag:s0] =	ssyncadd.remote.s32 $0x1  }
0xbe: {  	_ =	sfence.sel $0xFFFF  }
0xbf: {  	[dreg:$0x0] =	wrdreg $0xFFFFFFFF;
	(pc) =	sbr.abs _section_cstart, $3  }
0xc0: {  	[dreg:$0x1] =	wrdreg $0xFFFFFFFF  }
0xc1: {  	_ =	task.clear_ibuf [dreg:s6], $0x2FFFF;
	_ =	strace $0x9FFFFFFF  }
0xc2: {  	(tm) =	ssettm $0x7FFFFFFF  }
0xc3: {  	_ =	shalt  }
tec
execute0_lowered:
.L_overlay_start_1:
0x0: {  	(tag) =	ssettag $0x1  }
0x1: {  	s0 =	rddreg [dreg:$0x0]  }
0x2: {  	s1 =	rddreg [dreg:$0x1];
	s2 =	srdreg.scid;
	s3 =	simm.s32 $0x0  }
0x3: {  	s16 =	stileid.u32;
	s28 =	simm.s32 $0x2;
	s29 =	simm.s32 $0x80  }
0x4: {  	s30 =	simm.s32 $0x4;
	s31 =	simm.s32 $0x3;
	s9 =	smul.u32 $0x50000, s16  }
0x5: {  	s2 =	sand.u32 $0x1, s2;
	[smem:$0x7FF] =	sst s3;
	s11 =	smul.u32 $0x14000, s16  }
0x6: {  	s12 =	sadd.s32 $0x5E200, s0;
	s21 =	smul.u32 $0x2800, s16;
	s4 =	sshll.u32 s2, $0x4  }
0x7: {  	_ =	strace $0x80000053;
	s7 =	ssub.s32 $0x2, s2;
	s18 =	smul.u32 $0x140000, s2  }
0x8: {  	s2 =	smul.u32 $0x28000, s2;
	s5 =	sor.u32 s16, s4;
	s4 =	sadd.s32 $0xE200, s0  }
0x9: {  	s8 =	sshrl.u32 s7, $0x1;
	s23 =	sshrl.u32 s9, $0x2;
	s24 =	sadd.s32 $0x4000, s11  }
0xa: {  	s14 =	sadd.s32 $0x8000, s11;
	s19 =	sadd.s32 $0xC000, s11;
	s6 =	smul.u32 $0x500, s5  }
0xb: {  	s20 =	sadd.s32 $0x10000, s11;
	s5 =	smul.u32 $0x2800, s5;
	s13 =	ssub.s32 s7, s8  }
0xc: {  	s7 =	sadd.s32 s23, s1;
	s8 =	sadd.s32 s24, s1;
	s9 =	sadd.s32 s14, s1  }
0xd: {  	s10 =	sadd.s32 s19, s1;
	s15 =	sadd.s32 s11, s18;
	s11 =	sadd.s32 s20, s1  }
0xe: {  	s14 =	sadd.s32 s18, s14;
	s19 =	sadd.s32 s18, s19;
	s22 =	sadd.s32 s18, s20  }
0xf: {  	s2 =	sadd.s32 s21, s2;
	s15 =	sshrl.u32 s15, $0x3;
	s14 =	sshrl.u32 s14, $0x3  }
0x10: {  	s23 =	sshrl.u32 s22, $0x3;
	s20 =	smax.u32 s13, $0x1;
	s6 =	sadd.s32 s6, s0  }
0x11: {  	s0 =	sadd.s32 $0x68200, s0;
	s5 =	sshrl.u32 s5, $0x3;
	s6 =	sadd.s32 $0x4200, s6  }
0x12: {  	s15 =	sadd.s32 s0, s15;
	[dreg:$0x3] =	wrdreg s6;
	s6 =	sadd.s32 s12, s5  }
0x13: {  	[dreg:$0x7] =	wrdreg s15;
	s5 =	sadd.s32 s18, s24;
	s17 =	sadd.s32 $0x10, s6  }
0x14: {  	s24 =	sor.u32 $0x200, s2;
	s25 =	sadd.s32 $0x20, s6;
	[dreg:$0x4] =	wrdreg s17  }
0x15: {  	s26 =	sadd.s32 $0x4F0, s6;
	s5 =	sshrl.u32 s5, $0x3;
	[dreg:$0x5] =	wrdreg s25  }
0x16: {  	s2 =	sor.u32 $0x180, s2;
	[dreg:$0x6] =	wrdreg s26;
	s16 =	sadd.s32 s0, s5  }
0x17: {  	s17 =	sadd.s32 s0, s14;
	s5 =	sshrl.u32 s19, $0x3;
	s19 =	sadd.s32 s0, s23  }
0x18: {  	s25 =	sshrl.u32 s24, $0x3;
	s26 =	sshrl.u32 s2, $0x3;
	s23 =	simm.s32 $0x100  }
0x19: {  	s24 =	simm.s32 $0x2900;
	s2 =	simm.s32 $0x5;
	s18 =	sadd.s32 s0, s5  }
0x1a: {  	s21 =	sadd.s32 s25, s12;
	s22 =	sadd.s32 s26, s12;
	s25 =	simm.s32 $0x6  }
0x1b: {  	v0 =	vimm.f32 $0.0e+00;
	s26 =	simm.s32 $0x1;
	s0 =	simm.s32 $0x6900;
	s5 =	simm.s32 $0x0  }
.LBB2_1:
0x1c: {  	s12 =	rddreg [dreg:$0x3];
	s15 =	sand.u32 $0xFE00, s3  }
0x1d: {  	[tilespmem:s23], [sflag:$0x1] =	stream.linear.gather [hbm4b:s12+s3], $0x2800, $0x38;
	[tilespmem:$0x1E900] =	vst v63  }
0x1e: {  	s13 =	sand.u32 $0x70, s3;
	s14 =	sshrl.u32 s15, $0x2  }
0x1f: {  	s12 =	simm.s32 $0x40;
	s14 =	sor.u32 s13, s14;
	s13 =	simm.s32 $0x0  }
0x20: {  	[tilespmem:s3], [sflag:$0x2] =	stream.linear.gather [hbm4b:s6+s3], $0x80, $0x38;
	[tilespmem:$0x1E900] =	vst v63  }
.LBB2_2:
0x21: {  	p0 =	sne.s32 s12, $0xFFC0  }
0x22: {  	[tilespmem:s14+$0x2900] =	vst v0;
	s13 =	sadd.s32 $0x10, s13;
	s14 =	smov.u32 s12;
	s12 =	sadd.s32 $0x40, s12  }
.Ltmp0:
0x23: {  	(pc) =	sbr.rel @p0 .LBB2_2-.Ltmp0, $4  }
0x24: {  	_ = 	snop  }
0x25: {  	s14 =	sand.u32 $0xFE00, s14  }
0x26: {  	s15 =	sand.u32 $0x70, s13;
	s14 =	sshrl.u32 s14, $0x2  }
0x27: {  	s14 =	sor.u32 s15, s14  }
0x28: {  	[tilespmem:s14+$0x2900] =	vst v0  }
0x29: {  	[spmem:s7] =	stream.linear.scatter [tilespmem:s24], [sflag:$0x6], $0x4000, $0x38;
	[tilespmem:$0x1E900] =	vst v63  }
0x2a: {  	_ =	swait.ge [sflag:s25], $0x4000  }
0x2b: {  	[sflag:s25] =	ssyncset.done $0x0  }
0x2c: {  	[sflag:s25] =	ssyncadd.s32 $0xFFFFC000  }
0x2d: {  	[spmem:s8] =	stream.linear.scatter [tilespmem:s24], [sflag:$0x6], $0x4000, $0x38;
	[tilespmem:$0x1E900] =	vst v63  }
0x2e: {  	_ =	swait.ge [sflag:s25], $0x4000  }
0x2f: {  	[sflag:s25] =	ssyncset.done $0x0  }
0x30: {  	[sflag:s25] =	ssyncadd.s32 $0xFFFFC000  }
0x31: {  	[spmem:s9] =	stream.linear.scatter [tilespmem:s24], [sflag:$0x6], $0x4000, $0x38;
	[tilespmem:$0x1E900] =	vst v63  }
0x32: {  	_ =	swait.ge [sflag:s25], $0x4000  }
0x33: {  	[sflag:s25] =	ssyncset.done $0x0  }
0x34: {  	[sflag:s25] =	ssyncadd.s32 $0xFFFFC000  }
0x35: {  	[spmem:s10] =	stream.linear.scatter [tilespmem:s24], [sflag:$0x6], $0x4000, $0x38;
	[tilespmem:$0x1E900] =	vst v63  }
0x36: {  	_ =	swait.ge [sflag:s25], $0x4000  }
0x37: {  	[sflag:s25] =	ssyncset.done $0x0  }
0x38: {  	[sflag:s25] =	ssyncadd.s32 $0xFFFFC000  }
0x39: {  	[spmem:s11] =	stream.linear.scatter [tilespmem:s24], [sflag:$0x6], $0x4000, $0x38;
	[tilespmem:$0x1E900] =	vst v63  }
0x3a: {  	_ =	swait.ge [sflag:s25], $0x4000  }
0x3b: {  	[sflag:s25] =	ssyncset.done $0x0  }
0x3c: {  	[sflag:s25] =	ssyncadd.s32 $0xFFFFC000  }
0x3d: {  	[bflag:$0x0] =	sbarrier.arrive $0xFFFF  }
0x3e: {  	_ =	swait.ge [sflag:s26], $0x2800  }
0x3f: {  	[sflag:s26] =	ssyncset.done $0x0  }
0x40: {  	[sflag:s26] =	ssyncadd.s32 $0xFFFFD800  }
0x41: {  	_ =	swait.ge [sflag:s28], $0x80  }
0x42: {  	[sflag:s28] =	ssyncset.done $0x0  }
0x43: {  	s12 =	simm.s32 $0x0;
	[sflag:s28] =	ssyncadd.s32 $0xFFFFFF80  }
0x44: {  	[tilespmem:s24], [sflag:$0x4] =	stream.indirect.gather [hbm4b:s4+s29], $0x80, s12, s29, $0xb8;
	[tilespmem:$0x1E900] =	vst v63  }
0x45: {  	s13 =	rddreg [dreg:$0x4]  }
0x46: {  	[tilespmem:s29], [sflag:$0x3] =	stream.linear.gather [hbm4b:s13+s12], $0x80, $0x38;
	[tilespmem:$0x1E900] =	vst v63  }
0x47: {  	_ =	swait.ge [sflag:s30], $0x4000  }
0x48: {  	[sflag:s30] =	ssyncset.done $0x0  }
0x49: {  	[sflag:s30] =	ssyncadd.s32 $0xFFFFC000  }
0x4a: {  	_ =	swait.ge [sflag:s31], $0x80  }
0x4b: {  	[sflag:s31] =	ssyncset.done $0x0  }
0x4c: {  	[sflag:s31] =	ssyncadd.s32 $0xFFFFFF80  }
0x4d: {  	[tilespmem:s0], [sflag:$0x5] =	stream.indirect.gather [hbm4b:s4+s29], $0x80, s29, s29, $0xb8;
	[tilespmem:$0x1E900] =	vst v63  }
0x4e: {  	s15 =	rddreg [dreg:$0x5]  }
0x4f: {  	[tilespmem:s12], [sflag:$0x2] =	stream.linear.gather [hbm4b:s15+s12], $0x80, $0x38;
	[tilespmem:$0x1E900] =	vst v63  }
0x50: {  	_ = 	snop  }
0x51: {  	[spmem:s1] =	stream.indirect.scatter.add.f32 [tilespmem:s24], [sflag:$0x6], $0x80, s23, s29, $0xb8;
	[tilespmem:$0x1E900] =	vst v63  }
0x52: {  	_ =	swait.ge [sflag:s25], $0x4000  }
0x53: {  	[sflag:s25] =	ssyncset.done $0x0  }
0x54: {  	[sflag:s25] =	ssyncadd.s32 $0xFFFFC000  }
0x55: {  	_ =	swait.ge [sflag:s2], $0x4000  }
0x56: {  	[sflag:s2] =	ssyncset.done $0x0  }
0x57: {  	[sflag:s2] =	ssyncadd.s32 $0xFFFFC000  }
0x58: {  	_ =	swait.ge [sflag:s28], $0x80  }
0x59: {  	[sflag:s28] =	ssyncset.done $0x0  }
0x5a: {  	[sflag:s28] =	ssyncadd.s32 $0xFFFFFF80  }
0x5b: {  	[tilespmem:s24], [sflag:$0x4] =	stream.indirect.gather [hbm4b:s4+s29], $0x80, s3, s29, $0xb8;
	[tilespmem:$0x1E900] =	vst v63  }
0x5c: {  	s13 =	sadd.s32 $0x0, s22  }
0x5d: {  	[tilespmem:s29], [sflag:$0x3] =	stream.linear.gather [hbm4b:s13+s3], $0x80, $0x38;
	[tilespmem:$0x1E900] =	vst v63  }
0x5e: {  	s14 =	simm.s32 $0x180  }
0x5f: {  	[spmem:s1] =	stream.indirect.scatter.add.f32 [tilespmem:s0], [sflag:$0x6], $0x80, s14, s29, $0xb8;
	[tilespmem:$0x1E900] =	vst v63  }
0x60: {  	_ =	swait.ge [sflag:s25], $0x4000  }
0x61: {  	[sflag:s25] =	ssyncset.done $0x0  }
0x62: {  	[sflag:s25] =	ssyncadd.s32 $0xFFFFC000  }
0x63: {  	_ =	swait.ge [sflag:s30], $0x4000  }
0x64: {  	[sflag:s30] =	ssyncset.done $0x0  }
0x65: {  	[sflag:s30] =	ssyncadd.s32 $0xFFFFC000  }
0x66: {  	_ =	swait.ge [sflag:s31], $0x80  }
0x67: {  	[sflag:s31] =	ssyncset.done $0x0  }
0x68: {  	[sflag:s31] =	ssyncadd.s32 $0xFFFFFF80  }
0x69: {  	[tilespmem:s0], [sflag:$0x5] =	stream.indirect.gather [hbm4b:s4+s29], $0x80, s29, s29, $0xb8;
	[tilespmem:$0x1E900] =	vst v63  }
0x6a: {  	s15 =	sadd.s32 $0x0, s21  }
0x6b: {  	[tilespmem:s3], [sflag:$0x2] =	stream.linear.gather [hbm4b:s15+s3], $0x80, $0x38;
	[tilespmem:$0x1E900] =	vst v63  }
0x6c: {  	s12 =	simm.s32 $0x200  }
0x6d: {  	[spmem:s1] =	stream.indirect.scatter.add.f32 [tilespmem:s24], [sflag:$0x6], $0x80, s12, s29, $0xb8;
	[tilespmem:$0x1E900] =	vst v63  }
0x6e: {  	_ =	swait.ge [sflag:s25], $0x4000  }
0x6f: {  	s13 =	simm.s32 $0x20;
	[sflag:s25] =	ssyncset.done $0x0  }
.LBB2_4:
0x70: {  	p0 =	sne.s32 s13, $0x4A0;
	[sflag:s25] =	ssyncadd.s32 $0xFFFFC000;
	s12 =	sadd.s32 $0x100, s12  }
0x71: {  	s14 =	smov.u32 s13;
	s13 =	sadd.s32 $0x20, s13  }
0x72: {  	_ =	swait.ge [sflag:s2], $0x4000  }
0x73: {  	[sflag:s2] =	ssyncset.done $0x0  }
0x74: {  	[sflag:s2] =	ssyncadd.s32 $0xFFFFC000  }
0x75: {  	_ =	swait.ge [sflag:s28], $0x80  }
0x76: {  	[sflag:s28] =	ssyncset.done $0x0  }
0x77: {  	[sflag:s28] =	ssyncadd.s32 $0xFFFFFF80  }
0x78: {  	[tilespmem:s24], [sflag:$0x4] =	stream.indirect.gather [hbm4b:s4+s29], $0x80, s3, s29, $0xb8;
	[tilespmem:$0x1E900] =	vst v63  }
0x79: {  	s15 =	sadd.s32 s14, s22  }
0x7a: {  	[tilespmem:s29], [sflag:$0x3] =	stream.linear.gather [hbm4b:s15+s3], $0x80, $0x38;
	[tilespmem:$0x1E900] =	vst v63  }
0x7b: {  	s15 =	sadd.s32 $0xFFFFFF80, s12  }
0x7c: {  	[spmem:s1] =	stream.indirect.scatter.add.f32 [tilespmem:s0], [sflag:$0x6], $0x80, s15, s29, $0xb8;
	[tilespmem:$0x1E900] =	vst v63  }
0x7d: {  	_ =	swait.ge [sflag:s25], $0x4000  }
0x7e: {  	[sflag:s25] =	ssyncset.done $0x0  }
0x7f: {  	[sflag:s25] =	ssyncadd.s32 $0xFFFFC000  }
0x80: {  	_ =	swait.ge [sflag:s30], $0x4000  }
0x81: {  	[sflag:s30] =	ssyncset.done $0x0  }
0x82: {  	[sflag:s30] =	ssyncadd.s32 $0xFFFFC000  }
0x83: {  	_ =	swait.ge [sflag:s31], $0x80  }
0x84: {  	[sflag:s31] =	ssyncset.done $0x0  }
0x85: {  	[sflag:s31] =	ssyncadd.s32 $0xFFFFFF80  }
0x86: {  	[tilespmem:s0], [sflag:$0x5] =	stream.indirect.gather [hbm4b:s4+s29], $0x80, s29, s29, $0xb8;
	[tilespmem:$0x1E900] =	vst v63  }
0x87: {  	s14 =	sadd.s32 s14, s21  }
0x88: {  	[tilespmem:s3], [sflag:$0x2] =	stream.linear.gather [hbm4b:s14+s3], $0x80, $0x38;
	[tilespmem:$0x1E900] =	vst v63  }
.Ltmp1:
0x89: {  	_ = 	snop;
	(pc) =	sbr.rel @p0 .LBB2_4-.Ltmp1, $4  }
0x8a: {  	_ = 	snop  }
0x8b: {  	[spmem:s1] =	stream.indirect.scatter.add.f32 [tilespmem:s24], [sflag:$0x6], $0x80, s12, s29, $0xb8;
	[tilespmem:$0x1E900] =	vst v63  }
0x8c: {  	_ =	swait.ge [sflag:s25], $0x4000  }
0x8d: {  	[sflag:s25] =	ssyncset.done $0x0  }
0x8e: {  	[sflag:s25] =	ssyncadd.s32 $0xFFFFC000  }
0x8f: {  	_ =	swait.ge [sflag:s2], $0x4000  }
0x90: {  	[sflag:s2] =	ssyncset.done $0x0  }
0x91: {  	[sflag:s2] =	ssyncadd.s32 $0xFFFFC000  }
0x92: {  	_ =	swait.ge [sflag:s28], $0x80  }
0x93: {  	[sflag:s28] =	ssyncset.done $0x0  }
0x94: {  	[sflag:s28] =	ssyncadd.s32 $0xFFFFFF80  }
0x95: {  	[tilespmem:s24], [sflag:$0x4] =	stream.indirect.gather [hbm4b:s4+s29], $0x80, s3, s29, $0xb8;
	[tilespmem:$0x1E900] =	vst v63  }
0x96: {  	s12 =	rddreg [dreg:$0x6]  }
0x97: {  	[tilespmem:s29], [sflag:$0x3] =	stream.linear.gather [hbm4b:s12+s3], $0x80, $0x38;
	[tilespmem:$0x1E900] =	vst v63  }
0x98: {  	s13 =	simm.s32 $0x2780  }
0x99: {  	[spmem:s1] =	stream.indirect.scatter.add.f32 [tilespmem:s0], [sflag:$0x6], $0x80, s13, s29, $0xb8;
	[tilespmem:$0x1E900] =	vst v63  }
0x9a: {  	_ =	swait.ge [sflag:s25], $0x4000  }
0x9b: {  	[sflag:s25] =	ssyncset.done $0x0  }
0x9c: {  	[sflag:s25] =	ssyncadd.s32 $0xFFFFC000  }
0x9d: {  	_ =	swait.ge [sflag:s30], $0x4000  }
0x9e: {  	[sflag:s30] =	ssyncset.done $0x0  }
0x9f: {  	[sflag:s30] =	ssyncadd.s32 $0xFFFFC000  }
0xa0: {  	_ =	swait.ge [sflag:s31], $0x80  }
0xa1: {  	[sflag:s31] =	ssyncset.done $0x0  }
0xa2: {  	[sflag:s31] =	ssyncadd.s32 $0xFFFFFF80  }
0xa3: {  	[tilespmem:s0], [sflag:$0x5] =	stream.indirect.gather [hbm4b:s4+s29], $0x80, s29, s29, $0xb8;
	[tilespmem:$0x1E900] =	vst v63  }
0xa4: {  	s14 =	simm.s32 $0x2800  }
0xa5: {  	[spmem:s1] =	stream.indirect.scatter.add.f32 [tilespmem:s24], [sflag:$0x6], $0x80, s14, s29, $0xb8;
	[tilespmem:$0x1E900] =	vst v63  }
0xa6: {  	_ =	swait.ge [sflag:s25], $0x4000  }
0xa7: {  	[sflag:s25] =	ssyncset.done $0x0  }
0xa8: {  	[sflag:s25] =	ssyncadd.s32 $0xFFFFC000  }
0xa9: {  	_ =	swait.ge [sflag:s2], $0x4000  }
0xaa: {  	[sflag:s2] =	ssyncset.done $0x0  }
0xab: {  	s15 =	simm.s32 $0x2880;
	[sflag:s2] =	ssyncadd.s32 $0xFFFFC000  }
0xac: {  	[spmem:s1] =	stream.indirect.scatter.add.f32 [tilespmem:s0], [sflag:$0x6], $0x80, s15, s29, $0xb8;
	[tilespmem:$0x1E900] =	vst v63  }
0xad: {  	_ =	swait.ge [sflag:s25], $0x4000  }
0xae: {  	[sflag:s25] =	ssyncset.done $0x0  }
0xaf: {  	s13 =	stileid.u32;
	[sflag:s25] =	ssyncadd.s32 $0xFFFFC000  }
0xb0: {  	s12 =	sshll.u32 s13, $0x6;
	[bflag:$0x0] =	sbarrier.arrive $0xFFFF  }
0xb1: {  	s13 =	sshrl.u32 s7, $0x3;
	s12 =	sor.u32 $0x1C06, s12;
	s14 =	rddreg [dreg:$0x7]  }
0xb2: {  	[hbm:s14], [sflag:s12] =	dma.local [spmem:s13], $0x800  }
0xb3: {  	_ =	swait.ge [sflag:s25], $0x800  }
0xb4: {  	[sflag:s25] =	ssyncset.done $0x0  }
0xb5: {  	s14 =	sshrl.u32 s8, $0x3;
	[sflag:s25] =	ssyncadd.s32 $0xFFFFF800  }
0xb6: {  	[hbm:s16], [sflag:s12] =	dma.local [spmem:s14], $0x800  }
0xb7: {  	_ =	swait.ge [sflag:s25], $0x800  }
0xb8: {  	[sflag:s25] =	ssyncset.done $0x0  }
0xb9: {  	s15 =	sshrl.u32 s9, $0x3;
	[sflag:s25] =	ssyncadd.s32 $0xFFFFF800  }
0xba: {  	[hbm:s17], [sflag:s12] =	dma.local [spmem:s15], $0x800  }
0xbb: {  	_ =	swait.ge [sflag:s25], $0x800  }
0xbc: {  	[sflag:s25] =	ssyncset.done $0x0  }
0xbd: {  	s14 =	sshrl.u32 s10, $0x3;
	[sflag:s25] =	ssyncadd.s32 $0xFFFFF800  }
0xbe: {  	[hbm:s18], [sflag:s12] =	dma.local [spmem:s14], $0x800  }
0xbf: {  	s5 =	sadd.s32 $0x1, s5;
	_ =	swait.ge [sflag:s25], $0x800  }
0xc0: {  	p0 =	sne.s32 s5, s20;
	[sflag:s25] =	ssyncset.done $0x0  }
.Ltmp2:
0xc1: {  	s15 =	sshrl.u32 s11, $0x3;
	[sflag:s25] =	ssyncadd.s32 $0xFFFFF800;
	(pc) =	sbr.rel @p0 .LBB2_1-.Ltmp2, $4  }
0xc2: {  	[hbm:s19], [sflag:s12] =	dma.local [spmem:s15], $0x800  }
0xc3: {  	_ =	swait.ge [sflag:s25], $0x800  }
0xc4: {  	[sflag:s25] =	ssyncset.done $0x0  }
0xc5: {  	[sflag:s25] =	ssyncadd.s32 $0xFFFFF800  }
0xc6: {  	_ =	sfence.sel $0x180000  }
0xc7: {  	[bflag:$0x0] =	sbarrier.arrive $0xFFFF  }
0xc8: {  	_ =	strace $0x90000053  }
0xc9: {  	s0 =	stileid.u32;
	[bflag:$0x2] =	sbarrier.arrive $0xFFFF  }
0xca: {  	p0 =	sne.s32 s0, $0x0;
	s0 =	rddreg [dreg:$0x2]  }
0xcb: {  	s0 =	sadd.s32 @!p0 $0x100000, s0  }
0xcc: {  	[sflag:s0] =	ssyncadd.tile.s32 @!p0 $0x1;
	_ =	shalt  }
.Lfunc_end2:
_tile_overlayer_lowered:
.L_overlay_start_2:
0xcd: {  	(tag) =	ssettag $0x2  }
0xce: {  	s0 =	rddreg [dreg:$0x0];
	s2 =	stileid.u32  }
0xcf: {  	s1 =	rddreg [dreg:$0x1];
	p0 =	sne.s32 s2, $0x0  }
0xd0: {  	s3 =	rddreg [dreg:$0x2];
	[bflag:$0x3] =	sbarrier.arrive $0xFFFF;
	s2 =	simm.s32 @!p0 $0x1C06  }
0xd1: {  	[timem:s3], [sflag:s2] =	dma.local @!p0 [hbm:s0], s1  }
0xd2: {  	s0 =	simm.s32 @!p0 $0x6  }
0xd3: {  	_ =	swait.ge @!p0 [sflag:s0], s1  }
0xd4: {  	s1 =	ssub.s32 @!p0 $0x0, s1;
	[sflag:s0] =	ssyncset.done @!p0 $0x0  }
0xd5: {  	[sflag:s0] =	ssyncadd.s32 @!p0 s1  }
0xd6: {  	[bflag:$0x3] =	sbarrier.arrive $0xFFFF  }
0xd7: {  	_ =	shalt  }

</sc_bundles>
